<compile_context>
chip_gen: v7x
topology: tpu7x:2x2x1
jax: 0.10.2.dev20260603
libtpu: 0.0.44.dev20260713+nightly
codegen_flags: <defaults>
</compile_context>

<pallas_src>
import jax
import jax.numpy as jnp
from jax import lax
from jax.experimental import pallas as pl
from jax.experimental.pallas import tpu as pltpu
from jax.experimental.pallas import tpu_sc as plsc

D_MODEL = 256
NTOK = 16 * 2048
DM = D_MODEL // 2

NC, NS, LANES = 2, 16, 16
NW = NC * NS
TPW = NTOK // NW
CHUNK = 128
NCHUNK = TPW // CHUNK
SLOTS = 2 * CHUNK
NBUF = 3


def _tab_body(src, out):
    out[...] = 0.1 * src[:, 0, :].T


_tab_call = pl.pallas_call(
    _tab_body,
    grid=(1,),
    in_specs=[pl.BlockSpec((DM, 8, 384), lambda i: (0, 0, 0))],
    out_specs=pl.BlockSpec((384, DM), lambda i: (0, 0)),
    out_shape=jax.ShapeDtypeStruct((384, DM), jnp.float32),
)


def _sc_body(x2, cq, tab, out, tabs, *bufs):
    sets = [bufs[i * 9:(i + 1) * 9] for i in range(NBUF)]
    sid = lax.axis_index("s")
    wid = sid * NC + lax.axis_index("c")
    tok0 = wid * TPW
    bi = tok0 // (NTOK // 16)
    p0 = (tok0 % (NTOK // 16)) * 2

    @pl.when(sid == 0)
    def _stage():
        pltpu.sync_copy(tab, tabs)

    plsc.subcore_barrier()

    lane = lax.iota(jnp.int32, LANES)
    lo8 = lane < 8
    podd = (2 * lane + 1) % LANES
    peven = (2 * lane) % LANES
    dnums = lax.GatherDimensionNumbers(
        offset_dims=(), collapsed_slice_dims=(0,), start_index_map=(0,))

    def _vgather(v, p):
        return lax.gather(v, p[:, None], dimension_numbers=dnums,
                          slice_sizes=(1,),
                          mode=lax.GatherScatterMode.PROMISE_IN_BOUNDS)

    def issue_in(c, S):
        cv, _, _, xvw, xvh, sem_x, sem_c, _, _ = S
        t0 = tok0 + c * CHUNK
        hx1 = pltpu.async_copy(x2.at[pl.ds(t0, CHUNK), pl.ds(0, DM)], xvw, sem_x)
        hx2 = pltpu.async_copy(x2.at[pl.ds(t0, CHUNK), pl.ds(DM, DM)], xvh, sem_x)
        hc = pltpu.async_copy(cq.at[bi, pl.ds(p0 + c * SLOTS, SLOTS)], cv, sem_c)
        return hx1, hx2, hc

    def issue_adds(S):
        cv, ihv, iwv, xvw, xvh, _, _, sem_g, _ = S
        for m in range(CHUNK // LANES):
            v0 = cv[pl.ds(2 * m * LANES, LANES)]
            v1 = cv[pl.ds((2 * m + 1) * LANES, LANES)]
            sl = pl.ds(m * LANES, LANES)
            hsel = jnp.where(lo8, _vgather(v0, peven), _vgather(v1, peven))
            wsel = jnp.where(lo8, _vgather(v0, podd), _vgather(v1, podd))
            ihv[sl] = (hsel / 100.0).astype(jnp.int32)
            iwv[sl] = (wsel / 100.0).astype(jnp.int32)
        gw = pltpu.async_copy(tabs.at[iwv], xvw, sem_g, add=True)
        gh = pltpu.async_copy(tabs.at[ihv], xvh, sem_g, add=True)
        return gw, gh

    h_in, h_g, h_out = {}, {}, {}
    for t in range(NCHUNK + 2):
        cA, cB, cC = t, t - 1, t - 2
        if cA < NCHUNK:
            if cA >= NBUF:
                for ho in h_out.pop(cA - NBUF):
                    ho.wait()
            h_in[cA] = issue_in(cA, sets[cA % NBUF])
        if 0 <= cB < NCHUNK:
            hx1, hx2, hc = h_in.pop(cB)
            hx1.wait()
            hx2.wait()
            hc.wait()
            h_g[cB] = issue_adds(sets[cB % NBUF])
        if 0 <= cC < NCHUNK:
            for gr in h_g.pop(cC):
                gr.wait()
            S = sets[cC % NBUF]
            t0 = tok0 + cC * CHUNK
            h_out[cC] = (
                pltpu.async_copy(
                    S[3], out.at[pl.ds(t0, CHUNK), pl.ds(0, DM)], S[8]),
                pltpu.async_copy(
                    S[4], out.at[pl.ds(t0, CHUNK), pl.ds(DM, DM)], S[8]),
            )
    for c in sorted(h_out):
        for ho in h_out.pop(c):
            ho.wait()


def _buf_set():
    return [
        pltpu.VMEM((SLOTS,), jnp.float32),
        pltpu.VMEM((CHUNK,), jnp.int32),
        pltpu.VMEM((CHUNK,), jnp.int32),
        pltpu.VMEM((CHUNK, DM), jnp.float32),
        pltpu.VMEM((CHUNK, DM), jnp.float32),
        pltpu.SemaphoreType.DMA,
        pltpu.SemaphoreType.DMA,
        pltpu.SemaphoreType.DMA,
        pltpu.SemaphoreType.DMA,
    ]


_sc_call = pl.kernel(
    _sc_body,
    out_type=jax.ShapeDtypeStruct((NTOK, D_MODEL), jnp.float32),
    mesh=plsc.VectorSubcoreMesh(
        core_axis_name="c", subcore_axis_name="s",
        num_cores=NC, num_subcores=NS,
    ),
    scratch_types=[pltpu.VMEM_SHARED((384, DM), jnp.float32)]
    + _buf_set() + _buf_set() + _buf_set(),
)


@jax.jit
def kernel(x, coord, pe):
    tab = _tab_call(pe)
    out2 = _sc_call(x.reshape(NTOK, D_MODEL), coord.reshape(16, NTOK // 8),
                    tab)
    return out2.reshape(x.shape)

# --- scband reference (transcript-rebuilt; emitter-appended) ---
"""Pipeline reference for scband-fixed-positional-encoding-2d-17437567222345 (READ-ONLY COPY).

The authoritative reference and input builder live on the scoring server;
editing this copy changes nothing except your own understanding.
"""

import math
import jax, jax.numpy as jnp
import numpy as np

D_MODEL = 256
HEIGHT = 384
WIDTH = 384
B = 16
L = 2048


def positionalencoding2d(d_model, height, width):
    if d_model % 4 != 0:
        raise ValueError('d_model must be divisible by 4')
    pe = np.zeros((d_model, height, width), dtype=np.float32)
    dm = d_model // 2
    div_term = np.exp(np.arange(0.0, dm, 2) * -(math.log(10000.0) / dm))
    pos_w = np.arange(0.0, width)[:, None]
    pos_h = np.arange(0.0, height)[:, None]
    sw = np.sin(pos_w * div_term).T  # [dm/2, width]
    cw = np.cos(pos_w * div_term).T
    sh = np.sin(pos_h * div_term).T  # [dm/2, height]
    ch = np.cos(pos_h * div_term).T
    pe[0:dm:2, :, :] = np.repeat(sw[:, None, :], height, axis=1)
    pe[1:dm:2, :, :] = np.repeat(cw[:, None, :], height, axis=1)
    pe[dm::2, :, :] = np.repeat(sh[:, :, None], width, axis=2)
    pe[dm + 1::2, :, :] = np.repeat(ch[:, :, None], width, axis=2)
    return jnp.asarray(pe)


def setup_inputs(seed: int = 0) -> dict:
    key = jax.random.key(seed)
    k1, k2 = jax.random.split(key)
    x = jax.random.normal(k1, (B, L, D_MODEL), dtype=jnp.float32)
    coord = jax.random.randint(k2, (B, L, 2), 0, HEIGHT * 100).astype(jnp.float32)
    pe = positionalencoding2d(D_MODEL, HEIGHT, WIDTH)
    return {"x": x, "coord": coord, "pe": pe}


def reference(x, coord, pe):
    # (coord / 100).long() -> integer (h, w) indices
    idx = (coord / 100.0).astype(jnp.int32)  # [B, L, 2]
    ih = idx[..., 0]  # [B, L]
    iw = idx[..., 1]  # [B, L]
    # pe[:, h, w] for each (b, l): advanced indexing -> [d_model, B, L]
    pos = pe[:, ih, iw]
    pos = jnp.transpose(pos, (1, 2, 0))  # [B, L, d_model]
    return x + 0.1 * pos

if __name__ == "__main__":
    import jax
    _d = setup_inputs()
    print(jax.jit(kernel)(*tuple(_d.values())))

</pallas_src>

<mosaic_0001>
#map = affine_map<(d0, d1) -> (0, 0)>
module attributes {stable_mosaic.version = 14 : i64} {
  func.func @_sc_body(%arg0: i32, %arg1: i32, %arg2: memref<32768x256xf32, #tpu.memory_space<hbm>>, %arg3: memref<16x4096xf32, #tpu.memory_space<hbm>>, %arg4: memref<384x128xf32, #tpu.memory_space<hbm>>, %arg5: memref<32768x256xf32, #tpu.memory_space<hbm>>, %arg6: memref<384x128xf32, #tpu.memory_space<vmem_shared>>, %arg7: memref<256xf32, #tpu.memory_space<vmem>>, %arg8: memref<128xi32, #tpu.memory_space<vmem>>, %arg9: memref<128xi32, #tpu.memory_space<vmem>>, %arg10: memref<128x128xf32, #tpu.memory_space<vmem>>, %arg11: memref<128x128xf32, #tpu.memory_space<vmem>>, %arg12: memref<!tpu.dma_semaphore, #tpu.memory_space<semaphore_mem>>, %arg13: memref<!tpu.dma_semaphore, #tpu.memory_space<semaphore_mem>>, %arg14: memref<!tpu.dma_semaphore, #tpu.memory_space<semaphore_mem>>, %arg15: memref<!tpu.dma_semaphore, #tpu.memory_space<semaphore_mem>>, %arg16: memref<256xf32, #tpu.memory_space<vmem>>, %arg17: memref<128xi32, #tpu.memory_space<vmem>>, %arg18: memref<128xi32, #tpu.memory_space<vmem>>, %arg19: memref<128x128xf32, #tpu.memory_space<vmem>>, %arg20: memref<128x128xf32, #tpu.memory_space<vmem>>, %arg21: memref<!tpu.dma_semaphore, #tpu.memory_space<semaphore_mem>>, %arg22: memref<!tpu.dma_semaphore, #tpu.memory_space<semaphore_mem>>, %arg23: memref<!tpu.dma_semaphore, #tpu.memory_space<semaphore_mem>>, %arg24: memref<!tpu.dma_semaphore, #tpu.memory_space<semaphore_mem>>, %arg25: memref<256xf32, #tpu.memory_space<vmem>>, %arg26: memref<128xi32, #tpu.memory_space<vmem>>, %arg27: memref<128xi32, #tpu.memory_space<vmem>>, %arg28: memref<128x128xf32, #tpu.memory_space<vmem>>, %arg29: memref<128x128xf32, #tpu.memory_space<vmem>>, %arg30: memref<!tpu.dma_semaphore, #tpu.memory_space<semaphore_mem>>, %arg31: memref<!tpu.dma_semaphore, #tpu.memory_space<semaphore_mem>>, %arg32: memref<!tpu.dma_semaphore, #tpu.memory_space<semaphore_mem>>, %arg33: memref<!tpu.dma_semaphore, #tpu.memory_space<semaphore_mem>>) attributes {dimension_semantics = [#tpu.dimension_semantics<core_parallel>, #tpu.dimension_semantics<subcore_parallel>], iteration_bounds = array<i64: 2, 16>, scalar_prefetch = 0 : i64, scratch_operands = 28 : i64, tpu.core_type = #tpu.core_type<sc_vector_subcore>, window_params = [{transform_indices = #map}, {transform_indices = #map}, {transform_indices = #map}, {transform_indices = #map}]} {
    %mul3A = arith.constant 2 : i32
    %mul3A_0 = arith.muli %arg1, %mul3A : i32
    %add3A = arith.addi %mul3A_0, %arg0 : i32
    %mul3A_1 = arith.constant 1024 : i32
    %mul3A_2 = arith.muli %add3A, %mul3A_1 : i32
    %jit3A = arith.constant 2048 : i32
    %div3A = arith.divsi %mul3A_2, %jit3A : i32
    %sign3A = arith.constant 0 : i32
    %sign3A_3 = arith.cmpi sgt, %mul3A_2, %sign3A : i32
    %sign3A_4 = arith.extui %sign3A_3 : i1 to i32
    %sign3A_5 = arith.constant 0 : i32
    %sign3A_6 = arith.cmpi slt, %mul3A_2, %sign3A_5 : i32
    %sign3A_7 = arith.extui %sign3A_6 : i1 to i32
    %sign3A_8 = arith.subi %sign3A_4, %sign3A_7 : i32
    %sign3A_9 = arith.constant 0 : i32
    %sign3A_10 = arith.cmpi sgt, %jit3A, %sign3A_9 : i32
    %sign3A_11 = arith.extui %sign3A_10 : i1 to i32
    %sign3A_12 = arith.constant 0 : i32
    %sign3A_13 = arith.cmpi slt, %jit3A, %sign3A_12 : i32
    %sign3A_14 = arith.extui %sign3A_13 : i1 to i32
    %sign3A_15 = arith.subi %sign3A_11, %sign3A_14 : i32
    %ne3A = arith.cmpi ne, %sign3A_8, %sign3A_15 : i32
    %rem3A = arith.remsi %mul3A_2, %jit3A : i32
    %ne3A_16 = arith.constant 0 : i32
    %ne3A_17 = arith.cmpi ne, %rem3A, %ne3A_16 : i32
    %and3A = arith.andi %ne3A, %ne3A_17 : i1
    %sub3A = arith.constant 1 : i32
    %sub3A_18 = arith.subi %div3A, %sub3A : i32
    %select_n3A = arith.select %and3A, %sub3A_18, %div3A : i32
    %jit3A_19 = arith.constant 2048 : i32
    %eq3A = arith.constant 0 : i32
    %eq3A_20 = arith.cmpi eq, %jit3A_19, %eq3A : i32
    %jit3A_21 = arith.constant 1 : i32
    %select_n3A_22 = arith.select %eq3A_20, %jit3A_21, %jit3A_19 : i32
    %rem3A_23 = arith.remsi %mul3A_2, %select_n3A_22 : i32
    %ne3A_24 = arith.constant 0 : i32
    %ne3A_25 = arith.cmpi ne, %rem3A_23, %ne3A_24 : i32
    %lt3A = arith.constant 0 : i32
    %lt3A_26 = arith.cmpi slt, %rem3A_23, %lt3A : i32
    %lt3A_27 = arith.constant 0 : i32
    %lt3A_28 = arith.cmpi slt, %select_n3A_22, %lt3A_27 : i32
    %ne3A_29 = arith.xori %lt3A_26, %lt3A_28 : i1
    %and3A_30 = arith.andi %ne3A_29, %ne3A_25 : i1
    %add3A_31 = arith.addi %rem3A_23, %select_n3A_22 : i32
    %select_n3A_32 = arith.select %and3A_30, %add3A_31, %rem3A_23 : i32
    %mul3A_33 = arith.constant 2 : i32
    %mul3A_34 = arith.muli %select_n3A_32, %mul3A_33 : i32
    %eq3A_35 = arith.constant 0 : i32
    %eq3A_36 = arith.cmpi eq, %arg1, %eq3A_35 : i32
    %convert_element_type3A = arith.extui %eq3A_36 : i1 to i32
    %cond3A = arith.constant 0 : i32
    %cond3A_37 = arith.cmpi ne, %convert_element_type3A, %cond3A : i32
    scf.if %cond3A_37 {
      "tpu.region"() ({
        %run_scoped3A = tpu.sem_alloc : memref<!tpu.dma_semaphore, #tpu.memory_space<semaphore_mem>>
        tpu.enqueue_dma source(%arg4 : memref<384x128xf32, #tpu.memory_space<hbm>>) target(%arg6 : memref<384x128xf32, #tpu.memory_space<vmem_shared>>) target_semaphore(%run_scoped3A : memref<!tpu.dma_semaphore, #tpu.memory_space<semaphore_mem>>)
        tpu.wait_dma2 semaphore(%run_scoped3A : memref<!tpu.dma_semaphore, #tpu.memory_space<semaphore_mem>>) src(%arg4 : memref<384x128xf32, #tpu.memory_space<hbm>>) dst(%arg6 : memref<384x128xf32, #tpu.memory_space<vmem_shared>>)
        tpu.yield
      }) : () -> ()
    } else {
    }
    %barrier3A = arith.constant 0 : index
    tpu.barrier barrier_id(%barrier3A)
    %iota3A = tpu.iota {dimensions = array<i32: 0>} : vector<16xi32>
    %lt3A_38 = arith.constant 8 : i32
    %lt3A_39 = vector.broadcast %lt3A_38 : i32 to vector<16xi32>
    %lt3A_40 = arith.cmpi slt, %iota3A, %lt3A_39 : vector<16xi32>
    %mul3A_41 = arith.constant 2 : i32
    %mul3A_42 = vector.broadcast %mul3A_41 : i32 to vector<16xi32>
    %mul3A_43 = arith.muli %mul3A_42, %iota3A : vector<16xi32>
    %add3A_44 = arith.constant 1 : i32
    %add3A_45 = vector.broadcast %add3A_44 : i32 to vector<16xi32>
    %add3A_46 = arith.addi %mul3A_43, %add3A_45 : vector<16xi32>
    %jit3A_47 = arith.constant 16 : i32
    %eq3A_48 = arith.constant 0 : i32
    %eq3A_49 = arith.cmpi eq, %jit3A_47, %eq3A_48 : i32
    %jit3A_50 = arith.constant 1 : i32
    %select_n3A_51 = arith.select %eq3A_49, %jit3A_50, %jit3A_47 : i32
    %rem3A_52 = vector.broadcast %select_n3A_51 : i32 to vector<16xi32>
    %rem3A_53 = arith.remsi %add3A_46, %rem3A_52 : vector<16xi32>
    %ne3A_54 = arith.constant 0 : i32
    %ne3A_55 = vector.broadcast %ne3A_54 : i32 to vector<16xi32>
    %ne3A_56 = arith.cmpi ne, %rem3A_53, %ne3A_55 : vector<16xi32>
    %lt3A_57 = arith.constant 0 : i32
    %lt3A_58 = vector.broadcast %lt3A_57 : i32 to vector<16xi32>
    %lt3A_59 = arith.cmpi slt, %rem3A_53, %lt3A_58 : vector<16xi32>
    %lt3A_60 = arith.constant 0 : i32
    %lt3A_61 = arith.cmpi slt, %select_n3A_51, %lt3A_60 : i32
    %ne3A_62 = vector.broadcast %lt3A_61 : i1 to vector<16xi1>
    %ne3A_63 = vector.broadcast %ne3A_62 : vector<16xi1> to vector<16xi1>
    %ne3A_64 = arith.xori %lt3A_59, %ne3A_63 : vector<16xi1>
    %and3A_65 = arith.andi %ne3A_64, %ne3A_56 : vector<16xi1>
    %add3A_66 = vector.broadcast %select_n3A_51 : i32 to vector<16xi32>
    %add3A_67 = arith.addi %rem3A_53, %add3A_66 : vector<16xi32>
    %select_n3A_68 = arith.select %and3A_65, %add3A_67, %rem3A_53 : vector<16xi1>, vector<16xi32>
    %mul3A_69 = arith.constant 2 : i32
    %mul3A_70 = vector.broadcast %mul3A_69 : i32 to vector<16xi32>
    %mul3A_71 = arith.muli %mul3A_70, %iota3A : vector<16xi32>
    %jit3A_72 = arith.constant 16 : i32
    %eq3A_73 = arith.constant 0 : i32
    %eq3A_74 = arith.cmpi eq, %jit3A_72, %eq3A_73 : i32
    %jit3A_75 = arith.constant 1 : i32
    %select_n3A_76 = arith.select %eq3A_74, %jit3A_75, %jit3A_72 : i32
    %rem3A_77 = vector.broadcast %select_n3A_76 : i32 to vector<16xi32>
    %rem3A_78 = arith.remsi %mul3A_71, %rem3A_77 : vector<16xi32>
    %ne3A_79 = arith.constant 0 : i32
    %ne3A_80 = vector.broadcast %ne3A_79 : i32 to vector<16xi32>
    %ne3A_81 = arith.cmpi ne, %rem3A_78, %ne3A_80 : vector<16xi32>
    %lt3A_82 = arith.constant 0 : i32
    %lt3A_83 = vector.broadcast %lt3A_82 : i32 to vector<16xi32>
    %lt3A_84 = arith.cmpi slt, %rem3A_78, %lt3A_83 : vector<16xi32>
    %lt3A_85 = arith.constant 0 : i32
    %lt3A_86 = arith.cmpi slt, %select_n3A_76, %lt3A_85 : i32
    %ne3A_87 = vector.broadcast %lt3A_86 : i1 to vector<16xi1>
    %ne3A_88 = vector.broadcast %ne3A_87 : vector<16xi1> to vector<16xi1>
    %ne3A_89 = arith.xori %lt3A_84, %ne3A_88 : vector<16xi1>
    %and3A_90 = arith.andi %ne3A_89, %ne3A_81 : vector<16xi1>
    %add3A_91 = vector.broadcast %select_n3A_76 : i32 to vector<16xi32>
    %add3A_92 = arith.addi %rem3A_78, %add3A_91 : vector<16xi32>
    %select_n3A_93 = arith.select %and3A_90, %add3A_92, %rem3A_78 : vector<16xi1>, vector<16xi32>
    %add3A_94 = arith.constant 0 : i32
    %add3A_95 = arith.addi %mul3A_2, %add3A_94 : i32
    %dma_start3A = arith.constant 0 : i32
    %dma_start3A_96 = tpu.memref_slice %arg2[%add3A_95, %dma_start3A] : memref<32768x256xf32, #tpu.memory_space<hbm>> -> memref<128x128xf32, #tpu.memory_space<hbm>>
    %dma_start3A_97 = arith.constant 0 : i32
    %dma_start3A_98 = tpu.memref_slice %arg2[%add3A_95, %dma_start3A_97] : memref<32768x256xf32, #tpu.memory_space<hbm>> -> memref<128x128xf32, #tpu.memory_space<hbm>>
    tpu.enqueue_dma source(%dma_start3A_98 : memref<128x128xf32, #tpu.memory_space<hbm>>) target(%arg10 : memref<128x128xf32, #tpu.memory_space<vmem>>) target_semaphore(%arg12 : memref<!tpu.dma_semaphore, #tpu.memory_space<semaphore_mem>>)
    %dma_start3A_99 = arith.constant 128 : i32
    %dma_start3A_100 = tpu.memref_slice %arg2[%add3A_95, %dma_start3A_99] : memref<32768x256xf32, #tpu.memory_space<hbm>> -> memref<128x128xf32, #tpu.memory_space<hbm>>
    %dma_start3A_101 = arith.constant 128 : i32
    %dma_start3A_102 = tpu.memref_slice %arg2[%add3A_95, %dma_start3A_101] : memref<32768x256xf32, #tpu.memory_space<hbm>> -> memref<128x128xf32, #tpu.memory_space<hbm>>
    tpu.enqueue_dma source(%dma_start3A_102 : memref<128x128xf32, #tpu.memory_space<hbm>>) target(%arg11 : memref<128x128xf32, #tpu.memory_space<vmem>>) target_semaphore(%arg12 : memref<!tpu.dma_semaphore, #tpu.memory_space<semaphore_mem>>)
    %add3A_103 = arith.constant 0 : i32
    %add3A_104 = arith.addi %mul3A_34, %add3A_103 : i32
    %dma_start3A_105 = tpu.memref_slice %arg3[%select_n3A, %add3A_104] : memref<16x4096xf32, #tpu.memory_space<hbm>> -> memref<1x256xf32, #tpu.memory_space<hbm>>
    %dma_start3A_106 = tpu.memref_squeeze %dma_start3A_105 : memref<1x256xf32, #tpu.memory_space<hbm>> -> memref<256xf32, #tpu.memory_space<hbm>>
    %dma_start3A_107 = tpu.memref_slice %arg3[%select_n3A, %add3A_104] : memref<16x4096xf32, #tpu.memory_space<hbm>> -> memref<1x256xf32, #tpu.memory_space<hbm>>
    %dma_start3A_108 = tpu.memref_squeeze %dma_start3A_107 : memref<1x256xf32, #tpu.memory_space<hbm>> -> memref<256xf32, #tpu.memory_space<hbm>>
    tpu.enqueue_dma source(%dma_start3A_108 : memref<256xf32, #tpu.memory_space<hbm>>) target(%arg7 : memref<256xf32, #tpu.memory_space<vmem>>) target_semaphore(%arg13 : memref<!tpu.dma_semaphore, #tpu.memory_space<semaphore_mem>>)
    %add3A_109 = arith.constant 128 : i32
    %add3A_110 = arith.addi %mul3A_2, %add3A_109 : i32
    %dma_start3A_111 = arith.constant 0 : i32
    %dma_start3A_112 = tpu.memref_slice %arg2[%add3A_110, %dma_start3A_111] : memref<32768x256xf32, #tpu.memory_space<hbm>> -> memref<128x128xf32, #tpu.memory_space<hbm>>
    %dma_start3A_113 = arith.constant 0 : i32
    %dma_start3A_114 = tpu.memref_slice %arg2[%add3A_110, %dma_start3A_113] : memref<32768x256xf32, #tpu.memory_space<hbm>> -> memref<128x128xf32, #tpu.memory_space<hbm>>
    tpu.enqueue_dma source(%dma_start3A_114 : memref<128x128xf32, #tpu.memory_space<hbm>>) target(%arg19 : memref<128x128xf32, #tpu.memory_space<vmem>>) target_semaphore(%arg21 : memref<!tpu.dma_semaphore, #tpu.memory_space<semaphore_mem>>)
    %dma_start3A_115 = arith.constant 128 : i32
    %dma_start3A_116 = tpu.memref_slice %arg2[%add3A_110, %dma_start3A_115] : memref<32768x256xf32, #tpu.memory_space<hbm>> -> memref<128x128xf32, #tpu.memory_space<hbm>>
    %dma_start3A_117 = arith.constant 128 : i32
    %dma_start3A_118 = tpu.memref_slice %arg2[%add3A_110, %dma_start3A_117] : memref<32768x256xf32, #tpu.memory_space<hbm>> -> memref<128x128xf32, #tpu.memory_space<hbm>>
    tpu.enqueue_dma source(%dma_start3A_118 : memref<128x128xf32, #tpu.memory_space<hbm>>) target(%arg20 : memref<128x128xf32, #tpu.memory_space<vmem>>) target_semaphore(%arg21 : memref<!tpu.dma_semaphore, #tpu.memory_space<semaphore_mem>>)
    %add3A_119 = arith.constant 256 : i32
    %add3A_120 = arith.addi %mul3A_34, %add3A_119 : i32
    %dma_start3A_121 = tpu.memref_slice %arg3[%select_n3A, %add3A_120] : memref<16x4096xf32, #tpu.memory_space<hbm>> -> memref<1x256xf32, #tpu.memory_space<hbm>>
    %dma_start3A_122 = tpu.memref_squeeze %dma_start3A_121 : memref<1x256xf32, #tpu.memory_space<hbm>> -> memref<256xf32, #tpu.memory_space<hbm>>
    %dma_start3A_123 = tpu.memref_slice %arg3[%select_n3A, %add3A_120] : memref<16x4096xf32, #tpu.memory_space<hbm>> -> memref<1x256xf32, #tpu.memory_space<hbm>>
    %dma_start3A_124 = tpu.memref_squeeze %dma_start3A_123 : memref<1x256xf32, #tpu.memory_space<hbm>> -> memref<256xf32, #tpu.memory_space<hbm>>
    tpu.enqueue_dma source(%dma_start3A_124 : memref<256xf32, #tpu.memory_space<hbm>>) target(%arg16 : memref<256xf32, #tpu.memory_space<vmem>>) target_semaphore(%arg22 : memref<!tpu.dma_semaphore, #tpu.memory_space<semaphore_mem>>)
    %dma_wait3A = arith.constant 0 : i32
    %dma_wait3A_125 = tpu.memref_slice %arg2[%add3A_95, %dma_wait3A] : memref<32768x256xf32, #tpu.memory_space<hbm>> -> memref<128x128xf32, #tpu.memory_space<hbm>>
    %dma_wait3A_126 = arith.constant 0 : i32
    %dma_wait3A_127 = tpu.memref_slice %arg2[%add3A_95, %dma_wait3A_126] : memref<32768x256xf32, #tpu.memory_space<hbm>> -> memref<128x128xf32, #tpu.memory_space<hbm>>
    tpu.wait_dma2 semaphore(%arg12 : memref<!tpu.dma_semaphore, #tpu.memory_space<semaphore_mem>>) src(%dma_wait3A_127 : memref<128x128xf32, #tpu.memory_space<hbm>>) dst(%arg10 : memref<128x128xf32, #tpu.memory_space<vmem>>)
    %dma_wait3A_128 = arith.constant 128 : i32
    %dma_wait3A_129 = tpu.memref_slice %arg2[%add3A_95, %dma_wait3A_128] : memref<32768x256xf32, #tpu.memory_space<hbm>> -> memref<128x128xf32, #tpu.memory_space<hbm>>
    %dma_wait3A_130 = arith.constant 128 : i32
    %dma_wait3A_131 = tpu.memref_slice %arg2[%add3A_95, %dma_wait3A_130] : memref<32768x256xf32, #tpu.memory_space<hbm>> -> memref<128x128xf32, #tpu.memory_space<hbm>>
    tpu.wait_dma2 semaphore(%arg12 : memref<!tpu.dma_semaphore, #tpu.memory_space<semaphore_mem>>) src(%dma_wait3A_131 : memref<128x128xf32, #tpu.memory_space<hbm>>) dst(%arg11 : memref<128x128xf32, #tpu.memory_space<vmem>>)
    %dma_wait3A_132 = tpu.memref_slice %arg3[%select_n3A, %add3A_104] : memref<16x4096xf32, #tpu.memory_space<hbm>> -> memref<1x256xf32, #tpu.memory_space<hbm>>
    %dma_wait3A_133 = tpu.memref_squeeze %dma_wait3A_132 : memref<1x256xf32, #tpu.memory_space<hbm>> -> memref<256xf32, #tpu.memory_space<hbm>>
    %dma_wait3A_134 = tpu.memref_slice %arg3[%select_n3A, %add3A_104] : memref<16x4096xf32, #tpu.memory_space<hbm>> -> memref<1x256xf32, #tpu.memory_space<hbm>>
    %dma_wait3A_135 = tpu.memref_squeeze %dma_wait3A_134 : memref<1x256xf32, #tpu.memory_space<hbm>> -> memref<256xf32, #tpu.memory_space<hbm>>
    tpu.wait_dma2 semaphore(%arg13 : memref<!tpu.dma_semaphore, #tpu.memory_space<semaphore_mem>>) src(%dma_wait3A_135 : memref<256xf32, #tpu.memory_space<hbm>>) dst(%arg7 : memref<256xf32, #tpu.memory_space<vmem>>)
    %get3A = arith.constant 0 : index
    %get3A_136 = tpu.vector_load %arg7[%get3A] {strides = array<i32>} : memref<256xf32, #tpu.memory_space<vmem>>, vector<16xf32>,
    %get3A_137 = vector.shape_cast %get3A_136 : vector<16xf32> to vector<16xf32>
    %get3A_138 = arith.constant 16 : index
    %get3A_139 = tpu.vector_load %arg7[%get3A_138] {strides = array<i32>} : memref<256xf32, #tpu.memory_space<vmem>>, vector<16xf32>,
    %get3A_140 = vector.shape_cast %get3A_139 : vector<16xf32> to vector<16xf32>
    %broadcast_in_dim3A = vector.shape_cast %select_n3A_93 : vector<16xi32> to vector<16x1xi32>
    %gather3A = vector.shape_cast %broadcast_in_dim3A : vector<16x1xi32> to vector<16xi32>
    %gather3A_141 = tpu.dynamic_gather %get3A_137[%gather3A] in [0] : vector<16xf32>, vector<16xi32> -> vector<16xf32>
    %broadcast_in_dim3A_142 = vector.shape_cast %select_n3A_93 : vector<16xi32> to vector<16x1xi32>
    %gather3A_143 = vector.shape_cast %broadcast_in_dim3A_142 : vector<16x1xi32> to vector<16xi32>
    %gather3A_144 = tpu.dynamic_gather %get3A_140[%gather3A_143] in [0] : vector<16xf32>, vector<16xi32> -> vector<16xf32>
    %select_n3A_145 = arith.select %lt3A_40, %gather3A_141, %gather3A_144 : vector<16xi1>, vector<16xf32>
    %broadcast_in_dim3A_146 = vector.shape_cast %select_n3A_68 : vector<16xi32> to vector<16x1xi32>
    %gather3A_147 = vector.shape_cast %broadcast_in_dim3A_146 : vector<16x1xi32> to vector<16xi32>
    %gather3A_148 = tpu.dynamic_gather %get3A_137[%gather3A_147] in [0] : vector<16xf32>, vector<16xi32> -> vector<16xf32>
    %broadcast_in_dim3A_149 = vector.shape_cast %select_n3A_68 : vector<16xi32> to vector<16x1xi32>
    %gather3A_150 = vector.shape_cast %broadcast_in_dim3A_149 : vector<16x1xi32> to vector<16xi32>
    %gather3A_151 = tpu.dynamic_gather %get3A_140[%gather3A_150] in [0] : vector<16xf32>, vector<16xi32> -> vector<16xf32>
    %select_n3A_152 = arith.select %lt3A_40, %gather3A_148, %gather3A_151 : vector<16xi1>, vector<16xf32>
    %div3A_153 = arith.constant 1.000000e+02 : f32
    %div3A_154 = vector.broadcast %div3A_153 : f32 to vector<16xf32>
    %div3A_155 = arith.divf %select_n3A_145, %div3A_154 : vector<16xf32>
    %convert_element_type3A_156 = arith.fptosi %div3A_155 : vector<16xf32> to vector<16xi32>
    %swap3A = arith.constant 0 : index
    %swap3A_157 = tpu.vector_load %arg8[%swap3A] {strides = array<i32>} : memref<128xi32, #tpu.memory_space<vmem>>, vector<16xi32>,
    %swap3A_158 = vector.shape_cast %swap3A_157 : vector<16xi32> to vector<16xi32>
    %swap3A_159 = vector.shape_cast %convert_element_type3A_156 : vector<16xi32> to vector<16xi32>
    tpu.vector_store %arg8[%swap3A], %swap3A_159 {strides = array<i32>} : memref<128xi32, #tpu.memory_space<vmem>>, vector<16xi32>,
    %div3A_160 = arith.constant 1.000000e+02 : f32
    %div3A_161 = vector.broadcast %div3A_160 : f32 to vector<16xf32>
    %div3A_162 = arith.divf %select_n3A_152, %div3A_161 : vector<16xf32>
    %convert_element_type3A_163 = arith.fptosi %div3A_162 : vector<16xf32> to vector<16xi32>
    %swap3A_164 = arith.constant 0 : index
    %swap3A_165 = tpu.vector_load %arg9[%swap3A_164] {strides = array<i32>} : memref<128xi32, #tpu.memory_space<vmem>>, vector<16xi32>,
    %swap3A_166 = vector.shape_cast %swap3A_165 : vector<16xi32> to vector<16xi32>
    %swap3A_167 = vector.shape_cast %convert_element_type3A_163 : vector<16xi32> to vector<16xi32>
    tpu.vector_store %arg9[%swap3A_164], %swap3A_167 {strides = array<i32>} : memref<128xi32, #tpu.memory_space<vmem>>, vector<16xi32>,
    %get3A_168 = arith.constant 32 : index
    %get3A_169 = tpu.vector_load %arg7[%get3A_168] {strides = array<i32>} : memref<256xf32, #tpu.memory_space<vmem>>, vector<16xf32>,
    %get3A_170 = vector.shape_cast %get3A_169 : vector<16xf32> to vector<16xf32>
    %get3A_171 = arith.constant 48 : index
    %get3A_172 = tpu.vector_load %arg7[%get3A_171] {strides = array<i32>} : memref<256xf32, #tpu.memory_space<vmem>>, vector<16xf32>,
    %get3A_173 = vector.shape_cast %get3A_172 : vector<16xf32> to vector<16xf32>
    %broadcast_in_dim3A_174 = vector.shape_cast %select_n3A_93 : vector<16xi32> to vector<16x1xi32>
    %gather3A_175 = vector.shape_cast %broadcast_in_dim3A_174 : vector<16x1xi32> to vector<16xi32>
    %gather3A_176 = tpu.dynamic_gather %get3A_170[%gather3A_175] in [0] : vector<16xf32>, vector<16xi32> -> vector<16xf32>
    %broadcast_in_dim3A_177 = vector.shape_cast %select_n3A_93 : vector<16xi32> to vector<16x1xi32>
    %gather3A_178 = vector.shape_cast %broadcast_in_dim3A_177 : vector<16x1xi32> to vector<16xi32>
    %gather3A_179 = tpu.dynamic_gather %get3A_173[%gather3A_178] in [0] : vector<16xf32>, vector<16xi32> -> vector<16xf32>
    %select_n3A_180 = arith.select %lt3A_40, %gather3A_176, %gather3A_179 : vector<16xi1>, vector<16xf32>
    %broadcast_in_dim3A_181 = vector.shape_cast %select_n3A_68 : vector<16xi32> to vector<16x1xi32>
    %gather3A_182 = vector.shape_cast %broadcast_in_dim3A_181 : vector<16x1xi32> to vector<16xi32>
    %gather3A_183 = tpu.dynamic_gather %get3A_170[%gather3A_182] in [0] : vector<16xf32>, vector<16xi32> -> vector<16xf32>
    %broadcast_in_dim3A_184 = vector.shape_cast %select_n3A_68 : vector<16xi32> to vector<16x1xi32>
    %gather3A_185 = vector.shape_cast %broadcast_in_dim3A_184 : vector<16x1xi32> to vector<16xi32>
    %gather3A_186 = tpu.dynamic_gather %get3A_173[%gather3A_185] in [0] : vector<16xf32>, vector<16xi32> -> vector<16xf32>
    %select_n3A_187 = arith.select %lt3A_40, %gather3A_183, %gather3A_186 : vector<16xi1>, vector<16xf32>
    %div3A_188 = arith.constant 1.000000e+02 : f32
    %div3A_189 = vector.broadcast %div3A_188 : f32 to vector<16xf32>
    %div3A_190 = arith.divf %select_n3A_180, %div3A_189 : vector<16xf32>
    %convert_element_type3A_191 = arith.fptosi %div3A_190 : vector<16xf32> to vector<16xi32>
    %swap3A_192 = arith.constant 16 : index
    %swap3A_193 = tpu.vector_load %arg8[%swap3A_192] {strides = array<i32>} : memref<128xi32, #tpu.memory_space<vmem>>, vector<16xi32>,
    %swap3A_194 = vector.shape_cast %swap3A_193 : vector<16xi32> to vector<16xi32>
    %swap3A_195 = vector.shape_cast %convert_element_type3A_191 : vector<16xi32> to vector<16xi32>
    tpu.vector_store %arg8[%swap3A_192], %swap3A_195 {strides = array<i32>} : memref<128xi32, #tpu.memory_space<vmem>>, vector<16xi32>,
    %div3A_196 = arith.constant 1.000000e+02 : f32
    %div3A_197 = vector.broadcast %div3A_196 : f32 to vector<16xf32>
    %div3A_198 = arith.divf %select_n3A_187, %div3A_197 : vector<16xf32>
    %convert_element_type3A_199 = arith.fptosi %div3A_198 : vector<16xf32> to vector<16xi32>
    %swap3A_200 = arith.constant 16 : index
    %swap3A_201 = tpu.vector_load %arg9[%swap3A_200] {strides = array<i32>} : memref<128xi32, #tpu.memory_space<vmem>>, vector<16xi32>,
    %swap3A_202 = vector.shape_cast %swap3A_201 : vector<16xi32> to vector<16xi32>
    %swap3A_203 = vector.shape_cast %convert_element_type3A_199 : vector<16xi32> to vector<16xi32>
    tpu.vector_store %arg9[%swap3A_200], %swap3A_203 {strides = array<i32>} : memref<128xi32, #tpu.memory_space<vmem>>, vector<16xi32>,
    %get3A_204 = arith.constant 64 : index
    %get3A_205 = tpu.vector_load %arg7[%get3A_204] {strides = array<i32>} : memref<256xf32, #tpu.memory_space<vmem>>, vector<16xf32>,
    %get3A_206 = vector.shape_cast %get3A_205 : vector<16xf32> to vector<16xf32>
    %get3A_207 = arith.constant 80 : index
    %get3A_208 = tpu.vector_load %arg7[%get3A_207] {strides = array<i32>} : memref<256xf32, #tpu.memory_space<vmem>>, vector<16xf32>,
    %get3A_209 = vector.shape_cast %get3A_208 : vector<16xf32> to vector<16xf32>
    %broadcast_in_dim3A_210 = vector.shape_cast %select_n3A_93 : vector<16xi32> to vector<16x1xi32>
    %gather3A_211 = vector.shape_cast %broadcast_in_dim3A_210 : vector<16x1xi32> to vector<16xi32>
    %gather3A_212 = tpu.dynamic_gather %get3A_206[%gather3A_211] in [0] : vector<16xf32>, vector<16xi32> -> vector<16xf32>
    %broadcast_in_dim3A_213 = vector.shape_cast %select_n3A_93 : vector<16xi32> to vector<16x1xi32>
    %gather3A_214 = vector.shape_cast %broadcast_in_dim3A_213 : vector<16x1xi32> to vector<16xi32>
    %gather3A_215 = tpu.dynamic_gather %get3A_209[%gather3A_214] in [0] : vector<16xf32>, vector<16xi32> -> vector<16xf32>
    %select_n3A_216 = arith.select %lt3A_40, %gather3A_212, %gather3A_215 : vector<16xi1>, vector<16xf32>
    %broadcast_in_dim3A_217 = vector.shape_cast %select_n3A_68 : vector<16xi32> to vector<16x1xi32>
    %gather3A_218 = vector.shape_cast %broadcast_in_dim3A_217 : vector<16x1xi32> to vector<16xi32>
    %gather3A_219 = tpu.dynamic_gather %get3A_206[%gather3A_218] in [0] : vector<16xf32>, vector<16xi32> -> vector<16xf32>
    %broadcast_in_dim3A_220 = vector.shape_cast %select_n3A_68 : vector<16xi32> to vector<16x1xi32>
    %gather3A_221 = vector.shape_cast %broadcast_in_dim3A_220 : vector<16x1xi32> to vector<16xi32>
    %gather3A_222 = tpu.dynamic_gather %get3A_209[%gather3A_221] in [0] : vector<16xf32>, vector<16xi32> -> vector<16xf32>
    %select_n3A_223 = arith.select %lt3A_40, %gather3A_219, %gather3A_222 : vector<16xi1>, vector<16xf32>
    %div3A_224 = arith.constant 1.000000e+02 : f32
    %div3A_225 = vector.broadcast %div3A_224 : f32 to vector<16xf32>
    %div3A_226 = arith.divf %select_n3A_216, %div3A_225 : vector<16xf32>
    %convert_element_type3A_227 = arith.fptosi %div3A_226 : vector<16xf32> to vector<16xi32>
    %swap3A_228 = arith.constant 32 : index
    %swap3A_229 = tpu.vector_load %arg8[%swap3A_228] {strides = array<i32>} : memref<128xi32, #tpu.memory_space<vmem>>, vector<16xi32>,
    %swap3A_230 = vector.shape_cast %swap3A_229 : vector<16xi32> to vector<16xi32>
    %swap3A_231 = vector.shape_cast %convert_element_type3A_227 : vector<16xi32> to vector<16xi32>
    tpu.vector_store %arg8[%swap3A_228], %swap3A_231 {strides = array<i32>} : memref<128xi32, #tpu.memory_space<vmem>>, vector<16xi32>,
    %div3A_232 = arith.constant 1.000000e+02 : f32
    %div3A_233 = vector.broadcast %div3A_232 : f32 to vector<16xf32>
    %div3A_234 = arith.divf %select_n3A_223, %div3A_233 : vector<16xf32>
    %convert_element_type3A_235 = arith.fptosi %div3A_234 : vector<16xf32> to vector<16xi32>
    %swap3A_236 = arith.constant 32 : index
    %swap3A_237 = tpu.vector_load %arg9[%swap3A_236] {strides = array<i32>} : memref<128xi32, #tpu.memory_space<vmem>>, vector<16xi32>,
    %swap3A_238 = vector.shape_cast %swap3A_237 : vector<16xi32> to vector<16xi32>
    %swap3A_239 = vector.shape_cast %convert_element_type3A_235 : vector<16xi32> to vector<16xi32>
    tpu.vector_store %arg9[%swap3A_236], %swap3A_239 {strides = array<i32>} : memref<128xi32, #tpu.memory_space<vmem>>, vector<16xi32>,
    %get3A_240 = arith.constant 96 : index
    %get3A_241 = tpu.vector_load %arg7[%get3A_240] {strides = array<i32>} : memref<256xf32, #tpu.memory_space<vmem>>, vector<16xf32>,
    %get3A_242 = vector.shape_cast %get3A_241 : vector<16xf32> to vector<16xf32>
    %get3A_243 = arith.constant 112 : index
    %get3A_244 = tpu.vector_load %arg7[%get3A_243] {strides = array<i32>} : memref<256xf32, #tpu.memory_space<vmem>>, vector<16xf32>,
    %get3A_245 = vector.shape_cast %get3A_244 : vector<16xf32> to vector<16xf32>
    %broadcast_in_dim3A_246 = vector.shape_cast %select_n3A_93 : vector<16xi32> to vector<16x1xi32>
    %gather3A_247 = vector.shape_cast %broadcast_in_dim3A_246 : vector<16x1xi32> to vector<16xi32>
    %gather3A_248 = tpu.dynamic_gather %get3A_242[%gather3A_247] in [0] : vector<16xf32>, vector<16xi32> -> vector<16xf32>
    %broadcast_in_dim3A_249 = vector.shape_cast %select_n3A_93 : vector<16xi32> to vector<16x1xi32>
    %gather3A_250 = vector.shape_cast %broadcast_in_dim3A_249 : vector<16x1xi32> to vector<16xi32>
    %gather3A_251 = tpu.dynamic_gather %get3A_245[%gather3A_250] in [0] : vector<16xf32>, vector<16xi32> -> vector<16xf32>
    %select_n3A_252 = arith.select %lt3A_40, %gather3A_248, %gather3A_251 : vector<16xi1>, vector<16xf32>
    %broadcast_in_dim3A_253 = vector.shape_cast %select_n3A_68 : vector<16xi32> to vector<16x1xi32>
    %gather3A_254 = vector.shape_cast %broadcast_in_dim3A_253 : vector<16x1xi32> to vector<16xi32>
    %gather3A_255 = tpu.dynamic_gather %get3A_242[%gather3A_254] in [0] : vector<16xf32>, vector<16xi32> -> vector<16xf32>
    %broadcast_in_dim3A_256 = vector.shape_cast %select_n3A_68 : vector<16xi32> to vector<16x1xi32>
    %gather3A_257 = vector.shape_cast %broadcast_in_dim3A_256 : vector<16x1xi32> to vector<16xi32>
    %gather3A_258 = tpu.dynamic_gather %get3A_245[%gather3A_257] in [0] : vector<16xf32>, vector<16xi32> -> vector<16xf32>
    %select_n3A_259 = arith.select %lt3A_40, %gather3A_255, %gather3A_258 : vector<16xi1>, vector<16xf32>
    %div3A_260 = arith.constant 1.000000e+02 : f32
    %div3A_261 = vector.broadcast %div3A_260 : f32 to vector<16xf32>
    %div3A_262 = arith.divf %select_n3A_252, %div3A_261 : vector<16xf32>
    %convert_element_type3A_263 = arith.fptosi %div3A_262 : vector<16xf32> to vector<16xi32>
    %swap3A_264 = arith.constant 48 : index
    %swap3A_265 = tpu.vector_load %arg8[%swap3A_264] {strides = array<i32>} : memref<128xi32, #tpu.memory_space<vmem>>, vector<16xi32>,
    %swap3A_266 = vector.shape_cast %swap3A_265 : vector<16xi32> to vector<16xi32>
    %swap3A_267 = vector.shape_cast %convert_element_type3A_263 : vector<16xi32> to vector<16xi32>
    tpu.vector_store %arg8[%swap3A_264], %swap3A_267 {strides = array<i32>} : memref<128xi32, #tpu.memory_space<vmem>>, vector<16xi32>,
    %div3A_268 = arith.constant 1.000000e+02 : f32
    %div3A_269 = vector.broadcast %div3A_268 : f32 to vector<16xf32>
    %div3A_270 = arith.divf %select_n3A_259, %div3A_269 : vector<16xf32>
    %convert_element_type3A_271 = arith.fptosi %div3A_270 : vector<16xf32> to vector<16xi32>
    %swap3A_272 = arith.constant 48 : index
    %swap3A_273 = tpu.vector_load %arg9[%swap3A_272] {strides = array<i32>} : memref<128xi32, #tpu.memory_space<vmem>>, vector<16xi32>,
    %swap3A_274 = vector.shape_cast %swap3A_273 : vector<16xi32> to vector<16xi32>
    %swap3A_275 = vector.shape_cast %convert_element_type3A_271 : vector<16xi32> to vector<16xi32>
    tpu.vector_store %arg9[%swap3A_272], %swap3A_275 {strides = array<i32>} : memref<128xi32, #tpu.memory_space<vmem>>, vector<16xi32>,
    %get3A_276 = arith.constant 128 : index
    %get3A_277 = tpu.vector_load %arg7[%get3A_276] {strides = array<i32>} : memref<256xf32, #tpu.memory_space<vmem>>, vector<16xf32>,
    %get3A_278 = vector.shape_cast %get3A_277 : vector<16xf32> to vector<16xf32>
    %get3A_279 = arith.constant 144 : index
    %get3A_280 = tpu.vector_load %arg7[%get3A_279] {strides = array<i32>} : memref<256xf32, #tpu.memory_space<vmem>>, vector<16xf32>,
    %get3A_281 = vector.shape_cast %get3A_280 : vector<16xf32> to vector<16xf32>
    %broadcast_in_dim3A_282 = vector.shape_cast %select_n3A_93 : vector<16xi32> to vector<16x1xi32>
    %gather3A_283 = vector.shape_cast %broadcast_in_dim3A_282 : vector<16x1xi32> to vector<16xi32>
    %gather3A_284 = tpu.dynamic_gather %get3A_278[%gather3A_283] in [0] : vector<16xf32>, vector<16xi32> -> vector<16xf32>
    %broadcast_in_dim3A_285 = vector.shape_cast %select_n3A_93 : vector<16xi32> to vector<16x1xi32>
    %gather3A_286 = vector.shape_cast %broadcast_in_dim3A_285 : vector<16x1xi32> to vector<16xi32>
    %gather3A_287 = tpu.dynamic_gather %get3A_281[%gather3A_286] in [0] : vector<16xf32>, vector<16xi32> -> vector<16xf32>
    %select_n3A_288 = arith.select %lt3A_40, %gather3A_284, %gather3A_287 : vector<16xi1>, vector<16xf32>
    %broadcast_in_dim3A_289 = vector.shape_cast %select_n3A_68 : vector<16xi32> to vector<16x1xi32>
    %gather3A_290 = vector.shape_cast %broadcast_in_dim3A_289 : vector<16x1xi32> to vector<16xi32>
    %gather3A_291 = tpu.dynamic_gather %get3A_278[%gather3A_290] in [0] : vector<16xf32>, vector<16xi32> -> vector<16xf32>
    %broadcast_in_dim3A_292 = vector.shape_cast %select_n3A_68 : vector<16xi32> to vector<16x1xi32>
    %gather3A_293 = vector.shape_cast %broadcast_in_dim3A_292 : vector<16x1xi32> to vector<16xi32>
    %gather3A_294 = tpu.dynamic_gather %get3A_281[%gather3A_293] in [0] : vector<16xf32>, vector<16xi32> -> vector<16xf32>
    %select_n3A_295 = arith.select %lt3A_40, %gather3A_291, %gather3A_294 : vector<16xi1>, vector<16xf32>
    %div3A_296 = arith.constant 1.000000e+02 : f32
    %div3A_297 = vector.broadcast %div3A_296 : f32 to vector<16xf32>
    %div3A_298 = arith.divf %select_n3A_288, %div3A_297 : vector<16xf32>
    %convert_element_type3A_299 = arith.fptosi %div3A_298 : vector<16xf32> to vector<16xi32>
    %swap3A_300 = arith.constant 64 : index
    %swap3A_301 = tpu.vector_load %arg8[%swap3A_300] {strides = array<i32>} : memref<128xi32, #tpu.memory_space<vmem>>, vector<16xi32>,
    %swap3A_302 = vector.shape_cast %swap3A_301 : vector<16xi32> to vector<16xi32>
    %swap3A_303 = vector.shape_cast %convert_element_type3A_299 : vector<16xi32> to vector<16xi32>
    tpu.vector_store %arg8[%swap3A_300], %swap3A_303 {strides = array<i32>} : memref<128xi32, #tpu.memory_space<vmem>>, vector<16xi32>,
    %div3A_304 = arith.constant 1.000000e+02 : f32
    %div3A_305 = vector.broadcast %div3A_304 : f32 to vector<16xf32>
    %div3A_306 = arith.divf %select_n3A_295, %div3A_305 : vector<16xf32>
    %convert_element_type3A_307 = arith.fptosi %div3A_306 : vector<16xf32> to vector<16xi32>
    %swap3A_308 = arith.constant 64 : index
    %swap3A_309 = tpu.vector_load %arg9[%swap3A_308] {strides = array<i32>} : memref<128xi32, #tpu.memory_space<vmem>>, vector<16xi32>,
    %swap3A_310 = vector.shape_cast %swap3A_309 : vector<16xi32> to vector<16xi32>
    %swap3A_311 = vector.shape_cast %convert_element_type3A_307 : vector<16xi32> to vector<16xi32>
    tpu.vector_store %arg9[%swap3A_308], %swap3A_311 {strides = array<i32>} : memref<128xi32, #tpu.memory_space<vmem>>, vector<16xi32>,
    %get3A_312 = arith.constant 160 : index
    %get3A_313 = tpu.vector_load %arg7[%get3A_312] {strides = array<i32>} : memref<256xf32, #tpu.memory_space<vmem>>, vector<16xf32>,
    %get3A_314 = vector.shape_cast %get3A_313 : vector<16xf32> to vector<16xf32>
    %get3A_315 = arith.constant 176 : index
    %get3A_316 = tpu.vector_load %arg7[%get3A_315] {strides = array<i32>} : memref<256xf32, #tpu.memory_space<vmem>>, vector<16xf32>,
    %get3A_317 = vector.shape_cast %get3A_316 : vector<16xf32> to vector<16xf32>
    %broadcast_in_dim3A_318 = vector.shape_cast %select_n3A_93 : vector<16xi32> to vector<16x1xi32>
    %gather3A_319 = vector.shape_cast %broadcast_in_dim3A_318 : vector<16x1xi32> to vector<16xi32>
    %gather3A_320 = tpu.dynamic_gather %get3A_314[%gather3A_319] in [0] : vector<16xf32>, vector<16xi32> -> vector<16xf32>
    %broadcast_in_dim3A_321 = vector.shape_cast %select_n3A_93 : vector<16xi32> to vector<16x1xi32>
    %gather3A_322 = vector.shape_cast %broadcast_in_dim3A_321 : vector<16x1xi32> to vector<16xi32>
    %gather3A_323 = tpu.dynamic_gather %get3A_317[%gather3A_322] in [0] : vector<16xf32>, vector<16xi32> -> vector<16xf32>
    %select_n3A_324 = arith.select %lt3A_40, %gather3A_320, %gather3A_323 : vector<16xi1>, vector<16xf32>
    %broadcast_in_dim3A_325 = vector.shape_cast %select_n3A_68 : vector<16xi32> to vector<16x1xi32>
    %gather3A_326 = vector.shape_cast %broadcast_in_dim3A_325 : vector<16x1xi32> to vector<16xi32>
    %gather3A_327 = tpu.dynamic_gather %get3A_314[%gather3A_326] in [0] : vector<16xf32>, vector<16xi32> -> vector<16xf32>
    %broadcast_in_dim3A_328 = vector.shape_cast %select_n3A_68 : vector<16xi32> to vector<16x1xi32>
    %gather3A_329 = vector.shape_cast %broadcast_in_dim3A_328 : vector<16x1xi32> to vector<16xi32>
    %gather3A_330 = tpu.dynamic_gather %get3A_317[%gather3A_329] in [0] : vector<16xf32>, vector<16xi32> -> vector<16xf32>
    %select_n3A_331 = arith.select %lt3A_40, %gather3A_327, %gather3A_330 : vector<16xi1>, vector<16xf32>
    %div3A_332 = arith.constant 1.000000e+02 : f32
    %div3A_333 = vector.broadcast %div3A_332 : f32 to vector<16xf32>
    %div3A_334 = arith.divf %select_n3A_324, %div3A_333 : vector<16xf32>
    %convert_element_type3A_335 = arith.fptosi %div3A_334 : vector<16xf32> to vector<16xi32>
    %swap3A_336 = arith.constant 80 : index
    %swap3A_337 = tpu.vector_load %arg8[%swap3A_336] {strides = array<i32>} : memref<128xi32, #tpu.memory_space<vmem>>, vector<16xi32>,
    %swap3A_338 = vector.shape_cast %swap3A_337 : vector<16xi32> to vector<16xi32>
    %swap3A_339 = vector.shape_cast %convert_element_type3A_335 : vector<16xi32> to vector<16xi32>
    tpu.vector_store %arg8[%swap3A_336], %swap3A_339 {strides = array<i32>} : memref<128xi32, #tpu.memory_space<vmem>>, vector<16xi32>,
    %div3A_340 = arith.constant 1.000000e+02 : f32
    %div3A_341 = vector.broadcast %div3A_340 : f32 to vector<16xf32>
    %div3A_342 = arith.divf %select_n3A_331, %div3A_341 : vector<16xf32>
    %convert_element_type3A_343 = arith.fptosi %div3A_342 : vector<16xf32> to vector<16xi32>
    %swap3A_344 = arith.constant 80 : index
    %swap3A_345 = tpu.vector_load %arg9[%swap3A_344] {strides = array<i32>} : memref<128xi32, #tpu.memory_space<vmem>>, vector<16xi32>,
    %swap3A_346 = vector.shape_cast %swap3A_345 : vector<16xi32> to vector<16xi32>
    %swap3A_347 = vector.shape_cast %convert_element_type3A_343 : vector<16xi32> to vector<16xi32>
    tpu.vector_store %arg9[%swap3A_344], %swap3A_347 {strides = array<i32>} : memref<128xi32, #tpu.memory_space<vmem>>, vector<16xi32>,
    %get3A_348 = arith.constant 192 : index
    %get3A_349 = tpu.vector_load %arg7[%get3A_348] {strides = array<i32>} : memref<256xf32, #tpu.memory_space<vmem>>, vector<16xf32>,
    %get3A_350 = vector.shape_cast %get3A_349 : vector<16xf32> to vector<16xf32>
    %get3A_351 = arith.constant 208 : index
    %get3A_352 = tpu.vector_load %arg7[%get3A_351] {strides = array<i32>} : memref<256xf32, #tpu.memory_space<vmem>>, vector<16xf32>,
    %get3A_353 = vector.shape_cast %get3A_352 : vector<16xf32> to vector<16xf32>
    %broadcast_in_dim3A_354 = vector.shape_cast %select_n3A_93 : vector<16xi32> to vector<16x1xi32>
    %gather3A_355 = vector.shape_cast %broadcast_in_dim3A_354 : vector<16x1xi32> to vector<16xi32>
    %gather3A_356 = tpu.dynamic_gather %get3A_350[%gather3A_355] in [0] : vector<16xf32>, vector<16xi32> -> vector<16xf32>
    %broadcast_in_dim3A_357 = vector.shape_cast %select_n3A_93 : vector<16xi32> to vector<16x1xi32>
    %gather3A_358 = vector.shape_cast %broadcast_in_dim3A_357 : vector<16x1xi32> to vector<16xi32>
    %gather3A_359 = tpu.dynamic_gather %get3A_353[%gather3A_358] in [0] : vector<16xf32>, vector<16xi32> -> vector<16xf32>
    %select_n3A_360 = arith.select %lt3A_40, %gather3A_356, %gather3A_359 : vector<16xi1>, vector<16xf32>
    %broadcast_in_dim3A_361 = vector.shape_cast %select_n3A_68 : vector<16xi32> to vector<16x1xi32>
    %gather3A_362 = vector.shape_cast %broadcast_in_dim3A_361 : vector<16x1xi32> to vector<16xi32>
    %gather3A_363 = tpu.dynamic_gather %get3A_350[%gather3A_362] in [0] : vector<16xf32>, vector<16xi32> -> vector<16xf32>
    %broadcast_in_dim3A_364 = vector.shape_cast %select_n3A_68 : vector<16xi32> to vector<16x1xi32>
    %gather3A_365 = vector.shape_cast %broadcast_in_dim3A_364 : vector<16x1xi32> to vector<16xi32>
    %gather3A_366 = tpu.dynamic_gather %get3A_353[%gather3A_365] in [0] : vector<16xf32>, vector<16xi32> -> vector<16xf32>
    %select_n3A_367 = arith.select %lt3A_40, %gather3A_363, %gather3A_366 : vector<16xi1>, vector<16xf32>
    %div3A_368 = arith.constant 1.000000e+02 : f32
    %div3A_369 = vector.broadcast %div3A_368 : f32 to vector<16xf32>
    %div3A_370 = arith.divf %select_n3A_360, %div3A_369 : vector<16xf32>
    %convert_element_type3A_371 = arith.fptosi %div3A_370 : vector<16xf32> to vector<16xi32>
    %swap3A_372 = arith.constant 96 : index
    %swap3A_373 = tpu.vector_load %arg8[%swap3A_372] {strides = array<i32>} : memref<128xi32, #tpu.memory_space<vmem>>, vector<16xi32>,
    %swap3A_374 = vector.shape_cast %swap3A_373 : vector<16xi32> to vector<16xi32>
    %swap3A_375 = vector.shape_cast %convert_element_type3A_371 : vector<16xi32> to vector<16xi32>
    tpu.vector_store %arg8[%swap3A_372], %swap3A_375 {strides = array<i32>} : memref<128xi32, #tpu.memory_space<vmem>>, vector<16xi32>,
    %div3A_376 = arith.constant 1.000000e+02 : f32
    %div3A_377 = vector.broadcast %div3A_376 : f32 to vector<16xf32>
    %div3A_378 = arith.divf %select_n3A_367, %div3A_377 : vector<16xf32>
    %convert_element_type3A_379 = arith.fptosi %div3A_378 : vector<16xf32> to vector<16xi32>
    %swap3A_380 = arith.constant 96 : index
    %swap3A_381 = tpu.vector_load %arg9[%swap3A_380] {strides = array<i32>} : memref<128xi32, #tpu.memory_space<vmem>>, vector<16xi32>,
    %swap3A_382 = vector.shape_cast %swap3A_381 : vector<16xi32> to vector<16xi32>
    %swap3A_383 = vector.shape_cast %convert_element_type3A_379 : vector<16xi32> to vector<16xi32>
    tpu.vector_store %arg9[%swap3A_380], %swap3A_383 {strides = array<i32>} : memref<128xi32, #tpu.memory_space<vmem>>, vector<16xi32>,
    %get3A_384 = arith.constant 224 : index
    %get3A_385 = tpu.vector_load %arg7[%get3A_384] {strides = array<i32>} : memref<256xf32, #tpu.memory_space<vmem>>, vector<16xf32>,
    %get3A_386 = vector.shape_cast %get3A_385 : vector<16xf32> to vector<16xf32>
    %get3A_387 = arith.constant 240 : index
    %get3A_388 = tpu.vector_load %arg7[%get3A_387] {strides = array<i32>} : memref<256xf32, #tpu.memory_space<vmem>>, vector<16xf32>,
    %get3A_389 = vector.shape_cast %get3A_388 : vector<16xf32> to vector<16xf32>
    %broadcast_in_dim3A_390 = vector.shape_cast %select_n3A_93 : vector<16xi32> to vector<16x1xi32>
    %gather3A_391 = vector.shape_cast %broadcast_in_dim3A_390 : vector<16x1xi32> to vector<16xi32>
    %gather3A_392 = tpu.dynamic_gather %get3A_386[%gather3A_391] in [0] : vector<16xf32>, vector<16xi32> -> vector<16xf32>
    %broadcast_in_dim3A_393 = vector.shape_cast %select_n3A_93 : vector<16xi32> to vector<16x1xi32>
    %gather3A_394 = vector.shape_cast %broadcast_in_dim3A_393 : vector<16x1xi32> to vector<16xi32>
    %gather3A_395 = tpu.dynamic_gather %get3A_389[%gather3A_394] in [0] : vector<16xf32>, vector<16xi32> -> vector<16xf32>
    %select_n3A_396 = arith.select %lt3A_40, %gather3A_392, %gather3A_395 : vector<16xi1>, vector<16xf32>
    %broadcast_in_dim3A_397 = vector.shape_cast %select_n3A_68 : vector<16xi32> to vector<16x1xi32>
    %gather3A_398 = vector.shape_cast %broadcast_in_dim3A_397 : vector<16x1xi32> to vector<16xi32>
    %gather3A_399 = tpu.dynamic_gather %get3A_386[%gather3A_398] in [0] : vector<16xf32>, vector<16xi32> -> vector<16xf32>
    %broadcast_in_dim3A_400 = vector.shape_cast %select_n3A_68 : vector<16xi32> to vector<16x1xi32>
    %gather3A_401 = vector.shape_cast %broadcast_in_dim3A_400 : vector<16x1xi32> to vector<16xi32>
    %gather3A_402 = tpu.dynamic_gather %get3A_389[%gather3A_401] in [0] : vector<16xf32>, vector<16xi32> -> vector<16xf32>
    %select_n3A_403 = arith.select %lt3A_40, %gather3A_399, %gather3A_402 : vector<16xi1>, vector<16xf32>
    %div3A_404 = arith.constant 1.000000e+02 : f32
    %div3A_405 = vector.broadcast %div3A_404 : f32 to vector<16xf32>
    %div3A_406 = arith.divf %select_n3A_396, %div3A_405 : vector<16xf32>
    %convert_element_type3A_407 = arith.fptosi %div3A_406 : vector<16xf32> to vector<16xi32>
    %swap3A_408 = arith.constant 112 : index
    %swap3A_409 = tpu.vector_load %arg8[%swap3A_408] {strides = array<i32>} : memref<128xi32, #tpu.memory_space<vmem>>, vector<16xi32>,
    %swap3A_410 = vector.shape_cast %swap3A_409 : vector<16xi32> to vector<16xi32>
    %swap3A_411 = vector.shape_cast %convert_element_type3A_407 : vector<16xi32> to vector<16xi32>
    tpu.vector_store %arg8[%swap3A_408], %swap3A_411 {strides = array<i32>} : memref<128xi32, #tpu.memory_space<vmem>>, vector<16xi32>,
    %div3A_412 = arith.constant 1.000000e+02 : f32
    %div3A_413 = vector.broadcast %div3A_412 : f32 to vector<16xf32>
    %div3A_414 = arith.divf %select_n3A_403, %div3A_413 : vector<16xf32>
    %convert_element_type3A_415 = arith.fptosi %div3A_414 : vector<16xf32> to vector<16xi32>
    %swap3A_416 = arith.constant 112 : index
    %swap3A_417 = tpu.vector_load %arg9[%swap3A_416] {strides = array<i32>} : memref<128xi32, #tpu.memory_space<vmem>>, vector<16xi32>,
    %swap3A_418 = vector.shape_cast %swap3A_417 : vector<16xi32> to vector<16xi32>
    %swap3A_419 = vector.shape_cast %convert_element_type3A_415 : vector<16xi32> to vector<16xi32>
    tpu.vector_store %arg9[%swap3A_416], %swap3A_419 {strides = array<i32>} : memref<128xi32, #tpu.memory_space<vmem>>, vector<16xi32>,
    %dma_start3A_420 = arith.constant 0 : i32
    %dma_start3A_421 = arith.constant 0 : i32
    %dma_start3A_422 = tpu.memref_slice %arg6[%dma_start3A_420, %dma_start3A_421] : memref<384x128xf32, #tpu.memory_space<vmem_shared>> -> memref<384x128xf32, #tpu.memory_space<vmem_shared>>
    tpu.enqueue_indirect_dma source(%dma_start3A_422 : memref<384x128xf32, #tpu.memory_space<vmem_shared>>) target(%arg10 : memref<128x128xf32, #tpu.memory_space<vmem>>) offsets(%arg9 : memref<128xi32, #tpu.memory_space<vmem>>) semaphore(%arg14 : memref<!tpu.dma_semaphore, #tpu.memory_space<semaphore_mem>>) {add = true}
    %dma_start3A_423 = arith.constant 0 : i32
    %dma_start3A_424 = arith.constant 0 : i32
    %dma_start3A_425 = tpu.memref_slice %arg6[%dma_start3A_423, %dma_start3A_424] : memref<384x128xf32, #tpu.memory_space<vmem_shared>> -> memref<384x128xf32, #tpu.memory_space<vmem_shared>>
    tpu.enqueue_indirect_dma source(%dma_start3A_425 : memref<384x128xf32, #tpu.memory_space<vmem_shared>>) target(%arg11 : memref<128x128xf32, #tpu.memory_space<vmem>>) offsets(%arg8 : memref<128xi32, #tpu.memory_space<vmem>>) semaphore(%arg14 : memref<!tpu.dma_semaphore, #tpu.memory_space<semaphore_mem>>) {add = true}
    %add3A_426 = arith.constant 256 : i32
    %add3A_427 = arith.addi %mul3A_2, %add3A_426 : i32
    %dma_start3A_428 = arith.constant 0 : i32
    %dma_start3A_429 = tpu.memref_slice %arg2[%add3A_427, %dma_start3A_428] : memref<32768x256xf32, #tpu.memory_space<hbm>> -> memref<128x128xf32, #tpu.memory_space<hbm>>
    %dma_start3A_430 = arith.constant 0 : i32
    %dma_start3A_431 = tpu.memref_slice %arg2[%add3A_427, %dma_start3A_430] : memref<32768x256xf32, #tpu.memory_space<hbm>> -> memref<128x128xf32, #tpu.memory_space<hbm>>
    tpu.enqueue_dma source(%dma_start3A_431 : memref<128x128xf32, #tpu.memory_space<hbm>>) target(%arg28 : memref<128x128xf32, #tpu.memory_space<vmem>>) target_semaphore(%arg30 : memref<!tpu.dma_semaphore, #tpu.memory_space<semaphore_mem>>)
    %dma_start3A_432 = arith.constant 128 : i32
    %dma_start3A_433 = tpu.memref_slice %arg2[%add3A_427, %dma_start3A_432] : memref<32768x256xf32, #tpu.memory_space<hbm>> -> memref<128x128xf32, #tpu.memory_space<hbm>>
    %dma_start3A_434 = arith.constant 128 : i32
    %dma_start3A_435 = tpu.memref_slice %arg2[%add3A_427, %dma_start3A_434] : memref<32768x256xf32, #tpu.memory_space<hbm>> -> memref<128x128xf32, #tpu.memory_space<hbm>>
    tpu.enqueue_dma source(%dma_start3A_435 : memref<128x128xf32, #tpu.memory_space<hbm>>) target(%arg29 : memref<128x128xf32, #tpu.memory_space<vmem>>) target_semaphore(%arg30 : memref<!tpu.dma_semaphore, #tpu.memory_space<semaphore_mem>>)
    %add3A_436 = arith.constant 512 : i32
    %add3A_437 = arith.addi %mul3A_34, %add3A_436 : i32
    %dma_start3A_438 = tpu.memref_slice %arg3[%select_n3A, %add3A_437] : memref<16x4096xf32, #tpu.memory_space<hbm>> -> memref<1x256xf32, #tpu.memory_space<hbm>>
    %dma_start3A_439 = tpu.memref_squeeze %dma_start3A_438 : memref<1x256xf32, #tpu.memory_space<hbm>> -> memref<256xf32, #tpu.memory_space<hbm>>
    %dma_start3A_440 = tpu.memref_slice %arg3[%select_n3A, %add3A_437] : memref<16x4096xf32, #tpu.memory_space<hbm>> -> memref<1x256xf32, #tpu.memory_space<hbm>>
    %dma_start3A_441 = tpu.memref_squeeze %dma_start3A_440 : memref<1x256xf32, #tpu.memory_space<hbm>> -> memref<256xf32, #tpu.memory_space<hbm>>
    tpu.enqueue_dma source(%dma_start3A_441 : memref<256xf32, #tpu.memory_space<hbm>>) target(%arg25 : memref<256xf32, #tpu.memory_space<vmem>>) target_semaphore(%arg31 : memref<!tpu.dma_semaphore, #tpu.memory_space<semaphore_mem>>)
    %dma_wait3A_442 = arith.constant 0 : i32
    %dma_wait3A_443 = tpu.memref_slice %arg2[%add3A_110, %dma_wait3A_442] : memref<32768x256xf32, #tpu.memory_space<hbm>> -> memref<128x128xf32, #tpu.memory_space<hbm>>
    %dma_wait3A_444 = arith.constant 0 : i32
    %dma_wait3A_445 = tpu.memref_slice %arg2[%add3A_110, %dma_wait3A_444] : memref<32768x256xf32, #tpu.memory_space<hbm>> -> memref<128x128xf32, #tpu.memory_space<hbm>>
    tpu.wait_dma2 semaphore(%arg21 : memref<!tpu.dma_semaphore, #tpu.memory_space<semaphore_mem>>) src(%dma_wait3A_445 : memref<128x128xf32, #tpu.memory_space<hbm>>) dst(%arg19 : memref<128x128xf32, #tpu.memory_space<vmem>>)
    %dma_wait3A_446 = arith.constant 128 : i32
    %dma_wait3A_447 = tpu.memref_slice %arg2[%add3A_110, %dma_wait3A_446] : memref<32768x256xf32, #tpu.memory_space<hbm>> -> memref<128x128xf32, #tpu.memory_space<hbm>>
    %dma_wait3A_448 = arith.constant 128 : i32
    %dma_wait3A_449 = tpu.memref_slice %arg2[%add3A_110, %dma_wait3A_448] : memref<32768x256xf32, #tpu.memory_space<hbm>> -> memref<128x128xf32, #tpu.memory_space<hbm>>
    tpu.wait_dma2 semaphore(%arg21 : memref<!tpu.dma_semaphore, #tpu.memory_space<semaphore_mem>>) src(%dma_wait3A_449 : memref<128x128xf32, #tpu.memory_space<hbm>>) dst(%arg20 : memref<128x128xf32, #tpu.memory_space<vmem>>)
    %dma_wait3A_450 = tpu.memref_slice %arg3[%select_n3A, %add3A_120] : memref<16x4096xf32, #tpu.memory_space<hbm>> -> memref<1x256xf32, #tpu.memory_space<hbm>>
    %dma_wait3A_451 = tpu.memref_squeeze %dma_wait3A_450 : memref<1x256xf32, #tpu.memory_space<hbm>> -> memref<256xf32, #tpu.memory_space<hbm>>
    %dma_wait3A_452 = tpu.memref_slice %arg3[%select_n3A, %add3A_120] : memref<16x4096xf32, #tpu.memory_space<hbm>> -> memref<1x256xf32, #tpu.memory_space<hbm>>
    %dma_wait3A_453 = tpu.memref_squeeze %dma_wait3A_452 : memref<1x256xf32, #tpu.memory_space<hbm>> -> memref<256xf32, #tpu.memory_space<hbm>>
    tpu.wait_dma2 semaphore(%arg22 : memref<!tpu.dma_semaphore, #tpu.memory_space<semaphore_mem>>) src(%dma_wait3A_453 : memref<256xf32, #tpu.memory_space<hbm>>) dst(%arg16 : memref<256xf32, #tpu.memory_space<vmem>>)
    %get3A_454 = arith.constant 0 : index
    %get3A_455 = tpu.vector_load %arg16[%get3A_454] {strides = array<i32>} : memref<256xf32, #tpu.memory_space<vmem>>, vector<16xf32>,
    %get3A_456 = vector.shape_cast %get3A_455 : vector<16xf32> to vector<16xf32>
    %get3A_457 = arith.constant 16 : index
    %get3A_458 = tpu.vector_load %arg16[%get3A_457] {strides = array<i32>} : memref<256xf32, #tpu.memory_space<vmem>>, vector<16xf32>,
    %get3A_459 = vector.shape_cast %get3A_458 : vector<16xf32> to vector<16xf32>
    %broadcast_in_dim3A_460 = vector.shape_cast %select_n3A_93 : vector<16xi32> to vector<16x1xi32>
    %gather3A_461 = vector.shape_cast %broadcast_in_dim3A_460 : vector<16x1xi32> to vector<16xi32>
    %gather3A_462 = tpu.dynamic_gather %get3A_456[%gather3A_461] in [0] : vector<16xf32>, vector<16xi32> -> vector<16xf32>
    %broadcast_in_dim3A_463 = vector.shape_cast %select_n3A_93 : vector<16xi32> to vector<16x1xi32>
    %gather3A_464 = vector.shape_cast %broadcast_in_dim3A_463 : vector<16x1xi32> to vector<16xi32>
    %gather3A_465 = tpu.dynamic_gather %get3A_459[%gather3A_464] in [0] : vector<16xf32>, vector<16xi32> -> vector<16xf32>
    %select_n3A_466 = arith.select %lt3A_40, %gather3A_462, %gather3A_465 : vector<16xi1>, vector<16xf32>
    %broadcast_in_dim3A_467 = vector.shape_cast %select_n3A_68 : vector<16xi32> to vector<16x1xi32>
    %gather3A_468 = vector.shape_cast %broadcast_in_dim3A_467 : vector<16x1xi32> to vector<16xi32>
    %gather3A_469 = tpu.dynamic_gather %get3A_456[%gather3A_468] in [0] : vector<16xf32>, vector<16xi32> -> vector<16xf32>
    %broadcast_in_dim3A_470 = vector.shape_cast %select_n3A_68 : vector<16xi32> to vector<16x1xi32>
    %gather3A_471 = vector.shape_cast %broadcast_in_dim3A_470 : vector<16x1xi32> to vector<16xi32>
    %gather3A_472 = tpu.dynamic_gather %get3A_459[%gather3A_471] in [0] : vector<16xf32>, vector<16xi32> -> vector<16xf32>
    %select_n3A_473 = arith.select %lt3A_40, %gather3A_469, %gather3A_472 : vector<16xi1>, vector<16xf32>
    %div3A_474 = arith.constant 1.000000e+02 : f32
    %div3A_475 = vector.broadcast %div3A_474 : f32 to vector<16xf32>
    %div3A_476 = arith.divf %select_n3A_466, %div3A_475 : vector<16xf32>
    %convert_element_type3A_477 = arith.fptosi %div3A_476 : vector<16xf32> to vector<16xi32>
    %swap3A_478 = arith.constant 0 : index
    %swap3A_479 = tpu.vector_load %arg17[%swap3A_478] {strides = array<i32>} : memref<128xi32, #tpu.memory_space<vmem>>, vector<16xi32>,
    %swap3A_480 = vector.shape_cast %swap3A_479 : vector<16xi32> to vector<16xi32>
    %swap3A_481 = vector.shape_cast %convert_element_type3A_477 : vector<16xi32> to vector<16xi32>
    tpu.vector_store %arg17[%swap3A_478], %swap3A_481 {strides = array<i32>} : memref<128xi32, #tpu.memory_space<vmem>>, vector<16xi32>,
    %div3A_482 = arith.constant 1.000000e+02 : f32
    %div3A_483 = vector.broadcast %div3A_482 : f32 to vector<16xf32>
    %div3A_484 = arith.divf %select_n3A_473, %div3A_483 : vector<16xf32>
    %convert_element_type3A_485 = arith.fptosi %div3A_484 : vector<16xf32> to vector<16xi32>
    %swap3A_486 = arith.constant 0 : index
    %swap3A_487 = tpu.vector_load %arg18[%swap3A_486] {strides = array<i32>} : memref<128xi32, #tpu.memory_space<vmem>>, vector<16xi32>,
    %swap3A_488 = vector.shape_cast %swap3A_487 : vector<16xi32> to vector<16xi32>
    %swap3A_489 = vector.shape_cast %convert_element_type3A_485 : vector<16xi32> to vector<16xi32>
    tpu.vector_store %arg18[%swap3A_486], %swap3A_489 {strides = array<i32>} : memref<128xi32, #tpu.memory_space<vmem>>, vector<16xi32>,
    %get3A_490 = arith.constant 32 : index
    %get3A_491 = tpu.vector_load %arg16[%get3A_490] {strides = array<i32>} : memref<256xf32, #tpu.memory_space<vmem>>, vector<16xf32>,
    %get3A_492 = vector.shape_cast %get3A_491 : vector<16xf32> to vector<16xf32>
    %get3A_493 = arith.constant 48 : index
    %get3A_494 = tpu.vector_load %arg16[%get3A_493] {strides = array<i32>} : memref<256xf32, #tpu.memory_space<vmem>>, vector<16xf32>,
    %get3A_495 = vector.shape_cast %get3A_494 : vector<16xf32> to vector<16xf32>
    %broadcast_in_dim3A_496 = vector.shape_cast %select_n3A_93 : vector<16xi32> to vector<16x1xi32>
    %gather3A_497 = vector.shape_cast %broadcast_in_dim3A_496 : vector<16x1xi32> to vector<16xi32>
    %gather3A_498 = tpu.dynamic_gather %get3A_492[%gather3A_497] in [0] : vector<16xf32>, vector<16xi32> -> vector<16xf32>
    %broadcast_in_dim3A_499 = vector.shape_cast %select_n3A_93 : vector<16xi32> to vector<16x1xi32>
    %gather3A_500 = vector.shape_cast %broadcast_in_dim3A_499 : vector<16x1xi32> to vector<16xi32>
    %gather3A_501 = tpu.dynamic_gather %get3A_495[%gather3A_500] in [0] : vector<16xf32>, vector<16xi32> -> vector<16xf32>
    %select_n3A_502 = arith.select %lt3A_40, %gather3A_498, %gather3A_501 : vector<16xi1>, vector<16xf32>
    %broadcast_in_dim3A_503 = vector.shape_cast %select_n3A_68 : vector<16xi32> to vector<16x1xi32>
    %gather3A_504 = vector.shape_cast %broadcast_in_dim3A_503 : vector<16x1xi32> to vector<16xi32>
    %gather3A_505 = tpu.dynamic_gather %get3A_492[%gather3A_504] in [0] : vector<16xf32>, vector<16xi32> -> vector<16xf32>
    %broadcast_in_dim3A_506 = vector.shape_cast %select_n3A_68 : vector<16xi32> to vector<16x1xi32>
    %gather3A_507 = vector.shape_cast %broadcast_in_dim3A_506 : vector<16x1xi32> to vector<16xi32>
    %gather3A_508 = tpu.dynamic_gather %get3A_495[%gather3A_507] in [0] : vector<16xf32>, vector<16xi32> -> vector<16xf32>
    %select_n3A_509 = arith.select %lt3A_40, %gather3A_505, %gather3A_508 : vector<16xi1>, vector<16xf32>
    %div3A_510 = arith.constant 1.000000e+02 : f32
    %div3A_511 = vector.broadcast %div3A_510 : f32 to vector<16xf32>
    %div3A_512 = arith.divf %select_n3A_502, %div3A_511 : vector<16xf32>
    %convert_element_type3A_513 = arith.fptosi %div3A_512 : vector<16xf32> to vector<16xi32>
    %swap3A_514 = arith.constant 16 : index
    %swap3A_515 = tpu.vector_load %arg17[%swap3A_514] {strides = array<i32>} : memref<128xi32, #tpu.memory_space<vmem>>, vector<16xi32>,
    %swap3A_516 = vector.shape_cast %swap3A_515 : vector<16xi32> to vector<16xi32>
    %swap3A_517 = vector.shape_cast %convert_element_type3A_513 : vector<16xi32> to vector<16xi32>
    tpu.vector_store %arg17[%swap3A_514], %swap3A_517 {strides = array<i32>} : memref<128xi32, #tpu.memory_space<vmem>>, vector<16xi32>,
    %div3A_518 = arith.constant 1.000000e+02 : f32
    %div3A_519 = vector.broadcast %div3A_518 : f32 to vector<16xf32>
    %div3A_520 = arith.divf %select_n3A_509, %div3A_519 : vector<16xf32>
    %convert_element_type3A_521 = arith.fptosi %div3A_520 : vector<16xf32> to vector<16xi32>
    %swap3A_522 = arith.constant 16 : index
    %swap3A_523 = tpu.vector_load %arg18[%swap3A_522] {strides = array<i32>} : memref<128xi32, #tpu.memory_space<vmem>>, vector<16xi32>,
    %swap3A_524 = vector.shape_cast %swap3A_523 : vector<16xi32> to vector<16xi32>
    %swap3A_525 = vector.shape_cast %convert_element_type3A_521 : vector<16xi32> to vector<16xi32>
    tpu.vector_store %arg18[%swap3A_522], %swap3A_525 {strides = array<i32>} : memref<128xi32, #tpu.memory_space<vmem>>, vector<16xi32>,
    %get3A_526 = arith.constant 64 : index
    %get3A_527 = tpu.vector_load %arg16[%get3A_526] {strides = array<i32>} : memref<256xf32, #tpu.memory_space<vmem>>, vector<16xf32>,
    %get3A_528 = vector.shape_cast %get3A_527 : vector<16xf32> to vector<16xf32>
    %get3A_529 = arith.constant 80 : index
    %get3A_530 = tpu.vector_load %arg16[%get3A_529] {strides = array<i32>} : memref<256xf32, #tpu.memory_space<vmem>>, vector<16xf32>,
    %get3A_531 = vector.shape_cast %get3A_530 : vector<16xf32> to vector<16xf32>
    %broadcast_in_dim3A_532 = vector.shape_cast %select_n3A_93 : vector<16xi32> to vector<16x1xi32>
    %gather3A_533 = vector.shape_cast %broadcast_in_dim3A_532 : vector<16x1xi32> to vector<16xi32>
    %gather3A_534 = tpu.dynamic_gather %get3A_528[%gather3A_533] in [0] : vector<16xf32>, vector<16xi32> -> vector<16xf32>
    %broadcast_in_dim3A_535 = vector.shape_cast %select_n3A_93 : vector<16xi32> to vector<16x1xi32>
    %gather3A_536 = vector.shape_cast %broadcast_in_dim3A_535 : vector<16x1xi32> to vector<16xi32>
    %gather3A_537 = tpu.dynamic_gather %get3A_531[%gather3A_536] in [0] : vector<16xf32>, vector<16xi32> -> vector<16xf32>
    %select_n3A_538 = arith.select %lt3A_40, %gather3A_534, %gather3A_537 : vector<16xi1>, vector<16xf32>
    %broadcast_in_dim3A_539 = vector.shape_cast %select_n3A_68 : vector<16xi32> to vector<16x1xi32>
    %gather3A_540 = vector.shape_cast %broadcast_in_dim3A_539 : vector<16x1xi32> to vector<16xi32>
    %gather3A_541 = tpu.dynamic_gather %get3A_528[%gather3A_540] in [0] : vector<16xf32>, vector<16xi32> -> vector<16xf32>
    %broadcast_in_dim3A_542 = vector.shape_cast %select_n3A_68 : vector<16xi32> to vector<16x1xi32>
    %gather3A_543 = vector.shape_cast %broadcast_in_dim3A_542 : vector<16x1xi32> to vector<16xi32>
    %gather3A_544 = tpu.dynamic_gather %get3A_531[%gather3A_543] in [0] : vector<16xf32>, vector<16xi32> -> vector<16xf32>
    %select_n3A_545 = arith.select %lt3A_40, %gather3A_541, %gather3A_544 : vector<16xi1>, vector<16xf32>
    %div3A_546 = arith.constant 1.000000e+02 : f32
    %div3A_547 = vector.broadcast %div3A_546 : f32 to vector<16xf32>
    %div3A_548 = arith.divf %select_n3A_538, %div3A_547 : vector<16xf32>
    %convert_element_type3A_549 = arith.fptosi %div3A_548 : vector<16xf32> to vector<16xi32>
    %swap3A_550 = arith.constant 32 : index
    %swap3A_551 = tpu.vector_load %arg17[%swap3A_550] {strides = array<i32>} : memref<128xi32, #tpu.memory_space<vmem>>, vector<16xi32>,
    %swap3A_552 = vector.shape_cast %swap3A_551 : vector<16xi32> to vector<16xi32>
    %swap3A_553 = vector.shape_cast %convert_element_type3A_549 : vector<16xi32> to vector<16xi32>
    tpu.vector_store %arg17[%swap3A_550], %swap3A_553 {strides = array<i32>} : memref<128xi32, #tpu.memory_space<vmem>>, vector<16xi32>,
    %div3A_554 = arith.constant 1.000000e+02 : f32
    %div3A_555 = vector.broadcast %div3A_554 : f32 to vector<16xf32>
    %div3A_556 = arith.divf %select_n3A_545, %div3A_555 : vector<16xf32>
    %convert_element_type3A_557 = arith.fptosi %div3A_556 : vector<16xf32> to vector<16xi32>
    %swap3A_558 = arith.constant 32 : index
    %swap3A_559 = tpu.vector_load %arg18[%swap3A_558] {strides = array<i32>} : memref<128xi32, #tpu.memory_space<vmem>>, vector<16xi32>,
    %swap3A_560 = vector.shape_cast %swap3A_559 : vector<16xi32> to vector<16xi32>
    %swap3A_561 = vector.shape_cast %convert_element_type3A_557 : vector<16xi32> to vector<16xi32>
    tpu.vector_store %arg18[%swap3A_558], %swap3A_561 {strides = array<i32>} : memref<128xi32, #tpu.memory_space<vmem>>, vector<16xi32>,
    %get3A_562 = arith.constant 96 : index
    %get3A_563 = tpu.vector_load %arg16[%get3A_562] {strides = array<i32>} : memref<256xf32, #tpu.memory_space<vmem>>, vector<16xf32>,
    %get3A_564 = vector.shape_cast %get3A_563 : vector<16xf32> to vector<16xf32>
    %get3A_565 = arith.constant 112 : index
    %get3A_566 = tpu.vector_load %arg16[%get3A_565] {strides = array<i32>} : memref<256xf32, #tpu.memory_space<vmem>>, vector<16xf32>,
    %get3A_567 = vector.shape_cast %get3A_566 : vector<16xf32> to vector<16xf32>
    %broadcast_in_dim3A_568 = vector.shape_cast %select_n3A_93 : vector<16xi32> to vector<16x1xi32>
    %gather3A_569 = vector.shape_cast %broadcast_in_dim3A_568 : vector<16x1xi32> to vector<16xi32>
    %gather3A_570 = tpu.dynamic_gather %get3A_564[%gather3A_569] in [0] : vector<16xf32>, vector<16xi32> -> vector<16xf32>
    %broadcast_in_dim3A_571 = vector.shape_cast %select_n3A_93 : vector<16xi32> to vector<16x1xi32>
    %gather3A_572 = vector.shape_cast %broadcast_in_dim3A_571 : vector<16x1xi32> to vector<16xi32>
    %gather3A_573 = tpu.dynamic_gather %get3A_567[%gather3A_572] in [0] : vector<16xf32>, vector<16xi32> -> vector<16xf32>
    %select_n3A_574 = arith.select %lt3A_40, %gather3A_570, %gather3A_573 : vector<16xi1>, vector<16xf32>
    %broadcast_in_dim3A_575 = vector.shape_cast %select_n3A_68 : vector<16xi32> to vector<16x1xi32>
    %gather3A_576 = vector.shape_cast %broadcast_in_dim3A_575 : vector<16x1xi32> to vector<16xi32>
    %gather3A_577 = tpu.dynamic_gather %get3A_564[%gather3A_576] in [0] : vector<16xf32>, vector<16xi32> -> vector<16xf32>
    %broadcast_in_dim3A_578 = vector.shape_cast %select_n3A_68 : vector<16xi32> to vector<16x1xi32>
    %gather3A_579 = vector.shape_cast %broadcast_in_dim3A_578 : vector<16x1xi32> to vector<16xi32>
    %gather3A_580 = tpu.dynamic_gather %get3A_567[%gather3A_579] in [0] : vector<16xf32>, vector<16xi32> -> vector<16xf32>
    %select_n3A_581 = arith.select %lt3A_40, %gather3A_577, %gather3A_580 : vector<16xi1>, vector<16xf32>
    %div3A_582 = arith.constant 1.000000e+02 : f32
    %div3A_583 = vector.broadcast %div3A_582 : f32 to vector<16xf32>
    %div3A_584 = arith.divf %select_n3A_574, %div3A_583 : vector<16xf32>
    %convert_element_type3A_585 = arith.fptosi %div3A_584 : vector<16xf32> to vector<16xi32>
    %swap3A_586 = arith.constant 48 : index
    %swap3A_587 = tpu.vector_load %arg17[%swap3A_586] {strides = array<i32>} : memref<128xi32, #tpu.memory_space<vmem>>, vector<16xi32>,
    %swap3A_588 = vector.shape_cast %swap3A_587 : vector<16xi32> to vector<16xi32>
    %swap3A_589 = vector.shape_cast %convert_element_type3A_585 : vector<16xi32> to vector<16xi32>
    tpu.vector_store %arg17[%swap3A_586], %swap3A_589 {strides = array<i32>} : memref<128xi32, #tpu.memory_space<vmem>>, vector<16xi32>,
    %div3A_590 = arith.constant 1.000000e+02 : f32
    %div3A_591 = vector.broadcast %div3A_590 : f32 to vector<16xf32>
    %div3A_592 = arith.divf %select_n3A_581, %div3A_591 : vector<16xf32>
    %convert_element_type3A_593 = arith.fptosi %div3A_592 : vector<16xf32> to vector<16xi32>
    %swap3A_594 = arith.constant 48 : index
    %swap3A_595 = tpu.vector_load %arg18[%swap3A_594] {strides = array<i32>} : memref<128xi32, #tpu.memory_space<vmem>>, vector<16xi32>,
    %swap3A_596 = vector.shape_cast %swap3A_595 : vector<16xi32> to vector<16xi32>
    %swap3A_597 = vector.shape_cast %convert_element_type3A_593 : vector<16xi32> to vector<16xi32>
    tpu.vector_store %arg18[%swap3A_594], %swap3A_597 {strides = array<i32>} : memref<128xi32, #tpu.memory_space<vmem>>, vector<16xi32>,
    %get3A_598 = arith.constant 128 : index
    %get3A_599 = tpu.vector_load %arg16[%get3A_598] {strides = array<i32>} : memref<256xf32, #tpu.memory_space<vmem>>, vector<16xf32>,
    %get3A_600 = vector.shape_cast %get3A_599 : vector<16xf32> to vector<16xf32>
    %get3A_601 = arith.constant 144 : index
    %get3A_602 = tpu.vector_load %arg16[%get3A_601] {strides = array<i32>} : memref<256xf32, #tpu.memory_space<vmem>>, vector<16xf32>,
    %get3A_603 = vector.shape_cast %get3A_602 : vector<16xf32> to vector<16xf32>
    %broadcast_in_dim3A_604 = vector.shape_cast %select_n3A_93 : vector<16xi32> to vector<16x1xi32>
    %gather3A_605 = vector.shape_cast %broadcast_in_dim3A_604 : vector<16x1xi32> to vector<16xi32>
    %gather3A_606 = tpu.dynamic_gather %get3A_600[%gather3A_605] in [0] : vector<16xf32>, vector<16xi32> -> vector<16xf32>
    %broadcast_in_dim3A_607 = vector.shape_cast %select_n3A_93 : vector<16xi32> to vector<16x1xi32>
    %gather3A_608 = vector.shape_cast %broadcast_in_dim3A_607 : vector<16x1xi32> to vector<16xi32>
    %gather3A_609 = tpu.dynamic_gather %get3A_603[%gather3A_608] in [0] : vector<16xf32>, vector<16xi32> -> vector<16xf32>
    %select_n3A_610 = arith.select %lt3A_40, %gather3A_606, %gather3A_609 : vector<16xi1>, vector<16xf32>
    %broadcast_in_dim3A_611 = vector.shape_cast %select_n3A_68 : vector<16xi32> to vector<16x1xi32>
    %gather3A_612 = vector.shape_cast %broadcast_in_dim3A_611 : vector<16x1xi32> to vector<16xi32>
    %gather3A_613 = tpu.dynamic_gather %get3A_600[%gather3A_612] in [0] : vector<16xf32>, vector<16xi32> -> vector<16xf32>
    %broadcast_in_dim3A_614 = vector.shape_cast %select_n3A_68 : vector<16xi32> to vector<16x1xi32>
    %gather3A_615 = vector.shape_cast %broadcast_in_dim3A_614 : vector<16x1xi32> to vector<16xi32>
    %gather3A_616 = tpu.dynamic_gather %get3A_603[%gather3A_615] in [0] : vector<16xf32>, vector<16xi32> -> vector<16xf32>
    %select_n3A_617 = arith.select %lt3A_40, %gather3A_613, %gather3A_616 : vector<16xi1>, vector<16xf32>
    %div3A_618 = arith.constant 1.000000e+02 : f32
    %div3A_619 = vector.broadcast %div3A_618 : f32 to vector<16xf32>
    %div3A_620 = arith.divf %select_n3A_610, %div3A_619 : vector<16xf32>
    %convert_element_type3A_621 = arith.fptosi %div3A_620 : vector<16xf32> to vector<16xi32>
    %swap3A_622 = arith.constant 64 : index
    %swap3A_623 = tpu.vector_load %arg17[%swap3A_622] {strides = array<i32>} : memref<128xi32, #tpu.memory_space<vmem>>, vector<16xi32>,
    %swap3A_624 = vector.shape_cast %swap3A_623 : vector<16xi32> to vector<16xi32>
    %swap3A_625 = vector.shape_cast %convert_element_type3A_621 : vector<16xi32> to vector<16xi32>
    tpu.vector_store %arg17[%swap3A_622], %swap3A_625 {strides = array<i32>} : memref<128xi32, #tpu.memory_space<vmem>>, vector<16xi32>,
    %div3A_626 = arith.constant 1.000000e+02 : f32
    %div3A_627 = vector.broadcast %div3A_626 : f32 to vector<16xf32>
    %div3A_628 = arith.divf %select_n3A_617, %div3A_627 : vector<16xf32>
    %convert_element_type3A_629 = arith.fptosi %div3A_628 : vector<16xf32> to vector<16xi32>
    %swap3A_630 = arith.constant 64 : index
    %swap3A_631 = tpu.vector_load %arg18[%swap3A_630] {strides = array<i32>} : memref<128xi32, #tpu.memory_space<vmem>>, vector<16xi32>,
    %swap3A_632 = vector.shape_cast %swap3A_631 : vector<16xi32> to vector<16xi32>
    %swap3A_633 = vector.shape_cast %convert_element_type3A_629 : vector<16xi32> to vector<16xi32>
    tpu.vector_store %arg18[%swap3A_630], %swap3A_633 {strides = array<i32>} : memref<128xi32, #tpu.memory_space<vmem>>, vector<16xi32>,
    %get3A_634 = arith.constant 160 : index
    %get3A_635 = tpu.vector_load %arg16[%get3A_634] {strides = array<i32>} : memref<256xf32, #tpu.memory_space<vmem>>, vector<16xf32>,
    %get3A_636 = vector.shape_cast %get3A_635 : vector<16xf32> to vector<16xf32>
    %get3A_637 = arith.constant 176 : index
    %get3A_638 = tpu.vector_load %arg16[%get3A_637] {strides = array<i32>} : memref<256xf32, #tpu.memory_space<vmem>>, vector<16xf32>,
    %get3A_639 = vector.shape_cast %get3A_638 : vector<16xf32> to vector<16xf32>
    %broadcast_in_dim3A_640 = vector.shape_cast %select_n3A_93 : vector<16xi32> to vector<16x1xi32>
    %gather3A_641 = vector.shape_cast %broadcast_in_dim3A_640 : vector<16x1xi32> to vector<16xi32>
    %gather3A_642 = tpu.dynamic_gather %get3A_636[%gather3A_641] in [0] : vector<16xf32>, vector<16xi32> -> vector<16xf32>
    %broadcast_in_dim3A_643 = vector.shape_cast %select_n3A_93 : vector<16xi32> to vector<16x1xi32>
    %gather3A_644 = vector.shape_cast %broadcast_in_dim3A_643 : vector<16x1xi32> to vector<16xi32>
    %gather3A_645 = tpu.dynamic_gather %get3A_639[%gather3A_644] in [0] : vector<16xf32>, vector<16xi32> -> vector<16xf32>
    %select_n3A_646 = arith.select %lt3A_40, %gather3A_642, %gather3A_645 : vector<16xi1>, vector<16xf32>
    %broadcast_in_dim3A_647 = vector.shape_cast %select_n3A_68 : vector<16xi32> to vector<16x1xi32>
    %gather3A_648 = vector.shape_cast %broadcast_in_dim3A_647 : vector<16x1xi32> to vector<16xi32>
    %gather3A_649 = tpu.dynamic_gather %get3A_636[%gather3A_648] in [0] : vector<16xf32>, vector<16xi32> -> vector<16xf32>
    %broadcast_in_dim3A_650 = vector.shape_cast %select_n3A_68 : vector<16xi32> to vector<16x1xi32>
    %gather3A_651 = vector.shape_cast %broadcast_in_dim3A_650 : vector<16x1xi32> to vector<16xi32>
    %gather3A_652 = tpu.dynamic_gather %get3A_639[%gather3A_651] in [0] : vector<16xf32>, vector<16xi32> -> vector<16xf32>
    %select_n3A_653 = arith.select %lt3A_40, %gather3A_649, %gather3A_652 : vector<16xi1>, vector<16xf32>
    %div3A_654 = arith.constant 1.000000e+02 : f32
    %div3A_655 = vector.broadcast %div3A_654 : f32 to vector<16xf32>
    %div3A_656 = arith.divf %select_n3A_646, %div3A_655 : vector<16xf32>
    %convert_element_type3A_657 = arith.fptosi %div3A_656 : vector<16xf32> to vector<16xi32>
    %swap3A_658 = arith.constant 80 : index
    %swap3A_659 = tpu.vector_load %arg17[%swap3A_658] {strides = array<i32>} : memref<128xi32, #tpu.memory_space<vmem>>, vector<16xi32>,
    %swap3A_660 = vector.shape_cast %swap3A_659 : vector<16xi32> to vector<16xi32>
    %swap3A_661 = vector.shape_cast %convert_element_type3A_657 : vector<16xi32> to vector<16xi32>
    tpu.vector_store %arg17[%swap3A_658], %swap3A_661 {strides = array<i32>} : memref<128xi32, #tpu.memory_space<vmem>>, vector<16xi32>,
    %div3A_662 = arith.constant 1.000000e+02 : f32
    %div3A_663 = vector.broadcast %div3A_662 : f32 to vector<16xf32>
    %div3A_664 = arith.divf %select_n3A_653, %div3A_663 : vector<16xf32>
    %convert_element_type3A_665 = arith.fptosi %div3A_664 : vector<16xf32> to vector<16xi32>
    %swap3A_666 = arith.constant 80 : index
    %swap3A_667 = tpu.vector_load %arg18[%swap3A_666] {strides = array<i32>} : memref<128xi32, #tpu.memory_space<vmem>>, vector<16xi32>,
    %swap3A_668 = vector.shape_cast %swap3A_667 : vector<16xi32> to vector<16xi32>
    %swap3A_669 = vector.shape_cast %convert_element_type3A_665 : vector<16xi32> to vector<16xi32>
    tpu.vector_store %arg18[%swap3A_666], %swap3A_669 {strides = array<i32>} : memref<128xi32, #tpu.memory_space<vmem>>, vector<16xi32>,
    %get3A_670 = arith.constant 192 : index
    %get3A_671 = tpu.vector_load %arg16[%get3A_670] {strides = array<i32>} : memref<256xf32, #tpu.memory_space<vmem>>, vector<16xf32>,
    %get3A_672 = vector.shape_cast %get3A_671 : vector<16xf32> to vector<16xf32>
    %get3A_673 = arith.constant 208 : index
    %get3A_674 = tpu.vector_load %arg16[%get3A_673] {strides = array<i32>} : memref<256xf32, #tpu.memory_space<vmem>>, vector<16xf32>,
    %get3A_675 = vector.shape_cast %get3A_674 : vector<16xf32> to vector<16xf32>
    %broadcast_in_dim3A_676 = vector.shape_cast %select_n3A_93 : vector<16xi32> to vector<16x1xi32>
    %gather3A_677 = vector.shape_cast %broadcast_in_dim3A_676 : vector<16x1xi32> to vector<16xi32>
    %gather3A_678 = tpu.dynamic_gather %get3A_672[%gather3A_677] in [0] : vector<16xf32>, vector<16xi32> -> vector<16xf32>
    %broadcast_in_dim3A_679 = vector.shape_cast %select_n3A_93 : vector<16xi32> to vector<16x1xi32>
    %gather3A_680 = vector.shape_cast %broadcast_in_dim3A_679 : vector<16x1xi32> to vector<16xi32>
    %gather3A_681 = tpu.dynamic_gather %get3A_675[%gather3A_680] in [0] : vector<16xf32>, vector<16xi32> -> vector<16xf32>
    %select_n3A_682 = arith.select %lt3A_40, %gather3A_678, %gather3A_681 : vector<16xi1>, vector<16xf32>
    %broadcast_in_dim3A_683 = vector.shape_cast %select_n3A_68 : vector<16xi32> to vector<16x1xi32>
    %gather3A_684 = vector.shape_cast %broadcast_in_dim3A_683 : vector<16x1xi32> to vector<16xi32>
    %gather3A_685 = tpu.dynamic_gather %get3A_672[%gather3A_684] in [0] : vector<16xf32>, vector<16xi32> -> vector<16xf32>
    %broadcast_in_dim3A_686 = vector.shape_cast %select_n3A_68 : vector<16xi32> to vector<16x1xi32>
    %gather3A_687 = vector.shape_cast %broadcast_in_dim3A_686 : vector<16x1xi32> to vector<16xi32>
    %gather3A_688 = tpu.dynamic_gather %get3A_675[%gather3A_687] in [0] : vector<16xf32>, vector<16xi32> -> vector<16xf32>
    %select_n3A_689 = arith.select %lt3A_40, %gather3A_685, %gather3A_688 : vector<16xi1>, vector<16xf32>
    %div3A_690 = arith.constant 1.000000e+02 : f32
    %div3A_691 = vector.broadcast %div3A_690 : f32 to vector<16xf32>
    %div3A_692 = arith.divf %select_n3A_682, %div3A_691 : vector<16xf32>
    %convert_element_type3A_693 = arith.fptosi %div3A_692 : vector<16xf32> to vector<16xi32>
    %swap3A_694 = arith.constant 96 : index
    %swap3A_695 = tpu.vector_load %arg17[%swap3A_694] {strides = array<i32>} : memref<128xi32, #tpu.memory_space<vmem>>, vector<16xi32>,
    %swap3A_696 = vector.shape_cast %swap3A_695 : vector<16xi32> to vector<16xi32>
    %swap3A_697 = vector.shape_cast %convert_element_type3A_693 : vector<16xi32> to vector<16xi32>
    tpu.vector_store %arg17[%swap3A_694], %swap3A_697 {strides = array<i32>} : memref<128xi32, #tpu.memory_space<vmem>>, vector<16xi32>,
    %div3A_698 = arith.constant 1.000000e+02 : f32
    %div3A_699 = vector.broadcast %div3A_698 : f32 to vector<16xf32>
    %div3A_700 = arith.divf %select_n3A_689, %div3A_699 : vector<16xf32>
    %convert_element_type3A_701 = arith.fptosi %div3A_700 : vector<16xf32> to vector<16xi32>
    %swap3A_702 = arith.constant 96 : index
    %swap3A_703 = tpu.vector_load %arg18[%swap3A_702] {strides = array<i32>} : memref<128xi32, #tpu.memory_space<vmem>>, vector<16xi32>,
    %swap3A_704 = vector.shape_cast %swap3A_703 : vector<16xi32> to vector<16xi32>
    %swap3A_705 = vector.shape_cast %convert_element_type3A_701 : vector<16xi32> to vector<16xi32>
    tpu.vector_store %arg18[%swap3A_702], %swap3A_705 {strides = array<i32>} : memref<128xi32, #tpu.memory_space<vmem>>, vector<16xi32>,
    %get3A_706 = arith.constant 224 : index
    %get3A_707 = tpu.vector_load %arg16[%get3A_706] {strides = array<i32>} : memref<256xf32, #tpu.memory_space<vmem>>, vector<16xf32>,
    %get3A_708 = vector.shape_cast %get3A_707 : vector<16xf32> to vector<16xf32>
    %get3A_709 = arith.constant 240 : index
    %get3A_710 = tpu.vector_load %arg16[%get3A_709] {strides = array<i32>} : memref<256xf32, #tpu.memory_space<vmem>>, vector<16xf32>,
    %get3A_711 = vector.shape_cast %get3A_710 : vector<16xf32> to vector<16xf32>
    %broadcast_in_dim3A_712 = vector.shape_cast %select_n3A_93 : vector<16xi32> to vector<16x1xi32>
    %gather3A_713 = vector.shape_cast %broadcast_in_dim3A_712 : vector<16x1xi32> to vector<16xi32>
    %gather3A_714 = tpu.dynamic_gather %get3A_708[%gather3A_713] in [0] : vector<16xf32>, vector<16xi32> -> vector<16xf32>
    %broadcast_in_dim3A_715 = vector.shape_cast %select_n3A_93 : vector<16xi32> to vector<16x1xi32>
    %gather3A_716 = vector.shape_cast %broadcast_in_dim3A_715 : vector<16x1xi32> to vector<16xi32>
    %gather3A_717 = tpu.dynamic_gather %get3A_711[%gather3A_716] in [0] : vector<16xf32>, vector<16xi32> -> vector<16xf32>
    %select_n3A_718 = arith.select %lt3A_40, %gather3A_714, %gather3A_717 : vector<16xi1>, vector<16xf32>
    %broadcast_in_dim3A_719 = vector.shape_cast %select_n3A_68 : vector<16xi32> to vector<16x1xi32>
    %gather3A_720 = vector.shape_cast %broadcast_in_dim3A_719 : vector<16x1xi32> to vector<16xi32>
    %gather3A_721 = tpu.dynamic_gather %get3A_708[%gather3A_720] in [0] : vector<16xf32>, vector<16xi32> -> vector<16xf32>
    %broadcast_in_dim3A_722 = vector.shape_cast %select_n3A_68 : vector<16xi32> to vector<16x1xi32>
    %gather3A_723 = vector.shape_cast %broadcast_in_dim3A_722 : vector<16x1xi32> to vector<16xi32>
    %gather3A_724 = tpu.dynamic_gather %get3A_711[%gather3A_723] in [0] : vector<16xf32>, vector<16xi32> -> vector<16xf32>
    %select_n3A_725 = arith.select %lt3A_40, %gather3A_721, %gather3A_724 : vector<16xi1>, vector<16xf32>
    %div3A_726 = arith.constant 1.000000e+02 : f32
    %div3A_727 = vector.broadcast %div3A_726 : f32 to vector<16xf32>
    %div3A_728 = arith.divf %select_n3A_718, %div3A_727 : vector<16xf32>
    %convert_element_type3A_729 = arith.fptosi %div3A_728 : vector<16xf32> to vector<16xi32>
    %swap3A_730 = arith.constant 112 : index
    %swap3A_731 = tpu.vector_load %arg17[%swap3A_730] {strides = array<i32>} : memref<128xi32, #tpu.memory_space<vmem>>, vector<16xi32>,
    %swap3A_732 = vector.shape_cast %swap3A_731 : vector<16xi32> to vector<16xi32>
    %swap3A_733 = vector.shape_cast %convert_element_type3A_729 : vector<16xi32> to vector<16xi32>
    tpu.vector_store %arg17[%swap3A_730], %swap3A_733 {strides = array<i32>} : memref<128xi32, #tpu.memory_space<vmem>>, vector<16xi32>,
    %div3A_734 = arith.constant 1.000000e+02 : f32
    %div3A_735 = vector.broadcast %div3A_734 : f32 to vector<16xf32>
    %div3A_736 = arith.divf %select_n3A_725, %div3A_735 : vector<16xf32>
    %convert_element_type3A_737 = arith.fptosi %div3A_736 : vector<16xf32> to vector<16xi32>
    %swap3A_738 = arith.constant 112 : index
    %swap3A_739 = tpu.vector_load %arg18[%swap3A_738] {strides = array<i32>} : memref<128xi32, #tpu.memory_space<vmem>>, vector<16xi32>,
    %swap3A_740 = vector.shape_cast %swap3A_739 : vector<16xi32> to vector<16xi32>
    %swap3A_741 = vector.shape_cast %convert_element_type3A_737 : vector<16xi32> to vector<16xi32>
    tpu.vector_store %arg18[%swap3A_738], %swap3A_741 {strides = array<i32>} : memref<128xi32, #tpu.memory_space<vmem>>, vector<16xi32>,
    %dma_start3A_742 = arith.constant 0 : i32
    %dma_start3A_743 = arith.constant 0 : i32
    %dma_start3A_744 = tpu.memref_slice %arg6[%dma_start3A_742, %dma_start3A_743] : memref<384x128xf32, #tpu.memory_space<vmem_shared>> -> memref<384x128xf32, #tpu.memory_space<vmem_shared>>
    tpu.enqueue_indirect_dma source(%dma_start3A_744 : memref<384x128xf32, #tpu.memory_space<vmem_shared>>) target(%arg19 : memref<128x128xf32, #tpu.memory_space<vmem>>) offsets(%arg18 : memref<128xi32, #tpu.memory_space<vmem>>) semaphore(%arg23 : memref<!tpu.dma_semaphore, #tpu.memory_space<semaphore_mem>>) {add = true}
    %dma_start3A_745 = arith.constant 0 : i32
    %dma_start3A_746 = arith.constant 0 : i32
    %dma_start3A_747 = tpu.memref_slice %arg6[%dma_start3A_745, %dma_start3A_746] : memref<384x128xf32, #tpu.memory_space<vmem_shared>> -> memref<384x128xf32, #tpu.memory_space<vmem_shared>>
    tpu.enqueue_indirect_dma source(%dma_start3A_747 : memref<384x128xf32, #tpu.memory_space<vmem_shared>>) target(%arg20 : memref<128x128xf32, #tpu.memory_space<vmem>>) offsets(%arg17 : memref<128xi32, #tpu.memory_space<vmem>>) semaphore(%arg23 : memref<!tpu.dma_semaphore, #tpu.memory_space<semaphore_mem>>) {add = true}
    %dma_wait3A_748 = arith.constant 0 : i32
    %dma_wait3A_749 = arith.constant 0 : i32
    %dma_wait3A_750 = tpu.memref_slice %arg6[%dma_wait3A_748, %dma_wait3A_749] : memref<384x128xf32, #tpu.memory_space<vmem_shared>> -> memref<384x128xf32, #tpu.memory_space<vmem_shared>>
    tpu.wait_indirect_dma semaphore(%arg14 : memref<!tpu.dma_semaphore, #tpu.memory_space<semaphore_mem>>) src(%dma_wait3A_750 : memref<384x128xf32, #tpu.memory_space<vmem_shared>>) dst(%arg10 : memref<128x128xf32, #tpu.memory_space<vmem>>)
    %dma_wait3A_751 = arith.constant 0 : i32
    %dma_wait3A_752 = arith.constant 0 : i32
    %dma_wait3A_753 = tpu.memref_slice %arg6[%dma_wait3A_751, %dma_wait3A_752] : memref<384x128xf32, #tpu.memory_space<vmem_shared>> -> memref<384x128xf32, #tpu.memory_space<vmem_shared>>
    tpu.wait_indirect_dma semaphore(%arg14 : memref<!tpu.dma_semaphore, #tpu.memory_space<semaphore_mem>>) src(%dma_wait3A_753 : memref<384x128xf32, #tpu.memory_space<vmem_shared>>) dst(%arg11 : memref<128x128xf32, #tpu.memory_space<vmem>>)
    %add3A_754 = arith.constant 0 : i32
    %add3A_755 = arith.addi %mul3A_2, %add3A_754 : i32
    %dma_start3A_756 = arith.constant 0 : i32
    %dma_start3A_757 = tpu.memref_slice %arg5[%add3A_755, %dma_start3A_756] : memref<32768x256xf32, #tpu.memory_space<hbm>> -> memref<128x128xf32, #tpu.memory_space<hbm>>
    %dma_start3A_758 = arith.constant 0 : i32
    %dma_start3A_759 = tpu.memref_slice %arg5[%add3A_755, %dma_start3A_758] : memref<32768x256xf32, #tpu.memory_space<hbm>> -> memref<128x128xf32, #tpu.memory_space<hbm>>
    tpu.enqueue_dma source(%arg10 : memref<128x128xf32, #tpu.memory_space<vmem>>) target(%dma_start3A_759 : memref<128x128xf32, #tpu.memory_space<hbm>>) target_semaphore(%arg15 : memref<!tpu.dma_semaphore, #tpu.memory_space<semaphore_mem>>)
    %dma_start3A_760 = arith.constant 128 : i32
    %dma_start3A_761 = tpu.memref_slice %arg5[%add3A_755, %dma_start3A_760] : memref<32768x256xf32, #tpu.memory_space<hbm>> -> memref<128x128xf32, #tpu.memory_space<hbm>>
    %dma_start3A_762 = arith.constant 128 : i32
    %dma_start3A_763 = tpu.memref_slice %arg5[%add3A_755, %dma_start3A_762] : memref<32768x256xf32, #tpu.memory_space<hbm>> -> memref<128x128xf32, #tpu.memory_space<hbm>>
    tpu.enqueue_dma source(%arg11 : memref<128x128xf32, #tpu.memory_space<vmem>>) target(%dma_start3A_763 : memref<128x128xf32, #tpu.memory_space<hbm>>) target_semaphore(%arg15 : memref<!tpu.dma_semaphore, #tpu.memory_space<semaphore_mem>>)
    %dma_wait3A_764 = arith.constant 0 : i32
    %dma_wait3A_765 = tpu.memref_slice %arg5[%add3A_755, %dma_wait3A_764] : memref<32768x256xf32, #tpu.memory_space<hbm>> -> memref<128x128xf32, #tpu.memory_space<hbm>>
    %dma_wait3A_766 = arith.constant 0 : i32
    %dma_wait3A_767 = tpu.memref_slice %arg5[%add3A_755, %dma_wait3A_766] : memref<32768x256xf32, #tpu.memory_space<hbm>> -> memref<128x128xf32, #tpu.memory_space<hbm>>
    tpu.wait_dma2 semaphore(%arg15 : memref<!tpu.dma_semaphore, #tpu.memory_space<semaphore_mem>>) src(%arg10 : memref<128x128xf32, #tpu.memory_space<vmem>>) dst(%dma_wait3A_767 : memref<128x128xf32, #tpu.memory_space<hbm>>)
    %dma_wait3A_768 = arith.constant 128 : i32
    %dma_wait3A_769 = tpu.memref_slice %arg5[%add3A_755, %dma_wait3A_768] : memref<32768x256xf32, #tpu.memory_space<hbm>> -> memref<128x128xf32, #tpu.memory_space<hbm>>
    %dma_wait3A_770 = arith.constant 128 : i32
    %dma_wait3A_771 = tpu.memref_slice %arg5[%add3A_755, %dma_wait3A_770] : memref<32768x256xf32, #tpu.memory_space<hbm>> -> memref<128x128xf32, #tpu.memory_space<hbm>>
    tpu.wait_dma2 semaphore(%arg15 : memref<!tpu.dma_semaphore, #tpu.memory_space<semaphore_mem>>) src(%arg11 : memref<128x128xf32, #tpu.memory_space<vmem>>) dst(%dma_wait3A_771 : memref<128x128xf32, #tpu.memory_space<hbm>>)
    %add3A_772 = arith.constant 384 : i32
    %add3A_773 = arith.addi %mul3A_2, %add3A_772 : i32
    %dma_start3A_774 = arith.constant 0 : i32
    %dma_start3A_775 = tpu.memref_slice %arg2[%add3A_773, %dma_start3A_774] : memref<32768x256xf32, #tpu.memory_space<hbm>> -> memref<128x128xf32, #tpu.memory_space<hbm>>
    %dma_start3A_776 = arith.constant 0 : i32
    %dma_start3A_777 = tpu.memref_slice %arg2[%add3A_773, %dma_start3A_776] : memref<32768x256xf32, #tpu.memory_space<hbm>> -> memref<128x128xf32, #tpu.memory_space<hbm>>
    tpu.enqueue_dma source(%dma_start3A_777 : memref<128x128xf32, #tpu.memory_space<hbm>>) target(%arg10 : memref<128x128xf32, #tpu.memory_space<vmem>>) target_semaphore(%arg12 : memref<!tpu.dma_semaphore, #tpu.memory_space<semaphore_mem>>)
    %dma_start3A_778 = arith.constant 128 : i32
    %dma_start3A_779 = tpu.memref_slice %arg2[%add3A_773, %dma_start3A_778] : memref<32768x256xf32, #tpu.memory_space<hbm>> -> memref<128x128xf32, #tpu.memory_space<hbm>>
    %dma_start3A_780 = arith.constant 128 : i32
    %dma_start3A_781 = tpu.memref_slice %arg2[%add3A_773, %dma_start3A_780] : memref<32768x256xf32, #tpu.memory_space<hbm>> -> memref<128x128xf32, #tpu.memory_space<hbm>>
    tpu.enqueue_dma source(%dma_start3A_781 : memref<128x128xf32, #tpu.memory_space<hbm>>) target(%arg11 : memref<128x128xf32, #tpu.memory_space<vmem>>) target_semaphore(%arg12 : memref<!tpu.dma_semaphore, #tpu.memory_space<semaphore_mem>>)
    %add3A_782 = arith.constant 768 : i32
    %add3A_783 = arith.addi %mul3A_34, %add3A_782 : i32
    %dma_start3A_784 = tpu.memref_slice %arg3[%select_n3A, %add3A_783] : memref<16x4096xf32, #tpu.memory_space<hbm>> -> memref<1x256xf32, #tpu.memory_space<hbm>>
    %dma_start3A_785 = tpu.memref_squeeze %dma_start3A_784 : memref<1x256xf32, #tpu.memory_space<hbm>> -> memref<256xf32, #tpu.memory_space<hbm>>
    %dma_start3A_786 = tpu.memref_slice %arg3[%select_n3A, %add3A_783] : memref<16x4096xf32, #tpu.memory_space<hbm>> -> memref<1x256xf32, #tpu.memory_space<hbm>>
    %dma_start3A_787 = tpu.memref_squeeze %dma_start3A_786 : memref<1x256xf32, #tpu.memory_space<hbm>> -> memref<256xf32, #tpu.memory_space<hbm>>
    tpu.enqueue_dma source(%dma_start3A_787 : memref<256xf32, #tpu.memory_space<hbm>>) target(%arg7 : memref<256xf32, #tpu.memory_space<vmem>>) target_semaphore(%arg13 : memref<!tpu.dma_semaphore, #tpu.memory_space<semaphore_mem>>)
    %dma_wait3A_788 = arith.constant 0 : i32
    %dma_wait3A_789 = tpu.memref_slice %arg2[%add3A_427, %dma_wait3A_788] : memref<32768x256xf32, #tpu.memory_space<hbm>> -> memref<128x128xf32, #tpu.memory_space<hbm>>
    %dma_wait3A_790 = arith.constant 0 : i32
    %dma_wait3A_791 = tpu.memref_slice %arg2[%add3A_427, %dma_wait3A_790] : memref<32768x256xf32, #tpu.memory_space<hbm>> -> memref<128x128xf32, #tpu.memory_space<hbm>>
    tpu.wait_dma2 semaphore(%arg30 : memref<!tpu.dma_semaphore, #tpu.memory_space<semaphore_mem>>) src(%dma_wait3A_791 : memref<128x128xf32, #tpu.memory_space<hbm>>) dst(%arg28 : memref<128x128xf32, #tpu.memory_space<vmem>>)
    %dma_wait3A_792 = arith.constant 128 : i32
    %dma_wait3A_793 = tpu.memref_slice %arg2[%add3A_427, %dma_wait3A_792] : memref<32768x256xf32, #tpu.memory_space<hbm>> -> memref<128x128xf32, #tpu.memory_space<hbm>>
    %dma_wait3A_794 = arith.constant 128 : i32
    %dma_wait3A_795 = tpu.memref_slice %arg2[%add3A_427, %dma_wait3A_794] : memref<32768x256xf32, #tpu.memory_space<hbm>> -> memref<128x128xf32, #tpu.memory_space<hbm>>
    tpu.wait_dma2 semaphore(%arg30 : memref<!tpu.dma_semaphore, #tpu.memory_space<semaphore_mem>>) src(%dma_wait3A_795 : memref<128x128xf32, #tpu.memory_space<hbm>>) dst(%arg29 : memref<128x128xf32, #tpu.memory_space<vmem>>)
    %dma_wait3A_796 = tpu.memref_slice %arg3[%select_n3A, %add3A_437] : memref<16x4096xf32, #tpu.memory_space<hbm>> -> memref<1x256xf32, #tpu.memory_space<hbm>>
    %dma_wait3A_797 = tpu.memref_squeeze %dma_wait3A_796 : memref<1x256xf32, #tpu.memory_space<hbm>> -> memref<256xf32, #tpu.memory_space<hbm>>
    %dma_wait3A_798 = tpu.memref_slice %arg3[%select_n3A, %add3A_437] : memref<16x4096xf32, #tpu.memory_space<hbm>> -> memref<1x256xf32, #tpu.memory_space<hbm>>
    %dma_wait3A_799 = tpu.memref_squeeze %dma_wait3A_798 : memref<1x256xf32, #tpu.memory_space<hbm>> -> memref<256xf32, #tpu.memory_space<hbm>>
    tpu.wait_dma2 semaphore(%arg31 : memref<!tpu.dma_semaphore, #tpu.memory_space<semaphore_mem>>) src(%dma_wait3A_799 : memref<256xf32, #tpu.memory_space<hbm>>) dst(%arg25 : memref<256xf32, #tpu.memory_space<vmem>>)
    %get3A_800 = arith.constant 0 : index
    %get3A_801 = tpu.vector_load %arg25[%get3A_800] {strides = array<i32>} : memref<256xf32, #tpu.memory_space<vmem>>, vector<16xf32>,
    %get3A_802 = vector.shape_cast %get3A_801 : vector<16xf32> to vector<16xf32>
    %get3A_803 = arith.constant 16 : index
    %get3A_804 = tpu.vector_load %arg25[%get3A_803] {strides = array<i32>} : memref<256xf32, #tpu.memory_space<vmem>>, vector<16xf32>,
    %get3A_805 = vector.shape_cast %get3A_804 : vector<16xf32> to vector<16xf32>
    %broadcast_in_dim3A_806 = vector.shape_cast %select_n3A_93 : vector<16xi32> to vector<16x1xi32>
    %gather3A_807 = vector.shape_cast %broadcast_in_dim3A_806 : vector<16x1xi32> to vector<16xi32>
    %gather3A_808 = tpu.dynamic_gather %get3A_802[%gather3A_807] in [0] : vector<16xf32>, vector<16xi32> -> vector<16xf32>
    %broadcast_in_dim3A_809 = vector.shape_cast %select_n3A_93 : vector<16xi32> to vector<16x1xi32>
    %gather3A_810 = vector.shape_cast %broadcast_in_dim3A_809 : vector<16x1xi32> to vector<16xi32>
    %gather3A_811 = tpu.dynamic_gather %get3A_805[%gather3A_810] in [0] : vector<16xf32>, vector<16xi32> -> vector<16xf32>
    %select_n3A_812 = arith.select %lt3A_40, %gather3A_808, %gather3A_811 : vector<16xi1>, vector<16xf32>
    %broadcast_in_dim3A_813 = vector.shape_cast %select_n3A_68 : vector<16xi32> to vector<16x1xi32>
    %gather3A_814 = vector.shape_cast %broadcast_in_dim3A_813 : vector<16x1xi32> to vector<16xi32>
    %gather3A_815 = tpu.dynamic_gather %get3A_802[%gather3A_814] in [0] : vector<16xf32>, vector<16xi32> -> vector<16xf32>
    %broadcast_in_dim3A_816 = vector.shape_cast %select_n3A_68 : vector<16xi32> to vector<16x1xi32>
    %gather3A_817 = vector.shape_cast %broadcast_in_dim3A_816 : vector<16x1xi32> to vector<16xi32>
    %gather3A_818 = tpu.dynamic_gather %get3A_805[%gather3A_817] in [0] : vector<16xf32>, vector<16xi32> -> vector<16xf32>
    %select_n3A_819 = arith.select %lt3A_40, %gather3A_815, %gather3A_818 : vector<16xi1>, vector<16xf32>
    %div3A_820 = arith.constant 1.000000e+02 : f32
    %div3A_821 = vector.broadcast %div3A_820 : f32 to vector<16xf32>
    %div3A_822 = arith.divf %select_n3A_812, %div3A_821 : vector<16xf32>
    %convert_element_type3A_823 = arith.fptosi %div3A_822 : vector<16xf32> to vector<16xi32>
    %swap3A_824 = arith.constant 0 : index
    %swap3A_825 = tpu.vector_load %arg26[%swap3A_824] {strides = array<i32>} : memref<128xi32, #tpu.memory_space<vmem>>, vector<16xi32>,
    %swap3A_826 = vector.shape_cast %swap3A_825 : vector<16xi32> to vector<16xi32>
    %swap3A_827 = vector.shape_cast %convert_element_type3A_823 : vector<16xi32> to vector<16xi32>
    tpu.vector_store %arg26[%swap3A_824], %swap3A_827 {strides = array<i32>} : memref<128xi32, #tpu.memory_space<vmem>>, vector<16xi32>,
    %div3A_828 = arith.constant 1.000000e+02 : f32
    %div3A_829 = vector.broadcast %div3A_828 : f32 to vector<16xf32>
    %div3A_830 = arith.divf %select_n3A_819, %div3A_829 : vector<16xf32>
    %convert_element_type3A_831 = arith.fptosi %div3A_830 : vector<16xf32> to vector<16xi32>
    %swap3A_832 = arith.constant 0 : index
    %swap3A_833 = tpu.vector_load %arg27[%swap3A_832] {strides = array<i32>} : memref<128xi32, #tpu.memory_space<vmem>>, vector<16xi32>,
    %swap3A_834 = vector.shape_cast %swap3A_833 : vector<16xi32> to vector<16xi32>
    %swap3A_835 = vector.shape_cast %convert_element_type3A_831 : vector<16xi32> to vector<16xi32>
    tpu.vector_store %arg27[%swap3A_832], %swap3A_835 {strides = array<i32>} : memref<128xi32, #tpu.memory_space<vmem>>, vector<16xi32>,
    %get3A_836 = arith.constant 32 : index
    %get3A_837 = tpu.vector_load %arg25[%get3A_836] {strides = array<i32>} : memref<256xf32, #tpu.memory_space<vmem>>, vector<16xf32>,
    %get3A_838 = vector.shape_cast %get3A_837 : vector<16xf32> to vector<16xf32>
    %get3A_839 = arith.constant 48 : index
    %get3A_840 = tpu.vector_load %arg25[%get3A_839] {strides = array<i32>} : memref<256xf32, #tpu.memory_space<vmem>>, vector<16xf32>,
    %get3A_841 = vector.shape_cast %get3A_840 : vector<16xf32> to vector<16xf32>
    %broadcast_in_dim3A_842 = vector.shape_cast %select_n3A_93 : vector<16xi32> to vector<16x1xi32>
    %gather3A_843 = vector.shape_cast %broadcast_in_dim3A_842 : vector<16x1xi32> to vector<16xi32>
    %gather3A_844 = tpu.dynamic_gather %get3A_838[%gather3A_843] in [0] : vector<16xf32>, vector<16xi32> -> vector<16xf32>
    %broadcast_in_dim3A_845 = vector.shape_cast %select_n3A_93 : vector<16xi32> to vector<16x1xi32>
    %gather3A_846 = vector.shape_cast %broadcast_in_dim3A_845 : vector<16x1xi32> to vector<16xi32>
    %gather3A_847 = tpu.dynamic_gather %get3A_841[%gather3A_846] in [0] : vector<16xf32>, vector<16xi32> -> vector<16xf32>
    %select_n3A_848 = arith.select %lt3A_40, %gather3A_844, %gather3A_847 : vector<16xi1>, vector<16xf32>
    %broadcast_in_dim3A_849 = vector.shape_cast %select_n3A_68 : vector<16xi32> to vector<16x1xi32>
    %gather3A_850 = vector.shape_cast %broadcast_in_dim3A_849 : vector<16x1xi32> to vector<16xi32>
    %gather3A_851 = tpu.dynamic_gather %get3A_838[%gather3A_850] in [0] : vector<16xf32>, vector<16xi32> -> vector<16xf32>
    %broadcast_in_dim3A_852 = vector.shape_cast %select_n3A_68 : vector<16xi32> to vector<16x1xi32>
    %gather3A_853 = vector.shape_cast %broadcast_in_dim3A_852 : vector<16x1xi32> to vector<16xi32>
    %gather3A_854 = tpu.dynamic_gather %get3A_841[%gather3A_853] in [0] : vector<16xf32>, vector<16xi32> -> vector<16xf32>
    %select_n3A_855 = arith.select %lt3A_40, %gather3A_851, %gather3A_854 : vector<16xi1>, vector<16xf32>
    %div3A_856 = arith.constant 1.000000e+02 : f32
    %div3A_857 = vector.broadcast %div3A_856 : f32 to vector<16xf32>
    %div3A_858 = arith.divf %select_n3A_848, %div3A_857 : vector<16xf32>
    %convert_element_type3A_859 = arith.fptosi %div3A_858 : vector<16xf32> to vector<16xi32>
    %swap3A_860 = arith.constant 16 : index
    %swap3A_861 = tpu.vector_load %arg26[%swap3A_860] {strides = array<i32>} : memref<128xi32, #tpu.memory_space<vmem>>, vector<16xi32>,
    %swap3A_862 = vector.shape_cast %swap3A_861 : vector<16xi32> to vector<16xi32>
    %swap3A_863 = vector.shape_cast %convert_element_type3A_859 : vector<16xi32> to vector<16xi32>
    tpu.vector_store %arg26[%swap3A_860], %swap3A_863 {strides = array<i32>} : memref<128xi32, #tpu.memory_space<vmem>>, vector<16xi32>,
    %div3A_864 = arith.constant 1.000000e+02 : f32
    %div3A_865 = vector.broadcast %div3A_864 : f32 to vector<16xf32>
    %div3A_866 = arith.divf %select_n3A_855, %div3A_865 : vector<16xf32>
    %convert_element_type3A_867 = arith.fptosi %div3A_866 : vector<16xf32> to vector<16xi32>
    %swap3A_868 = arith.constant 16 : index
    %swap3A_869 = tpu.vector_load %arg27[%swap3A_868] {strides = array<i32>} : memref<128xi32, #tpu.memory_space<vmem>>, vector<16xi32>,
    %swap3A_870 = vector.shape_cast %swap3A_869 : vector<16xi32> to vector<16xi32>
    %swap3A_871 = vector.shape_cast %convert_element_type3A_867 : vector<16xi32> to vector<16xi32>
    tpu.vector_store %arg27[%swap3A_868], %swap3A_871 {strides = array<i32>} : memref<128xi32, #tpu.memory_space<vmem>>, vector<16xi32>,
    %get3A_872 = arith.constant 64 : index
    %get3A_873 = tpu.vector_load %arg25[%get3A_872] {strides = array<i32>} : memref<256xf32, #tpu.memory_space<vmem>>, vector<16xf32>,
    %get3A_874 = vector.shape_cast %get3A_873 : vector<16xf32> to vector<16xf32>
    %get3A_875 = arith.constant 80 : index
    %get3A_876 = tpu.vector_load %arg25[%get3A_875] {strides = array<i32>} : memref<256xf32, #tpu.memory_space<vmem>>, vector<16xf32>,
    %get3A_877 = vector.shape_cast %get3A_876 : vector<16xf32> to vector<16xf32>
    %broadcast_in_dim3A_878 = vector.shape_cast %select_n3A_93 : vector<16xi32> to vector<16x1xi32>
    %gather3A_879 = vector.shape_cast %broadcast_in_dim3A_878 : vector<16x1xi32> to vector<16xi32>
    %gather3A_880 = tpu.dynamic_gather %get3A_874[%gather3A_879] in [0] : vector<16xf32>, vector<16xi32> -> vector<16xf32>
    %broadcast_in_dim3A_881 = vector.shape_cast %select_n3A_93 : vector<16xi32> to vector<16x1xi32>
    %gather3A_882 = vector.shape_cast %broadcast_in_dim3A_881 : vector<16x1xi32> to vector<16xi32>
    %gather3A_883 = tpu.dynamic_gather %get3A_877[%gather3A_882] in [0] : vector<16xf32>, vector<16xi32> -> vector<16xf32>
    %select_n3A_884 = arith.select %lt3A_40, %gather3A_880, %gather3A_883 : vector<16xi1>, vector<16xf32>
    %broadcast_in_dim3A_885 = vector.shape_cast %select_n3A_68 : vector<16xi32> to vector<16x1xi32>
    %gather3A_886 = vector.shape_cast %broadcast_in_dim3A_885 : vector<16x1xi32> to vector<16xi32>
    %gather3A_887 = tpu.dynamic_gather %get3A_874[%gather3A_886] in [0] : vector<16xf32>, vector<16xi32> -> vector<16xf32>
    %broadcast_in_dim3A_888 = vector.shape_cast %select_n3A_68 : vector<16xi32> to vector<16x1xi32>
    %gather3A_889 = vector.shape_cast %broadcast_in_dim3A_888 : vector<16x1xi32> to vector<16xi32>
    %gather3A_890 = tpu.dynamic_gather %get3A_877[%gather3A_889] in [0] : vector<16xf32>, vector<16xi32> -> vector<16xf32>
    %select_n3A_891 = arith.select %lt3A_40, %gather3A_887, %gather3A_890 : vector<16xi1>, vector<16xf32>
    %div3A_892 = arith.constant 1.000000e+02 : f32
    %div3A_893 = vector.broadcast %div3A_892 : f32 to vector<16xf32>
    %div3A_894 = arith.divf %select_n3A_884, %div3A_893 : vector<16xf32>
    %convert_element_type3A_895 = arith.fptosi %div3A_894 : vector<16xf32> to vector<16xi32>
    %swap3A_896 = arith.constant 32 : index
    %swap3A_897 = tpu.vector_load %arg26[%swap3A_896] {strides = array<i32>} : memref<128xi32, #tpu.memory_space<vmem>>, vector<16xi32>,
    %swap3A_898 = vector.shape_cast %swap3A_897 : vector<16xi32> to vector<16xi32>
    %swap3A_899 = vector.shape_cast %convert_element_type3A_895 : vector<16xi32> to vector<16xi32>
    tpu.vector_store %arg26[%swap3A_896], %swap3A_899 {strides = array<i32>} : memref<128xi32, #tpu.memory_space<vmem>>, vector<16xi32>,
    %div3A_900 = arith.constant 1.000000e+02 : f32
    %div3A_901 = vector.broadcast %div3A_900 : f32 to vector<16xf32>
    %div3A_902 = arith.divf %select_n3A_891, %div3A_901 : vector<16xf32>
    %convert_element_type3A_903 = arith.fptosi %div3A_902 : vector<16xf32> to vector<16xi32>
    %swap3A_904 = arith.constant 32 : index
    %swap3A_905 = tpu.vector_load %arg27[%swap3A_904] {strides = array<i32>} : memref<128xi32, #tpu.memory_space<vmem>>, vector<16xi32>,
    %swap3A_906 = vector.shape_cast %swap3A_905 : vector<16xi32> to vector<16xi32>
    %swap3A_907 = vector.shape_cast %convert_element_type3A_903 : vector<16xi32> to vector<16xi32>
    tpu.vector_store %arg27[%swap3A_904], %swap3A_907 {strides = array<i32>} : memref<128xi32, #tpu.memory_space<vmem>>, vector<16xi32>,
    %get3A_908 = arith.constant 96 : index
    %get3A_909 = tpu.vector_load %arg25[%get3A_908] {strides = array<i32>} : memref<256xf32, #tpu.memory_space<vmem>>, vector<16xf32>,
    %get3A_910 = vector.shape_cast %get3A_909 : vector<16xf32> to vector<16xf32>
    %get3A_911 = arith.constant 112 : index
    %get3A_912 = tpu.vector_load %arg25[%get3A_911] {strides = array<i32>} : memref<256xf32, #tpu.memory_space<vmem>>, vector<16xf32>,
    %get3A_913 = vector.shape_cast %get3A_912 : vector<16xf32> to vector<16xf32>
    %broadcast_in_dim3A_914 = vector.shape_cast %select_n3A_93 : vector<16xi32> to vector<16x1xi32>
    %gather3A_915 = vector.shape_cast %broadcast_in_dim3A_914 : vector<16x1xi32> to vector<16xi32>
    %gather3A_916 = tpu.dynamic_gather %get3A_910[%gather3A_915] in [0] : vector<16xf32>, vector<16xi32> -> vector<16xf32>
    %broadcast_in_dim3A_917 = vector.shape_cast %select_n3A_93 : vector<16xi32> to vector<16x1xi32>
    %gather3A_918 = vector.shape_cast %broadcast_in_dim3A_917 : vector<16x1xi32> to vector<16xi32>
    %gather3A_919 = tpu.dynamic_gather %get3A_913[%gather3A_918] in [0] : vector<16xf32>, vector<16xi32> -> vector<16xf32>
    %select_n3A_920 = arith.select %lt3A_40, %gather3A_916, %gather3A_919 : vector<16xi1>, vector<16xf32>
    %broadcast_in_dim3A_921 = vector.shape_cast %select_n3A_68 : vector<16xi32> to vector<16x1xi32>
    %gather3A_922 = vector.shape_cast %broadcast_in_dim3A_921 : vector<16x1xi32> to vector<16xi32>
    %gather3A_923 = tpu.dynamic_gather %get3A_910[%gather3A_922] in [0] : vector<16xf32>, vector<16xi32> -> vector<16xf32>
    %broadcast_in_dim3A_924 = vector.shape_cast %select_n3A_68 : vector<16xi32> to vector<16x1xi32>
    %gather3A_925 = vector.shape_cast %broadcast_in_dim3A_924 : vector<16x1xi32> to vector<16xi32>
    %gather3A_926 = tpu.dynamic_gather %get3A_913[%gather3A_925] in [0] : vector<16xf32>, vector<16xi32> -> vector<16xf32>
    %select_n3A_927 = arith.select %lt3A_40, %gather3A_923, %gather3A_926 : vector<16xi1>, vector<16xf32>
    %div3A_928 = arith.constant 1.000000e+02 : f32
    %div3A_929 = vector.broadcast %div3A_928 : f32 to vector<16xf32>
    %div3A_930 = arith.divf %select_n3A_920, %div3A_929 : vector<16xf32>
    %convert_element_type3A_931 = arith.fptosi %div3A_930 : vector<16xf32> to vector<16xi32>
    %swap3A_932 = arith.constant 48 : index
    %swap3A_933 = tpu.vector_load %arg26[%swap3A_932] {strides = array<i32>} : memref<128xi32, #tpu.memory_space<vmem>>, vector<16xi32>,
    %swap3A_934 = vector.shape_cast %swap3A_933 : vector<16xi32> to vector<16xi32>
    %swap3A_935 = vector.shape_cast %convert_element_type3A_931 : vector<16xi32> to vector<16xi32>
    tpu.vector_store %arg26[%swap3A_932], %swap3A_935 {strides = array<i32>} : memref<128xi32, #tpu.memory_space<vmem>>, vector<16xi32>,
    %div3A_936 = arith.constant 1.000000e+02 : f32
    %div3A_937 = vector.broadcast %div3A_936 : f32 to vector<16xf32>
    %div3A_938 = arith.divf %select_n3A_927, %div3A_937 : vector<16xf32>
    %convert_element_type3A_939 = arith.fptosi %div3A_938 : vector<16xf32> to vector<16xi32>
    %swap3A_940 = arith.constant 48 : index
    %swap3A_941 = tpu.vector_load %arg27[%swap3A_940] {strides = array<i32>} : memref<128xi32, #tpu.memory_space<vmem>>, vector<16xi32>,
    %swap3A_942 = vector.shape_cast %swap3A_941 : vector<16xi32> to vector<16xi32>
    %swap3A_943 = vector.shape_cast %convert_element_type3A_939 : vector<16xi32> to vector<16xi32>
    tpu.vector_store %arg27[%swap3A_940], %swap3A_943 {strides = array<i32>} : memref<128xi32, #tpu.memory_space<vmem>>, vector<16xi32>,
    %get3A_944 = arith.constant 128 : index
    %get3A_945 = tpu.vector_load %arg25[%get3A_944] {strides = array<i32>} : memref<256xf32, #tpu.memory_space<vmem>>, vector<16xf32>,
    %get3A_946 = vector.shape_cast %get3A_945 : vector<16xf32> to vector<16xf32>
    %get3A_947 = arith.constant 144 : index
    %get3A_948 = tpu.vector_load %arg25[%get3A_947] {strides = array<i32>} : memref<256xf32, #tpu.memory_space<vmem>>, vector<16xf32>,
    %get3A_949 = vector.shape_cast %get3A_948 : vector<16xf32> to vector<16xf32>
    %broadcast_in_dim3A_950 = vector.shape_cast %select_n3A_93 : vector<16xi32> to vector<16x1xi32>
    %gather3A_951 = vector.shape_cast %broadcast_in_dim3A_950 : vector<16x1xi32> to vector<16xi32>
    %gather3A_952 = tpu.dynamic_gather %get3A_946[%gather3A_951] in [0] : vector<16xf32>, vector<16xi32> -> vector<16xf32>
    %broadcast_in_dim3A_953 = vector.shape_cast %select_n3A_93 : vector<16xi32> to vector<16x1xi32>
    %gather3A_954 = vector.shape_cast %broadcast_in_dim3A_953 : vector<16x1xi32> to vector<16xi32>
    %gather3A_955 = tpu.dynamic_gather %get3A_949[%gather3A_954] in [0] : vector<16xf32>, vector<16xi32> -> vector<16xf32>
    %select_n3A_956 = arith.select %lt3A_40, %gather3A_952, %gather3A_955 : vector<16xi1>, vector<16xf32>
    %broadcast_in_dim3A_957 = vector.shape_cast %select_n3A_68 : vector<16xi32> to vector<16x1xi32>
    %gather3A_958 = vector.shape_cast %broadcast_in_dim3A_957 : vector<16x1xi32> to vector<16xi32>
    %gather3A_959 = tpu.dynamic_gather %get3A_946[%gather3A_958] in [0] : vector<16xf32>, vector<16xi32> -> vector<16xf32>
    %broadcast_in_dim3A_960 = vector.shape_cast %select_n3A_68 : vector<16xi32> to vector<16x1xi32>
    %gather3A_961 = vector.shape_cast %broadcast_in_dim3A_960 : vector<16x1xi32> to vector<16xi32>
    %gather3A_962 = tpu.dynamic_gather %get3A_949[%gather3A_961] in [0] : vector<16xf32>, vector<16xi32> -> vector<16xf32>
    %select_n3A_963 = arith.select %lt3A_40, %gather3A_959, %gather3A_962 : vector<16xi1>, vector<16xf32>
    %div3A_964 = arith.constant 1.000000e+02 : f32
    %div3A_965 = vector.broadcast %div3A_964 : f32 to vector<16xf32>
    %div3A_966 = arith.divf %select_n3A_956, %div3A_965 : vector<16xf32>
    %convert_element_type3A_967 = arith.fptosi %div3A_966 : vector<16xf32> to vector<16xi32>
    %swap3A_968 = arith.constant 64 : index
    %swap3A_969 = tpu.vector_load %arg26[%swap3A_968] {strides = array<i32>} : memref<128xi32, #tpu.memory_space<vmem>>, vector<16xi32>,
    %swap3A_970 = vector.shape_cast %swap3A_969 : vector<16xi32> to vector<16xi32>
    %swap3A_971 = vector.shape_cast %convert_element_type3A_967 : vector<16xi32> to vector<16xi32>
    tpu.vector_store %arg26[%swap3A_968], %swap3A_971 {strides = array<i32>} : memref<128xi32, #tpu.memory_space<vmem>>, vector<16xi32>,
    %div3A_972 = arith.constant 1.000000e+02 : f32
    %div3A_973 = vector.broadcast %div3A_972 : f32 to vector<16xf32>
    %div3A_974 = arith.divf %select_n3A_963, %div3A_973 : vector<16xf32>
    %convert_element_type3A_975 = arith.fptosi %div3A_974 : vector<16xf32> to vector<16xi32>
    %swap3A_976 = arith.constant 64 : index
    %swap3A_977 = tpu.vector_load %arg27[%swap3A_976] {strides = array<i32>} : memref<128xi32, #tpu.memory_space<vmem>>, vector<16xi32>,
    %swap3A_978 = vector.shape_cast %swap3A_977 : vector<16xi32> to vector<16xi32>
    %swap3A_979 = vector.shape_cast %convert_element_type3A_975 : vector<16xi32> to vector<16xi32>
    tpu.vector_store %arg27[%swap3A_976], %swap3A_979 {strides = array<i32>} : memref<128xi32, #tpu.memory_space<vmem>>, vector<16xi32>,
    %get3A_980 = arith.constant 160 : index
    %get3A_981 = tpu.vector_load %arg25[%get3A_980] {strides = array<i32>} : memref<256xf32, #tpu.memory_space<vmem>>, vector<16xf32>,
    %get3A_982 = vector.shape_cast %get3A_981 : vector<16xf32> to vector<16xf32>
    %get3A_983 = arith.constant 176 : index
    %get3A_984 = tpu.vector_load %arg25[%get3A_983] {strides = array<i32>} : memref<256xf32, #tpu.memory_space<vmem>>, vector<16xf32>,
    %get3A_985 = vector.shape_cast %get3A_984 : vector<16xf32> to vector<16xf32>
    %broadcast_in_dim3A_986 = vector.shape_cast %select_n3A_93 : vector<16xi32> to vector<16x1xi32>
    %gather3A_987 = vector.shape_cast %broadcast_in_dim3A_986 : vector<16x1xi32> to vector<16xi32>
    %gather3A_988 = tpu.dynamic_gather %get3A_982[%gather3A_987] in [0] : vector<16xf32>, vector<16xi32> -> vector<16xf32>
    %broadcast_in_dim3A_989 = vector.shape_cast %select_n3A_93 : vector<16xi32> to vector<16x1xi32>
    %gather3A_990 = vector.shape_cast %broadcast_in_dim3A_989 : vector<16x1xi32> to vector<16xi32>
    %gather3A_991 = tpu.dynamic_gather %get3A_985[%gather3A_990] in [0] : vector<16xf32>, vector<16xi32> -> vector<16xf32>
    %select_n3A_992 = arith.select %lt3A_40, %gather3A_988, %gather3A_991 : vector<16xi1>, vector<16xf32>
    %broadcast_in_dim3A_993 = vector.shape_cast %select_n3A_68 : vector<16xi32> to vector<16x1xi32>
    %gather3A_994 = vector.shape_cast %broadcast_in_dim3A_993 : vector<16x1xi32> to vector<16xi32>
    %gather3A_995 = tpu.dynamic_gather %get3A_982[%gather3A_994] in [0] : vector<16xf32>, vector<16xi32> -> vector<16xf32>
    %broadcast_in_dim3A_996 = vector.shape_cast %select_n3A_68 : vector<16xi32> to vector<16x1xi32>
    %gather3A_997 = vector.shape_cast %broadcast_in_dim3A_996 : vector<16x1xi32> to vector<16xi32>
    %gather3A_998 = tpu.dynamic_gather %get3A_985[%gather3A_997] in [0] : vector<16xf32>, vector<16xi32> -> vector<16xf32>
    %select_n3A_999 = arith.select %lt3A_40, %gather3A_995, %gather3A_998 : vector<16xi1>, vector<16xf32>
    %div3A_1000 = arith.constant 1.000000e+02 : f32
    %div3A_1001 = vector.broadcast %div3A_1000 : f32 to vector<16xf32>
    %div3A_1002 = arith.divf %select_n3A_992, %div3A_1001 : vector<16xf32>
    %convert_element_type3A_1003 = arith.fptosi %div3A_1002 : vector<16xf32> to vector<16xi32>
    %swap3A_1004 = arith.constant 80 : index
    %swap3A_1005 = tpu.vector_load %arg26[%swap3A_1004] {strides = array<i32>} : memref<128xi32, #tpu.memory_space<vmem>>, vector<16xi32>,
    %swap3A_1006 = vector.shape_cast %swap3A_1005 : vector<16xi32> to vector<16xi32>
    %swap3A_1007 = vector.shape_cast %convert_element_type3A_1003 : vector<16xi32> to vector<16xi32>
    tpu.vector_store %arg26[%swap3A_1004], %swap3A_1007 {strides = array<i32>} : memref<128xi32, #tpu.memory_space<vmem>>, vector<16xi32>,
    %div3A_1008 = arith.constant 1.000000e+02 : f32
    %div3A_1009 = vector.broadcast %div3A_1008 : f32 to vector<16xf32>
    %div3A_1010 = arith.divf %select_n3A_999, %div3A_1009 : vector<16xf32>
    %convert_element_type3A_1011 = arith.fptosi %div3A_1010 : vector<16xf32> to vector<16xi32>
    %swap3A_1012 = arith.constant 80 : index
    %swap3A_1013 = tpu.vector_load %arg27[%swap3A_1012] {strides = array<i32>} : memref<128xi32, #tpu.memory_space<vmem>>, vector<16xi32>,
    %swap3A_1014 = vector.shape_cast %swap3A_1013 : vector<16xi32> to vector<16xi32>
    %swap3A_1015 = vector.shape_cast %convert_element_type3A_1011 : vector<16xi32> to vector<16xi32>
    tpu.vector_store %arg27[%swap3A_1012], %swap3A_1015 {strides = array<i32>} : memref<128xi32, #tpu.memory_space<vmem>>, vector<16xi32>,
    %get3A_1016 = arith.constant 192 : index
    %get3A_1017 = tpu.vector_load %arg25[%get3A_1016] {strides = array<i32>} : memref<256xf32, #tpu.memory_space<vmem>>, vector<16xf32>,
    %get3A_1018 = vector.shape_cast %get3A_1017 : vector<16xf32> to vector<16xf32>
    %get3A_1019 = arith.constant 208 : index
    %get3A_1020 = tpu.vector_load %arg25[%get3A_1019] {strides = array<i32>} : memref<256xf32, #tpu.memory_space<vmem>>, vector<16xf32>,
    %get3A_1021 = vector.shape_cast %get3A_1020 : vector<16xf32> to vector<16xf32>
    %broadcast_in_dim3A_1022 = vector.shape_cast %select_n3A_93 : vector<16xi32> to vector<16x1xi32>
    %gather3A_1023 = vector.shape_cast %broadcast_in_dim3A_1022 : vector<16x1xi32> to vector<16xi32>
    %gather3A_1024 = tpu.dynamic_gather %get3A_1018[%gather3A_1023] in [0] : vector<16xf32>, vector<16xi32> -> vector<16xf32>
    %broadcast_in_dim3A_1025 = vector.shape_cast %select_n3A_93 : vector<16xi32> to vector<16x1xi32>
    %gather3A_1026 = vector.shape_cast %broadcast_in_dim3A_1025 : vector<16x1xi32> to vector<16xi32>
    %gather3A_1027 = tpu.dynamic_gather %get3A_1021[%gather3A_1026] in [0] : vector<16xf32>, vector<16xi32> -> vector<16xf32>
    %select_n3A_1028 = arith.select %lt3A_40, %gather3A_1024, %gather3A_1027 : vector<16xi1>, vector<16xf32>
    %broadcast_in_dim3A_1029 = vector.shape_cast %select_n3A_68 : vector<16xi32> to vector<16x1xi32>
    %gather3A_1030 = vector.shape_cast %broadcast_in_dim3A_1029 : vector<16x1xi32> to vector<16xi32>
    %gather3A_1031 = tpu.dynamic_gather %get3A_1018[%gather3A_1030] in [0] : vector<16xf32>, vector<16xi32> -> vector<16xf32>
    %broadcast_in_dim3A_1032 = vector.shape_cast %select_n3A_68 : vector<16xi32> to vector<16x1xi32>
    %gather3A_1033 = vector.shape_cast %broadcast_in_dim3A_1032 : vector<16x1xi32> to vector<16xi32>
    %gather3A_1034 = tpu.dynamic_gather %get3A_1021[%gather3A_1033] in [0] : vector<16xf32>, vector<16xi32> -> vector<16xf32>
    %select_n3A_1035 = arith.select %lt3A_40, %gather3A_1031, %gather3A_1034 : vector<16xi1>, vector<16xf32>
    %div3A_1036 = arith.constant 1.000000e+02 : f32
    %div3A_1037 = vector.broadcast %div3A_1036 : f32 to vector<16xf32>
    %div3A_1038 = arith.divf %select_n3A_1028, %div3A_1037 : vector<16xf32>
    %convert_element_type3A_1039 = arith.fptosi %div3A_1038 : vector<16xf32> to vector<16xi32>
    %swap3A_1040 = arith.constant 96 : index
    %swap3A_1041 = tpu.vector_load %arg26[%swap3A_1040] {strides = array<i32>} : memref<128xi32, #tpu.memory_space<vmem>>, vector<16xi32>,
    %swap3A_1042 = vector.shape_cast %swap3A_1041 : vector<16xi32> to vector<16xi32>
    %swap3A_1043 = vector.shape_cast %convert_element_type3A_1039 : vector<16xi32> to vector<16xi32>
    tpu.vector_store %arg26[%swap3A_1040], %swap3A_1043 {strides = array<i32>} : memref<128xi32, #tpu.memory_space<vmem>>, vector<16xi32>,
    %div3A_1044 = arith.constant 1.000000e+02 : f32
    %div3A_1045 = vector.broadcast %div3A_1044 : f32 to vector<16xf32>
    %div3A_1046 = arith.divf %select_n3A_1035, %div3A_1045 : vector<16xf32>
    %convert_element_type3A_1047 = arith.fptosi %div3A_1046 : vector<16xf32> to vector<16xi32>
    %swap3A_1048 = arith.constant 96 : index
    %swap3A_1049 = tpu.vector_load %arg27[%swap3A_1048] {strides = array<i32>} : memref<128xi32, #tpu.memory_space<vmem>>, vector<16xi32>,
    %swap3A_1050 = vector.shape_cast %swap3A_1049 : vector<16xi32> to vector<16xi32>
    %swap3A_1051 = vector.shape_cast %convert_element_type3A_1047 : vector<16xi32> to vector<16xi32>
    tpu.vector_store %arg27[%swap3A_1048], %swap3A_1051 {strides = array<i32>} : memref<128xi32, #tpu.memory_space<vmem>>, vector<16xi32>,
    %get3A_1052 = arith.constant 224 : index
    %get3A_1053 = tpu.vector_load %arg25[%get3A_1052] {strides = array<i32>} : memref<256xf32, #tpu.memory_space<vmem>>, vector<16xf32>,
    %get3A_1054 = vector.shape_cast %get3A_1053 : vector<16xf32> to vector<16xf32>
    %get3A_1055 = arith.constant 240 : index
    %get3A_1056 = tpu.vector_load %arg25[%get3A_1055] {strides = array<i32>} : memref<256xf32, #tpu.memory_space<vmem>>, vector<16xf32>,
    %get3A_1057 = vector.shape_cast %get3A_1056 : vector<16xf32> to vector<16xf32>
    %broadcast_in_dim3A_1058 = vector.shape_cast %select_n3A_93 : vector<16xi32> to vector<16x1xi32>
    %gather3A_1059 = vector.shape_cast %broadcast_in_dim3A_1058 : vector<16x1xi32> to vector<16xi32>
    %gather3A_1060 = tpu.dynamic_gather %get3A_1054[%gather3A_1059] in [0] : vector<16xf32>, vector<16xi32> -> vector<16xf32>
    %broadcast_in_dim3A_1061 = vector.shape_cast %select_n3A_93 : vector<16xi32> to vector<16x1xi32>
    %gather3A_1062 = vector.shape_cast %broadcast_in_dim3A_1061 : vector<16x1xi32> to vector<16xi32>
    %gather3A_1063 = tpu.dynamic_gather %get3A_1057[%gather3A_1062] in [0] : vector<16xf32>, vector<16xi32> -> vector<16xf32>
    %select_n3A_1064 = arith.select %lt3A_40, %gather3A_1060, %gather3A_1063 : vector<16xi1>, vector<16xf32>
    %broadcast_in_dim3A_1065 = vector.shape_cast %select_n3A_68 : vector<16xi32> to vector<16x1xi32>
    %gather3A_1066 = vector.shape_cast %broadcast_in_dim3A_1065 : vector<16x1xi32> to vector<16xi32>
    %gather3A_1067 = tpu.dynamic_gather %get3A_1054[%gather3A_1066] in [0] : vector<16xf32>, vector<16xi32> -> vector<16xf32>
    %broadcast_in_dim3A_1068 = vector.shape_cast %select_n3A_68 : vector<16xi32> to vector<16x1xi32>
    %gather3A_1069 = vector.shape_cast %broadcast_in_dim3A_1068 : vector<16x1xi32> to vector<16xi32>
    %gather3A_1070 = tpu.dynamic_gather %get3A_1057[%gather3A_1069] in [0] : vector<16xf32>, vector<16xi32> -> vector<16xf32>
    %select_n3A_1071 = arith.select %lt3A_40, %gather3A_1067, %gather3A_1070 : vector<16xi1>, vector<16xf32>
    %div3A_1072 = arith.constant 1.000000e+02 : f32
    %div3A_1073 = vector.broadcast %div3A_1072 : f32 to vector<16xf32>
    %div3A_1074 = arith.divf %select_n3A_1064, %div3A_1073 : vector<16xf32>
    %convert_element_type3A_1075 = arith.fptosi %div3A_1074 : vector<16xf32> to vector<16xi32>
    %swap3A_1076 = arith.constant 112 : index
    %swap3A_1077 = tpu.vector_load %arg26[%swap3A_1076] {strides = array<i32>} : memref<128xi32, #tpu.memory_space<vmem>>, vector<16xi32>,
    %swap3A_1078 = vector.shape_cast %swap3A_1077 : vector<16xi32> to vector<16xi32>
    %swap3A_1079 = vector.shape_cast %convert_element_type3A_1075 : vector<16xi32> to vector<16xi32>
    tpu.vector_store %arg26[%swap3A_1076], %swap3A_1079 {strides = array<i32>} : memref<128xi32, #tpu.memory_space<vmem>>, vector<16xi32>,
    %div3A_1080 = arith.constant 1.000000e+02 : f32
    %div3A_1081 = vector.broadcast %div3A_1080 : f32 to vector<16xf32>
    %div3A_1082 = arith.divf %select_n3A_1071, %div3A_1081 : vector<16xf32>
    %convert_element_type3A_1083 = arith.fptosi %div3A_1082 : vector<16xf32> to vector<16xi32>
    %swap3A_1084 = arith.constant 112 : index
    %swap3A_1085 = tpu.vector_load %arg27[%swap3A_1084] {strides = array<i32>} : memref<128xi32, #tpu.memory_space<vmem>>, vector<16xi32>,
    %swap3A_1086 = vector.shape_cast %swap3A_1085 : vector<16xi32> to vector<16xi32>
    %swap3A_1087 = vector.shape_cast %convert_element_type3A_1083 : vector<16xi32> to vector<16xi32>
    tpu.vector_store %arg27[%swap3A_1084], %swap3A_1087 {strides = array<i32>} : memref<128xi32, #tpu.memory_space<vmem>>, vector<16xi32>,
    %dma_start3A_1088 = arith.constant 0 : i32
    %dma_start3A_1089 = arith.constant 0 : i32
    %dma_start3A_1090 = tpu.memref_slice %arg6[%dma_start3A_1088, %dma_start3A_1089] : memref<384x128xf32, #tpu.memory_space<vmem_shared>> -> memref<384x128xf32, #tpu.memory_space<vmem_shared>>
    tpu.enqueue_indirect_dma source(%dma_start3A_1090 : memref<384x128xf32, #tpu.memory_space<vmem_shared>>) target(%arg28 : memref<128x128xf32, #tpu.memory_space<vmem>>) offsets(%arg27 : memref<128xi32, #tpu.memory_space<vmem>>) semaphore(%arg32 : memref<!tpu.dma_semaphore, #tpu.memory_space<semaphore_mem>>) {add = true}
    %dma_start3A_1091 = arith.constant 0 : i32
    %dma_start3A_1092 = arith.constant 0 : i32
    %dma_start3A_1093 = tpu.memref_slice %arg6[%dma_start3A_1091, %dma_start3A_1092] : memref<384x128xf32, #tpu.memory_space<vmem_shared>> -> memref<384x128xf32, #tpu.memory_space<vmem_shared>>
    tpu.enqueue_indirect_dma source(%dma_start3A_1093 : memref<384x128xf32, #tpu.memory_space<vmem_shared>>) target(%arg29 : memref<128x128xf32, #tpu.memory_space<vmem>>) offsets(%arg26 : memref<128xi32, #tpu.memory_space<vmem>>) semaphore(%arg32 : memref<!tpu.dma_semaphore, #tpu.memory_space<semaphore_mem>>) {add = true}
    %dma_wait3A_1094 = arith.constant 0 : i32
    %dma_wait3A_1095 = arith.constant 0 : i32
    %dma_wait3A_1096 = tpu.memref_slice %arg6[%dma_wait3A_1094, %dma_wait3A_1095] : memref<384x128xf32, #tpu.memory_space<vmem_shared>> -> memref<384x128xf32, #tpu.memory_space<vmem_shared>>
    tpu.wait_indirect_dma semaphore(%arg23 : memref<!tpu.dma_semaphore, #tpu.memory_space<semaphore_mem>>) src(%dma_wait3A_1096 : memref<384x128xf32, #tpu.memory_space<vmem_shared>>) dst(%arg19 : memref<128x128xf32, #tpu.memory_space<vmem>>)
    %dma_wait3A_1097 = arith.constant 0 : i32
    %dma_wait3A_1098 = arith.constant 0 : i32
    %dma_wait3A_1099 = tpu.memref_slice %arg6[%dma_wait3A_1097, %dma_wait3A_1098] : memref<384x128xf32, #tpu.memory_space<vmem_shared>> -> memref<384x128xf32, #tpu.memory_space<vmem_shared>>
    tpu.wait_indirect_dma semaphore(%arg23 : memref<!tpu.dma_semaphore, #tpu.memory_space<semaphore_mem>>) src(%dma_wait3A_1099 : memref<384x128xf32, #tpu.memory_space<vmem_shared>>) dst(%arg20 : memref<128x128xf32, #tpu.memory_space<vmem>>)
    %add3A_1100 = arith.constant 128 : i32
    %add3A_1101 = arith.addi %mul3A_2, %add3A_1100 : i32
    %dma_start3A_1102 = arith.constant 0 : i32
    %dma_start3A_1103 = tpu.memref_slice %arg5[%add3A_1101, %dma_start3A_1102] : memref<32768x256xf32, #tpu.memory_space<hbm>> -> memref<128x128xf32, #tpu.memory_space<hbm>>
    %dma_start3A_1104 = arith.constant 0 : i32
    %dma_start3A_1105 = tpu.memref_slice %arg5[%add3A_1101, %dma_start3A_1104] : memref<32768x256xf32, #tpu.memory_space<hbm>> -> memref<128x128xf32, #tpu.memory_space<hbm>>
    tpu.enqueue_dma source(%arg19 : memref<128x128xf32, #tpu.memory_space<vmem>>) target(%dma_start3A_1105 : memref<128x128xf32, #tpu.memory_space<hbm>>) target_semaphore(%arg24 : memref<!tpu.dma_semaphore, #tpu.memory_space<semaphore_mem>>)
    %dma_start3A_1106 = arith.constant 128 : i32
    %dma_start3A_1107 = tpu.memref_slice %arg5[%add3A_1101, %dma_start3A_1106] : memref<32768x256xf32, #tpu.memory_space<hbm>> -> memref<128x128xf32, #tpu.memory_space<hbm>>
    %dma_start3A_1108 = arith.constant 128 : i32
    %dma_start3A_1109 = tpu.memref_slice %arg5[%add3A_1101, %dma_start3A_1108] : memref<32768x256xf32, #tpu.memory_space<hbm>> -> memref<128x128xf32, #tpu.memory_space<hbm>>
    tpu.enqueue_dma source(%arg20 : memref<128x128xf32, #tpu.memory_space<vmem>>) target(%dma_start3A_1109 : memref<128x128xf32, #tpu.memory_space<hbm>>) target_semaphore(%arg24 : memref<!tpu.dma_semaphore, #tpu.memory_space<semaphore_mem>>)
    %dma_wait3A_1110 = arith.constant 0 : i32
    %dma_wait3A_1111 = tpu.memref_slice %arg5[%add3A_1101, %dma_wait3A_1110] : memref<32768x256xf32, #tpu.memory_space<hbm>> -> memref<128x128xf32, #tpu.memory_space<hbm>>
    %dma_wait3A_1112 = arith.constant 0 : i32
    %dma_wait3A_1113 = tpu.memref_slice %arg5[%add3A_1101, %dma_wait3A_1112] : memref<32768x256xf32, #tpu.memory_space<hbm>> -> memref<128x128xf32, #tpu.memory_space<hbm>>
    tpu.wait_dma2 semaphore(%arg24 : memref<!tpu.dma_semaphore, #tpu.memory_space<semaphore_mem>>) src(%arg19 : memref<128x128xf32, #tpu.memory_space<vmem>>) dst(%dma_wait3A_1113 : memref<128x128xf32, #tpu.memory_space<hbm>>)
    %dma_wait3A_1114 = arith.constant 128 : i32
    %dma_wait3A_1115 = tpu.memref_slice %arg5[%add3A_1101, %dma_wait3A_1114] : memref<32768x256xf32, #tpu.memory_space<hbm>> -> memref<128x128xf32, #tpu.memory_space<hbm>>
    %dma_wait3A_1116 = arith.constant 128 : i32
    %dma_wait3A_1117 = tpu.memref_slice %arg5[%add3A_1101, %dma_wait3A_1116] : memref<32768x256xf32, #tpu.memory_space<hbm>> -> memref<128x128xf32, #tpu.memory_space<hbm>>
    tpu.wait_dma2 semaphore(%arg24 : memref<!tpu.dma_semaphore, #tpu.memory_space<semaphore_mem>>) src(%arg20 : memref<128x128xf32, #tpu.memory_space<vmem>>) dst(%dma_wait3A_1117 : memref<128x128xf32, #tpu.memory_space<hbm>>)
    %add3A_1118 = arith.constant 512 : i32
    %add3A_1119 = arith.addi %mul3A_2, %add3A_1118 : i32
    %dma_start3A_1120 = arith.constant 0 : i32
    %dma_start3A_1121 = tpu.memref_slice %arg2[%add3A_1119, %dma_start3A_1120] : memref<32768x256xf32, #tpu.memory_space<hbm>> -> memref<128x128xf32, #tpu.memory_space<hbm>>
    %dma_start3A_1122 = arith.constant 0 : i32
    %dma_start3A_1123 = tpu.memref_slice %arg2[%add3A_1119, %dma_start3A_1122] : memref<32768x256xf32, #tpu.memory_space<hbm>> -> memref<128x128xf32, #tpu.memory_space<hbm>>
    tpu.enqueue_dma source(%dma_start3A_1123 : memref<128x128xf32, #tpu.memory_space<hbm>>) target(%arg19 : memref<128x128xf32, #tpu.memory_space<vmem>>) target_semaphore(%arg21 : memref<!tpu.dma_semaphore, #tpu.memory_space<semaphore_mem>>)
    %dma_start3A_1124 = arith.constant 128 : i32
    %dma_start3A_1125 = tpu.memref_slice %arg2[%add3A_1119, %dma_start3A_1124] : memref<32768x256xf32, #tpu.memory_space<hbm>> -> memref<128x128xf32, #tpu.memory_space<hbm>>
    %dma_start3A_1126 = arith.constant 128 : i32
    %dma_start3A_1127 = tpu.memref_slice %arg2[%add3A_1119, %dma_start3A_1126] : memref<32768x256xf32, #tpu.memory_space<hbm>> -> memref<128x128xf32, #tpu.memory_space<hbm>>
    tpu.enqueue_dma source(%dma_start3A_1127 : memref<128x128xf32, #tpu.memory_space<hbm>>) target(%arg20 : memref<128x128xf32, #tpu.memory_space<vmem>>) target_semaphore(%arg21 : memref<!tpu.dma_semaphore, #tpu.memory_space<semaphore_mem>>)
    %add3A_1128 = arith.constant 1024 : i32
    %add3A_1129 = arith.addi %mul3A_34, %add3A_1128 : i32
    %dma_start3A_1130 = tpu.memref_slice %arg3[%select_n3A, %add3A_1129] : memref<16x4096xf32, #tpu.memory_space<hbm>> -> memref<1x256xf32, #tpu.memory_space<hbm>>
    %dma_start3A_1131 = tpu.memref_squeeze %dma_start3A_1130 : memref<1x256xf32, #tpu.memory_space<hbm>> -> memref<256xf32, #tpu.memory_space<hbm>>
    %dma_start3A_1132 = tpu.memref_slice %arg3[%select_n3A, %add3A_1129] : memref<16x4096xf32, #tpu.memory_space<hbm>> -> memref<1x256xf32, #tpu.memory_space<hbm>>
    %dma_start3A_1133 = tpu.memref_squeeze %dma_start3A_1132 : memref<1x256xf32, #tpu.memory_space<hbm>> -> memref<256xf32, #tpu.memory_space<hbm>>
    tpu.enqueue_dma source(%dma_start3A_1133 : memref<256xf32, #tpu.memory_space<hbm>>) target(%arg16 : memref<256xf32, #tpu.memory_space<vmem>>) target_semaphore(%arg22 : memref<!tpu.dma_semaphore, #tpu.memory_space<semaphore_mem>>)
    %dma_wait3A_1134 = arith.constant 0 : i32
    %dma_wait3A_1135 = tpu.memref_slice %arg2[%add3A_773, %dma_wait3A_1134] : memref<32768x256xf32, #tpu.memory_space<hbm>> -> memref<128x128xf32, #tpu.memory_space<hbm>>
    %dma_wait3A_1136 = arith.constant 0 : i32
    %dma_wait3A_1137 = tpu.memref_slice %arg2[%add3A_773, %dma_wait3A_1136] : memref<32768x256xf32, #tpu.memory_space<hbm>> -> memref<128x128xf32, #tpu.memory_space<hbm>>
    tpu.wait_dma2 semaphore(%arg12 : memref<!tpu.dma_semaphore, #tpu.memory_space<semaphore_mem>>) src(%dma_wait3A_1137 : memref<128x128xf32, #tpu.memory_space<hbm>>) dst(%arg10 : memref<128x128xf32, #tpu.memory_space<vmem>>)
    %dma_wait3A_1138 = arith.constant 128 : i32
    %dma_wait3A_1139 = tpu.memref_slice %arg2[%add3A_773, %dma_wait3A_1138] : memref<32768x256xf32, #tpu.memory_space<hbm>> -> memref<128x128xf32, #tpu.memory_space<hbm>>
    %dma_wait3A_1140 = arith.constant 128 : i32
    %dma_wait3A_1141 = tpu.memref_slice %arg2[%add3A_773, %dma_wait3A_1140] : memref<32768x256xf32, #tpu.memory_space<hbm>> -> memref<128x128xf32, #tpu.memory_space<hbm>>
    tpu.wait_dma2 semaphore(%arg12 : memref<!tpu.dma_semaphore, #tpu.memory_space<semaphore_mem>>) src(%dma_wait3A_1141 : memref<128x128xf32, #tpu.memory_space<hbm>>) dst(%arg11 : memref<128x128xf32, #tpu.memory_space<vmem>>)
    %dma_wait3A_1142 = tpu.memref_slice %arg3[%select_n3A, %add3A_783] : memref<16x4096xf32, #tpu.memory_space<hbm>> -> memref<1x256xf32, #tpu.memory_space<hbm>>
    %dma_wait3A_1143 = tpu.memref_squeeze %dma_wait3A_1142 : memref<1x256xf32, #tpu.memory_space<hbm>> -> memref<256xf32, #tpu.memory_space<hbm>>
    %dma_wait3A_1144 = tpu.memref_slice %arg3[%select_n3A, %add3A_783] : memref<16x4096xf32, #tpu.memory_space<hbm>> -> memref<1x256xf32, #tpu.memory_space<hbm>>
    %dma_wait3A_1145 = tpu.memref_squeeze %dma_wait3A_1144 : memref<1x256xf32, #tpu.memory_space<hbm>> -> memref<256xf32, #tpu.memory_space<hbm>>
    tpu.wait_dma2 semaphore(%arg13 : memref<!tpu.dma_semaphore, #tpu.memory_space<semaphore_mem>>) src(%dma_wait3A_1145 : memref<256xf32, #tpu.memory_space<hbm>>) dst(%arg7 : memref<256xf32, #tpu.memory_space<vmem>>)
    %get3A_1146 = arith.constant 0 : index
    %get3A_1147 = tpu.vector_load %arg7[%get3A_1146] {strides = array<i32>} : memref<256xf32, #tpu.memory_space<vmem>>, vector<16xf32>,
    %get3A_1148 = vector.shape_cast %get3A_1147 : vector<16xf32> to vector<16xf32>
    %get3A_1149 = arith.constant 16 : index
    %get3A_1150 = tpu.vector_load %arg7[%get3A_1149] {strides = array<i32>} : memref<256xf32, #tpu.memory_space<vmem>>, vector<16xf32>,
    %get3A_1151 = vector.shape_cast %get3A_1150 : vector<16xf32> to vector<16xf32>
    %broadcast_in_dim3A_1152 = vector.shape_cast %select_n3A_93 : vector<16xi32> to vector<16x1xi32>
    %gather3A_1153 = vector.shape_cast %broadcast_in_dim3A_1152 : vector<16x1xi32> to vector<16xi32>
    %gather3A_1154 = tpu.dynamic_gather %get3A_1148[%gather3A_1153] in [0] : vector<16xf32>, vector<16xi32> -> vector<16xf32>
    %broadcast_in_dim3A_1155 = vector.shape_cast %select_n3A_93 : vector<16xi32> to vector<16x1xi32>
    %gather3A_1156 = vector.shape_cast %broadcast_in_dim3A_1155 : vector<16x1xi32> to vector<16xi32>
    %gather3A_1157 = tpu.dynamic_gather %get3A_1151[%gather3A_1156] in [0] : vector<16xf32>, vector<16xi32> -> vector<16xf32>
    %select_n3A_1158 = arith.select %lt3A_40, %gather3A_1154, %gather3A_1157 : vector<16xi1>, vector<16xf32>
    %broadcast_in_dim3A_1159 = vector.shape_cast %select_n3A_68 : vector<16xi32> to vector<16x1xi32>
    %gather3A_1160 = vector.shape_cast %broadcast_in_dim3A_1159 : vector<16x1xi32> to vector<16xi32>
    %gather3A_1161 = tpu.dynamic_gather %get3A_1148[%gather3A_1160] in [0] : vector<16xf32>, vector<16xi32> -> vector<16xf32>
    %broadcast_in_dim3A_1162 = vector.shape_cast %select_n3A_68 : vector<16xi32> to vector<16x1xi32>
    %gather3A_1163 = vector.shape_cast %broadcast_in_dim3A_1162 : vector<16x1xi32> to vector<16xi32>
    %gather3A_1164 = tpu.dynamic_gather %get3A_1151[%gather3A_1163] in [0] : vector<16xf32>, vector<16xi32> -> vector<16xf32>
    %select_n3A_1165 = arith.select %lt3A_40, %gather3A_1161, %gather3A_1164 : vector<16xi1>, vector<16xf32>
    %div3A_1166 = arith.constant 1.000000e+02 : f32
    %div3A_1167 = vector.broadcast %div3A_1166 : f32 to vector<16xf32>
    %div3A_1168 = arith.divf %select_n3A_1158, %div3A_1167 : vector<16xf32>
    %convert_element_type3A_1169 = arith.fptosi %div3A_1168 : vector<16xf32> to vector<16xi32>
    %swap3A_1170 = arith.constant 0 : index
    %swap3A_1171 = tpu.vector_load %arg8[%swap3A_1170] {strides = array<i32>} : memref<128xi32, #tpu.memory_space<vmem>>, vector<16xi32>,
    %swap3A_1172 = vector.shape_cast %swap3A_1171 : vector<16xi32> to vector<16xi32>
    %swap3A_1173 = vector.shape_cast %convert_element_type3A_1169 : vector<16xi32> to vector<16xi32>
    tpu.vector_store %arg8[%swap3A_1170], %swap3A_1173 {strides = array<i32>} : memref<128xi32, #tpu.memory_space<vmem>>, vector<16xi32>,
    %div3A_1174 = arith.constant 1.000000e+02 : f32
    %div3A_1175 = vector.broadcast %div3A_1174 : f32 to vector<16xf32>
    %div3A_1176 = arith.divf %select_n3A_1165, %div3A_1175 : vector<16xf32>
    %convert_element_type3A_1177 = arith.fptosi %div3A_1176 : vector<16xf32> to vector<16xi32>
    %swap3A_1178 = arith.constant 0 : index
    %swap3A_1179 = tpu.vector_load %arg9[%swap3A_1178] {strides = array<i32>} : memref<128xi32, #tpu.memory_space<vmem>>, vector<16xi32>,
    %swap3A_1180 = vector.shape_cast %swap3A_1179 : vector<16xi32> to vector<16xi32>
    %swap3A_1181 = vector.shape_cast %convert_element_type3A_1177 : vector<16xi32> to vector<16xi32>
    tpu.vector_store %arg9[%swap3A_1178], %swap3A_1181 {strides = array<i32>} : memref<128xi32, #tpu.memory_space<vmem>>, vector<16xi32>,
    %get3A_1182 = arith.constant 32 : index
    %get3A_1183 = tpu.vector_load %arg7[%get3A_1182] {strides = array<i32>} : memref<256xf32, #tpu.memory_space<vmem>>, vector<16xf32>,
    %get3A_1184 = vector.shape_cast %get3A_1183 : vector<16xf32> to vector<16xf32>
    %get3A_1185 = arith.constant 48 : index
    %get3A_1186 = tpu.vector_load %arg7[%get3A_1185] {strides = array<i32>} : memref<256xf32, #tpu.memory_space<vmem>>, vector<16xf32>,
    %get3A_1187 = vector.shape_cast %get3A_1186 : vector<16xf32> to vector<16xf32>
    %broadcast_in_dim3A_1188 = vector.shape_cast %select_n3A_93 : vector<16xi32> to vector<16x1xi32>
    %gather3A_1189 = vector.shape_cast %broadcast_in_dim3A_1188 : vector<16x1xi32> to vector<16xi32>
    %gather3A_1190 = tpu.dynamic_gather %get3A_1184[%gather3A_1189] in [0] : vector<16xf32>, vector<16xi32> -> vector<16xf32>
    %broadcast_in_dim3A_1191 = vector.shape_cast %select_n3A_93 : vector<16xi32> to vector<16x1xi32>
    %gather3A_1192 = vector.shape_cast %broadcast_in_dim3A_1191 : vector<16x1xi32> to vector<16xi32>
    %gather3A_1193 = tpu.dynamic_gather %get3A_1187[%gather3A_1192] in [0] : vector<16xf32>, vector<16xi32> -> vector<16xf32>
    %select_n3A_1194 = arith.select %lt3A_40, %gather3A_1190, %gather3A_1193 : vector<16xi1>, vector<16xf32>
    %broadcast_in_dim3A_1195 = vector.shape_cast %select_n3A_68 : vector<16xi32> to vector<16x1xi32>
    %gather3A_1196 = vector.shape_cast %broadcast_in_dim3A_1195 : vector<16x1xi32> to vector<16xi32>
    %gather3A_1197 = tpu.dynamic_gather %get3A_1184[%gather3A_1196] in [0] : vector<16xf32>, vector<16xi32> -> vector<16xf32>
    %broadcast_in_dim3A_1198 = vector.shape_cast %select_n3A_68 : vector<16xi32> to vector<16x1xi32>
    %gather3A_1199 = vector.shape_cast %broadcast_in_dim3A_1198 : vector<16x1xi32> to vector<16xi32>
    %gather3A_1200 = tpu.dynamic_gather %get3A_1187[%gather3A_1199] in [0] : vector<16xf32>, vector<16xi32> -> vector<16xf32>
    %select_n3A_1201 = arith.select %lt3A_40, %gather3A_1197, %gather3A_1200 : vector<16xi1>, vector<16xf32>
    %div3A_1202 = arith.constant 1.000000e+02 : f32
    %div3A_1203 = vector.broadcast %div3A_1202 : f32 to vector<16xf32>
    %div3A_1204 = arith.divf %select_n3A_1194, %div3A_1203 : vector<16xf32>
    %convert_element_type3A_1205 = arith.fptosi %div3A_1204 : vector<16xf32> to vector<16xi32>
    %swap3A_1206 = arith.constant 16 : index
    %swap3A_1207 = tpu.vector_load %arg8[%swap3A_1206] {strides = array<i32>} : memref<128xi32, #tpu.memory_space<vmem>>, vector<16xi32>,
    %swap3A_1208 = vector.shape_cast %swap3A_1207 : vector<16xi32> to vector<16xi32>
    %swap3A_1209 = vector.shape_cast %convert_element_type3A_1205 : vector<16xi32> to vector<16xi32>
    tpu.vector_store %arg8[%swap3A_1206], %swap3A_1209 {strides = array<i32>} : memref<128xi32, #tpu.memory_space<vmem>>, vector<16xi32>,
    %div3A_1210 = arith.constant 1.000000e+02 : f32
    %div3A_1211 = vector.broadcast %div3A_1210 : f32 to vector<16xf32>
    %div3A_1212 = arith.divf %select_n3A_1201, %div3A_1211 : vector<16xf32>
    %convert_element_type3A_1213 = arith.fptosi %div3A_1212 : vector<16xf32> to vector<16xi32>
    %swap3A_1214 = arith.constant 16 : index
    %swap3A_1215 = tpu.vector_load %arg9[%swap3A_1214] {strides = array<i32>} : memref<128xi32, #tpu.memory_space<vmem>>, vector<16xi32>,
    %swap3A_1216 = vector.shape_cast %swap3A_1215 : vector<16xi32> to vector<16xi32>
    %swap3A_1217 = vector.shape_cast %convert_element_type3A_1213 : vector<16xi32> to vector<16xi32>
    tpu.vector_store %arg9[%swap3A_1214], %swap3A_1217 {strides = array<i32>} : memref<128xi32, #tpu.memory_space<vmem>>, vector<16xi32>,
    %get3A_1218 = arith.constant 64 : index
    %get3A_1219 = tpu.vector_load %arg7[%get3A_1218] {strides = array<i32>} : memref<256xf32, #tpu.memory_space<vmem>>, vector<16xf32>,
    %get3A_1220 = vector.shape_cast %get3A_1219 : vector<16xf32> to vector<16xf32>
    %get3A_1221 = arith.constant 80 : index
    %get3A_1222 = tpu.vector_load %arg7[%get3A_1221] {strides = array<i32>} : memref<256xf32, #tpu.memory_space<vmem>>, vector<16xf32>,
    %get3A_1223 = vector.shape_cast %get3A_1222 : vector<16xf32> to vector<16xf32>
    %broadcast_in_dim3A_1224 = vector.shape_cast %select_n3A_93 : vector<16xi32> to vector<16x1xi32>
    %gather3A_1225 = vector.shape_cast %broadcast_in_dim3A_1224 : vector<16x1xi32> to vector<16xi32>
    %gather3A_1226 = tpu.dynamic_gather %get3A_1220[%gather3A_1225] in [0] : vector<16xf32>, vector<16xi32> -> vector<16xf32>
    %broadcast_in_dim3A_1227 = vector.shape_cast %select_n3A_93 : vector<16xi32> to vector<16x1xi32>
    %gather3A_1228 = vector.shape_cast %broadcast_in_dim3A_1227 : vector<16x1xi32> to vector<16xi32>
    %gather3A_1229 = tpu.dynamic_gather %get3A_1223[%gather3A_1228] in [0] : vector<16xf32>, vector<16xi32> -> vector<16xf32>
    %select_n3A_1230 = arith.select %lt3A_40, %gather3A_1226, %gather3A_1229 : vector<16xi1>, vector<16xf32>
    %broadcast_in_dim3A_1231 = vector.shape_cast %select_n3A_68 : vector<16xi32> to vector<16x1xi32>
    %gather3A_1232 = vector.shape_cast %broadcast_in_dim3A_1231 : vector<16x1xi32> to vector<16xi32>
    %gather3A_1233 = tpu.dynamic_gather %get3A_1220[%gather3A_1232] in [0] : vector<16xf32>, vector<16xi32> -> vector<16xf32>
    %broadcast_in_dim3A_1234 = vector.shape_cast %select_n3A_68 : vector<16xi32> to vector<16x1xi32>
    %gather3A_1235 = vector.shape_cast %broadcast_in_dim3A_1234 : vector<16x1xi32> to vector<16xi32>
    %gather3A_1236 = tpu.dynamic_gather %get3A_1223[%gather3A_1235] in [0] : vector<16xf32>, vector<16xi32> -> vector<16xf32>
    %select_n3A_1237 = arith.select %lt3A_40, %gather3A_1233, %gather3A_1236 : vector<16xi1>, vector<16xf32>
    %div3A_1238 = arith.constant 1.000000e+02 : f32
    %div3A_1239 = vector.broadcast %div3A_1238 : f32 to vector<16xf32>
    %div3A_1240 = arith.divf %select_n3A_1230, %div3A_1239 : vector<16xf32>
    %convert_element_type3A_1241 = arith.fptosi %div3A_1240 : vector<16xf32> to vector<16xi32>
    %swap3A_1242 = arith.constant 32 : index
    %swap3A_1243 = tpu.vector_load %arg8[%swap3A_1242] {strides = array<i32>} : memref<128xi32, #tpu.memory_space<vmem>>, vector<16xi32>,
    %swap3A_1244 = vector.shape_cast %swap3A_1243 : vector<16xi32> to vector<16xi32>
    %swap3A_1245 = vector.shape_cast %convert_element_type3A_1241 : vector<16xi32> to vector<16xi32>
    tpu.vector_store %arg8[%swap3A_1242], %swap3A_1245 {strides = array<i32>} : memref<128xi32, #tpu.memory_space<vmem>>, vector<16xi32>,
    %div3A_1246 = arith.constant 1.000000e+02 : f32
    %div3A_1247 = vector.broadcast %div3A_1246 : f32 to vector<16xf32>
    %div3A_1248 = arith.divf %select_n3A_1237, %div3A_1247 : vector<16xf32>
    %convert_element_type3A_1249 = arith.fptosi %div3A_1248 : vector<16xf32> to vector<16xi32>
    %swap3A_1250 = arith.constant 32 : index
    %swap3A_1251 = tpu.vector_load %arg9[%swap3A_1250] {strides = array<i32>} : memref<128xi32, #tpu.memory_space<vmem>>, vector<16xi32>,
    %swap3A_1252 = vector.shape_cast %swap3A_1251 : vector<16xi32> to vector<16xi32>
    %swap3A_1253 = vector.shape_cast %convert_element_type3A_1249 : vector<16xi32> to vector<16xi32>
    tpu.vector_store %arg9[%swap3A_1250], %swap3A_1253 {strides = array<i32>} : memref<128xi32, #tpu.memory_space<vmem>>, vector<16xi32>,
    %get3A_1254 = arith.constant 96 : index
    %get3A_1255 = tpu.vector_load %arg7[%get3A_1254] {strides = array<i32>} : memref<256xf32, #tpu.memory_space<vmem>>, vector<16xf32>,
    %get3A_1256 = vector.shape_cast %get3A_1255 : vector<16xf32> to vector<16xf32>
    %get3A_1257 = arith.constant 112 : index
    %get3A_1258 = tpu.vector_load %arg7[%get3A_1257] {strides = array<i32>} : memref<256xf32, #tpu.memory_space<vmem>>, vector<16xf32>,
    %get3A_1259 = vector.shape_cast %get3A_1258 : vector<16xf32> to vector<16xf32>
    %broadcast_in_dim3A_1260 = vector.shape_cast %select_n3A_93 : vector<16xi32> to vector<16x1xi32>
    %gather3A_1261 = vector.shape_cast %broadcast_in_dim3A_1260 : vector<16x1xi32> to vector<16xi32>
    %gather3A_1262 = tpu.dynamic_gather %get3A_1256[%gather3A_1261] in [0] : vector<16xf32>, vector<16xi32> -> vector<16xf32>
    %broadcast_in_dim3A_1263 = vector.shape_cast %select_n3A_93 : vector<16xi32> to vector<16x1xi32>
    %gather3A_1264 = vector.shape_cast %broadcast_in_dim3A_1263 : vector<16x1xi32> to vector<16xi32>
    %gather3A_1265 = tpu.dynamic_gather %get3A_1259[%gather3A_1264] in [0] : vector<16xf32>, vector<16xi32> -> vector<16xf32>
    %select_n3A_1266 = arith.select %lt3A_40, %gather3A_1262, %gather3A_1265 : vector<16xi1>, vector<16xf32>
    %broadcast_in_dim3A_1267 = vector.shape_cast %select_n3A_68 : vector<16xi32> to vector<16x1xi32>
    %gather3A_1268 = vector.shape_cast %broadcast_in_dim3A_1267 : vector<16x1xi32> to vector<16xi32>
    %gather3A_1269 = tpu.dynamic_gather %get3A_1256[%gather3A_1268] in [0] : vector<16xf32>, vector<16xi32> -> vector<16xf32>
    %broadcast_in_dim3A_1270 = vector.shape_cast %select_n3A_68 : vector<16xi32> to vector<16x1xi32>
    %gather3A_1271 = vector.shape_cast %broadcast_in_dim3A_1270 : vector<16x1xi32> to vector<16xi32>
    %gather3A_1272 = tpu.dynamic_gather %get3A_1259[%gather3A_1271] in [0] : vector<16xf32>, vector<16xi32> -> vector<16xf32>
    %select_n3A_1273 = arith.select %lt3A_40, %gather3A_1269, %gather3A_1272 : vector<16xi1>, vector<16xf32>
    %div3A_1274 = arith.constant 1.000000e+02 : f32
    %div3A_1275 = vector.broadcast %div3A_1274 : f32 to vector<16xf32>
    %div3A_1276 = arith.divf %select_n3A_1266, %div3A_1275 : vector<16xf32>
    %convert_element_type3A_1277 = arith.fptosi %div3A_1276 : vector<16xf32> to vector<16xi32>
    %swap3A_1278 = arith.constant 48 : index
    %swap3A_1279 = tpu.vector_load %arg8[%swap3A_1278] {strides = array<i32>} : memref<128xi32, #tpu.memory_space<vmem>>, vector<16xi32>,
    %swap3A_1280 = vector.shape_cast %swap3A_1279 : vector<16xi32> to vector<16xi32>
    %swap3A_1281 = vector.shape_cast %convert_element_type3A_1277 : vector<16xi32> to vector<16xi32>
    tpu.vector_store %arg8[%swap3A_1278], %swap3A_1281 {strides = array<i32>} : memref<128xi32, #tpu.memory_space<vmem>>, vector<16xi32>,
    %div3A_1282 = arith.constant 1.000000e+02 : f32
    %div3A_1283 = vector.broadcast %div3A_1282 : f32 to vector<16xf32>
    %div3A_1284 = arith.divf %select_n3A_1273, %div3A_1283 : vector<16xf32>
    %convert_element_type3A_1285 = arith.fptosi %div3A_1284 : vector<16xf32> to vector<16xi32>
    %swap3A_1286 = arith.constant 48 : index
    %swap3A_1287 = tpu.vector_load %arg9[%swap3A_1286] {strides = array<i32>} : memref<128xi32, #tpu.memory_space<vmem>>, vector<16xi32>,
    %swap3A_1288 = vector.shape_cast %swap3A_1287 : vector<16xi32> to vector<16xi32>
    %swap3A_1289 = vector.shape_cast %convert_element_type3A_1285 : vector<16xi32> to vector<16xi32>
    tpu.vector_store %arg9[%swap3A_1286], %swap3A_1289 {strides = array<i32>} : memref<128xi32, #tpu.memory_space<vmem>>, vector<16xi32>,
    %get3A_1290 = arith.constant 128 : index
    %get3A_1291 = tpu.vector_load %arg7[%get3A_1290] {strides = array<i32>} : memref<256xf32, #tpu.memory_space<vmem>>, vector<16xf32>,
    %get3A_1292 = vector.shape_cast %get3A_1291 : vector<16xf32> to vector<16xf32>
    %get3A_1293 = arith.constant 144 : index
    %get3A_1294 = tpu.vector_load %arg7[%get3A_1293] {strides = array<i32>} : memref<256xf32, #tpu.memory_space<vmem>>, vector<16xf32>,
    %get3A_1295 = vector.shape_cast %get3A_1294 : vector<16xf32> to vector<16xf32>
    %broadcast_in_dim3A_1296 = vector.shape_cast %select_n3A_93 : vector<16xi32> to vector<16x1xi32>
    %gather3A_1297 = vector.shape_cast %broadcast_in_dim3A_1296 : vector<16x1xi32> to vector<16xi32>
    %gather3A_1298 = tpu.dynamic_gather %get3A_1292[%gather3A_1297] in [0] : vector<16xf32>, vector<16xi32> -> vector<16xf32>
    %broadcast_in_dim3A_1299 = vector.shape_cast %select_n3A_93 : vector<16xi32> to vector<16x1xi32>
    %gather3A_1300 = vector.shape_cast %broadcast_in_dim3A_1299 : vector<16x1xi32> to vector<16xi32>
    %gather3A_1301 = tpu.dynamic_gather %get3A_1295[%gather3A_1300] in [0] : vector<16xf32>, vector<16xi32> -> vector<16xf32>
    %select_n3A_1302 = arith.select %lt3A_40, %gather3A_1298, %gather3A_1301 : vector<16xi1>, vector<16xf32>
    %broadcast_in_dim3A_1303 = vector.shape_cast %select_n3A_68 : vector<16xi32> to vector<16x1xi32>
    %gather3A_1304 = vector.shape_cast %broadcast_in_dim3A_1303 : vector<16x1xi32> to vector<16xi32>
    %gather3A_1305 = tpu.dynamic_gather %get3A_1292[%gather3A_1304] in [0] : vector<16xf32>, vector<16xi32> -> vector<16xf32>
    %broadcast_in_dim3A_1306 = vector.shape_cast %select_n3A_68 : vector<16xi32> to vector<16x1xi32>
    %gather3A_1307 = vector.shape_cast %broadcast_in_dim3A_1306 : vector<16x1xi32> to vector<16xi32>
    %gather3A_1308 = tpu.dynamic_gather %get3A_1295[%gather3A_1307] in [0] : vector<16xf32>, vector<16xi32> -> vector<16xf32>
    %select_n3A_1309 = arith.select %lt3A_40, %gather3A_1305, %gather3A_1308 : vector<16xi1>, vector<16xf32>
    %div3A_1310 = arith.constant 1.000000e+02 : f32
    %div3A_1311 = vector.broadcast %div3A_1310 : f32 to vector<16xf32>
    %div3A_1312 = arith.divf %select_n3A_1302, %div3A_1311 : vector<16xf32>
    %convert_element_type3A_1313 = arith.fptosi %div3A_1312 : vector<16xf32> to vector<16xi32>
    %swap3A_1314 = arith.constant 64 : index
    %swap3A_1315 = tpu.vector_load %arg8[%swap3A_1314] {strides = array<i32>} : memref<128xi32, #tpu.memory_space<vmem>>, vector<16xi32>,
    %swap3A_1316 = vector.shape_cast %swap3A_1315 : vector<16xi32> to vector<16xi32>
    %swap3A_1317 = vector.shape_cast %convert_element_type3A_1313 : vector<16xi32> to vector<16xi32>
    tpu.vector_store %arg8[%swap3A_1314], %swap3A_1317 {strides = array<i32>} : memref<128xi32, #tpu.memory_space<vmem>>, vector<16xi32>,
    %div3A_1318 = arith.constant 1.000000e+02 : f32
    %div3A_1319 = vector.broadcast %div3A_1318 : f32 to vector<16xf32>
    %div3A_1320 = arith.divf %select_n3A_1309, %div3A_1319 : vector<16xf32>
    %convert_element_type3A_1321 = arith.fptosi %div3A_1320 : vector<16xf32> to vector<16xi32>
    %swap3A_1322 = arith.constant 64 : index
    %swap3A_1323 = tpu.vector_load %arg9[%swap3A_1322] {strides = array<i32>} : memref<128xi32, #tpu.memory_space<vmem>>, vector<16xi32>,
    %swap3A_1324 = vector.shape_cast %swap3A_1323 : vector<16xi32> to vector<16xi32>
    %swap3A_1325 = vector.shape_cast %convert_element_type3A_1321 : vector<16xi32> to vector<16xi32>
    tpu.vector_store %arg9[%swap3A_1322], %swap3A_1325 {strides = array<i32>} : memref<128xi32, #tpu.memory_space<vmem>>, vector<16xi32>,
    %get3A_1326 = arith.constant 160 : index
    %get3A_1327 = tpu.vector_load %arg7[%get3A_1326] {strides = array<i32>} : memref<256xf32, #tpu.memory_space<vmem>>, vector<16xf32>,
    %get3A_1328 = vector.shape_cast %get3A_1327 : vector<16xf32> to vector<16xf32>
    %get3A_1329 = arith.constant 176 : index
    %get3A_1330 = tpu.vector_load %arg7[%get3A_1329] {strides = array<i32>} : memref<256xf32, #tpu.memory_space<vmem>>, vector<16xf32>,
    %get3A_1331 = vector.shape_cast %get3A_1330 : vector<16xf32> to vector<16xf32>
    %broadcast_in_dim3A_1332 = vector.shape_cast %select_n3A_93 : vector<16xi32> to vector<16x1xi32>
    %gather3A_1333 = vector.shape_cast %broadcast_in_dim3A_1332 : vector<16x1xi32> to vector<16xi32>
    %gather3A_1334 = tpu.dynamic_gather %get3A_1328[%gather3A_1333] in [0] : vector<16xf32>, vector<16xi32> -> vector<16xf32>
    %broadcast_in_dim3A_1335 = vector.shape_cast %select_n3A_93 : vector<16xi32> to vector<16x1xi32>
    %gather3A_1336 = vector.shape_cast %broadcast_in_dim3A_1335 : vector<16x1xi32> to vector<16xi32>
    %gather3A_1337 = tpu.dynamic_gather %get3A_1331[%gather3A_1336] in [0] : vector<16xf32>, vector<16xi32> -> vector<16xf32>
    %select_n3A_1338 = arith.select %lt3A_40, %gather3A_1334, %gather3A_1337 : vector<16xi1>, vector<16xf32>
    %broadcast_in_dim3A_1339 = vector.shape_cast %select_n3A_68 : vector<16xi32> to vector<16x1xi32>
    %gather3A_1340 = vector.shape_cast %broadcast_in_dim3A_1339 : vector<16x1xi32> to vector<16xi32>
    %gather3A_1341 = tpu.dynamic_gather %get3A_1328[%gather3A_1340] in [0] : vector<16xf32>, vector<16xi32> -> vector<16xf32>
    %broadcast_in_dim3A_1342 = vector.shape_cast %select_n3A_68 : vector<16xi32> to vector<16x1xi32>
    %gather3A_1343 = vector.shape_cast %broadcast_in_dim3A_1342 : vector<16x1xi32> to vector<16xi32>
    %gather3A_1344 = tpu.dynamic_gather %get3A_1331[%gather3A_1343] in [0] : vector<16xf32>, vector<16xi32> -> vector<16xf32>
    %select_n3A_1345 = arith.select %lt3A_40, %gather3A_1341, %gather3A_1344 : vector<16xi1>, vector<16xf32>
    %div3A_1346 = arith.constant 1.000000e+02 : f32
    %div3A_1347 = vector.broadcast %div3A_1346 : f32 to vector<16xf32>
    %div3A_1348 = arith.divf %select_n3A_1338, %div3A_1347 : vector<16xf32>
    %convert_element_type3A_1349 = arith.fptosi %div3A_1348 : vector<16xf32> to vector<16xi32>
    %swap3A_1350 = arith.constant 80 : index
    %swap3A_1351 = tpu.vector_load %arg8[%swap3A_1350] {strides = array<i32>} : memref<128xi32, #tpu.memory_space<vmem>>, vector<16xi32>,
    %swap3A_1352 = vector.shape_cast %swap3A_1351 : vector<16xi32> to vector<16xi32>
    %swap3A_1353 = vector.shape_cast %convert_element_type3A_1349 : vector<16xi32> to vector<16xi32>
    tpu.vector_store %arg8[%swap3A_1350], %swap3A_1353 {strides = array<i32>} : memref<128xi32, #tpu.memory_space<vmem>>, vector<16xi32>,
    %div3A_1354 = arith.constant 1.000000e+02 : f32
    %div3A_1355 = vector.broadcast %div3A_1354 : f32 to vector<16xf32>
    %div3A_1356 = arith.divf %select_n3A_1345, %div3A_1355 : vector<16xf32>
    %convert_element_type3A_1357 = arith.fptosi %div3A_1356 : vector<16xf32> to vector<16xi32>
    %swap3A_1358 = arith.constant 80 : index
    %swap3A_1359 = tpu.vector_load %arg9[%swap3A_1358] {strides = array<i32>} : memref<128xi32, #tpu.memory_space<vmem>>, vector<16xi32>,
    %swap3A_1360 = vector.shape_cast %swap3A_1359 : vector<16xi32> to vector<16xi32>
    %swap3A_1361 = vector.shape_cast %convert_element_type3A_1357 : vector<16xi32> to vector<16xi32>
    tpu.vector_store %arg9[%swap3A_1358], %swap3A_1361 {strides = array<i32>} : memref<128xi32, #tpu.memory_space<vmem>>, vector<16xi32>,
    %get3A_1362 = arith.constant 192 : index
    %get3A_1363 = tpu.vector_load %arg7[%get3A_1362] {strides = array<i32>} : memref<256xf32, #tpu.memory_space<vmem>>, vector<16xf32>,
    %get3A_1364 = vector.shape_cast %get3A_1363 : vector<16xf32> to vector<16xf32>
    %get3A_1365 = arith.constant 208 : index
    %get3A_1366 = tpu.vector_load %arg7[%get3A_1365] {strides = array<i32>} : memref<256xf32, #tpu.memory_space<vmem>>, vector<16xf32>,
    %get3A_1367 = vector.shape_cast %get3A_1366 : vector<16xf32> to vector<16xf32>
    %broadcast_in_dim3A_1368 = vector.shape_cast %select_n3A_93 : vector<16xi32> to vector<16x1xi32>
    %gather3A_1369 = vector.shape_cast %broadcast_in_dim3A_1368 : vector<16x1xi32> to vector<16xi32>
    %gather3A_1370 = tpu.dynamic_gather %get3A_1364[%gather3A_1369] in [0] : vector<16xf32>, vector<16xi32> -> vector<16xf32>
    %broadcast_in_dim3A_1371 = vector.shape_cast %select_n3A_93 : vector<16xi32> to vector<16x1xi32>
    %gather3A_1372 = vector.shape_cast %broadcast_in_dim3A_1371 : vector<16x1xi32> to vector<16xi32>
    %gather3A_1373 = tpu.dynamic_gather %get3A_1367[%gather3A_1372] in [0] : vector<16xf32>, vector<16xi32> -> vector<16xf32>
    %select_n3A_1374 = arith.select %lt3A_40, %gather3A_1370, %gather3A_1373 : vector<16xi1>, vector<16xf32>
    %broadcast_in_dim3A_1375 = vector.shape_cast %select_n3A_68 : vector<16xi32> to vector<16x1xi32>
    %gather3A_1376 = vector.shape_cast %broadcast_in_dim3A_1375 : vector<16x1xi32> to vector<16xi32>
    %gather3A_1377 = tpu.dynamic_gather %get3A_1364[%gather3A_1376] in [0] : vector<16xf32>, vector<16xi32> -> vector<16xf32>
    %broadcast_in_dim3A_1378 = vector.shape_cast %select_n3A_68 : vector<16xi32> to vector<16x1xi32>
    %gather3A_1379 = vector.shape_cast %broadcast_in_dim3A_1378 : vector<16x1xi32> to vector<16xi32>
    %gather3A_1380 = tpu.dynamic_gather %get3A_1367[%gather3A_1379] in [0] : vector<16xf32>, vector<16xi32> -> vector<16xf32>
    %select_n3A_1381 = arith.select %lt3A_40, %gather3A_1377, %gather3A_1380 : vector<16xi1>, vector<16xf32>
    %div3A_1382 = arith.constant 1.000000e+02 : f32
    %div3A_1383 = vector.broadcast %div3A_1382 : f32 to vector<16xf32>
    %div3A_1384 = arith.divf %select_n3A_1374, %div3A_1383 : vector<16xf32>
    %convert_element_type3A_1385 = arith.fptosi %div3A_1384 : vector<16xf32> to vector<16xi32>
    %swap3A_1386 = arith.constant 96 : index
    %swap3A_1387 = tpu.vector_load %arg8[%swap3A_1386] {strides = array<i32>} : memref<128xi32, #tpu.memory_space<vmem>>, vector<16xi32>,
    %swap3A_1388 = vector.shape_cast %swap3A_1387 : vector<16xi32> to vector<16xi32>
    %swap3A_1389 = vector.shape_cast %convert_element_type3A_1385 : vector<16xi32> to vector<16xi32>
    tpu.vector_store %arg8[%swap3A_1386], %swap3A_1389 {strides = array<i32>} : memref<128xi32, #tpu.memory_space<vmem>>, vector<16xi32>,
    %div3A_1390 = arith.constant 1.000000e+02 : f32
    %div3A_1391 = vector.broadcast %div3A_1390 : f32 to vector<16xf32>
    %div3A_1392 = arith.divf %select_n3A_1381, %div3A_1391 : vector<16xf32>
    %convert_element_type3A_1393 = arith.fptosi %div3A_1392 : vector<16xf32> to vector<16xi32>
    %swap3A_1394 = arith.constant 96 : index
    %swap3A_1395 = tpu.vector_load %arg9[%swap3A_1394] {strides = array<i32>} : memref<128xi32, #tpu.memory_space<vmem>>, vector<16xi32>,
    %swap3A_1396 = vector.shape_cast %swap3A_1395 : vector<16xi32> to vector<16xi32>
    %swap3A_1397 = vector.shape_cast %convert_element_type3A_1393 : vector<16xi32> to vector<16xi32>
    tpu.vector_store %arg9[%swap3A_1394], %swap3A_1397 {strides = array<i32>} : memref<128xi32, #tpu.memory_space<vmem>>, vector<16xi32>,
    %get3A_1398 = arith.constant 224 : index
    %get3A_1399 = tpu.vector_load %arg7[%get3A_1398] {strides = array<i32>} : memref<256xf32, #tpu.memory_space<vmem>>, vector<16xf32>,
    %get3A_1400 = vector.shape_cast %get3A_1399 : vector<16xf32> to vector<16xf32>
    %get3A_1401 = arith.constant 240 : index
    %get3A_1402 = tpu.vector_load %arg7[%get3A_1401] {strides = array<i32>} : memref<256xf32, #tpu.memory_space<vmem>>, vector<16xf32>,
    %get3A_1403 = vector.shape_cast %get3A_1402 : vector<16xf32> to vector<16xf32>
    %broadcast_in_dim3A_1404 = vector.shape_cast %select_n3A_93 : vector<16xi32> to vector<16x1xi32>
    %gather3A_1405 = vector.shape_cast %broadcast_in_dim3A_1404 : vector<16x1xi32> to vector<16xi32>
    %gather3A_1406 = tpu.dynamic_gather %get3A_1400[%gather3A_1405] in [0] : vector<16xf32>, vector<16xi32> -> vector<16xf32>
    %broadcast_in_dim3A_1407 = vector.shape_cast %select_n3A_93 : vector<16xi32> to vector<16x1xi32>
    %gather3A_1408 = vector.shape_cast %broadcast_in_dim3A_1407 : vector<16x1xi32> to vector<16xi32>
    %gather3A_1409 = tpu.dynamic_gather %get3A_1403[%gather3A_1408] in [0] : vector<16xf32>, vector<16xi32> -> vector<16xf32>
    %select_n3A_1410 = arith.select %lt3A_40, %gather3A_1406, %gather3A_1409 : vector<16xi1>, vector<16xf32>
    %broadcast_in_dim3A_1411 = vector.shape_cast %select_n3A_68 : vector<16xi32> to vector<16x1xi32>
    %gather3A_1412 = vector.shape_cast %broadcast_in_dim3A_1411 : vector<16x1xi32> to vector<16xi32>
    %gather3A_1413 = tpu.dynamic_gather %get3A_1400[%gather3A_1412] in [0] : vector<16xf32>, vector<16xi32> -> vector<16xf32>
    %broadcast_in_dim3A_1414 = vector.shape_cast %select_n3A_68 : vector<16xi32> to vector<16x1xi32>
    %gather3A_1415 = vector.shape_cast %broadcast_in_dim3A_1414 : vector<16x1xi32> to vector<16xi32>
    %gather3A_1416 = tpu.dynamic_gather %get3A_1403[%gather3A_1415] in [0] : vector<16xf32>, vector<16xi32> -> vector<16xf32>
    %select_n3A_1417 = arith.select %lt3A_40, %gather3A_1413, %gather3A_1416 : vector<16xi1>, vector<16xf32>
    %div3A_1418 = arith.constant 1.000000e+02 : f32
    %div3A_1419 = vector.broadcast %div3A_1418 : f32 to vector<16xf32>
    %div3A_1420 = arith.divf %select_n3A_1410, %div3A_1419 : vector<16xf32>
    %convert_element_type3A_1421 = arith.fptosi %div3A_1420 : vector<16xf32> to vector<16xi32>
    %swap3A_1422 = arith.constant 112 : index
    %swap3A_1423 = tpu.vector_load %arg8[%swap3A_1422] {strides = array<i32>} : memref<128xi32, #tpu.memory_space<vmem>>, vector<16xi32>,
    %swap3A_1424 = vector.shape_cast %swap3A_1423 : vector<16xi32> to vector<16xi32>
    %swap3A_1425 = vector.shape_cast %convert_element_type3A_1421 : vector<16xi32> to vector<16xi32>
    tpu.vector_store %arg8[%swap3A_1422], %swap3A_1425 {strides = array<i32>} : memref<128xi32, #tpu.memory_space<vmem>>, vector<16xi32>,
    %div3A_1426 = arith.constant 1.000000e+02 : f32
    %div3A_1427 = vector.broadcast %div3A_1426 : f32 to vector<16xf32>
    %div3A_1428 = arith.divf %select_n3A_1417, %div3A_1427 : vector<16xf32>
    %convert_element_type3A_1429 = arith.fptosi %div3A_1428 : vector<16xf32> to vector<16xi32>
    %swap3A_1430 = arith.constant 112 : index
    %swap3A_1431 = tpu.vector_load %arg9[%swap3A_1430] {strides = array<i32>} : memref<128xi32, #tpu.memory_space<vmem>>, vector<16xi32>,
    %swap3A_1432 = vector.shape_cast %swap3A_1431 : vector<16xi32> to vector<16xi32>
    %swap3A_1433 = vector.shape_cast %convert_element_type3A_1429 : vector<16xi32> to vector<16xi32>
    tpu.vector_store %arg9[%swap3A_1430], %swap3A_1433 {strides = array<i32>} : memref<128xi32, #tpu.memory_space<vmem>>, vector<16xi32>,
    %dma_start3A_1434 = arith.constant 0 : i32
    %dma_start3A_1435 = arith.constant 0 : i32
    %dma_start3A_1436 = tpu.memref_slice %arg6[%dma_start3A_1434, %dma_start3A_1435] : memref<384x128xf32, #tpu.memory_space<vmem_shared>> -> memref<384x128xf32, #tpu.memory_space<vmem_shared>>
    tpu.enqueue_indirect_dma source(%dma_start3A_1436 : memref<384x128xf32, #tpu.memory_space<vmem_shared>>) target(%arg10 : memref<128x128xf32, #tpu.memory_space<vmem>>) offsets(%arg9 : memref<128xi32, #tpu.memory_space<vmem>>) semaphore(%arg14 : memref<!tpu.dma_semaphore, #tpu.memory_space<semaphore_mem>>) {add = true}
    %dma_start3A_1437 = arith.constant 0 : i32
    %dma_start3A_1438 = arith.constant 0 : i32
    %dma_start3A_1439 = tpu.memref_slice %arg6[%dma_start3A_1437, %dma_start3A_1438] : memref<384x128xf32, #tpu.memory_space<vmem_shared>> -> memref<384x128xf32, #tpu.memory_space<vmem_shared>>
    tpu.enqueue_indirect_dma source(%dma_start3A_1439 : memref<384x128xf32, #tpu.memory_space<vmem_shared>>) target(%arg11 : memref<128x128xf32, #tpu.memory_space<vmem>>) offsets(%arg8 : memref<128xi32, #tpu.memory_space<vmem>>) semaphore(%arg14 : memref<!tpu.dma_semaphore, #tpu.memory_space<semaphore_mem>>) {add = true}
    %dma_wait3A_1440 = arith.constant 0 : i32
    %dma_wait3A_1441 = arith.constant 0 : i32
    %dma_wait3A_1442 = tpu.memref_slice %arg6[%dma_wait3A_1440, %dma_wait3A_1441] : memref<384x128xf32, #tpu.memory_space<vmem_shared>> -> memref<384x128xf32, #tpu.memory_space<vmem_shared>>
    tpu.wait_indirect_dma semaphore(%arg32 : memref<!tpu.dma_semaphore, #tpu.memory_space<semaphore_mem>>) src(%dma_wait3A_1442 : memref<384x128xf32, #tpu.memory_space<vmem_shared>>) dst(%arg28 : memref<128x128xf32, #tpu.memory_space<vmem>>)
    %dma_wait3A_1443 = arith.constant 0 : i32
    %dma_wait3A_1444 = arith.constant 0 : i32
    %dma_wait3A_1445 = tpu.memref_slice %arg6[%dma_wait3A_1443, %dma_wait3A_1444] : memref<384x128xf32, #tpu.memory_space<vmem_shared>> -> memref<384x128xf32, #tpu.memory_space<vmem_shared>>
    tpu.wait_indirect_dma semaphore(%arg32 : memref<!tpu.dma_semaphore, #tpu.memory_space<semaphore_mem>>) src(%dma_wait3A_1445 : memref<384x128xf32, #tpu.memory_space<vmem_shared>>) dst(%arg29 : memref<128x128xf32, #tpu.memory_space<vmem>>)
    %add3A_1446 = arith.constant 256 : i32
    %add3A_1447 = arith.addi %mul3A_2, %add3A_1446 : i32
    %dma_start3A_1448 = arith.constant 0 : i32
    %dma_start3A_1449 = tpu.memref_slice %arg5[%add3A_1447, %dma_start3A_1448] : memref<32768x256xf32, #tpu.memory_space<hbm>> -> memref<128x128xf32, #tpu.memory_space<hbm>>
    %dma_start3A_1450 = arith.constant 0 : i32
    %dma_start3A_1451 = tpu.memref_slice %arg5[%add3A_1447, %dma_start3A_1450] : memref<32768x256xf32, #tpu.memory_space<hbm>> -> memref<128x128xf32, #tpu.memory_space<hbm>>
    tpu.enqueue_dma source(%arg28 : memref<128x128xf32, #tpu.memory_space<vmem>>) target(%dma_start3A_1451 : memref<128x128xf32, #tpu.memory_space<hbm>>) target_semaphore(%arg33 : memref<!tpu.dma_semaphore, #tpu.memory_space<semaphore_mem>>)
    %dma_start3A_1452 = arith.constant 128 : i32
    %dma_start3A_1453 = tpu.memref_slice %arg5[%add3A_1447, %dma_start3A_1452] : memref<32768x256xf32, #tpu.memory_space<hbm>> -> memref<128x128xf32, #tpu.memory_space<hbm>>
    %dma_start3A_1454 = arith.constant 128 : i32
    %dma_start3A_1455 = tpu.memref_slice %arg5[%add3A_1447, %dma_start3A_1454] : memref<32768x256xf32, #tpu.memory_space<hbm>> -> memref<128x128xf32, #tpu.memory_space<hbm>>
    tpu.enqueue_dma source(%arg29 : memref<128x128xf32, #tpu.memory_space<vmem>>) target(%dma_start3A_1455 : memref<128x128xf32, #tpu.memory_space<hbm>>) target_semaphore(%arg33 : memref<!tpu.dma_semaphore, #tpu.memory_space<semaphore_mem>>)
    %dma_wait3A_1456 = arith.constant 0 : i32
    %dma_wait3A_1457 = tpu.memref_slice %arg5[%add3A_1447, %dma_wait3A_1456] : memref<32768x256xf32, #tpu.memory_space<hbm>> -> memref<128x128xf32, #tpu.memory_space<hbm>>
    %dma_wait3A_1458 = arith.constant 0 : i32
    %dma_wait3A_1459 = tpu.memref_slice %arg5[%add3A_1447, %dma_wait3A_1458] : memref<32768x256xf32, #tpu.memory_space<hbm>> -> memref<128x128xf32, #tpu.memory_space<hbm>>
    tpu.wait_dma2 semaphore(%arg33 : memref<!tpu.dma_semaphore, #tpu.memory_space<semaphore_mem>>) src(%arg28 : memref<128x128xf32, #tpu.memory_space<vmem>>) dst(%dma_wait3A_1459 : memref<128x128xf32, #tpu.memory_space<hbm>>)
    %dma_wait3A_1460 = arith.constant 128 : i32
    %dma_wait3A_1461 = tpu.memref_slice %arg5[%add3A_1447, %dma_wait3A_1460] : memref<32768x256xf32, #tpu.memory_space<hbm>> -> memref<128x128xf32, #tpu.memory_space<hbm>>
    %dma_wait3A_1462 = arith.constant 128 : i32
    %dma_wait3A_1463 = tpu.memref_slice %arg5[%add3A_1447, %dma_wait3A_1462] : memref<32768x256xf32, #tpu.memory_space<hbm>> -> memref<128x128xf32, #tpu.memory_space<hbm>>
    tpu.wait_dma2 semaphore(%arg33 : memref<!tpu.dma_semaphore, #tpu.memory_space<semaphore_mem>>) src(%arg29 : memref<128x128xf32, #tpu.memory_space<vmem>>) dst(%dma_wait3A_1463 : memref<128x128xf32, #tpu.memory_space<hbm>>)
    %add3A_1464 = arith.constant 640 : i32
    %add3A_1465 = arith.addi %mul3A_2, %add3A_1464 : i32
    %dma_start3A_1466 = arith.constant 0 : i32
    %dma_start3A_1467 = tpu.memref_slice %arg2[%add3A_1465, %dma_start3A_1466] : memref<32768x256xf32, #tpu.memory_space<hbm>> -> memref<128x128xf32, #tpu.memory_space<hbm>>
    %dma_start3A_1468 = arith.constant 0 : i32
    %dma_start3A_1469 = tpu.memref_slice %arg2[%add3A_1465, %dma_start3A_1468] : memref<32768x256xf32, #tpu.memory_space<hbm>> -> memref<128x128xf32, #tpu.memory_space<hbm>>
    tpu.enqueue_dma source(%dma_start3A_1469 : memref<128x128xf32, #tpu.memory_space<hbm>>) target(%arg28 : memref<128x128xf32, #tpu.memory_space<vmem>>) target_semaphore(%arg30 : memref<!tpu.dma_semaphore, #tpu.memory_space<semaphore_mem>>)
    %dma_start3A_1470 = arith.constant 128 : i32
    %dma_start3A_1471 = tpu.memref_slice %arg2[%add3A_1465, %dma_start3A_1470] : memref<32768x256xf32, #tpu.memory_space<hbm>> -> memref<128x128xf32, #tpu.memory_space<hbm>>
    %dma_start3A_1472 = arith.constant 128 : i32
    %dma_start3A_1473 = tpu.memref_slice %arg2[%add3A_1465, %dma_start3A_1472] : memref<32768x256xf32, #tpu.memory_space<hbm>> -> memref<128x128xf32, #tpu.memory_space<hbm>>
    tpu.enqueue_dma source(%dma_start3A_1473 : memref<128x128xf32, #tpu.memory_space<hbm>>) target(%arg29 : memref<128x128xf32, #tpu.memory_space<vmem>>) target_semaphore(%arg30 : memref<!tpu.dma_semaphore, #tpu.memory_space<semaphore_mem>>)
    %add3A_1474 = arith.constant 1280 : i32
    %add3A_1475 = arith.addi %mul3A_34, %add3A_1474 : i32
    %dma_start3A_1476 = tpu.memref_slice %arg3[%select_n3A, %add3A_1475] : memref<16x4096xf32, #tpu.memory_space<hbm>> -> memref<1x256xf32, #tpu.memory_space<hbm>>
    %dma_start3A_1477 = tpu.memref_squeeze %dma_start3A_1476 : memref<1x256xf32, #tpu.memory_space<hbm>> -> memref<256xf32, #tpu.memory_space<hbm>>
    %dma_start3A_1478 = tpu.memref_slice %arg3[%select_n3A, %add3A_1475] : memref<16x4096xf32, #tpu.memory_space<hbm>> -> memref<1x256xf32, #tpu.memory_space<hbm>>
    %dma_start3A_1479 = tpu.memref_squeeze %dma_start3A_1478 : memref<1x256xf32, #tpu.memory_space<hbm>> -> memref<256xf32, #tpu.memory_space<hbm>>
    tpu.enqueue_dma source(%dma_start3A_1479 : memref<256xf32, #tpu.memory_space<hbm>>) target(%arg25 : memref<256xf32, #tpu.memory_space<vmem>>) target_semaphore(%arg31 : memref<!tpu.dma_semaphore, #tpu.memory_space<semaphore_mem>>)
    %dma_wait3A_1480 = arith.constant 0 : i32
    %dma_wait3A_1481 = tpu.memref_slice %arg2[%add3A_1119, %dma_wait3A_1480] : memref<32768x256xf32, #tpu.memory_space<hbm>> -> memref<128x128xf32, #tpu.memory_space<hbm>>
    %dma_wait3A_1482 = arith.constant 0 : i32
    %dma_wait3A_1483 = tpu.memref_slice %arg2[%add3A_1119, %dma_wait3A_1482] : memref<32768x256xf32, #tpu.memory_space<hbm>> -> memref<128x128xf32, #tpu.memory_space<hbm>>
    tpu.wait_dma2 semaphore(%arg21 : memref<!tpu.dma_semaphore, #tpu.memory_space<semaphore_mem>>) src(%dma_wait3A_1483 : memref<128x128xf32, #tpu.memory_space<hbm>>) dst(%arg19 : memref<128x128xf32, #tpu.memory_space<vmem>>)
    %dma_wait3A_1484 = arith.constant 128 : i32
    %dma_wait3A_1485 = tpu.memref_slice %arg2[%add3A_1119, %dma_wait3A_1484] : memref<32768x256xf32, #tpu.memory_space<hbm>> -> memref<128x128xf32, #tpu.memory_space<hbm>>
    %dma_wait3A_1486 = arith.constant 128 : i32
    %dma_wait3A_1487 = tpu.memref_slice %arg2[%add3A_1119, %dma_wait3A_1486] : memref<32768x256xf32, #tpu.memory_space<hbm>> -> memref<128x128xf32, #tpu.memory_space<hbm>>
    tpu.wait_dma2 semaphore(%arg21 : memref<!tpu.dma_semaphore, #tpu.memory_space<semaphore_mem>>) src(%dma_wait3A_1487 : memref<128x128xf32, #tpu.memory_space<hbm>>) dst(%arg20 : memref<128x128xf32, #tpu.memory_space<vmem>>)
    %dma_wait3A_1488 = tpu.memref_slice %arg3[%select_n3A, %add3A_1129] : memref<16x4096xf32, #tpu.memory_space<hbm>> -> memref<1x256xf32, #tpu.memory_space<hbm>>
    %dma_wait3A_1489 = tpu.memref_squeeze %dma_wait3A_1488 : memref<1x256xf32, #tpu.memory_space<hbm>> -> memref<256xf32, #tpu.memory_space<hbm>>
    %dma_wait3A_1490 = tpu.memref_slice %arg3[%select_n3A, %add3A_1129] : memref<16x4096xf32, #tpu.memory_space<hbm>> -> memref<1x256xf32, #tpu.memory_space<hbm>>
    %dma_wait3A_1491 = tpu.memref_squeeze %dma_wait3A_1490 : memref<1x256xf32, #tpu.memory_space<hbm>> -> memref<256xf32, #tpu.memory_space<hbm>>
    tpu.wait_dma2 semaphore(%arg22 : memref<!tpu.dma_semaphore, #tpu.memory_space<semaphore_mem>>) src(%dma_wait3A_1491 : memref<256xf32, #tpu.memory_space<hbm>>) dst(%arg16 : memref<256xf32, #tpu.memory_space<vmem>>)
    %get3A_1492 = arith.constant 0 : index
    %get3A_1493 = tpu.vector_load %arg16[%get3A_1492] {strides = array<i32>} : memref<256xf32, #tpu.memory_space<vmem>>, vector<16xf32>,
    %get3A_1494 = vector.shape_cast %get3A_1493 : vector<16xf32> to vector<16xf32>
    %get3A_1495 = arith.constant 16 : index
    %get3A_1496 = tpu.vector_load %arg16[%get3A_1495] {strides = array<i32>} : memref<256xf32, #tpu.memory_space<vmem>>, vector<16xf32>,
    %get3A_1497 = vector.shape_cast %get3A_1496 : vector<16xf32> to vector<16xf32>
    %broadcast_in_dim3A_1498 = vector.shape_cast %select_n3A_93 : vector<16xi32> to vector<16x1xi32>
    %gather3A_1499 = vector.shape_cast %broadcast_in_dim3A_1498 : vector<16x1xi32> to vector<16xi32>
    %gather3A_1500 = tpu.dynamic_gather %get3A_1494[%gather3A_1499] in [0] : vector<16xf32>, vector<16xi32> -> vector<16xf32>
    %broadcast_in_dim3A_1501 = vector.shape_cast %select_n3A_93 : vector<16xi32> to vector<16x1xi32>
    %gather3A_1502 = vector.shape_cast %broadcast_in_dim3A_1501 : vector<16x1xi32> to vector<16xi32>
    %gather3A_1503 = tpu.dynamic_gather %get3A_1497[%gather3A_1502] in [0] : vector<16xf32>, vector<16xi32> -> vector<16xf32>
    %select_n3A_1504 = arith.select %lt3A_40, %gather3A_1500, %gather3A_1503 : vector<16xi1>, vector<16xf32>
    %broadcast_in_dim3A_1505 = vector.shape_cast %select_n3A_68 : vector<16xi32> to vector<16x1xi32>
    %gather3A_1506 = vector.shape_cast %broadcast_in_dim3A_1505 : vector<16x1xi32> to vector<16xi32>
    %gather3A_1507 = tpu.dynamic_gather %get3A_1494[%gather3A_1506] in [0] : vector<16xf32>, vector<16xi32> -> vector<16xf32>
    %broadcast_in_dim3A_1508 = vector.shape_cast %select_n3A_68 : vector<16xi32> to vector<16x1xi32>
    %gather3A_1509 = vector.shape_cast %broadcast_in_dim3A_1508 : vector<16x1xi32> to vector<16xi32>
    %gather3A_1510 = tpu.dynamic_gather %get3A_1497[%gather3A_1509] in [0] : vector<16xf32>, vector<16xi32> -> vector<16xf32>
    %select_n3A_1511 = arith.select %lt3A_40, %gather3A_1507, %gather3A_1510 : vector<16xi1>, vector<16xf32>
    %div3A_1512 = arith.constant 1.000000e+02 : f32
    %div3A_1513 = vector.broadcast %div3A_1512 : f32 to vector<16xf32>
    %div3A_1514 = arith.divf %select_n3A_1504, %div3A_1513 : vector<16xf32>
    %convert_element_type3A_1515 = arith.fptosi %div3A_1514 : vector<16xf32> to vector<16xi32>
    %swap3A_1516 = arith.constant 0 : index
    %swap3A_1517 = tpu.vector_load %arg17[%swap3A_1516] {strides = array<i32>} : memref<128xi32, #tpu.memory_space<vmem>>, vector<16xi32>,
    %swap3A_1518 = vector.shape_cast %swap3A_1517 : vector<16xi32> to vector<16xi32>
    %swap3A_1519 = vector.shape_cast %convert_element_type3A_1515 : vector<16xi32> to vector<16xi32>
    tpu.vector_store %arg17[%swap3A_1516], %swap3A_1519 {strides = array<i32>} : memref<128xi32, #tpu.memory_space<vmem>>, vector<16xi32>,
    %div3A_1520 = arith.constant 1.000000e+02 : f32
    %div3A_1521 = vector.broadcast %div3A_1520 : f32 to vector<16xf32>
    %div3A_1522 = arith.divf %select_n3A_1511, %div3A_1521 : vector<16xf32>
    %convert_element_type3A_1523 = arith.fptosi %div3A_1522 : vector<16xf32> to vector<16xi32>
    %swap3A_1524 = arith.constant 0 : index
    %swap3A_1525 = tpu.vector_load %arg18[%swap3A_1524] {strides = array<i32>} : memref<128xi32, #tpu.memory_space<vmem>>, vector<16xi32>,
    %swap3A_1526 = vector.shape_cast %swap3A_1525 : vector<16xi32> to vector<16xi32>
    %swap3A_1527 = vector.shape_cast %convert_element_type3A_1523 : vector<16xi32> to vector<16xi32>
    tpu.vector_store %arg18[%swap3A_1524], %swap3A_1527 {strides = array<i32>} : memref<128xi32, #tpu.memory_space<vmem>>, vector<16xi32>,
    %get3A_1528 = arith.constant 32 : index
    %get3A_1529 = tpu.vector_load %arg16[%get3A_1528] {strides = array<i32>} : memref<256xf32, #tpu.memory_space<vmem>>, vector<16xf32>,
    %get3A_1530 = vector.shape_cast %get3A_1529 : vector<16xf32> to vector<16xf32>
    %get3A_1531 = arith.constant 48 : index
    %get3A_1532 = tpu.vector_load %arg16[%get3A_1531] {strides = array<i32>} : memref<256xf32, #tpu.memory_space<vmem>>, vector<16xf32>,
    %get3A_1533 = vector.shape_cast %get3A_1532 : vector<16xf32> to vector<16xf32>
    %broadcast_in_dim3A_1534 = vector.shape_cast %select_n3A_93 : vector<16xi32> to vector<16x1xi32>
    %gather3A_1535 = vector.shape_cast %broadcast_in_dim3A_1534 : vector<16x1xi32> to vector<16xi32>
    %gather3A_1536 = tpu.dynamic_gather %get3A_1530[%gather3A_1535] in [0] : vector<16xf32>, vector<16xi32> -> vector<16xf32>
    %broadcast_in_dim3A_1537 = vector.shape_cast %select_n3A_93 : vector<16xi32> to vector<16x1xi32>
    %gather3A_1538 = vector.shape_cast %broadcast_in_dim3A_1537 : vector<16x1xi32> to vector<16xi32>
    %gather3A_1539 = tpu.dynamic_gather %get3A_1533[%gather3A_1538] in [0] : vector<16xf32>, vector<16xi32> -> vector<16xf32>
    %select_n3A_1540 = arith.select %lt3A_40, %gather3A_1536, %gather3A_1539 : vector<16xi1>, vector<16xf32>
    %broadcast_in_dim3A_1541 = vector.shape_cast %select_n3A_68 : vector<16xi32> to vector<16x1xi32>
    %gather3A_1542 = vector.shape_cast %broadcast_in_dim3A_1541 : vector<16x1xi32> to vector<16xi32>
    %gather3A_1543 = tpu.dynamic_gather %get3A_1530[%gather3A_1542] in [0] : vector<16xf32>, vector<16xi32> -> vector<16xf32>
    %broadcast_in_dim3A_1544 = vector.shape_cast %select_n3A_68 : vector<16xi32> to vector<16x1xi32>
    %gather3A_1545 = vector.shape_cast %broadcast_in_dim3A_1544 : vector<16x1xi32> to vector<16xi32>
    %gather3A_1546 = tpu.dynamic_gather %get3A_1533[%gather3A_1545] in [0] : vector<16xf32>, vector<16xi32> -> vector<16xf32>
    %select_n3A_1547 = arith.select %lt3A_40, %gather3A_1543, %gather3A_1546 : vector<16xi1>, vector<16xf32>
    %div3A_1548 = arith.constant 1.000000e+02 : f32
    %div3A_1549 = vector.broadcast %div3A_1548 : f32 to vector<16xf32>
    %div3A_1550 = arith.divf %select_n3A_1540, %div3A_1549 : vector<16xf32>
    %convert_element_type3A_1551 = arith.fptosi %div3A_1550 : vector<16xf32> to vector<16xi32>
    %swap3A_1552 = arith.constant 16 : index
    %swap3A_1553 = tpu.vector_load %arg17[%swap3A_1552] {strides = array<i32>} : memref<128xi32, #tpu.memory_space<vmem>>, vector<16xi32>,
    %swap3A_1554 = vector.shape_cast %swap3A_1553 : vector<16xi32> to vector<16xi32>
    %swap3A_1555 = vector.shape_cast %convert_element_type3A_1551 : vector<16xi32> to vector<16xi32>
    tpu.vector_store %arg17[%swap3A_1552], %swap3A_1555 {strides = array<i32>} : memref<128xi32, #tpu.memory_space<vmem>>, vector<16xi32>,
    %div3A_1556 = arith.constant 1.000000e+02 : f32
    %div3A_1557 = vector.broadcast %div3A_1556 : f32 to vector<16xf32>
    %div3A_1558 = arith.divf %select_n3A_1547, %div3A_1557 : vector<16xf32>
    %convert_element_type3A_1559 = arith.fptosi %div3A_1558 : vector<16xf32> to vector<16xi32>
    %swap3A_1560 = arith.constant 16 : index
    %swap3A_1561 = tpu.vector_load %arg18[%swap3A_1560] {strides = array<i32>} : memref<128xi32, #tpu.memory_space<vmem>>, vector<16xi32>,
    %swap3A_1562 = vector.shape_cast %swap3A_1561 : vector<16xi32> to vector<16xi32>
    %swap3A_1563 = vector.shape_cast %convert_element_type3A_1559 : vector<16xi32> to vector<16xi32>
    tpu.vector_store %arg18[%swap3A_1560], %swap3A_1563 {strides = array<i32>} : memref<128xi32, #tpu.memory_space<vmem>>, vector<16xi32>,
    %get3A_1564 = arith.constant 64 : index
    %get3A_1565 = tpu.vector_load %arg16[%get3A_1564] {strides = array<i32>} : memref<256xf32, #tpu.memory_space<vmem>>, vector<16xf32>,
    %get3A_1566 = vector.shape_cast %get3A_1565 : vector<16xf32> to vector<16xf32>
    %get3A_1567 = arith.constant 80 : index
    %get3A_1568 = tpu.vector_load %arg16[%get3A_1567] {strides = array<i32>} : memref<256xf32, #tpu.memory_space<vmem>>, vector<16xf32>,
    %get3A_1569 = vector.shape_cast %get3A_1568 : vector<16xf32> to vector<16xf32>
    %broadcast_in_dim3A_1570 = vector.shape_cast %select_n3A_93 : vector<16xi32> to vector<16x1xi32>
    %gather3A_1571 = vector.shape_cast %broadcast_in_dim3A_1570 : vector<16x1xi32> to vector<16xi32>
    %gather3A_1572 = tpu.dynamic_gather %get3A_1566[%gather3A_1571] in [0] : vector<16xf32>, vector<16xi32> -> vector<16xf32>
    %broadcast_in_dim3A_1573 = vector.shape_cast %select_n3A_93 : vector<16xi32> to vector<16x1xi32>
    %gather3A_1574 = vector.shape_cast %broadcast_in_dim3A_1573 : vector<16x1xi32> to vector<16xi32>
    %gather3A_1575 = tpu.dynamic_gather %get3A_1569[%gather3A_1574] in [0] : vector<16xf32>, vector<16xi32> -> vector<16xf32>
    %select_n3A_1576 = arith.select %lt3A_40, %gather3A_1572, %gather3A_1575 : vector<16xi1>, vector<16xf32>
    %broadcast_in_dim3A_1577 = vector.shape_cast %select_n3A_68 : vector<16xi32> to vector<16x1xi32>
    %gather3A_1578 = vector.shape_cast %broadcast_in_dim3A_1577 : vector<16x1xi32> to vector<16xi32>
    %gather3A_1579 = tpu.dynamic_gather %get3A_1566[%gather3A_1578] in [0] : vector<16xf32>, vector<16xi32> -> vector<16xf32>
    %broadcast_in_dim3A_1580 = vector.shape_cast %select_n3A_68 : vector<16xi32> to vector<16x1xi32>
    %gather3A_1581 = vector.shape_cast %broadcast_in_dim3A_1580 : vector<16x1xi32> to vector<16xi32>
    %gather3A_1582 = tpu.dynamic_gather %get3A_1569[%gather3A_1581] in [0] : vector<16xf32>, vector<16xi32> -> vector<16xf32>
    %select_n3A_1583 = arith.select %lt3A_40, %gather3A_1579, %gather3A_1582 : vector<16xi1>, vector<16xf32>
    %div3A_1584 = arith.constant 1.000000e+02 : f32
    %div3A_1585 = vector.broadcast %div3A_1584 : f32 to vector<16xf32>
    %div3A_1586 = arith.divf %select_n3A_1576, %div3A_1585 : vector<16xf32>
    %convert_element_type3A_1587 = arith.fptosi %div3A_1586 : vector<16xf32> to vector<16xi32>
    %swap3A_1588 = arith.constant 32 : index
    %swap3A_1589 = tpu.vector_load %arg17[%swap3A_1588] {strides = array<i32>} : memref<128xi32, #tpu.memory_space<vmem>>, vector<16xi32>,
    %swap3A_1590 = vector.shape_cast %swap3A_1589 : vector<16xi32> to vector<16xi32>
    %swap3A_1591 = vector.shape_cast %convert_element_type3A_1587 : vector<16xi32> to vector<16xi32>
    tpu.vector_store %arg17[%swap3A_1588], %swap3A_1591 {strides = array<i32>} : memref<128xi32, #tpu.memory_space<vmem>>, vector<16xi32>,
    %div3A_1592 = arith.constant 1.000000e+02 : f32
    %div3A_1593 = vector.broadcast %div3A_1592 : f32 to vector<16xf32>
    %div3A_1594 = arith.divf %select_n3A_1583, %div3A_1593 : vector<16xf32>
    %convert_element_type3A_1595 = arith.fptosi %div3A_1594 : vector<16xf32> to vector<16xi32>
    %swap3A_1596 = arith.constant 32 : index
    %swap3A_1597 = tpu.vector_load %arg18[%swap3A_1596] {strides = array<i32>} : memref<128xi32, #tpu.memory_space<vmem>>, vector<16xi32>,
    %swap3A_1598 = vector.shape_cast %swap3A_1597 : vector<16xi32> to vector<16xi32>
    %swap3A_1599 = vector.shape_cast %convert_element_type3A_1595 : vector<16xi32> to vector<16xi32>
    tpu.vector_store %arg18[%swap3A_1596], %swap3A_1599 {strides = array<i32>} : memref<128xi32, #tpu.memory_space<vmem>>, vector<16xi32>,
    %get3A_1600 = arith.constant 96 : index
    %get3A_1601 = tpu.vector_load %arg16[%get3A_1600] {strides = array<i32>} : memref<256xf32, #tpu.memory_space<vmem>>, vector<16xf32>,
    %get3A_1602 = vector.shape_cast %get3A_1601 : vector<16xf32> to vector<16xf32>
    %get3A_1603 = arith.constant 112 : index
    %get3A_1604 = tpu.vector_load %arg16[%get3A_1603] {strides = array<i32>} : memref<256xf32, #tpu.memory_space<vmem>>, vector<16xf32>,
    %get3A_1605 = vector.shape_cast %get3A_1604 : vector<16xf32> to vector<16xf32>
    %broadcast_in_dim3A_1606 = vector.shape_cast %select_n3A_93 : vector<16xi32> to vector<16x1xi32>
    %gather3A_1607 = vector.shape_cast %broadcast_in_dim3A_1606 : vector<16x1xi32> to vector<16xi32>
    %gather3A_1608 = tpu.dynamic_gather %get3A_1602[%gather3A_1607] in [0] : vector<16xf32>, vector<16xi32> -> vector<16xf32>
    %broadcast_in_dim3A_1609 = vector.shape_cast %select_n3A_93 : vector<16xi32> to vector<16x1xi32>
    %gather3A_1610 = vector.shape_cast %broadcast_in_dim3A_1609 : vector<16x1xi32> to vector<16xi32>
    %gather3A_1611 = tpu.dynamic_gather %get3A_1605[%gather3A_1610] in [0] : vector<16xf32>, vector<16xi32> -> vector<16xf32>
    %select_n3A_1612 = arith.select %lt3A_40, %gather3A_1608, %gather3A_1611 : vector<16xi1>, vector<16xf32>
    %broadcast_in_dim3A_1613 = vector.shape_cast %select_n3A_68 : vector<16xi32> to vector<16x1xi32>
    %gather3A_1614 = vector.shape_cast %broadcast_in_dim3A_1613 : vector<16x1xi32> to vector<16xi32>
    %gather3A_1615 = tpu.dynamic_gather %get3A_1602[%gather3A_1614] in [0] : vector<16xf32>, vector<16xi32> -> vector<16xf32>
    %broadcast_in_dim3A_1616 = vector.shape_cast %select_n3A_68 : vector<16xi32> to vector<16x1xi32>
    %gather3A_1617 = vector.shape_cast %broadcast_in_dim3A_1616 : vector<16x1xi32> to vector<16xi32>
    %gather3A_1618 = tpu.dynamic_gather %get3A_1605[%gather3A_1617] in [0] : vector<16xf32>, vector<16xi32> -> vector<16xf32>
    %select_n3A_1619 = arith.select %lt3A_40, %gather3A_1615, %gather3A_1618 : vector<16xi1>, vector<16xf32>
    %div3A_1620 = arith.constant 1.000000e+02 : f32
    %div3A_1621 = vector.broadcast %div3A_1620 : f32 to vector<16xf32>
    %div3A_1622 = arith.divf %select_n3A_1612, %div3A_1621 : vector<16xf32>
    %convert_element_type3A_1623 = arith.fptosi %div3A_1622 : vector<16xf32> to vector<16xi32>
    %swap3A_1624 = arith.constant 48 : index
    %swap3A_1625 = tpu.vector_load %arg17[%swap3A_1624] {strides = array<i32>} : memref<128xi32, #tpu.memory_space<vmem>>, vector<16xi32>,
    %swap3A_1626 = vector.shape_cast %swap3A_1625 : vector<16xi32> to vector<16xi32>
    %swap3A_1627 = vector.shape_cast %convert_element_type3A_1623 : vector<16xi32> to vector<16xi32>
    tpu.vector_store %arg17[%swap3A_1624], %swap3A_1627 {strides = array<i32>} : memref<128xi32, #tpu.memory_space<vmem>>, vector<16xi32>,
    %div3A_1628 = arith.constant 1.000000e+02 : f32
    %div3A_1629 = vector.broadcast %div3A_1628 : f32 to vector<16xf32>
    %div3A_1630 = arith.divf %select_n3A_1619, %div3A_1629 : vector<16xf32>
    %convert_element_type3A_1631 = arith.fptosi %div3A_1630 : vector<16xf32> to vector<16xi32>
    %swap3A_1632 = arith.constant 48 : index
    %swap3A_1633 = tpu.vector_load %arg18[%swap3A_1632] {strides = array<i32>} : memref<128xi32, #tpu.memory_space<vmem>>, vector<16xi32>,
    %swap3A_1634 = vector.shape_cast %swap3A_1633 : vector<16xi32> to vector<16xi32>
    %swap3A_1635 = vector.shape_cast %convert_element_type3A_1631 : vector<16xi32> to vector<16xi32>
    tpu.vector_store %arg18[%swap3A_1632], %swap3A_1635 {strides = array<i32>} : memref<128xi32, #tpu.memory_space<vmem>>, vector<16xi32>,
    %get3A_1636 = arith.constant 128 : index
    %get3A_1637 = tpu.vector_load %arg16[%get3A_1636] {strides = array<i32>} : memref<256xf32, #tpu.memory_space<vmem>>, vector<16xf32>,
    %get3A_1638 = vector.shape_cast %get3A_1637 : vector<16xf32> to vector<16xf32>
    %get3A_1639 = arith.constant 144 : index
    %get3A_1640 = tpu.vector_load %arg16[%get3A_1639] {strides = array<i32>} : memref<256xf32, #tpu.memory_space<vmem>>, vector<16xf32>,
    %get3A_1641 = vector.shape_cast %get3A_1640 : vector<16xf32> to vector<16xf32>
    %broadcast_in_dim3A_1642 = vector.shape_cast %select_n3A_93 : vector<16xi32> to vector<16x1xi32>
    %gather3A_1643 = vector.shape_cast %broadcast_in_dim3A_1642 : vector<16x1xi32> to vector<16xi32>
    %gather3A_1644 = tpu.dynamic_gather %get3A_1638[%gather3A_1643] in [0] : vector<16xf32>, vector<16xi32> -> vector<16xf32>
    %broadcast_in_dim3A_1645 = vector.shape_cast %select_n3A_93 : vector<16xi32> to vector<16x1xi32>
    %gather3A_1646 = vector.shape_cast %broadcast_in_dim3A_1645 : vector<16x1xi32> to vector<16xi32>
    %gather3A_1647 = tpu.dynamic_gather %get3A_1641[%gather3A_1646] in [0] : vector<16xf32>, vector<16xi32> -> vector<16xf32>
    %select_n3A_1648 = arith.select %lt3A_40, %gather3A_1644, %gather3A_1647 : vector<16xi1>, vector<16xf32>
    %broadcast_in_dim3A_1649 = vector.shape_cast %select_n3A_68 : vector<16xi32> to vector<16x1xi32>
    %gather3A_1650 = vector.shape_cast %broadcast_in_dim3A_1649 : vector<16x1xi32> to vector<16xi32>
    %gather3A_1651 = tpu.dynamic_gather %get3A_1638[%gather3A_1650] in [0] : vector<16xf32>, vector<16xi32> -> vector<16xf32>
    %broadcast_in_dim3A_1652 = vector.shape_cast %select_n3A_68 : vector<16xi32> to vector<16x1xi32>
    %gather3A_1653 = vector.shape_cast %broadcast_in_dim3A_1652 : vector<16x1xi32> to vector<16xi32>
    %gather3A_1654 = tpu.dynamic_gather %get3A_1641[%gather3A_1653] in [0] : vector<16xf32>, vector<16xi32> -> vector<16xf32>
    %select_n3A_1655 = arith.select %lt3A_40, %gather3A_1651, %gather3A_1654 : vector<16xi1>, vector<16xf32>
    %div3A_1656 = arith.constant 1.000000e+02 : f32
    %div3A_1657 = vector.broadcast %div3A_1656 : f32 to vector<16xf32>
    %div3A_1658 = arith.divf %select_n3A_1648, %div3A_1657 : vector<16xf32>
    %convert_element_type3A_1659 = arith.fptosi %div3A_1658 : vector<16xf32> to vector<16xi32>
    %swap3A_1660 = arith.constant 64 : index
    %swap3A_1661 = tpu.vector_load %arg17[%swap3A_1660] {strides = array<i32>} : memref<128xi32, #tpu.memory_space<vmem>>, vector<16xi32>,
    %swap3A_1662 = vector.shape_cast %swap3A_1661 : vector<16xi32> to vector<16xi32>
    %swap3A_1663 = vector.shape_cast %convert_element_type3A_1659 : vector<16xi32> to vector<16xi32>
    tpu.vector_store %arg17[%swap3A_1660], %swap3A_1663 {strides = array<i32>} : memref<128xi32, #tpu.memory_space<vmem>>, vector<16xi32>,
    %div3A_1664 = arith.constant 1.000000e+02 : f32
    %div3A_1665 = vector.broadcast %div3A_1664 : f32 to vector<16xf32>
    %div3A_1666 = arith.divf %select_n3A_1655, %div3A_1665 : vector<16xf32>
    %convert_element_type3A_1667 = arith.fptosi %div3A_1666 : vector<16xf32> to vector<16xi32>
    %swap3A_1668 = arith.constant 64 : index
    %swap3A_1669 = tpu.vector_load %arg18[%swap3A_1668] {strides = array<i32>} : memref<128xi32, #tpu.memory_space<vmem>>, vector<16xi32>,
    %swap3A_1670 = vector.shape_cast %swap3A_1669 : vector<16xi32> to vector<16xi32>
    %swap3A_1671 = vector.shape_cast %convert_element_type3A_1667 : vector<16xi32> to vector<16xi32>
    tpu.vector_store %arg18[%swap3A_1668], %swap3A_1671 {strides = array<i32>} : memref<128xi32, #tpu.memory_space<vmem>>, vector<16xi32>,
    %get3A_1672 = arith.constant 160 : index
    %get3A_1673 = tpu.vector_load %arg16[%get3A_1672] {strides = array<i32>} : memref<256xf32, #tpu.memory_space<vmem>>, vector<16xf32>,
    %get3A_1674 = vector.shape_cast %get3A_1673 : vector<16xf32> to vector<16xf32>
    %get3A_1675 = arith.constant 176 : index
    %get3A_1676 = tpu.vector_load %arg16[%get3A_1675] {strides = array<i32>} : memref<256xf32, #tpu.memory_space<vmem>>, vector<16xf32>,
    %get3A_1677 = vector.shape_cast %get3A_1676 : vector<16xf32> to vector<16xf32>
    %broadcast_in_dim3A_1678 = vector.shape_cast %select_n3A_93 : vector<16xi32> to vector<16x1xi32>
    %gather3A_1679 = vector.shape_cast %broadcast_in_dim3A_1678 : vector<16x1xi32> to vector<16xi32>
    %gather3A_1680 = tpu.dynamic_gather %get3A_1674[%gather3A_1679] in [0] : vector<16xf32>, vector<16xi32> -> vector<16xf32>
    %broadcast_in_dim3A_1681 = vector.shape_cast %select_n3A_93 : vector<16xi32> to vector<16x1xi32>
    %gather3A_1682 = vector.shape_cast %broadcast_in_dim3A_1681 : vector<16x1xi32> to vector<16xi32>
    %gather3A_1683 = tpu.dynamic_gather %get3A_1677[%gather3A_1682] in [0] : vector<16xf32>, vector<16xi32> -> vector<16xf32>
    %select_n3A_1684 = arith.select %lt3A_40, %gather3A_1680, %gather3A_1683 : vector<16xi1>, vector<16xf32>
    %broadcast_in_dim3A_1685 = vector.shape_cast %select_n3A_68 : vector<16xi32> to vector<16x1xi32>
    %gather3A_1686 = vector.shape_cast %broadcast_in_dim3A_1685 : vector<16x1xi32> to vector<16xi32>
    %gather3A_1687 = tpu.dynamic_gather %get3A_1674[%gather3A_1686] in [0] : vector<16xf32>, vector<16xi32> -> vector<16xf32>
    %broadcast_in_dim3A_1688 = vector.shape_cast %select_n3A_68 : vector<16xi32> to vector<16x1xi32>
    %gather3A_1689 = vector.shape_cast %broadcast_in_dim3A_1688 : vector<16x1xi32> to vector<16xi32>
    %gather3A_1690 = tpu.dynamic_gather %get3A_1677[%gather3A_1689] in [0] : vector<16xf32>, vector<16xi32> -> vector<16xf32>
    %select_n3A_1691 = arith.select %lt3A_40, %gather3A_1687, %gather3A_1690 : vector<16xi1>, vector<16xf32>
    %div3A_1692 = arith.constant 1.000000e+02 : f32
    %div3A_1693 = vector.broadcast %div3A_1692 : f32 to vector<16xf32>
    %div3A_1694 = arith.divf %select_n3A_1684, %div3A_1693 : vector<16xf32>
    %convert_element_type3A_1695 = arith.fptosi %div3A_1694 : vector<16xf32> to vector<16xi32>
    %swap3A_1696 = arith.constant 80 : index
    %swap3A_1697 = tpu.vector_load %arg17[%swap3A_1696] {strides = array<i32>} : memref<128xi32, #tpu.memory_space<vmem>>, vector<16xi32>,
    %swap3A_1698 = vector.shape_cast %swap3A_1697 : vector<16xi32> to vector<16xi32>
    %swap3A_1699 = vector.shape_cast %convert_element_type3A_1695 : vector<16xi32> to vector<16xi32>
    tpu.vector_store %arg17[%swap3A_1696], %swap3A_1699 {strides = array<i32>} : memref<128xi32, #tpu.memory_space<vmem>>, vector<16xi32>,
    %div3A_1700 = arith.constant 1.000000e+02 : f32
    %div3A_1701 = vector.broadcast %div3A_1700 : f32 to vector<16xf32>
    %div3A_1702 = arith.divf %select_n3A_1691, %div3A_1701 : vector<16xf32>
    %convert_element_type3A_1703 = arith.fptosi %div3A_1702 : vector<16xf32> to vector<16xi32>
    %swap3A_1704 = arith.constant 80 : index
    %swap3A_1705 = tpu.vector_load %arg18[%swap3A_1704] {strides = array<i32>} : memref<128xi32, #tpu.memory_space<vmem>>, vector<16xi32>,
    %swap3A_1706 = vector.shape_cast %swap3A_1705 : vector<16xi32> to vector<16xi32>
    %swap3A_1707 = vector.shape_cast %convert_element_type3A_1703 : vector<16xi32> to vector<16xi32>
    tpu.vector_store %arg18[%swap3A_1704], %swap3A_1707 {strides = array<i32>} : memref<128xi32, #tpu.memory_space<vmem>>, vector<16xi32>,
    %get3A_1708 = arith.constant 192 : index
    %get3A_1709 = tpu.vector_load %arg16[%get3A_1708] {strides = array<i32>} : memref<256xf32, #tpu.memory_space<vmem>>, vector<16xf32>,
    %get3A_1710 = vector.shape_cast %get3A_1709 : vector<16xf32> to vector<16xf32>
    %get3A_1711 = arith.constant 208 : index
    %get3A_1712 = tpu.vector_load %arg16[%get3A_1711] {strides = array<i32>} : memref<256xf32, #tpu.memory_space<vmem>>, vector<16xf32>,
    %get3A_1713 = vector.shape_cast %get3A_1712 : vector<16xf32> to vector<16xf32>
    %broadcast_in_dim3A_1714 = vector.shape_cast %select_n3A_93 : vector<16xi32> to vector<16x1xi32>
    %gather3A_1715 = vector.shape_cast %broadcast_in_dim3A_1714 : vector<16x1xi32> to vector<16xi32>
    %gather3A_1716 = tpu.dynamic_gather %get3A_1710[%gather3A_1715] in [0] : vector<16xf32>, vector<16xi32> -> vector<16xf32>
    %broadcast_in_dim3A_1717 = vector.shape_cast %select_n3A_93 : vector<16xi32> to vector<16x1xi32>
    %gather3A_1718 = vector.shape_cast %broadcast_in_dim3A_1717 : vector<16x1xi32> to vector<16xi32>
    %gather3A_1719 = tpu.dynamic_gather %get3A_1713[%gather3A_1718] in [0] : vector<16xf32>, vector<16xi32> -> vector<16xf32>
    %select_n3A_1720 = arith.select %lt3A_40, %gather3A_1716, %gather3A_1719 : vector<16xi1>, vector<16xf32>
    %broadcast_in_dim3A_1721 = vector.shape_cast %select_n3A_68 : vector<16xi32> to vector<16x1xi32>
    %gather3A_1722 = vector.shape_cast %broadcast_in_dim3A_1721 : vector<16x1xi32> to vector<16xi32>
    %gather3A_1723 = tpu.dynamic_gather %get3A_1710[%gather3A_1722] in [0] : vector<16xf32>, vector<16xi32> -> vector<16xf32>
    %broadcast_in_dim3A_1724 = vector.shape_cast %select_n3A_68 : vector<16xi32> to vector<16x1xi32>
    %gather3A_1725 = vector.shape_cast %broadcast_in_dim3A_1724 : vector<16x1xi32> to vector<16xi32>
    %gather3A_1726 = tpu.dynamic_gather %get3A_1713[%gather3A_1725] in [0] : vector<16xf32>, vector<16xi32> -> vector<16xf32>
    %select_n3A_1727 = arith.select %lt3A_40, %gather3A_1723, %gather3A_1726 : vector<16xi1>, vector<16xf32>
    %div3A_1728 = arith.constant 1.000000e+02 : f32
    %div3A_1729 = vector.broadcast %div3A_1728 : f32 to vector<16xf32>
    %div3A_1730 = arith.divf %select_n3A_1720, %div3A_1729 : vector<16xf32>
    %convert_element_type3A_1731 = arith.fptosi %div3A_1730 : vector<16xf32> to vector<16xi32>
    %swap3A_1732 = arith.constant 96 : index
    %swap3A_1733 = tpu.vector_load %arg17[%swap3A_1732] {strides = array<i32>} : memref<128xi32, #tpu.memory_space<vmem>>, vector<16xi32>,
    %swap3A_1734 = vector.shape_cast %swap3A_1733 : vector<16xi32> to vector<16xi32>
    %swap3A_1735 = vector.shape_cast %convert_element_type3A_1731 : vector<16xi32> to vector<16xi32>
    tpu.vector_store %arg17[%swap3A_1732], %swap3A_1735 {strides = array<i32>} : memref<128xi32, #tpu.memory_space<vmem>>, vector<16xi32>,
    %div3A_1736 = arith.constant 1.000000e+02 : f32
    %div3A_1737 = vector.broadcast %div3A_1736 : f32 to vector<16xf32>
    %div3A_1738 = arith.divf %select_n3A_1727, %div3A_1737 : vector<16xf32>
    %convert_element_type3A_1739 = arith.fptosi %div3A_1738 : vector<16xf32> to vector<16xi32>
    %swap3A_1740 = arith.constant 96 : index
    %swap3A_1741 = tpu.vector_load %arg18[%swap3A_1740] {strides = array<i32>} : memref<128xi32, #tpu.memory_space<vmem>>, vector<16xi32>,
    %swap3A_1742 = vector.shape_cast %swap3A_1741 : vector<16xi32> to vector<16xi32>
    %swap3A_1743 = vector.shape_cast %convert_element_type3A_1739 : vector<16xi32> to vector<16xi32>
    tpu.vector_store %arg18[%swap3A_1740], %swap3A_1743 {strides = array<i32>} : memref<128xi32, #tpu.memory_space<vmem>>, vector<16xi32>,
    %get3A_1744 = arith.constant 224 : index
    %get3A_1745 = tpu.vector_load %arg16[%get3A_1744] {strides = array<i32>} : memref<256xf32, #tpu.memory_space<vmem>>, vector<16xf32>,
    %get3A_1746 = vector.shape_cast %get3A_1745 : vector<16xf32> to vector<16xf32>
    %get3A_1747 = arith.constant 240 : index
    %get3A_1748 = tpu.vector_load %arg16[%get3A_1747] {strides = array<i32>} : memref<256xf32, #tpu.memory_space<vmem>>, vector<16xf32>,
    %get3A_1749 = vector.shape_cast %get3A_1748 : vector<16xf32> to vector<16xf32>
    %broadcast_in_dim3A_1750 = vector.shape_cast %select_n3A_93 : vector<16xi32> to vector<16x1xi32>
    %gather3A_1751 = vector.shape_cast %broadcast_in_dim3A_1750 : vector<16x1xi32> to vector<16xi32>
    %gather3A_1752 = tpu.dynamic_gather %get3A_1746[%gather3A_1751] in [0] : vector<16xf32>, vector<16xi32> -> vector<16xf32>
    %broadcast_in_dim3A_1753 = vector.shape_cast %select_n3A_93 : vector<16xi32> to vector<16x1xi32>
    %gather3A_1754 = vector.shape_cast %broadcast_in_dim3A_1753 : vector<16x1xi32> to vector<16xi32>
    %gather3A_1755 = tpu.dynamic_gather %get3A_1749[%gather3A_1754] in [0] : vector<16xf32>, vector<16xi32> -> vector<16xf32>
    %select_n3A_1756 = arith.select %lt3A_40, %gather3A_1752, %gather3A_1755 : vector<16xi1>, vector<16xf32>
    %broadcast_in_dim3A_1757 = vector.shape_cast %select_n3A_68 : vector<16xi32> to vector<16x1xi32>
    %gather3A_1758 = vector.shape_cast %broadcast_in_dim3A_1757 : vector<16x1xi32> to vector<16xi32>
    %gather3A_1759 = tpu.dynamic_gather %get3A_1746[%gather3A_1758] in [0] : vector<16xf32>, vector<16xi32> -> vector<16xf32>
    %broadcast_in_dim3A_1760 = vector.shape_cast %select_n3A_68 : vector<16xi32> to vector<16x1xi32>
    %gather3A_1761 = vector.shape_cast %broadcast_in_dim3A_1760 : vector<16x1xi32> to vector<16xi32>
    %gather3A_1762 = tpu.dynamic_gather %get3A_1749[%gather3A_1761] in [0] : vector<16xf32>, vector<16xi32> -> vector<16xf32>
    %select_n3A_1763 = arith.select %lt3A_40, %gather3A_1759, %gather3A_1762 : vector<16xi1>, vector<16xf32>
    %div3A_1764 = arith.constant 1.000000e+02 : f32
    %div3A_1765 = vector.broadcast %div3A_1764 : f32 to vector<16xf32>
    %div3A_1766 = arith.divf %select_n3A_1756, %div3A_1765 : vector<16xf32>
    %convert_element_type3A_1767 = arith.fptosi %div3A_1766 : vector<16xf32> to vector<16xi32>
    %swap3A_1768 = arith.constant 112 : index
    %swap3A_1769 = tpu.vector_load %arg17[%swap3A_1768] {strides = array<i32>} : memref<128xi32, #tpu.memory_space<vmem>>, vector<16xi32>,
    %swap3A_1770 = vector.shape_cast %swap3A_1769 : vector<16xi32> to vector<16xi32>
    %swap3A_1771 = vector.shape_cast %convert_element_type3A_1767 : vector<16xi32> to vector<16xi32>
    tpu.vector_store %arg17[%swap3A_1768], %swap3A_1771 {strides = array<i32>} : memref<128xi32, #tpu.memory_space<vmem>>, vector<16xi32>,
    %div3A_1772 = arith.constant 1.000000e+02 : f32
    %div3A_1773 = vector.broadcast %div3A_1772 : f32 to vector<16xf32>
    %div3A_1774 = arith.divf %select_n3A_1763, %div3A_1773 : vector<16xf32>
    %convert_element_type3A_1775 = arith.fptosi %div3A_1774 : vector<16xf32> to vector<16xi32>
    %swap3A_1776 = arith.constant 112 : index
    %swap3A_1777 = tpu.vector_load %arg18[%swap3A_1776] {strides = array<i32>} : memref<128xi32, #tpu.memory_space<vmem>>, vector<16xi32>,
    %swap3A_1778 = vector.shape_cast %swap3A_1777 : vector<16xi32> to vector<16xi32>
    %swap3A_1779 = vector.shape_cast %convert_element_type3A_1775 : vector<16xi32> to vector<16xi32>
    tpu.vector_store %arg18[%swap3A_1776], %swap3A_1779 {strides = array<i32>} : memref<128xi32, #tpu.memory_space<vmem>>, vector<16xi32>,
    %dma_start3A_1780 = arith.constant 0 : i32
    %dma_start3A_1781 = arith.constant 0 : i32
    %dma_start3A_1782 = tpu.memref_slice %arg6[%dma_start3A_1780, %dma_start3A_1781] : memref<384x128xf32, #tpu.memory_space<vmem_shared>> -> memref<384x128xf32, #tpu.memory_space<vmem_shared>>
    tpu.enqueue_indirect_dma source(%dma_start3A_1782 : memref<384x128xf32, #tpu.memory_space<vmem_shared>>) target(%arg19 : memref<128x128xf32, #tpu.memory_space<vmem>>) offsets(%arg18 : memref<128xi32, #tpu.memory_space<vmem>>) semaphore(%arg23 : memref<!tpu.dma_semaphore, #tpu.memory_space<semaphore_mem>>) {add = true}
    %dma_start3A_1783 = arith.constant 0 : i32
    %dma_start3A_1784 = arith.constant 0 : i32
    %dma_start3A_1785 = tpu.memref_slice %arg6[%dma_start3A_1783, %dma_start3A_1784] : memref<384x128xf32, #tpu.memory_space<vmem_shared>> -> memref<384x128xf32, #tpu.memory_space<vmem_shared>>
    tpu.enqueue_indirect_dma source(%dma_start3A_1785 : memref<384x128xf32, #tpu.memory_space<vmem_shared>>) target(%arg20 : memref<128x128xf32, #tpu.memory_space<vmem>>) offsets(%arg17 : memref<128xi32, #tpu.memory_space<vmem>>) semaphore(%arg23 : memref<!tpu.dma_semaphore, #tpu.memory_space<semaphore_mem>>) {add = true}
    %dma_wait3A_1786 = arith.constant 0 : i32
    %dma_wait3A_1787 = arith.constant 0 : i32
    %dma_wait3A_1788 = tpu.memref_slice %arg6[%dma_wait3A_1786, %dma_wait3A_1787] : memref<384x128xf32, #tpu.memory_space<vmem_shared>> -> memref<384x128xf32, #tpu.memory_space<vmem_shared>>
    tpu.wait_indirect_dma semaphore(%arg14 : memref<!tpu.dma_semaphore, #tpu.memory_space<semaphore_mem>>) src(%dma_wait3A_1788 : memref<384x128xf32, #tpu.memory_space<vmem_shared>>) dst(%arg10 : memref<128x128xf32, #tpu.memory_space<vmem>>)
    %dma_wait3A_1789 = arith.constant 0 : i32
    %dma_wait3A_1790 = arith.constant 0 : i32
    %dma_wait3A_1791 = tpu.memref_slice %arg6[%dma_wait3A_1789, %dma_wait3A_1790] : memref<384x128xf32, #tpu.memory_space<vmem_shared>> -> memref<384x128xf32, #tpu.memory_space<vmem_shared>>
    tpu.wait_indirect_dma semaphore(%arg14 : memref<!tpu.dma_semaphore, #tpu.memory_space<semaphore_mem>>) src(%dma_wait3A_1791 : memref<384x128xf32, #tpu.memory_space<vmem_shared>>) dst(%arg11 : memref<128x128xf32, #tpu.memory_space<vmem>>)
    %add3A_1792 = arith.constant 384 : i32
    %add3A_1793 = arith.addi %mul3A_2, %add3A_1792 : i32
    %dma_start3A_1794 = arith.constant 0 : i32
    %dma_start3A_1795 = tpu.memref_slice %arg5[%add3A_1793, %dma_start3A_1794] : memref<32768x256xf32, #tpu.memory_space<hbm>> -> memref<128x128xf32, #tpu.memory_space<hbm>>
    %dma_start3A_1796 = arith.constant 0 : i32
    %dma_start3A_1797 = tpu.memref_slice %arg5[%add3A_1793, %dma_start3A_1796] : memref<32768x256xf32, #tpu.memory_space<hbm>> -> memref<128x128xf32, #tpu.memory_space<hbm>>
    tpu.enqueue_dma source(%arg10 : memref<128x128xf32, #tpu.memory_space<vmem>>) target(%dma_start3A_1797 : memref<128x128xf32, #tpu.memory_space<hbm>>) target_semaphore(%arg15 : memref<!tpu.dma_semaphore, #tpu.memory_space<semaphore_mem>>)
    %dma_start3A_1798 = arith.constant 128 : i32
    %dma_start3A_1799 = tpu.memref_slice %arg5[%add3A_1793, %dma_start3A_1798] : memref<32768x256xf32, #tpu.memory_space<hbm>> -> memref<128x128xf32, #tpu.memory_space<hbm>>
    %dma_start3A_1800 = arith.constant 128 : i32
    %dma_start3A_1801 = tpu.memref_slice %arg5[%add3A_1793, %dma_start3A_1800] : memref<32768x256xf32, #tpu.memory_space<hbm>> -> memref<128x128xf32, #tpu.memory_space<hbm>>
    tpu.enqueue_dma source(%arg11 : memref<128x128xf32, #tpu.memory_space<vmem>>) target(%dma_start3A_1801 : memref<128x128xf32, #tpu.memory_space<hbm>>) target_semaphore(%arg15 : memref<!tpu.dma_semaphore, #tpu.memory_space<semaphore_mem>>)
    %dma_wait3A_1802 = arith.constant 0 : i32
    %dma_wait3A_1803 = tpu.memref_slice %arg5[%add3A_1793, %dma_wait3A_1802] : memref<32768x256xf32, #tpu.memory_space<hbm>> -> memref<128x128xf32, #tpu.memory_space<hbm>>
    %dma_wait3A_1804 = arith.constant 0 : i32
    %dma_wait3A_1805 = tpu.memref_slice %arg5[%add3A_1793, %dma_wait3A_1804] : memref<32768x256xf32, #tpu.memory_space<hbm>> -> memref<128x128xf32, #tpu.memory_space<hbm>>
    tpu.wait_dma2 semaphore(%arg15 : memref<!tpu.dma_semaphore, #tpu.memory_space<semaphore_mem>>) src(%arg10 : memref<128x128xf32, #tpu.memory_space<vmem>>) dst(%dma_wait3A_1805 : memref<128x128xf32, #tpu.memory_space<hbm>>)
    %dma_wait3A_1806 = arith.constant 128 : i32
    %dma_wait3A_1807 = tpu.memref_slice %arg5[%add3A_1793, %dma_wait3A_1806] : memref<32768x256xf32, #tpu.memory_space<hbm>> -> memref<128x128xf32, #tpu.memory_space<hbm>>
    %dma_wait3A_1808 = arith.constant 128 : i32
    %dma_wait3A_1809 = tpu.memref_slice %arg5[%add3A_1793, %dma_wait3A_1808] : memref<32768x256xf32, #tpu.memory_space<hbm>> -> memref<128x128xf32, #tpu.memory_space<hbm>>
    tpu.wait_dma2 semaphore(%arg15 : memref<!tpu.dma_semaphore, #tpu.memory_space<semaphore_mem>>) src(%arg11 : memref<128x128xf32, #tpu.memory_space<vmem>>) dst(%dma_wait3A_1809 : memref<128x128xf32, #tpu.memory_space<hbm>>)
    %add3A_1810 = arith.constant 768 : i32
    %add3A_1811 = arith.addi %mul3A_2, %add3A_1810 : i32
    %dma_start3A_1812 = arith.constant 0 : i32
    %dma_start3A_1813 = tpu.memref_slice %arg2[%add3A_1811, %dma_start3A_1812] : memref<32768x256xf32, #tpu.memory_space<hbm>> -> memref<128x128xf32, #tpu.memory_space<hbm>>
    %dma_start3A_1814 = arith.constant 0 : i32
    %dma_start3A_1815 = tpu.memref_slice %arg2[%add3A_1811, %dma_start3A_1814] : memref<32768x256xf32, #tpu.memory_space<hbm>> -> memref<128x128xf32, #tpu.memory_space<hbm>>
    tpu.enqueue_dma source(%dma_start3A_1815 : memref<128x128xf32, #tpu.memory_space<hbm>>) target(%arg10 : memref<128x128xf32, #tpu.memory_space<vmem>>) target_semaphore(%arg12 : memref<!tpu.dma_semaphore, #tpu.memory_space<semaphore_mem>>)
    %dma_start3A_1816 = arith.constant 128 : i32
    %dma_start3A_1817 = tpu.memref_slice %arg2[%add3A_1811, %dma_start3A_1816] : memref<32768x256xf32, #tpu.memory_space<hbm>> -> memref<128x128xf32, #tpu.memory_space<hbm>>
    %dma_start3A_1818 = arith.constant 128 : i32
    %dma_start3A_1819 = tpu.memref_slice %arg2[%add3A_1811, %dma_start3A_1818] : memref<32768x256xf32, #tpu.memory_space<hbm>> -> memref<128x128xf32, #tpu.memory_space<hbm>>
    tpu.enqueue_dma source(%dma_start3A_1819 : memref<128x128xf32, #tpu.memory_space<hbm>>) target(%arg11 : memref<128x128xf32, #tpu.memory_space<vmem>>) target_semaphore(%arg12 : memref<!tpu.dma_semaphore, #tpu.memory_space<semaphore_mem>>)
    %add3A_1820 = arith.constant 1536 : i32
    %add3A_1821 = arith.addi %mul3A_34, %add3A_1820 : i32
    %dma_start3A_1822 = tpu.memref_slice %arg3[%select_n3A, %add3A_1821] : memref<16x4096xf32, #tpu.memory_space<hbm>> -> memref<1x256xf32, #tpu.memory_space<hbm>>
    %dma_start3A_1823 = tpu.memref_squeeze %dma_start3A_1822 : memref<1x256xf32, #tpu.memory_space<hbm>> -> memref<256xf32, #tpu.memory_space<hbm>>
    %dma_start3A_1824 = tpu.memref_slice %arg3[%select_n3A, %add3A_1821] : memref<16x4096xf32, #tpu.memory_space<hbm>> -> memref<1x256xf32, #tpu.memory_space<hbm>>
    %dma_start3A_1825 = tpu.memref_squeeze %dma_start3A_1824 : memref<1x256xf32, #tpu.memory_space<hbm>> -> memref<256xf32, #tpu.memory_space<hbm>>
    tpu.enqueue_dma source(%dma_start3A_1825 : memref<256xf32, #tpu.memory_space<hbm>>) target(%arg7 : memref<256xf32, #tpu.memory_space<vmem>>) target_semaphore(%arg13 : memref<!tpu.dma_semaphore, #tpu.memory_space<semaphore_mem>>)
    %dma_wait3A_1826 = arith.constant 0 : i32
    %dma_wait3A_1827 = tpu.memref_slice %arg2[%add3A_1465, %dma_wait3A_1826] : memref<32768x256xf32, #tpu.memory_space<hbm>> -> memref<128x128xf32, #tpu.memory_space<hbm>>
    %dma_wait3A_1828 = arith.constant 0 : i32
    %dma_wait3A_1829 = tpu.memref_slice %arg2[%add3A_1465, %dma_wait3A_1828] : memref<32768x256xf32, #tpu.memory_space<hbm>> -> memref<128x128xf32, #tpu.memory_space<hbm>>
    tpu.wait_dma2 semaphore(%arg30 : memref<!tpu.dma_semaphore, #tpu.memory_space<semaphore_mem>>) src(%dma_wait3A_1829 : memref<128x128xf32, #tpu.memory_space<hbm>>) dst(%arg28 : memref<128x128xf32, #tpu.memory_space<vmem>>)
    %dma_wait3A_1830 = arith.constant 128 : i32
    %dma_wait3A_1831 = tpu.memref_slice %arg2[%add3A_1465, %dma_wait3A_1830] : memref<32768x256xf32, #tpu.memory_space<hbm>> -> memref<128x128xf32, #tpu.memory_space<hbm>>
    %dma_wait3A_1832 = arith.constant 128 : i32
    %dma_wait3A_1833 = tpu.memref_slice %arg2[%add3A_1465, %dma_wait3A_1832] : memref<32768x256xf32, #tpu.memory_space<hbm>> -> memref<128x128xf32, #tpu.memory_space<hbm>>
    tpu.wait_dma2 semaphore(%arg30 : memref<!tpu.dma_semaphore, #tpu.memory_space<semaphore_mem>>) src(%dma_wait3A_1833 : memref<128x128xf32, #tpu.memory_space<hbm>>) dst(%arg29 : memref<128x128xf32, #tpu.memory_space<vmem>>)
    %dma_wait3A_1834 = tpu.memref_slice %arg3[%select_n3A, %add3A_1475] : memref<16x4096xf32, #tpu.memory_space<hbm>> -> memref<1x256xf32, #tpu.memory_space<hbm>>
    %dma_wait3A_1835 = tpu.memref_squeeze %dma_wait3A_1834 : memref<1x256xf32, #tpu.memory_space<hbm>> -> memref<256xf32, #tpu.memory_space<hbm>>
    %dma_wait3A_1836 = tpu.memref_slice %arg3[%select_n3A, %add3A_1475] : memref<16x4096xf32, #tpu.memory_space<hbm>> -> memref<1x256xf32, #tpu.memory_space<hbm>>
    %dma_wait3A_1837 = tpu.memref_squeeze %dma_wait3A_1836 : memref<1x256xf32, #tpu.memory_space<hbm>> -> memref<256xf32, #tpu.memory_space<hbm>>
    tpu.wait_dma2 semaphore(%arg31 : memref<!tpu.dma_semaphore, #tpu.memory_space<semaphore_mem>>) src(%dma_wait3A_1837 : memref<256xf32, #tpu.memory_space<hbm>>) dst(%arg25 : memref<256xf32, #tpu.memory_space<vmem>>)
    %get3A_1838 = arith.constant 0 : index
    %get3A_1839 = tpu.vector_load %arg25[%get3A_1838] {strides = array<i32>} : memref<256xf32, #tpu.memory_space<vmem>>, vector<16xf32>,
    %get3A_1840 = vector.shape_cast %get3A_1839 : vector<16xf32> to vector<16xf32>
    %get3A_1841 = arith.constant 16 : index
    %get3A_1842 = tpu.vector_load %arg25[%get3A_1841] {strides = array<i32>} : memref<256xf32, #tpu.memory_space<vmem>>, vector<16xf32>,
    %get3A_1843 = vector.shape_cast %get3A_1842 : vector<16xf32> to vector<16xf32>
    %broadcast_in_dim3A_1844 = vector.shape_cast %select_n3A_93 : vector<16xi32> to vector<16x1xi32>
    %gather3A_1845 = vector.shape_cast %broadcast_in_dim3A_1844 : vector<16x1xi32> to vector<16xi32>
    %gather3A_1846 = tpu.dynamic_gather %get3A_1840[%gather3A_1845] in [0] : vector<16xf32>, vector<16xi32> -> vector<16xf32>
    %broadcast_in_dim3A_1847 = vector.shape_cast %select_n3A_93 : vector<16xi32> to vector<16x1xi32>
    %gather3A_1848 = vector.shape_cast %broadcast_in_dim3A_1847 : vector<16x1xi32> to vector<16xi32>
    %gather3A_1849 = tpu.dynamic_gather %get3A_1843[%gather3A_1848] in [0] : vector<16xf32>, vector<16xi32> -> vector<16xf32>
    %select_n3A_1850 = arith.select %lt3A_40, %gather3A_1846, %gather3A_1849 : vector<16xi1>, vector<16xf32>
    %broadcast_in_dim3A_1851 = vector.shape_cast %select_n3A_68 : vector<16xi32> to vector<16x1xi32>
    %gather3A_1852 = vector.shape_cast %broadcast_in_dim3A_1851 : vector<16x1xi32> to vector<16xi32>
    %gather3A_1853 = tpu.dynamic_gather %get3A_1840[%gather3A_1852] in [0] : vector<16xf32>, vector<16xi32> -> vector<16xf32>
    %broadcast_in_dim3A_1854 = vector.shape_cast %select_n3A_68 : vector<16xi32> to vector<16x1xi32>
    %gather3A_1855 = vector.shape_cast %broadcast_in_dim3A_1854 : vector<16x1xi32> to vector<16xi32>
    %gather3A_1856 = tpu.dynamic_gather %get3A_1843[%gather3A_1855] in [0] : vector<16xf32>, vector<16xi32> -> vector<16xf32>
    %select_n3A_1857 = arith.select %lt3A_40, %gather3A_1853, %gather3A_1856 : vector<16xi1>, vector<16xf32>
    %div3A_1858 = arith.constant 1.000000e+02 : f32
    %div3A_1859 = vector.broadcast %div3A_1858 : f32 to vector<16xf32>
    %div3A_1860 = arith.divf %select_n3A_1850, %div3A_1859 : vector<16xf32>
    %convert_element_type3A_1861 = arith.fptosi %div3A_1860 : vector<16xf32> to vector<16xi32>
    %swap3A_1862 = arith.constant 0 : index
    %swap3A_1863 = tpu.vector_load %arg26[%swap3A_1862] {strides = array<i32>} : memref<128xi32, #tpu.memory_space<vmem>>, vector<16xi32>,
    %swap3A_1864 = vector.shape_cast %swap3A_1863 : vector<16xi32> to vector<16xi32>
    %swap3A_1865 = vector.shape_cast %convert_element_type3A_1861 : vector<16xi32> to vector<16xi32>
    tpu.vector_store %arg26[%swap3A_1862], %swap3A_1865 {strides = array<i32>} : memref<128xi32, #tpu.memory_space<vmem>>, vector<16xi32>,
    %div3A_1866 = arith.constant 1.000000e+02 : f32
    %div3A_1867 = vector.broadcast %div3A_1866 : f32 to vector<16xf32>
    %div3A_1868 = arith.divf %select_n3A_1857, %div3A_1867 : vector<16xf32>
    %convert_element_type3A_1869 = arith.fptosi %div3A_1868 : vector<16xf32> to vector<16xi32>
    %swap3A_1870 = arith.constant 0 : index
    %swap3A_1871 = tpu.vector_load %arg27[%swap3A_1870] {strides = array<i32>} : memref<128xi32, #tpu.memory_space<vmem>>, vector<16xi32>,
    %swap3A_1872 = vector.shape_cast %swap3A_1871 : vector<16xi32> to vector<16xi32>
    %swap3A_1873 = vector.shape_cast %convert_element_type3A_1869 : vector<16xi32> to vector<16xi32>
    tpu.vector_store %arg27[%swap3A_1870], %swap3A_1873 {strides = array<i32>} : memref<128xi32, #tpu.memory_space<vmem>>, vector<16xi32>,
    %get3A_1874 = arith.constant 32 : index
    %get3A_1875 = tpu.vector_load %arg25[%get3A_1874] {strides = array<i32>} : memref<256xf32, #tpu.memory_space<vmem>>, vector<16xf32>,
    %get3A_1876 = vector.shape_cast %get3A_1875 : vector<16xf32> to vector<16xf32>
    %get3A_1877 = arith.constant 48 : index
    %get3A_1878 = tpu.vector_load %arg25[%get3A_1877] {strides = array<i32>} : memref<256xf32, #tpu.memory_space<vmem>>, vector<16xf32>,
    %get3A_1879 = vector.shape_cast %get3A_1878 : vector<16xf32> to vector<16xf32>
    %broadcast_in_dim3A_1880 = vector.shape_cast %select_n3A_93 : vector<16xi32> to vector<16x1xi32>
    %gather3A_1881 = vector.shape_cast %broadcast_in_dim3A_1880 : vector<16x1xi32> to vector<16xi32>
    %gather3A_1882 = tpu.dynamic_gather %get3A_1876[%gather3A_1881] in [0] : vector<16xf32>, vector<16xi32> -> vector<16xf32>
    %broadcast_in_dim3A_1883 = vector.shape_cast %select_n3A_93 : vector<16xi32> to vector<16x1xi32>
    %gather3A_1884 = vector.shape_cast %broadcast_in_dim3A_1883 : vector<16x1xi32> to vector<16xi32>
    %gather3A_1885 = tpu.dynamic_gather %get3A_1879[%gather3A_1884] in [0] : vector<16xf32>, vector<16xi32> -> vector<16xf32>
    %select_n3A_1886 = arith.select %lt3A_40, %gather3A_1882, %gather3A_1885 : vector<16xi1>, vector<16xf32>
    %broadcast_in_dim3A_1887 = vector.shape_cast %select_n3A_68 : vector<16xi32> to vector<16x1xi32>
    %gather3A_1888 = vector.shape_cast %broadcast_in_dim3A_1887 : vector<16x1xi32> to vector<16xi32>
    %gather3A_1889 = tpu.dynamic_gather %get3A_1876[%gather3A_1888] in [0] : vector<16xf32>, vector<16xi32> -> vector<16xf32>
    %broadcast_in_dim3A_1890 = vector.shape_cast %select_n3A_68 : vector<16xi32> to vector<16x1xi32>
    %gather3A_1891 = vector.shape_cast %broadcast_in_dim3A_1890 : vector<16x1xi32> to vector<16xi32>
    %gather3A_1892 = tpu.dynamic_gather %get3A_1879[%gather3A_1891] in [0] : vector<16xf32>, vector<16xi32> -> vector<16xf32>
    %select_n3A_1893 = arith.select %lt3A_40, %gather3A_1889, %gather3A_1892 : vector<16xi1>, vector<16xf32>
    %div3A_1894 = arith.constant 1.000000e+02 : f32
    %div3A_1895 = vector.broadcast %div3A_1894 : f32 to vector<16xf32>
    %div3A_1896 = arith.divf %select_n3A_1886, %div3A_1895 : vector<16xf32>
    %convert_element_type3A_1897 = arith.fptosi %div3A_1896 : vector<16xf32> to vector<16xi32>
    %swap3A_1898 = arith.constant 16 : index
    %swap3A_1899 = tpu.vector_load %arg26[%swap3A_1898] {strides = array<i32>} : memref<128xi32, #tpu.memory_space<vmem>>, vector<16xi32>,
    %swap3A_1900 = vector.shape_cast %swap3A_1899 : vector<16xi32> to vector<16xi32>
    %swap3A_1901 = vector.shape_cast %convert_element_type3A_1897 : vector<16xi32> to vector<16xi32>
    tpu.vector_store %arg26[%swap3A_1898], %swap3A_1901 {strides = array<i32>} : memref<128xi32, #tpu.memory_space<vmem>>, vector<16xi32>,
    %div3A_1902 = arith.constant 1.000000e+02 : f32
    %div3A_1903 = vector.broadcast %div3A_1902 : f32 to vector<16xf32>
    %div3A_1904 = arith.divf %select_n3A_1893, %div3A_1903 : vector<16xf32>
    %convert_element_type3A_1905 = arith.fptosi %div3A_1904 : vector<16xf32> to vector<16xi32>
    %swap3A_1906 = arith.constant 16 : index
    %swap3A_1907 = tpu.vector_load %arg27[%swap3A_1906] {strides = array<i32>} : memref<128xi32, #tpu.memory_space<vmem>>, vector<16xi32>,
    %swap3A_1908 = vector.shape_cast %swap3A_1907 : vector<16xi32> to vector<16xi32>
    %swap3A_1909 = vector.shape_cast %convert_element_type3A_1905 : vector<16xi32> to vector<16xi32>
    tpu.vector_store %arg27[%swap3A_1906], %swap3A_1909 {strides = array<i32>} : memref<128xi32, #tpu.memory_space<vmem>>, vector<16xi32>,
    %get3A_1910 = arith.constant 64 : index
    %get3A_1911 = tpu.vector_load %arg25[%get3A_1910] {strides = array<i32>} : memref<256xf32, #tpu.memory_space<vmem>>, vector<16xf32>,
    %get3A_1912 = vector.shape_cast %get3A_1911 : vector<16xf32> to vector<16xf32>
    %get3A_1913 = arith.constant 80 : index
    %get3A_1914 = tpu.vector_load %arg25[%get3A_1913] {strides = array<i32>} : memref<256xf32, #tpu.memory_space<vmem>>, vector<16xf32>,
    %get3A_1915 = vector.shape_cast %get3A_1914 : vector<16xf32> to vector<16xf32>
    %broadcast_in_dim3A_1916 = vector.shape_cast %select_n3A_93 : vector<16xi32> to vector<16x1xi32>
    %gather3A_1917 = vector.shape_cast %broadcast_in_dim3A_1916 : vector<16x1xi32> to vector<16xi32>
    %gather3A_1918 = tpu.dynamic_gather %get3A_1912[%gather3A_1917] in [0] : vector<16xf32>, vector<16xi32> -> vector<16xf32>
    %broadcast_in_dim3A_1919 = vector.shape_cast %select_n3A_93 : vector<16xi32> to vector<16x1xi32>
    %gather3A_1920 = vector.shape_cast %broadcast_in_dim3A_1919 : vector<16x1xi32> to vector<16xi32>
    %gather3A_1921 = tpu.dynamic_gather %get3A_1915[%gather3A_1920] in [0] : vector<16xf32>, vector<16xi32> -> vector<16xf32>
    %select_n3A_1922 = arith.select %lt3A_40, %gather3A_1918, %gather3A_1921 : vector<16xi1>, vector<16xf32>
    %broadcast_in_dim3A_1923 = vector.shape_cast %select_n3A_68 : vector<16xi32> to vector<16x1xi32>
    %gather3A_1924 = vector.shape_cast %broadcast_in_dim3A_1923 : vector<16x1xi32> to vector<16xi32>
    %gather3A_1925 = tpu.dynamic_gather %get3A_1912[%gather3A_1924] in [0] : vector<16xf32>, vector<16xi32> -> vector<16xf32>
    %broadcast_in_dim3A_1926 = vector.shape_cast %select_n3A_68 : vector<16xi32> to vector<16x1xi32>
    %gather3A_1927 = vector.shape_cast %broadcast_in_dim3A_1926 : vector<16x1xi32> to vector<16xi32>
    %gather3A_1928 = tpu.dynamic_gather %get3A_1915[%gather3A_1927] in [0] : vector<16xf32>, vector<16xi32> -> vector<16xf32>
    %select_n3A_1929 = arith.select %lt3A_40, %gather3A_1925, %gather3A_1928 : vector<16xi1>, vector<16xf32>
    %div3A_1930 = arith.constant 1.000000e+02 : f32
    %div3A_1931 = vector.broadcast %div3A_1930 : f32 to vector<16xf32>
    %div3A_1932 = arith.divf %select_n3A_1922, %div3A_1931 : vector<16xf32>
    %convert_element_type3A_1933 = arith.fptosi %div3A_1932 : vector<16xf32> to vector<16xi32>
    %swap3A_1934 = arith.constant 32 : index
    %swap3A_1935 = tpu.vector_load %arg26[%swap3A_1934] {strides = array<i32>} : memref<128xi32, #tpu.memory_space<vmem>>, vector<16xi32>,
    %swap3A_1936 = vector.shape_cast %swap3A_1935 : vector<16xi32> to vector<16xi32>
    %swap3A_1937 = vector.shape_cast %convert_element_type3A_1933 : vector<16xi32> to vector<16xi32>
    tpu.vector_store %arg26[%swap3A_1934], %swap3A_1937 {strides = array<i32>} : memref<128xi32, #tpu.memory_space<vmem>>, vector<16xi32>,
    %div3A_1938 = arith.constant 1.000000e+02 : f32
    %div3A_1939 = vector.broadcast %div3A_1938 : f32 to vector<16xf32>
    %div3A_1940 = arith.divf %select_n3A_1929, %div3A_1939 : vector<16xf32>
    %convert_element_type3A_1941 = arith.fptosi %div3A_1940 : vector<16xf32> to vector<16xi32>
    %swap3A_1942 = arith.constant 32 : index
    %swap3A_1943 = tpu.vector_load %arg27[%swap3A_1942] {strides = array<i32>} : memref<128xi32, #tpu.memory_space<vmem>>, vector<16xi32>,
    %swap3A_1944 = vector.shape_cast %swap3A_1943 : vector<16xi32> to vector<16xi32>
    %swap3A_1945 = vector.shape_cast %convert_element_type3A_1941 : vector<16xi32> to vector<16xi32>
    tpu.vector_store %arg27[%swap3A_1942], %swap3A_1945 {strides = array<i32>} : memref<128xi32, #tpu.memory_space<vmem>>, vector<16xi32>,
    %get3A_1946 = arith.constant 96 : index
    %get3A_1947 = tpu.vector_load %arg25[%get3A_1946] {strides = array<i32>} : memref<256xf32, #tpu.memory_space<vmem>>, vector<16xf32>,
    %get3A_1948 = vector.shape_cast %get3A_1947 : vector<16xf32> to vector<16xf32>
    %get3A_1949 = arith.constant 112 : index
    %get3A_1950 = tpu.vector_load %arg25[%get3A_1949] {strides = array<i32>} : memref<256xf32, #tpu.memory_space<vmem>>, vector<16xf32>,
    %get3A_1951 = vector.shape_cast %get3A_1950 : vector<16xf32> to vector<16xf32>
    %broadcast_in_dim3A_1952 = vector.shape_cast %select_n3A_93 : vector<16xi32> to vector<16x1xi32>
    %gather3A_1953 = vector.shape_cast %broadcast_in_dim3A_1952 : vector<16x1xi32> to vector<16xi32>
    %gather3A_1954 = tpu.dynamic_gather %get3A_1948[%gather3A_1953] in [0] : vector<16xf32>, vector<16xi32> -> vector<16xf32>
    %broadcast_in_dim3A_1955 = vector.shape_cast %select_n3A_93 : vector<16xi32> to vector<16x1xi32>
    %gather3A_1956 = vector.shape_cast %broadcast_in_dim3A_1955 : vector<16x1xi32> to vector<16xi32>
    %gather3A_1957 = tpu.dynamic_gather %get3A_1951[%gather3A_1956] in [0] : vector<16xf32>, vector<16xi32> -> vector<16xf32>
    %select_n3A_1958 = arith.select %lt3A_40, %gather3A_1954, %gather3A_1957 : vector<16xi1>, vector<16xf32>
    %broadcast_in_dim3A_1959 = vector.shape_cast %select_n3A_68 : vector<16xi32> to vector<16x1xi32>
    %gather3A_1960 = vector.shape_cast %broadcast_in_dim3A_1959 : vector<16x1xi32> to vector<16xi32>
    %gather3A_1961 = tpu.dynamic_gather %get3A_1948[%gather3A_1960] in [0] : vector<16xf32>, vector<16xi32> -> vector<16xf32>
    %broadcast_in_dim3A_1962 = vector.shape_cast %select_n3A_68 : vector<16xi32> to vector<16x1xi32>
    %gather3A_1963 = vector.shape_cast %broadcast_in_dim3A_1962 : vector<16x1xi32> to vector<16xi32>
    %gather3A_1964 = tpu.dynamic_gather %get3A_1951[%gather3A_1963] in [0] : vector<16xf32>, vector<16xi32> -> vector<16xf32>
    %select_n3A_1965 = arith.select %lt3A_40, %gather3A_1961, %gather3A_1964 : vector<16xi1>, vector<16xf32>
    %div3A_1966 = arith.constant 1.000000e+02 : f32
    %div3A_1967 = vector.broadcast %div3A_1966 : f32 to vector<16xf32>
    %div3A_1968 = arith.divf %select_n3A_1958, %div3A_1967 : vector<16xf32>
    %convert_element_type3A_1969 = arith.fptosi %div3A_1968 : vector<16xf32> to vector<16xi32>
    %swap3A_1970 = arith.constant 48 : index
    %swap3A_1971 = tpu.vector_load %arg26[%swap3A_1970] {strides = array<i32>} : memref<128xi32, #tpu.memory_space<vmem>>, vector<16xi32>,
    %swap3A_1972 = vector.shape_cast %swap3A_1971 : vector<16xi32> to vector<16xi32>
    %swap3A_1973 = vector.shape_cast %convert_element_type3A_1969 : vector<16xi32> to vector<16xi32>
    tpu.vector_store %arg26[%swap3A_1970], %swap3A_1973 {strides = array<i32>} : memref<128xi32, #tpu.memory_space<vmem>>, vector<16xi32>,
    %div3A_1974 = arith.constant 1.000000e+02 : f32
    %div3A_1975 = vector.broadcast %div3A_1974 : f32 to vector<16xf32>
    %div3A_1976 = arith.divf %select_n3A_1965, %div3A_1975 : vector<16xf32>
    %convert_element_type3A_1977 = arith.fptosi %div3A_1976 : vector<16xf32> to vector<16xi32>
    %swap3A_1978 = arith.constant 48 : index
    %swap3A_1979 = tpu.vector_load %arg27[%swap3A_1978] {strides = array<i32>} : memref<128xi32, #tpu.memory_space<vmem>>, vector<16xi32>,
    %swap3A_1980 = vector.shape_cast %swap3A_1979 : vector<16xi32> to vector<16xi32>
    %swap3A_1981 = vector.shape_cast %convert_element_type3A_1977 : vector<16xi32> to vector<16xi32>
    tpu.vector_store %arg27[%swap3A_1978], %swap3A_1981 {strides = array<i32>} : memref<128xi32, #tpu.memory_space<vmem>>, vector<16xi32>,
    %get3A_1982 = arith.constant 128 : index
    %get3A_1983 = tpu.vector_load %arg25[%get3A_1982] {strides = array<i32>} : memref<256xf32, #tpu.memory_space<vmem>>, vector<16xf32>,
    %get3A_1984 = vector.shape_cast %get3A_1983 : vector<16xf32> to vector<16xf32>
    %get3A_1985 = arith.constant 144 : index
    %get3A_1986 = tpu.vector_load %arg25[%get3A_1985] {strides = array<i32>} : memref<256xf32, #tpu.memory_space<vmem>>, vector<16xf32>,
    %get3A_1987 = vector.shape_cast %get3A_1986 : vector<16xf32> to vector<16xf32>
    %broadcast_in_dim3A_1988 = vector.shape_cast %select_n3A_93 : vector<16xi32> to vector<16x1xi32>
    %gather3A_1989 = vector.shape_cast %broadcast_in_dim3A_1988 : vector<16x1xi32> to vector<16xi32>
    %gather3A_1990 = tpu.dynamic_gather %get3A_1984[%gather3A_1989] in [0] : vector<16xf32>, vector<16xi32> -> vector<16xf32>
    %broadcast_in_dim3A_1991 = vector.shape_cast %select_n3A_93 : vector<16xi32> to vector<16x1xi32>
    %gather3A_1992 = vector.shape_cast %broadcast_in_dim3A_1991 : vector<16x1xi32> to vector<16xi32>
    %gather3A_1993 = tpu.dynamic_gather %get3A_1987[%gather3A_1992] in [0] : vector<16xf32>, vector<16xi32> -> vector<16xf32>
    %select_n3A_1994 = arith.select %lt3A_40, %gather3A_1990, %gather3A_1993 : vector<16xi1>, vector<16xf32>
    %broadcast_in_dim3A_1995 = vector.shape_cast %select_n3A_68 : vector<16xi32> to vector<16x1xi32>
    %gather3A_1996 = vector.shape_cast %broadcast_in_dim3A_1995 : vector<16x1xi32> to vector<16xi32>
    %gather3A_1997 = tpu.dynamic_gather %get3A_1984[%gather3A_1996] in [0] : vector<16xf32>, vector<16xi32> -> vector<16xf32>
    %broadcast_in_dim3A_1998 = vector.shape_cast %select_n3A_68 : vector<16xi32> to vector<16x1xi32>
    %gather3A_1999 = vector.shape_cast %broadcast_in_dim3A_1998 : vector<16x1xi32> to vector<16xi32>
    %gather3A_2000 = tpu.dynamic_gather %get3A_1987[%gather3A_1999] in [0] : vector<16xf32>, vector<16xi32> -> vector<16xf32>
    %select_n3A_2001 = arith.select %lt3A_40, %gather3A_1997, %gather3A_2000 : vector<16xi1>, vector<16xf32>
    %div3A_2002 = arith.constant 1.000000e+02 : f32
    %div3A_2003 = vector.broadcast %div3A_2002 : f32 to vector<16xf32>
    %div3A_2004 = arith.divf %select_n3A_1994, %div3A_2003 : vector<16xf32>
    %convert_element_type3A_2005 = arith.fptosi %div3A_2004 : vector<16xf32> to vector<16xi32>
    %swap3A_2006 = arith.constant 64 : index
    %swap3A_2007 = tpu.vector_load %arg26[%swap3A_2006] {strides = array<i32>} : memref<128xi32, #tpu.memory_space<vmem>>, vector<16xi32>,
    %swap3A_2008 = vector.shape_cast %swap3A_2007 : vector<16xi32> to vector<16xi32>
    %swap3A_2009 = vector.shape_cast %convert_element_type3A_2005 : vector<16xi32> to vector<16xi32>
    tpu.vector_store %arg26[%swap3A_2006], %swap3A_2009 {strides = array<i32>} : memref<128xi32, #tpu.memory_space<vmem>>, vector<16xi32>,
    %div3A_2010 = arith.constant 1.000000e+02 : f32
    %div3A_2011 = vector.broadcast %div3A_2010 : f32 to vector<16xf32>
    %div3A_2012 = arith.divf %select_n3A_2001, %div3A_2011 : vector<16xf32>
    %convert_element_type3A_2013 = arith.fptosi %div3A_2012 : vector<16xf32> to vector<16xi32>
    %swap3A_2014 = arith.constant 64 : index
    %swap3A_2015 = tpu.vector_load %arg27[%swap3A_2014] {strides = array<i32>} : memref<128xi32, #tpu.memory_space<vmem>>, vector<16xi32>,
    %swap3A_2016 = vector.shape_cast %swap3A_2015 : vector<16xi32> to vector<16xi32>
    %swap3A_2017 = vector.shape_cast %convert_element_type3A_2013 : vector<16xi32> to vector<16xi32>
    tpu.vector_store %arg27[%swap3A_2014], %swap3A_2017 {strides = array<i32>} : memref<128xi32, #tpu.memory_space<vmem>>, vector<16xi32>,
    %get3A_2018 = arith.constant 160 : index
    %get3A_2019 = tpu.vector_load %arg25[%get3A_2018] {strides = array<i32>} : memref<256xf32, #tpu.memory_space<vmem>>, vector<16xf32>,
    %get3A_2020 = vector.shape_cast %get3A_2019 : vector<16xf32> to vector<16xf32>
    %get3A_2021 = arith.constant 176 : index
    %get3A_2022 = tpu.vector_load %arg25[%get3A_2021] {strides = array<i32>} : memref<256xf32, #tpu.memory_space<vmem>>, vector<16xf32>,
    %get3A_2023 = vector.shape_cast %get3A_2022 : vector<16xf32> to vector<16xf32>
    %broadcast_in_dim3A_2024 = vector.shape_cast %select_n3A_93 : vector<16xi32> to vector<16x1xi32>
    %gather3A_2025 = vector.shape_cast %broadcast_in_dim3A_2024 : vector<16x1xi32> to vector<16xi32>
    %gather3A_2026 = tpu.dynamic_gather %get3A_2020[%gather3A_2025] in [0] : vector<16xf32>, vector<16xi32> -> vector<16xf32>
    %broadcast_in_dim3A_2027 = vector.shape_cast %select_n3A_93 : vector<16xi32> to vector<16x1xi32>
    %gather3A_2028 = vector.shape_cast %broadcast_in_dim3A_2027 : vector<16x1xi32> to vector<16xi32>
    %gather3A_2029 = tpu.dynamic_gather %get3A_2023[%gather3A_2028] in [0] : vector<16xf32>, vector<16xi32> -> vector<16xf32>
    %select_n3A_2030 = arith.select %lt3A_40, %gather3A_2026, %gather3A_2029 : vector<16xi1>, vector<16xf32>
    %broadcast_in_dim3A_2031 = vector.shape_cast %select_n3A_68 : vector<16xi32> to vector<16x1xi32>
    %gather3A_2032 = vector.shape_cast %broadcast_in_dim3A_2031 : vector<16x1xi32> to vector<16xi32>
    %gather3A_2033 = tpu.dynamic_gather %get3A_2020[%gather3A_2032] in [0] : vector<16xf32>, vector<16xi32> -> vector<16xf32>
    %broadcast_in_dim3A_2034 = vector.shape_cast %select_n3A_68 : vector<16xi32> to vector<16x1xi32>
    %gather3A_2035 = vector.shape_cast %broadcast_in_dim3A_2034 : vector<16x1xi32> to vector<16xi32>
    %gather3A_2036 = tpu.dynamic_gather %get3A_2023[%gather3A_2035] in [0] : vector<16xf32>, vector<16xi32> -> vector<16xf32>
    %select_n3A_2037 = arith.select %lt3A_40, %gather3A_2033, %gather3A_2036 : vector<16xi1>, vector<16xf32>
    %div3A_2038 = arith.constant 1.000000e+02 : f32
    %div3A_2039 = vector.broadcast %div3A_2038 : f32 to vector<16xf32>
    %div3A_2040 = arith.divf %select_n3A_2030, %div3A_2039 : vector<16xf32>
    %convert_element_type3A_2041 = arith.fptosi %div3A_2040 : vector<16xf32> to vector<16xi32>
    %swap3A_2042 = arith.constant 80 : index
    %swap3A_2043 = tpu.vector_load %arg26[%swap3A_2042] {strides = array<i32>} : memref<128xi32, #tpu.memory_space<vmem>>, vector<16xi32>,
    %swap3A_2044 = vector.shape_cast %swap3A_2043 : vector<16xi32> to vector<16xi32>
    %swap3A_2045 = vector.shape_cast %convert_element_type3A_2041 : vector<16xi32> to vector<16xi32>
    tpu.vector_store %arg26[%swap3A_2042], %swap3A_2045 {strides = array<i32>} : memref<128xi32, #tpu.memory_space<vmem>>, vector<16xi32>,
    %div3A_2046 = arith.constant 1.000000e+02 : f32
    %div3A_2047 = vector.broadcast %div3A_2046 : f32 to vector<16xf32>
    %div3A_2048 = arith.divf %select_n3A_2037, %div3A_2047 : vector<16xf32>
    %convert_element_type3A_2049 = arith.fptosi %div3A_2048 : vector<16xf32> to vector<16xi32>
    %swap3A_2050 = arith.constant 80 : index
    %swap3A_2051 = tpu.vector_load %arg27[%swap3A_2050] {strides = array<i32>} : memref<128xi32, #tpu.memory_space<vmem>>, vector<16xi32>,
    %swap3A_2052 = vector.shape_cast %swap3A_2051 : vector<16xi32> to vector<16xi32>
    %swap3A_2053 = vector.shape_cast %convert_element_type3A_2049 : vector<16xi32> to vector<16xi32>
    tpu.vector_store %arg27[%swap3A_2050], %swap3A_2053 {strides = array<i32>} : memref<128xi32, #tpu.memory_space<vmem>>, vector<16xi32>,
    %get3A_2054 = arith.constant 192 : index
    %get3A_2055 = tpu.vector_load %arg25[%get3A_2054] {strides = array<i32>} : memref<256xf32, #tpu.memory_space<vmem>>, vector<16xf32>,
    %get3A_2056 = vector.shape_cast %get3A_2055 : vector<16xf32> to vector<16xf32>
    %get3A_2057 = arith.constant 208 : index
    %get3A_2058 = tpu.vector_load %arg25[%get3A_2057] {strides = array<i32>} : memref<256xf32, #tpu.memory_space<vmem>>, vector<16xf32>,
    %get3A_2059 = vector.shape_cast %get3A_2058 : vector<16xf32> to vector<16xf32>
    %broadcast_in_dim3A_2060 = vector.shape_cast %select_n3A_93 : vector<16xi32> to vector<16x1xi32>
    %gather3A_2061 = vector.shape_cast %broadcast_in_dim3A_2060 : vector<16x1xi32> to vector<16xi32>
    %gather3A_2062 = tpu.dynamic_gather %get3A_2056[%gather3A_2061] in [0] : vector<16xf32>, vector<16xi32> -> vector<16xf32>
    %broadcast_in_dim3A_2063 = vector.shape_cast %select_n3A_93 : vector<16xi32> to vector<16x1xi32>
    %gather3A_2064 = vector.shape_cast %broadcast_in_dim3A_2063 : vector<16x1xi32> to vector<16xi32>
    %gather3A_2065 = tpu.dynamic_gather %get3A_2059[%gather3A_2064] in [0] : vector<16xf32>, vector<16xi32> -> vector<16xf32>
    %select_n3A_2066 = arith.select %lt3A_40, %gather3A_2062, %gather3A_2065 : vector<16xi1>, vector<16xf32>
    %broadcast_in_dim3A_2067 = vector.shape_cast %select_n3A_68 : vector<16xi32> to vector<16x1xi32>
    %gather3A_2068 = vector.shape_cast %broadcast_in_dim3A_2067 : vector<16x1xi32> to vector<16xi32>
    %gather3A_2069 = tpu.dynamic_gather %get3A_2056[%gather3A_2068] in [0] : vector<16xf32>, vector<16xi32> -> vector<16xf32>
    %broadcast_in_dim3A_2070 = vector.shape_cast %select_n3A_68 : vector<16xi32> to vector<16x1xi32>
    %gather3A_2071 = vector.shape_cast %broadcast_in_dim3A_2070 : vector<16x1xi32> to vector<16xi32>
    %gather3A_2072 = tpu.dynamic_gather %get3A_2059[%gather3A_2071] in [0] : vector<16xf32>, vector<16xi32> -> vector<16xf32>
    %select_n3A_2073 = arith.select %lt3A_40, %gather3A_2069, %gather3A_2072 : vector<16xi1>, vector<16xf32>
    %div3A_2074 = arith.constant 1.000000e+02 : f32
    %div3A_2075 = vector.broadcast %div3A_2074 : f32 to vector<16xf32>
    %div3A_2076 = arith.divf %select_n3A_2066, %div3A_2075 : vector<16xf32>
    %convert_element_type3A_2077 = arith.fptosi %div3A_2076 : vector<16xf32> to vector<16xi32>
    %swap3A_2078 = arith.constant 96 : index
    %swap3A_2079 = tpu.vector_load %arg26[%swap3A_2078] {strides = array<i32>} : memref<128xi32, #tpu.memory_space<vmem>>, vector<16xi32>,
    %swap3A_2080 = vector.shape_cast %swap3A_2079 : vector<16xi32> to vector<16xi32>
    %swap3A_2081 = vector.shape_cast %convert_element_type3A_2077 : vector<16xi32> to vector<16xi32>
    tpu.vector_store %arg26[%swap3A_2078], %swap3A_2081 {strides = array<i32>} : memref<128xi32, #tpu.memory_space<vmem>>, vector<16xi32>,
    %div3A_2082 = arith.constant 1.000000e+02 : f32
    %div3A_2083 = vector.broadcast %div3A_2082 : f32 to vector<16xf32>
    %div3A_2084 = arith.divf %select_n3A_2073, %div3A_2083 : vector<16xf32>
    %convert_element_type3A_2085 = arith.fptosi %div3A_2084 : vector<16xf32> to vector<16xi32>
    %swap3A_2086 = arith.constant 96 : index
    %swap3A_2087 = tpu.vector_load %arg27[%swap3A_2086] {strides = array<i32>} : memref<128xi32, #tpu.memory_space<vmem>>, vector<16xi32>,
    %swap3A_2088 = vector.shape_cast %swap3A_2087 : vector<16xi32> to vector<16xi32>
    %swap3A_2089 = vector.shape_cast %convert_element_type3A_2085 : vector<16xi32> to vector<16xi32>
    tpu.vector_store %arg27[%swap3A_2086], %swap3A_2089 {strides = array<i32>} : memref<128xi32, #tpu.memory_space<vmem>>, vector<16xi32>,
    %get3A_2090 = arith.constant 224 : index
    %get3A_2091 = tpu.vector_load %arg25[%get3A_2090] {strides = array<i32>} : memref<256xf32, #tpu.memory_space<vmem>>, vector<16xf32>,
    %get3A_2092 = vector.shape_cast %get3A_2091 : vector<16xf32> to vector<16xf32>
    %get3A_2093 = arith.constant 240 : index
    %get3A_2094 = tpu.vector_load %arg25[%get3A_2093] {strides = array<i32>} : memref<256xf32, #tpu.memory_space<vmem>>, vector<16xf32>,
    %get3A_2095 = vector.shape_cast %get3A_2094 : vector<16xf32> to vector<16xf32>
    %broadcast_in_dim3A_2096 = vector.shape_cast %select_n3A_93 : vector<16xi32> to vector<16x1xi32>
    %gather3A_2097 = vector.shape_cast %broadcast_in_dim3A_2096 : vector<16x1xi32> to vector<16xi32>
    %gather3A_2098 = tpu.dynamic_gather %get3A_2092[%gather3A_2097] in [0] : vector<16xf32>, vector<16xi32> -> vector<16xf32>
    %broadcast_in_dim3A_2099 = vector.shape_cast %select_n3A_93 : vector<16xi32> to vector<16x1xi32>
    %gather3A_2100 = vector.shape_cast %broadcast_in_dim3A_2099 : vector<16x1xi32> to vector<16xi32>
    %gather3A_2101 = tpu.dynamic_gather %get3A_2095[%gather3A_2100] in [0] : vector<16xf32>, vector<16xi32> -> vector<16xf32>
    %select_n3A_2102 = arith.select %lt3A_40, %gather3A_2098, %gather3A_2101 : vector<16xi1>, vector<16xf32>
    %broadcast_in_dim3A_2103 = vector.shape_cast %select_n3A_68 : vector<16xi32> to vector<16x1xi32>
    %gather3A_2104 = vector.shape_cast %broadcast_in_dim3A_2103 : vector<16x1xi32> to vector<16xi32>
    %gather3A_2105 = tpu.dynamic_gather %get3A_2092[%gather3A_2104] in [0] : vector<16xf32>, vector<16xi32> -> vector<16xf32>
    %broadcast_in_dim3A_2106 = vector.shape_cast %select_n3A_68 : vector<16xi32> to vector<16x1xi32>
    %gather3A_2107 = vector.shape_cast %broadcast_in_dim3A_2106 : vector<16x1xi32> to vector<16xi32>
    %gather3A_2108 = tpu.dynamic_gather %get3A_2095[%gather3A_2107] in [0] : vector<16xf32>, vector<16xi32> -> vector<16xf32>
    %select_n3A_2109 = arith.select %lt3A_40, %gather3A_2105, %gather3A_2108 : vector<16xi1>, vector<16xf32>
    %div3A_2110 = arith.constant 1.000000e+02 : f32
    %div3A_2111 = vector.broadcast %div3A_2110 : f32 to vector<16xf32>
    %div3A_2112 = arith.divf %select_n3A_2102, %div3A_2111 : vector<16xf32>
    %convert_element_type3A_2113 = arith.fptosi %div3A_2112 : vector<16xf32> to vector<16xi32>
    %swap3A_2114 = arith.constant 112 : index
    %swap3A_2115 = tpu.vector_load %arg26[%swap3A_2114] {strides = array<i32>} : memref<128xi32, #tpu.memory_space<vmem>>, vector<16xi32>,
    %swap3A_2116 = vector.shape_cast %swap3A_2115 : vector<16xi32> to vector<16xi32>
    %swap3A_2117 = vector.shape_cast %convert_element_type3A_2113 : vector<16xi32> to vector<16xi32>
    tpu.vector_store %arg26[%swap3A_2114], %swap3A_2117 {strides = array<i32>} : memref<128xi32, #tpu.memory_space<vmem>>, vector<16xi32>,
    %div3A_2118 = arith.constant 1.000000e+02 : f32
    %div3A_2119 = vector.broadcast %div3A_2118 : f32 to vector<16xf32>
    %div3A_2120 = arith.divf %select_n3A_2109, %div3A_2119 : vector<16xf32>
    %convert_element_type3A_2121 = arith.fptosi %div3A_2120 : vector<16xf32> to vector<16xi32>
    %swap3A_2122 = arith.constant 112 : index
    %swap3A_2123 = tpu.vector_load %arg27[%swap3A_2122] {strides = array<i32>} : memref<128xi32, #tpu.memory_space<vmem>>, vector<16xi32>,
    %swap3A_2124 = vector.shape_cast %swap3A_2123 : vector<16xi32> to vector<16xi32>
    %swap3A_2125 = vector.shape_cast %convert_element_type3A_2121 : vector<16xi32> to vector<16xi32>
    tpu.vector_store %arg27[%swap3A_2122], %swap3A_2125 {strides = array<i32>} : memref<128xi32, #tpu.memory_space<vmem>>, vector<16xi32>,
    %dma_start3A_2126 = arith.constant 0 : i32
    %dma_start3A_2127 = arith.constant 0 : i32
    %dma_start3A_2128 = tpu.memref_slice %arg6[%dma_start3A_2126, %dma_start3A_2127] : memref<384x128xf32, #tpu.memory_space<vmem_shared>> -> memref<384x128xf32, #tpu.memory_space<vmem_shared>>
    tpu.enqueue_indirect_dma source(%dma_start3A_2128 : memref<384x128xf32, #tpu.memory_space<vmem_shared>>) target(%arg28 : memref<128x128xf32, #tpu.memory_space<vmem>>) offsets(%arg27 : memref<128xi32, #tpu.memory_space<vmem>>) semaphore(%arg32 : memref<!tpu.dma_semaphore, #tpu.memory_space<semaphore_mem>>) {add = true}
    %dma_start3A_2129 = arith.constant 0 : i32
    %dma_start3A_2130 = arith.constant 0 : i32
    %dma_start3A_2131 = tpu.memref_slice %arg6[%dma_start3A_2129, %dma_start3A_2130] : memref<384x128xf32, #tpu.memory_space<vmem_shared>> -> memref<384x128xf32, #tpu.memory_space<vmem_shared>>
    tpu.enqueue_indirect_dma source(%dma_start3A_2131 : memref<384x128xf32, #tpu.memory_space<vmem_shared>>) target(%arg29 : memref<128x128xf32, #tpu.memory_space<vmem>>) offsets(%arg26 : memref<128xi32, #tpu.memory_space<vmem>>) semaphore(%arg32 : memref<!tpu.dma_semaphore, #tpu.memory_space<semaphore_mem>>) {add = true}
    %dma_wait3A_2132 = arith.constant 0 : i32
    %dma_wait3A_2133 = arith.constant 0 : i32
    %dma_wait3A_2134 = tpu.memref_slice %arg6[%dma_wait3A_2132, %dma_wait3A_2133] : memref<384x128xf32, #tpu.memory_space<vmem_shared>> -> memref<384x128xf32, #tpu.memory_space<vmem_shared>>
    tpu.wait_indirect_dma semaphore(%arg23 : memref<!tpu.dma_semaphore, #tpu.memory_space<semaphore_mem>>) src(%dma_wait3A_2134 : memref<384x128xf32, #tpu.memory_space<vmem_shared>>) dst(%arg19 : memref<128x128xf32, #tpu.memory_space<vmem>>)
    %dma_wait3A_2135 = arith.constant 0 : i32
    %dma_wait3A_2136 = arith.constant 0 : i32
    %dma_wait3A_2137 = tpu.memref_slice %arg6[%dma_wait3A_2135, %dma_wait3A_2136] : memref<384x128xf32, #tpu.memory_space<vmem_shared>> -> memref<384x128xf32, #tpu.memory_space<vmem_shared>>
    tpu.wait_indirect_dma semaphore(%arg23 : memref<!tpu.dma_semaphore, #tpu.memory_space<semaphore_mem>>) src(%dma_wait3A_2137 : memref<384x128xf32, #tpu.memory_space<vmem_shared>>) dst(%arg20 : memref<128x128xf32, #tpu.memory_space<vmem>>)
    %add3A_2138 = arith.constant 512 : i32
    %add3A_2139 = arith.addi %mul3A_2, %add3A_2138 : i32
    %dma_start3A_2140 = arith.constant 0 : i32
    %dma_start3A_2141 = tpu.memref_slice %arg5[%add3A_2139, %dma_start3A_2140] : memref<32768x256xf32, #tpu.memory_space<hbm>> -> memref<128x128xf32, #tpu.memory_space<hbm>>
    %dma_start3A_2142 = arith.constant 0 : i32
    %dma_start3A_2143 = tpu.memref_slice %arg5[%add3A_2139, %dma_start3A_2142] : memref<32768x256xf32, #tpu.memory_space<hbm>> -> memref<128x128xf32, #tpu.memory_space<hbm>>
    tpu.enqueue_dma source(%arg19 : memref<128x128xf32, #tpu.memory_space<vmem>>) target(%dma_start3A_2143 : memref<128x128xf32, #tpu.memory_space<hbm>>) target_semaphore(%arg24 : memref<!tpu.dma_semaphore, #tpu.memory_space<semaphore_mem>>)
    %dma_start3A_2144 = arith.constant 128 : i32
    %dma_start3A_2145 = tpu.memref_slice %arg5[%add3A_2139, %dma_start3A_2144] : memref<32768x256xf32, #tpu.memory_space<hbm>> -> memref<128x128xf32, #tpu.memory_space<hbm>>
    %dma_start3A_2146 = arith.constant 128 : i32
    %dma_start3A_2147 = tpu.memref_slice %arg5[%add3A_2139, %dma_start3A_2146] : memref<32768x256xf32, #tpu.memory_space<hbm>> -> memref<128x128xf32, #tpu.memory_space<hbm>>
    tpu.enqueue_dma source(%arg20 : memref<128x128xf32, #tpu.memory_space<vmem>>) target(%dma_start3A_2147 : memref<128x128xf32, #tpu.memory_space<hbm>>) target_semaphore(%arg24 : memref<!tpu.dma_semaphore, #tpu.memory_space<semaphore_mem>>)
    %dma_wait3A_2148 = arith.constant 0 : i32
    %dma_wait3A_2149 = tpu.memref_slice %arg5[%add3A_2139, %dma_wait3A_2148] : memref<32768x256xf32, #tpu.memory_space<hbm>> -> memref<128x128xf32, #tpu.memory_space<hbm>>
    %dma_wait3A_2150 = arith.constant 0 : i32
    %dma_wait3A_2151 = tpu.memref_slice %arg5[%add3A_2139, %dma_wait3A_2150] : memref<32768x256xf32, #tpu.memory_space<hbm>> -> memref<128x128xf32, #tpu.memory_space<hbm>>
    tpu.wait_dma2 semaphore(%arg24 : memref<!tpu.dma_semaphore, #tpu.memory_space<semaphore_mem>>) src(%arg19 : memref<128x128xf32, #tpu.memory_space<vmem>>) dst(%dma_wait3A_2151 : memref<128x128xf32, #tpu.memory_space<hbm>>)
    %dma_wait3A_2152 = arith.constant 128 : i32
    %dma_wait3A_2153 = tpu.memref_slice %arg5[%add3A_2139, %dma_wait3A_2152] : memref<32768x256xf32, #tpu.memory_space<hbm>> -> memref<128x128xf32, #tpu.memory_space<hbm>>
    %dma_wait3A_2154 = arith.constant 128 : i32
    %dma_wait3A_2155 = tpu.memref_slice %arg5[%add3A_2139, %dma_wait3A_2154] : memref<32768x256xf32, #tpu.memory_space<hbm>> -> memref<128x128xf32, #tpu.memory_space<hbm>>
    tpu.wait_dma2 semaphore(%arg24 : memref<!tpu.dma_semaphore, #tpu.memory_space<semaphore_mem>>) src(%arg20 : memref<128x128xf32, #tpu.memory_space<vmem>>) dst(%dma_wait3A_2155 : memref<128x128xf32, #tpu.memory_space<hbm>>)
    %add3A_2156 = arith.constant 896 : i32
    %add3A_2157 = arith.addi %mul3A_2, %add3A_2156 : i32
    %dma_start3A_2158 = arith.constant 0 : i32
    %dma_start3A_2159 = tpu.memref_slice %arg2[%add3A_2157, %dma_start3A_2158] : memref<32768x256xf32, #tpu.memory_space<hbm>> -> memref<128x128xf32, #tpu.memory_space<hbm>>
    %dma_start3A_2160 = arith.constant 0 : i32
    %dma_start3A_2161 = tpu.memref_slice %arg2[%add3A_2157, %dma_start3A_2160] : memref<32768x256xf32, #tpu.memory_space<hbm>> -> memref<128x128xf32, #tpu.memory_space<hbm>>
    tpu.enqueue_dma source(%dma_start3A_2161 : memref<128x128xf32, #tpu.memory_space<hbm>>) target(%arg19 : memref<128x128xf32, #tpu.memory_space<vmem>>) target_semaphore(%arg21 : memref<!tpu.dma_semaphore, #tpu.memory_space<semaphore_mem>>)
    %dma_start3A_2162 = arith.constant 128 : i32
    %dma_start3A_2163 = tpu.memref_slice %arg2[%add3A_2157, %dma_start3A_2162] : memref<32768x256xf32, #tpu.memory_space<hbm>> -> memref<128x128xf32, #tpu.memory_space<hbm>>
    %dma_start3A_2164 = arith.constant 128 : i32
    %dma_start3A_2165 = tpu.memref_slice %arg2[%add3A_2157, %dma_start3A_2164] : memref<32768x256xf32, #tpu.memory_space<hbm>> -> memref<128x128xf32, #tpu.memory_space<hbm>>
    tpu.enqueue_dma source(%dma_start3A_2165 : memref<128x128xf32, #tpu.memory_space<hbm>>) target(%arg20 : memref<128x128xf32, #tpu.memory_space<vmem>>) target_semaphore(%arg21 : memref<!tpu.dma_semaphore, #tpu.memory_space<semaphore_mem>>)
    %add3A_2166 = arith.constant 1792 : i32
    %add3A_2167 = arith.addi %mul3A_34, %add3A_2166 : i32
    %dma_start3A_2168 = tpu.memref_slice %arg3[%select_n3A, %add3A_2167] : memref<16x4096xf32, #tpu.memory_space<hbm>> -> memref<1x256xf32, #tpu.memory_space<hbm>>
    %dma_start3A_2169 = tpu.memref_squeeze %dma_start3A_2168 : memref<1x256xf32, #tpu.memory_space<hbm>> -> memref<256xf32, #tpu.memory_space<hbm>>
    %dma_start3A_2170 = tpu.memref_slice %arg3[%select_n3A, %add3A_2167] : memref<16x4096xf32, #tpu.memory_space<hbm>> -> memref<1x256xf32, #tpu.memory_space<hbm>>
    %dma_start3A_2171 = tpu.memref_squeeze %dma_start3A_2170 : memref<1x256xf32, #tpu.memory_space<hbm>> -> memref<256xf32, #tpu.memory_space<hbm>>
    tpu.enqueue_dma source(%dma_start3A_2171 : memref<256xf32, #tpu.memory_space<hbm>>) target(%arg16 : memref<256xf32, #tpu.memory_space<vmem>>) target_semaphore(%arg22 : memref<!tpu.dma_semaphore, #tpu.memory_space<semaphore_mem>>)
    %dma_wait3A_2172 = arith.constant 0 : i32
    %dma_wait3A_2173 = tpu.memref_slice %arg2[%add3A_1811, %dma_wait3A_2172] : memref<32768x256xf32, #tpu.memory_space<hbm>> -> memref<128x128xf32, #tpu.memory_space<hbm>>
    %dma_wait3A_2174 = arith.constant 0 : i32
    %dma_wait3A_2175 = tpu.memref_slice %arg2[%add3A_1811, %dma_wait3A_2174] : memref<32768x256xf32, #tpu.memory_space<hbm>> -> memref<128x128xf32, #tpu.memory_space<hbm>>
    tpu.wait_dma2 semaphore(%arg12 : memref<!tpu.dma_semaphore, #tpu.memory_space<semaphore_mem>>) src(%dma_wait3A_2175 : memref<128x128xf32, #tpu.memory_space<hbm>>) dst(%arg10 : memref<128x128xf32, #tpu.memory_space<vmem>>)
    %dma_wait3A_2176 = arith.constant 128 : i32
    %dma_wait3A_2177 = tpu.memref_slice %arg2[%add3A_1811, %dma_wait3A_2176] : memref<32768x256xf32, #tpu.memory_space<hbm>> -> memref<128x128xf32, #tpu.memory_space<hbm>>
    %dma_wait3A_2178 = arith.constant 128 : i32
    %dma_wait3A_2179 = tpu.memref_slice %arg2[%add3A_1811, %dma_wait3A_2178] : memref<32768x256xf32, #tpu.memory_space<hbm>> -> memref<128x128xf32, #tpu.memory_space<hbm>>
    tpu.wait_dma2 semaphore(%arg12 : memref<!tpu.dma_semaphore, #tpu.memory_space<semaphore_mem>>) src(%dma_wait3A_2179 : memref<128x128xf32, #tpu.memory_space<hbm>>) dst(%arg11 : memref<128x128xf32, #tpu.memory_space<vmem>>)
    %dma_wait3A_2180 = tpu.memref_slice %arg3[%select_n3A, %add3A_1821] : memref<16x4096xf32, #tpu.memory_space<hbm>> -> memref<1x256xf32, #tpu.memory_space<hbm>>
    %dma_wait3A_2181 = tpu.memref_squeeze %dma_wait3A_2180 : memref<1x256xf32, #tpu.memory_space<hbm>> -> memref<256xf32, #tpu.memory_space<hbm>>
    %dma_wait3A_2182 = tpu.memref_slice %arg3[%select_n3A, %add3A_1821] : memref<16x4096xf32, #tpu.memory_space<hbm>> -> memref<1x256xf32, #tpu.memory_space<hbm>>
    %dma_wait3A_2183 = tpu.memref_squeeze %dma_wait3A_2182 : memref<1x256xf32, #tpu.memory_space<hbm>> -> memref<256xf32, #tpu.memory_space<hbm>>
    tpu.wait_dma2 semaphore(%arg13 : memref<!tpu.dma_semaphore, #tpu.memory_space<semaphore_mem>>) src(%dma_wait3A_2183 : memref<256xf32, #tpu.memory_space<hbm>>) dst(%arg7 : memref<256xf32, #tpu.memory_space<vmem>>)
    %get3A_2184 = arith.constant 0 : index
    %get3A_2185 = tpu.vector_load %arg7[%get3A_2184] {strides = array<i32>} : memref<256xf32, #tpu.memory_space<vmem>>, vector<16xf32>,
    %get3A_2186 = vector.shape_cast %get3A_2185 : vector<16xf32> to vector<16xf32>
    %get3A_2187 = arith.constant 16 : index
    %get3A_2188 = tpu.vector_load %arg7[%get3A_2187] {strides = array<i32>} : memref<256xf32, #tpu.memory_space<vmem>>, vector<16xf32>,
    %get3A_2189 = vector.shape_cast %get3A_2188 : vector<16xf32> to vector<16xf32>
    %broadcast_in_dim3A_2190 = vector.shape_cast %select_n3A_93 : vector<16xi32> to vector<16x1xi32>
    %gather3A_2191 = vector.shape_cast %broadcast_in_dim3A_2190 : vector<16x1xi32> to vector<16xi32>
    %gather3A_2192 = tpu.dynamic_gather %get3A_2186[%gather3A_2191] in [0] : vector<16xf32>, vector<16xi32> -> vector<16xf32>
    %broadcast_in_dim3A_2193 = vector.shape_cast %select_n3A_93 : vector<16xi32> to vector<16x1xi32>
    %gather3A_2194 = vector.shape_cast %broadcast_in_dim3A_2193 : vector<16x1xi32> to vector<16xi32>
    %gather3A_2195 = tpu.dynamic_gather %get3A_2189[%gather3A_2194] in [0] : vector<16xf32>, vector<16xi32> -> vector<16xf32>
    %select_n3A_2196 = arith.select %lt3A_40, %gather3A_2192, %gather3A_2195 : vector<16xi1>, vector<16xf32>
    %broadcast_in_dim3A_2197 = vector.shape_cast %select_n3A_68 : vector<16xi32> to vector<16x1xi32>
    %gather3A_2198 = vector.shape_cast %broadcast_in_dim3A_2197 : vector<16x1xi32> to vector<16xi32>
    %gather3A_2199 = tpu.dynamic_gather %get3A_2186[%gather3A_2198] in [0] : vector<16xf32>, vector<16xi32> -> vector<16xf32>
    %broadcast_in_dim3A_2200 = vector.shape_cast %select_n3A_68 : vector<16xi32> to vector<16x1xi32>
    %gather3A_2201 = vector.shape_cast %broadcast_in_dim3A_2200 : vector<16x1xi32> to vector<16xi32>
    %gather3A_2202 = tpu.dynamic_gather %get3A_2189[%gather3A_2201] in [0] : vector<16xf32>, vector<16xi32> -> vector<16xf32>
    %select_n3A_2203 = arith.select %lt3A_40, %gather3A_2199, %gather3A_2202 : vector<16xi1>, vector<16xf32>
    %div3A_2204 = arith.constant 1.000000e+02 : f32
    %div3A_2205 = vector.broadcast %div3A_2204 : f32 to vector<16xf32>
    %div3A_2206 = arith.divf %select_n3A_2196, %div3A_2205 : vector<16xf32>
    %convert_element_type3A_2207 = arith.fptosi %div3A_2206 : vector<16xf32> to vector<16xi32>
    %swap3A_2208 = arith.constant 0 : index
    %swap3A_2209 = tpu.vector_load %arg8[%swap3A_2208] {strides = array<i32>} : memref<128xi32, #tpu.memory_space<vmem>>, vector<16xi32>,
    %swap3A_2210 = vector.shape_cast %swap3A_2209 : vector<16xi32> to vector<16xi32>
    %swap3A_2211 = vector.shape_cast %convert_element_type3A_2207 : vector<16xi32> to vector<16xi32>
    tpu.vector_store %arg8[%swap3A_2208], %swap3A_2211 {strides = array<i32>} : memref<128xi32, #tpu.memory_space<vmem>>, vector<16xi32>,
    %div3A_2212 = arith.constant 1.000000e+02 : f32
    %div3A_2213 = vector.broadcast %div3A_2212 : f32 to vector<16xf32>
    %div3A_2214 = arith.divf %select_n3A_2203, %div3A_2213 : vector<16xf32>
    %convert_element_type3A_2215 = arith.fptosi %div3A_2214 : vector<16xf32> to vector<16xi32>
    %swap3A_2216 = arith.constant 0 : index
    %swap3A_2217 = tpu.vector_load %arg9[%swap3A_2216] {strides = array<i32>} : memref<128xi32, #tpu.memory_space<vmem>>, vector<16xi32>,
    %swap3A_2218 = vector.shape_cast %swap3A_2217 : vector<16xi32> to vector<16xi32>
    %swap3A_2219 = vector.shape_cast %convert_element_type3A_2215 : vector<16xi32> to vector<16xi32>
    tpu.vector_store %arg9[%swap3A_2216], %swap3A_2219 {strides = array<i32>} : memref<128xi32, #tpu.memory_space<vmem>>, vector<16xi32>,
    %get3A_2220 = arith.constant 32 : index
    %get3A_2221 = tpu.vector_load %arg7[%get3A_2220] {strides = array<i32>} : memref<256xf32, #tpu.memory_space<vmem>>, vector<16xf32>,
    %get3A_2222 = vector.shape_cast %get3A_2221 : vector<16xf32> to vector<16xf32>
    %get3A_2223 = arith.constant 48 : index
    %get3A_2224 = tpu.vector_load %arg7[%get3A_2223] {strides = array<i32>} : memref<256xf32, #tpu.memory_space<vmem>>, vector<16xf32>,
    %get3A_2225 = vector.shape_cast %get3A_2224 : vector<16xf32> to vector<16xf32>
    %broadcast_in_dim3A_2226 = vector.shape_cast %select_n3A_93 : vector<16xi32> to vector<16x1xi32>
    %gather3A_2227 = vector.shape_cast %broadcast_in_dim3A_2226 : vector<16x1xi32> to vector<16xi32>
    %gather3A_2228 = tpu.dynamic_gather %get3A_2222[%gather3A_2227] in [0] : vector<16xf32>, vector<16xi32> -> vector<16xf32>
    %broadcast_in_dim3A_2229 = vector.shape_cast %select_n3A_93 : vector<16xi32> to vector<16x1xi32>
    %gather3A_2230 = vector.shape_cast %broadcast_in_dim3A_2229 : vector<16x1xi32> to vector<16xi32>
    %gather3A_2231 = tpu.dynamic_gather %get3A_2225[%gather3A_2230] in [0] : vector<16xf32>, vector<16xi32> -> vector<16xf32>
    %select_n3A_2232 = arith.select %lt3A_40, %gather3A_2228, %gather3A_2231 : vector<16xi1>, vector<16xf32>
    %broadcast_in_dim3A_2233 = vector.shape_cast %select_n3A_68 : vector<16xi32> to vector<16x1xi32>
    %gather3A_2234 = vector.shape_cast %broadcast_in_dim3A_2233 : vector<16x1xi32> to vector<16xi32>
    %gather3A_2235 = tpu.dynamic_gather %get3A_2222[%gather3A_2234] in [0] : vector<16xf32>, vector<16xi32> -> vector<16xf32>
    %broadcast_in_dim3A_2236 = vector.shape_cast %select_n3A_68 : vector<16xi32> to vector<16x1xi32>
    %gather3A_2237 = vector.shape_cast %broadcast_in_dim3A_2236 : vector<16x1xi32> to vector<16xi32>
    %gather3A_2238 = tpu.dynamic_gather %get3A_2225[%gather3A_2237] in [0] : vector<16xf32>, vector<16xi32> -> vector<16xf32>
    %select_n3A_2239 = arith.select %lt3A_40, %gather3A_2235, %gather3A_2238 : vector<16xi1>, vector<16xf32>
    %div3A_2240 = arith.constant 1.000000e+02 : f32
    %div3A_2241 = vector.broadcast %div3A_2240 : f32 to vector<16xf32>
    %div3A_2242 = arith.divf %select_n3A_2232, %div3A_2241 : vector<16xf32>
    %convert_element_type3A_2243 = arith.fptosi %div3A_2242 : vector<16xf32> to vector<16xi32>
    %swap3A_2244 = arith.constant 16 : index
    %swap3A_2245 = tpu.vector_load %arg8[%swap3A_2244] {strides = array<i32>} : memref<128xi32, #tpu.memory_space<vmem>>, vector<16xi32>,
    %swap3A_2246 = vector.shape_cast %swap3A_2245 : vector<16xi32> to vector<16xi32>
    %swap3A_2247 = vector.shape_cast %convert_element_type3A_2243 : vector<16xi32> to vector<16xi32>
    tpu.vector_store %arg8[%swap3A_2244], %swap3A_2247 {strides = array<i32>} : memref<128xi32, #tpu.memory_space<vmem>>, vector<16xi32>,
    %div3A_2248 = arith.constant 1.000000e+02 : f32
    %div3A_2249 = vector.broadcast %div3A_2248 : f32 to vector<16xf32>
    %div3A_2250 = arith.divf %select_n3A_2239, %div3A_2249 : vector<16xf32>
    %convert_element_type3A_2251 = arith.fptosi %div3A_2250 : vector<16xf32> to vector<16xi32>
    %swap3A_2252 = arith.constant 16 : index
    %swap3A_2253 = tpu.vector_load %arg9[%swap3A_2252] {strides = array<i32>} : memref<128xi32, #tpu.memory_space<vmem>>, vector<16xi32>,
    %swap3A_2254 = vector.shape_cast %swap3A_2253 : vector<16xi32> to vector<16xi32>
    %swap3A_2255 = vector.shape_cast %convert_element_type3A_2251 : vector<16xi32> to vector<16xi32>
    tpu.vector_store %arg9[%swap3A_2252], %swap3A_2255 {strides = array<i32>} : memref<128xi32, #tpu.memory_space<vmem>>, vector<16xi32>,
    %get3A_2256 = arith.constant 64 : index
    %get3A_2257 = tpu.vector_load %arg7[%get3A_2256] {strides = array<i32>} : memref<256xf32, #tpu.memory_space<vmem>>, vector<16xf32>,
    %get3A_2258 = vector.shape_cast %get3A_2257 : vector<16xf32> to vector<16xf32>
    %get3A_2259 = arith.constant 80 : index
    %get3A_2260 = tpu.vector_load %arg7[%get3A_2259] {strides = array<i32>} : memref<256xf32, #tpu.memory_space<vmem>>, vector<16xf32>,
    %get3A_2261 = vector.shape_cast %get3A_2260 : vector<16xf32> to vector<16xf32>
    %broadcast_in_dim3A_2262 = vector.shape_cast %select_n3A_93 : vector<16xi32> to vector<16x1xi32>
    %gather3A_2263 = vector.shape_cast %broadcast_in_dim3A_2262 : vector<16x1xi32> to vector<16xi32>
    %gather3A_2264 = tpu.dynamic_gather %get3A_2258[%gather3A_2263] in [0] : vector<16xf32>, vector<16xi32> -> vector<16xf32>
    %broadcast_in_dim3A_2265 = vector.shape_cast %select_n3A_93 : vector<16xi32> to vector<16x1xi32>
    %gather3A_2266 = vector.shape_cast %broadcast_in_dim3A_2265 : vector<16x1xi32> to vector<16xi32>
    %gather3A_2267 = tpu.dynamic_gather %get3A_2261[%gather3A_2266] in [0] : vector<16xf32>, vector<16xi32> -> vector<16xf32>
    %select_n3A_2268 = arith.select %lt3A_40, %gather3A_2264, %gather3A_2267 : vector<16xi1>, vector<16xf32>
    %broadcast_in_dim3A_2269 = vector.shape_cast %select_n3A_68 : vector<16xi32> to vector<16x1xi32>
    %gather3A_2270 = vector.shape_cast %broadcast_in_dim3A_2269 : vector<16x1xi32> to vector<16xi32>
    %gather3A_2271 = tpu.dynamic_gather %get3A_2258[%gather3A_2270] in [0] : vector<16xf32>, vector<16xi32> -> vector<16xf32>
    %broadcast_in_dim3A_2272 = vector.shape_cast %select_n3A_68 : vector<16xi32> to vector<16x1xi32>
    %gather3A_2273 = vector.shape_cast %broadcast_in_dim3A_2272 : vector<16x1xi32> to vector<16xi32>
    %gather3A_2274 = tpu.dynamic_gather %get3A_2261[%gather3A_2273] in [0] : vector<16xf32>, vector<16xi32> -> vector<16xf32>
    %select_n3A_2275 = arith.select %lt3A_40, %gather3A_2271, %gather3A_2274 : vector<16xi1>, vector<16xf32>
    %div3A_2276 = arith.constant 1.000000e+02 : f32
    %div3A_2277 = vector.broadcast %div3A_2276 : f32 to vector<16xf32>
    %div3A_2278 = arith.divf %select_n3A_2268, %div3A_2277 : vector<16xf32>
    %convert_element_type3A_2279 = arith.fptosi %div3A_2278 : vector<16xf32> to vector<16xi32>
    %swap3A_2280 = arith.constant 32 : index
    %swap3A_2281 = tpu.vector_load %arg8[%swap3A_2280] {strides = array<i32>} : memref<128xi32, #tpu.memory_space<vmem>>, vector<16xi32>,
    %swap3A_2282 = vector.shape_cast %swap3A_2281 : vector<16xi32> to vector<16xi32>
    %swap3A_2283 = vector.shape_cast %convert_element_type3A_2279 : vector<16xi32> to vector<16xi32>
    tpu.vector_store %arg8[%swap3A_2280], %swap3A_2283 {strides = array<i32>} : memref<128xi32, #tpu.memory_space<vmem>>, vector<16xi32>,
    %div3A_2284 = arith.constant 1.000000e+02 : f32
    %div3A_2285 = vector.broadcast %div3A_2284 : f32 to vector<16xf32>
    %div3A_2286 = arith.divf %select_n3A_2275, %div3A_2285 : vector<16xf32>
    %convert_element_type3A_2287 = arith.fptosi %div3A_2286 : vector<16xf32> to vector<16xi32>
    %swap3A_2288 = arith.constant 32 : index
    %swap3A_2289 = tpu.vector_load %arg9[%swap3A_2288] {strides = array<i32>} : memref<128xi32, #tpu.memory_space<vmem>>, vector<16xi32>,
    %swap3A_2290 = vector.shape_cast %swap3A_2289 : vector<16xi32> to vector<16xi32>
    %swap3A_2291 = vector.shape_cast %convert_element_type3A_2287 : vector<16xi32> to vector<16xi32>
    tpu.vector_store %arg9[%swap3A_2288], %swap3A_2291 {strides = array<i32>} : memref<128xi32, #tpu.memory_space<vmem>>, vector<16xi32>,
    %get3A_2292 = arith.constant 96 : index
    %get3A_2293 = tpu.vector_load %arg7[%get3A_2292] {strides = array<i32>} : memref<256xf32, #tpu.memory_space<vmem>>, vector<16xf32>,
    %get3A_2294 = vector.shape_cast %get3A_2293 : vector<16xf32> to vector<16xf32>
    %get3A_2295 = arith.constant 112 : index
    %get3A_2296 = tpu.vector_load %arg7[%get3A_2295] {strides = array<i32>} : memref<256xf32, #tpu.memory_space<vmem>>, vector<16xf32>,
    %get3A_2297 = vector.shape_cast %get3A_2296 : vector<16xf32> to vector<16xf32>
    %broadcast_in_dim3A_2298 = vector.shape_cast %select_n3A_93 : vector<16xi32> to vector<16x1xi32>
    %gather3A_2299 = vector.shape_cast %broadcast_in_dim3A_2298 : vector<16x1xi32> to vector<16xi32>
    %gather3A_2300 = tpu.dynamic_gather %get3A_2294[%gather3A_2299] in [0] : vector<16xf32>, vector<16xi32> -> vector<16xf32>
    %broadcast_in_dim3A_2301 = vector.shape_cast %select_n3A_93 : vector<16xi32> to vector<16x1xi32>
    %gather3A_2302 = vector.shape_cast %broadcast_in_dim3A_2301 : vector<16x1xi32> to vector<16xi32>
    %gather3A_2303 = tpu.dynamic_gather %get3A_2297[%gather3A_2302] in [0] : vector<16xf32>, vector<16xi32> -> vector<16xf32>
    %select_n3A_2304 = arith.select %lt3A_40, %gather3A_2300, %gather3A_2303 : vector<16xi1>, vector<16xf32>
    %broadcast_in_dim3A_2305 = vector.shape_cast %select_n3A_68 : vector<16xi32> to vector<16x1xi32>
    %gather3A_2306 = vector.shape_cast %broadcast_in_dim3A_2305 : vector<16x1xi32> to vector<16xi32>
    %gather3A_2307 = tpu.dynamic_gather %get3A_2294[%gather3A_2306] in [0] : vector<16xf32>, vector<16xi32> -> vector<16xf32>
    %broadcast_in_dim3A_2308 = vector.shape_cast %select_n3A_68 : vector<16xi32> to vector<16x1xi32>
    %gather3A_2309 = vector.shape_cast %broadcast_in_dim3A_2308 : vector<16x1xi32> to vector<16xi32>
    %gather3A_2310 = tpu.dynamic_gather %get3A_2297[%gather3A_2309] in [0] : vector<16xf32>, vector<16xi32> -> vector<16xf32>
    %select_n3A_2311 = arith.select %lt3A_40, %gather3A_2307, %gather3A_2310 : vector<16xi1>, vector<16xf32>
    %div3A_2312 = arith.constant 1.000000e+02 : f32
    %div3A_2313 = vector.broadcast %div3A_2312 : f32 to vector<16xf32>
    %div3A_2314 = arith.divf %select_n3A_2304, %div3A_2313 : vector<16xf32>
    %convert_element_type3A_2315 = arith.fptosi %div3A_2314 : vector<16xf32> to vector<16xi32>
    %swap3A_2316 = arith.constant 48 : index
    %swap3A_2317 = tpu.vector_load %arg8[%swap3A_2316] {strides = array<i32>} : memref<128xi32, #tpu.memory_space<vmem>>, vector<16xi32>,
    %swap3A_2318 = vector.shape_cast %swap3A_2317 : vector<16xi32> to vector<16xi32>
    %swap3A_2319 = vector.shape_cast %convert_element_type3A_2315 : vector<16xi32> to vector<16xi32>
    tpu.vector_store %arg8[%swap3A_2316], %swap3A_2319 {strides = array<i32>} : memref<128xi32, #tpu.memory_space<vmem>>, vector<16xi32>,
    %div3A_2320 = arith.constant 1.000000e+02 : f32
    %div3A_2321 = vector.broadcast %div3A_2320 : f32 to vector<16xf32>
    %div3A_2322 = arith.divf %select_n3A_2311, %div3A_2321 : vector<16xf32>
    %convert_element_type3A_2323 = arith.fptosi %div3A_2322 : vector<16xf32> to vector<16xi32>
    %swap3A_2324 = arith.constant 48 : index
    %swap3A_2325 = tpu.vector_load %arg9[%swap3A_2324] {strides = array<i32>} : memref<128xi32, #tpu.memory_space<vmem>>, vector<16xi32>,
    %swap3A_2326 = vector.shape_cast %swap3A_2325 : vector<16xi32> to vector<16xi32>
    %swap3A_2327 = vector.shape_cast %convert_element_type3A_2323 : vector<16xi32> to vector<16xi32>
    tpu.vector_store %arg9[%swap3A_2324], %swap3A_2327 {strides = array<i32>} : memref<128xi32, #tpu.memory_space<vmem>>, vector<16xi32>,
    %get3A_2328 = arith.constant 128 : index
    %get3A_2329 = tpu.vector_load %arg7[%get3A_2328] {strides = array<i32>} : memref<256xf32, #tpu.memory_space<vmem>>, vector<16xf32>,
    %get3A_2330 = vector.shape_cast %get3A_2329 : vector<16xf32> to vector<16xf32>
    %get3A_2331 = arith.constant 144 : index
    %get3A_2332 = tpu.vector_load %arg7[%get3A_2331] {strides = array<i32>} : memref<256xf32, #tpu.memory_space<vmem>>, vector<16xf32>,
    %get3A_2333 = vector.shape_cast %get3A_2332 : vector<16xf32> to vector<16xf32>
    %broadcast_in_dim3A_2334 = vector.shape_cast %select_n3A_93 : vector<16xi32> to vector<16x1xi32>
    %gather3A_2335 = vector.shape_cast %broadcast_in_dim3A_2334 : vector<16x1xi32> to vector<16xi32>
    %gather3A_2336 = tpu.dynamic_gather %get3A_2330[%gather3A_2335] in [0] : vector<16xf32>, vector<16xi32> -> vector<16xf32>
    %broadcast_in_dim3A_2337 = vector.shape_cast %select_n3A_93 : vector<16xi32> to vector<16x1xi32>
    %gather3A_2338 = vector.shape_cast %broadcast_in_dim3A_2337 : vector<16x1xi32> to vector<16xi32>
    %gather3A_2339 = tpu.dynamic_gather %get3A_2333[%gather3A_2338] in [0] : vector<16xf32>, vector<16xi32> -> vector<16xf32>
    %select_n3A_2340 = arith.select %lt3A_40, %gather3A_2336, %gather3A_2339 : vector<16xi1>, vector<16xf32>
    %broadcast_in_dim3A_2341 = vector.shape_cast %select_n3A_68 : vector<16xi32> to vector<16x1xi32>
    %gather3A_2342 = vector.shape_cast %broadcast_in_dim3A_2341 : vector<16x1xi32> to vector<16xi32>
    %gather3A_2343 = tpu.dynamic_gather %get3A_2330[%gather3A_2342] in [0] : vector<16xf32>, vector<16xi32> -> vector<16xf32>
    %broadcast_in_dim3A_2344 = vector.shape_cast %select_n3A_68 : vector<16xi32> to vector<16x1xi32>
    %gather3A_2345 = vector.shape_cast %broadcast_in_dim3A_2344 : vector<16x1xi32> to vector<16xi32>
    %gather3A_2346 = tpu.dynamic_gather %get3A_2333[%gather3A_2345] in [0] : vector<16xf32>, vector<16xi32> -> vector<16xf32>
    %select_n3A_2347 = arith.select %lt3A_40, %gather3A_2343, %gather3A_2346 : vector<16xi1>, vector<16xf32>
    %div3A_2348 = arith.constant 1.000000e+02 : f32
    %div3A_2349 = vector.broadcast %div3A_2348 : f32 to vector<16xf32>
    %div3A_2350 = arith.divf %select_n3A_2340, %div3A_2349 : vector<16xf32>
    %convert_element_type3A_2351 = arith.fptosi %div3A_2350 : vector<16xf32> to vector<16xi32>
    %swap3A_2352 = arith.constant 64 : index
    %swap3A_2353 = tpu.vector_load %arg8[%swap3A_2352] {strides = array<i32>} : memref<128xi32, #tpu.memory_space<vmem>>, vector<16xi32>,
    %swap3A_2354 = vector.shape_cast %swap3A_2353 : vector<16xi32> to vector<16xi32>
    %swap3A_2355 = vector.shape_cast %convert_element_type3A_2351 : vector<16xi32> to vector<16xi32>
    tpu.vector_store %arg8[%swap3A_2352], %swap3A_2355 {strides = array<i32>} : memref<128xi32, #tpu.memory_space<vmem>>, vector<16xi32>,
    %div3A_2356 = arith.constant 1.000000e+02 : f32
    %div3A_2357 = vector.broadcast %div3A_2356 : f32 to vector<16xf32>
    %div3A_2358 = arith.divf %select_n3A_2347, %div3A_2357 : vector<16xf32>
    %convert_element_type3A_2359 = arith.fptosi %div3A_2358 : vector<16xf32> to vector<16xi32>
    %swap3A_2360 = arith.constant 64 : index
    %swap3A_2361 = tpu.vector_load %arg9[%swap3A_2360] {strides = array<i32>} : memref<128xi32, #tpu.memory_space<vmem>>, vector<16xi32>,
    %swap3A_2362 = vector.shape_cast %swap3A_2361 : vector<16xi32> to vector<16xi32>
    %swap3A_2363 = vector.shape_cast %convert_element_type3A_2359 : vector<16xi32> to vector<16xi32>
    tpu.vector_store %arg9[%swap3A_2360], %swap3A_2363 {strides = array<i32>} : memref<128xi32, #tpu.memory_space<vmem>>, vector<16xi32>,
    %get3A_2364 = arith.constant 160 : index
    %get3A_2365 = tpu.vector_load %arg7[%get3A_2364] {strides = array<i32>} : memref<256xf32, #tpu.memory_space<vmem>>, vector<16xf32>,
    %get3A_2366 = vector.shape_cast %get3A_2365 : vector<16xf32> to vector<16xf32>
    %get3A_2367 = arith.constant 176 : index
    %get3A_2368 = tpu.vector_load %arg7[%get3A_2367] {strides = array<i32>} : memref<256xf32, #tpu.memory_space<vmem>>, vector<16xf32>,
    %get3A_2369 = vector.shape_cast %get3A_2368 : vector<16xf32> to vector<16xf32>
    %broadcast_in_dim3A_2370 = vector.shape_cast %select_n3A_93 : vector<16xi32> to vector<16x1xi32>
    %gather3A_2371 = vector.shape_cast %broadcast_in_dim3A_2370 : vector<16x1xi32> to vector<16xi32>
    %gather3A_2372 = tpu.dynamic_gather %get3A_2366[%gather3A_2371] in [0] : vector<16xf32>, vector<16xi32> -> vector<16xf32>
    %broadcast_in_dim3A_2373 = vector.shape_cast %select_n3A_93 : vector<16xi32> to vector<16x1xi32>
    %gather3A_2374 = vector.shape_cast %broadcast_in_dim3A_2373 : vector<16x1xi32> to vector<16xi32>
    %gather3A_2375 = tpu.dynamic_gather %get3A_2369[%gather3A_2374] in [0] : vector<16xf32>, vector<16xi32> -> vector<16xf32>
    %select_n3A_2376 = arith.select %lt3A_40, %gather3A_2372, %gather3A_2375 : vector<16xi1>, vector<16xf32>
    %broadcast_in_dim3A_2377 = vector.shape_cast %select_n3A_68 : vector<16xi32> to vector<16x1xi32>
    %gather3A_2378 = vector.shape_cast %broadcast_in_dim3A_2377 : vector<16x1xi32> to vector<16xi32>
    %gather3A_2379 = tpu.dynamic_gather %get3A_2366[%gather3A_2378] in [0] : vector<16xf32>, vector<16xi32> -> vector<16xf32>
    %broadcast_in_dim3A_2380 = vector.shape_cast %select_n3A_68 : vector<16xi32> to vector<16x1xi32>
    %gather3A_2381 = vector.shape_cast %broadcast_in_dim3A_2380 : vector<16x1xi32> to vector<16xi32>
    %gather3A_2382 = tpu.dynamic_gather %get3A_2369[%gather3A_2381] in [0] : vector<16xf32>, vector<16xi32> -> vector<16xf32>
    %select_n3A_2383 = arith.select %lt3A_40, %gather3A_2379, %gather3A_2382 : vector<16xi1>, vector<16xf32>
    %div3A_2384 = arith.constant 1.000000e+02 : f32
    %div3A_2385 = vector.broadcast %div3A_2384 : f32 to vector<16xf32>
    %div3A_2386 = arith.divf %select_n3A_2376, %div3A_2385 : vector<16xf32>
    %convert_element_type3A_2387 = arith.fptosi %div3A_2386 : vector<16xf32> to vector<16xi32>
    %swap3A_2388 = arith.constant 80 : index
    %swap3A_2389 = tpu.vector_load %arg8[%swap3A_2388] {strides = array<i32>} : memref<128xi32, #tpu.memory_space<vmem>>, vector<16xi32>,
    %swap3A_2390 = vector.shape_cast %swap3A_2389 : vector<16xi32> to vector<16xi32>
    %swap3A_2391 = vector.shape_cast %convert_element_type3A_2387 : vector<16xi32> to vector<16xi32>
    tpu.vector_store %arg8[%swap3A_2388], %swap3A_2391 {strides = array<i32>} : memref<128xi32, #tpu.memory_space<vmem>>, vector<16xi32>,
    %div3A_2392 = arith.constant 1.000000e+02 : f32
    %div3A_2393 = vector.broadcast %div3A_2392 : f32 to vector<16xf32>
    %div3A_2394 = arith.divf %select_n3A_2383, %div3A_2393 : vector<16xf32>
    %convert_element_type3A_2395 = arith.fptosi %div3A_2394 : vector<16xf32> to vector<16xi32>
    %swap3A_2396 = arith.constant 80 : index
    %swap3A_2397 = tpu.vector_load %arg9[%swap3A_2396] {strides = array<i32>} : memref<128xi32, #tpu.memory_space<vmem>>, vector<16xi32>,
    %swap3A_2398 = vector.shape_cast %swap3A_2397 : vector<16xi32> to vector<16xi32>
    %swap3A_2399 = vector.shape_cast %convert_element_type3A_2395 : vector<16xi32> to vector<16xi32>
    tpu.vector_store %arg9[%swap3A_2396], %swap3A_2399 {strides = array<i32>} : memref<128xi32, #tpu.memory_space<vmem>>, vector<16xi32>,
    %get3A_2400 = arith.constant 192 : index
    %get3A_2401 = tpu.vector_load %arg7[%get3A_2400] {strides = array<i32>} : memref<256xf32, #tpu.memory_space<vmem>>, vector<16xf32>,
    %get3A_2402 = vector.shape_cast %get3A_2401 : vector<16xf32> to vector<16xf32>
    %get3A_2403 = arith.constant 208 : index
    %get3A_2404 = tpu.vector_load %arg7[%get3A_2403] {strides = array<i32>} : memref<256xf32, #tpu.memory_space<vmem>>, vector<16xf32>,
    %get3A_2405 = vector.shape_cast %get3A_2404 : vector<16xf32> to vector<16xf32>
    %broadcast_in_dim3A_2406 = vector.shape_cast %select_n3A_93 : vector<16xi32> to vector<16x1xi32>
    %gather3A_2407 = vector.shape_cast %broadcast_in_dim3A_2406 : vector<16x1xi32> to vector<16xi32>
    %gather3A_2408 = tpu.dynamic_gather %get3A_2402[%gather3A_2407] in [0] : vector<16xf32>, vector<16xi32> -> vector<16xf32>
    %broadcast_in_dim3A_2409 = vector.shape_cast %select_n3A_93 : vector<16xi32> to vector<16x1xi32>
    %gather3A_2410 = vector.shape_cast %broadcast_in_dim3A_2409 : vector<16x1xi32> to vector<16xi32>
    %gather3A_2411 = tpu.dynamic_gather %get3A_2405[%gather3A_2410] in [0] : vector<16xf32>, vector<16xi32> -> vector<16xf32>
    %select_n3A_2412 = arith.select %lt3A_40, %gather3A_2408, %gather3A_2411 : vector<16xi1>, vector<16xf32>
    %broadcast_in_dim3A_2413 = vector.shape_cast %select_n3A_68 : vector<16xi32> to vector<16x1xi32>
    %gather3A_2414 = vector.shape_cast %broadcast_in_dim3A_2413 : vector<16x1xi32> to vector<16xi32>
    %gather3A_2415 = tpu.dynamic_gather %get3A_2402[%gather3A_2414] in [0] : vector<16xf32>, vector<16xi32> -> vector<16xf32>
    %broadcast_in_dim3A_2416 = vector.shape_cast %select_n3A_68 : vector<16xi32> to vector<16x1xi32>
    %gather3A_2417 = vector.shape_cast %broadcast_in_dim3A_2416 : vector<16x1xi32> to vector<16xi32>
    %gather3A_2418 = tpu.dynamic_gather %get3A_2405[%gather3A_2417] in [0] : vector<16xf32>, vector<16xi32> -> vector<16xf32>
    %select_n3A_2419 = arith.select %lt3A_40, %gather3A_2415, %gather3A_2418 : vector<16xi1>, vector<16xf32>
    %div3A_2420 = arith.constant 1.000000e+02 : f32
    %div3A_2421 = vector.broadcast %div3A_2420 : f32 to vector<16xf32>
    %div3A_2422 = arith.divf %select_n3A_2412, %div3A_2421 : vector<16xf32>
    %convert_element_type3A_2423 = arith.fptosi %div3A_2422 : vector<16xf32> to vector<16xi32>
    %swap3A_2424 = arith.constant 96 : index
    %swap3A_2425 = tpu.vector_load %arg8[%swap3A_2424] {strides = array<i32>} : memref<128xi32, #tpu.memory_space<vmem>>, vector<16xi32>,
    %swap3A_2426 = vector.shape_cast %swap3A_2425 : vector<16xi32> to vector<16xi32>
    %swap3A_2427 = vector.shape_cast %convert_element_type3A_2423 : vector<16xi32> to vector<16xi32>
    tpu.vector_store %arg8[%swap3A_2424], %swap3A_2427 {strides = array<i32>} : memref<128xi32, #tpu.memory_space<vmem>>, vector<16xi32>,
    %div3A_2428 = arith.constant 1.000000e+02 : f32
    %div3A_2429 = vector.broadcast %div3A_2428 : f32 to vector<16xf32>
    %div3A_2430 = arith.divf %select_n3A_2419, %div3A_2429 : vector<16xf32>
    %convert_element_type3A_2431 = arith.fptosi %div3A_2430 : vector<16xf32> to vector<16xi32>
    %swap3A_2432 = arith.constant 96 : index
    %swap3A_2433 = tpu.vector_load %arg9[%swap3A_2432] {strides = array<i32>} : memref<128xi32, #tpu.memory_space<vmem>>, vector<16xi32>,
    %swap3A_2434 = vector.shape_cast %swap3A_2433 : vector<16xi32> to vector<16xi32>
    %swap3A_2435 = vector.shape_cast %convert_element_type3A_2431 : vector<16xi32> to vector<16xi32>
    tpu.vector_store %arg9[%swap3A_2432], %swap3A_2435 {strides = array<i32>} : memref<128xi32, #tpu.memory_space<vmem>>, vector<16xi32>,
    %get3A_2436 = arith.constant 224 : index
    %get3A_2437 = tpu.vector_load %arg7[%get3A_2436] {strides = array<i32>} : memref<256xf32, #tpu.memory_space<vmem>>, vector<16xf32>,
    %get3A_2438 = vector.shape_cast %get3A_2437 : vector<16xf32> to vector<16xf32>
    %get3A_2439 = arith.constant 240 : index
    %get3A_2440 = tpu.vector_load %arg7[%get3A_2439] {strides = array<i32>} : memref<256xf32, #tpu.memory_space<vmem>>, vector<16xf32>,
    %get3A_2441 = vector.shape_cast %get3A_2440 : vector<16xf32> to vector<16xf32>
    %broadcast_in_dim3A_2442 = vector.shape_cast %select_n3A_93 : vector<16xi32> to vector<16x1xi32>
    %gather3A_2443 = vector.shape_cast %broadcast_in_dim3A_2442 : vector<16x1xi32> to vector<16xi32>
    %gather3A_2444 = tpu.dynamic_gather %get3A_2438[%gather3A_2443] in [0] : vector<16xf32>, vector<16xi32> -> vector<16xf32>
    %broadcast_in_dim3A_2445 = vector.shape_cast %select_n3A_93 : vector<16xi32> to vector<16x1xi32>
    %gather3A_2446 = vector.shape_cast %broadcast_in_dim3A_2445 : vector<16x1xi32> to vector<16xi32>
    %gather3A_2447 = tpu.dynamic_gather %get3A_2441[%gather3A_2446] in [0] : vector<16xf32>, vector<16xi32> -> vector<16xf32>
    %select_n3A_2448 = arith.select %lt3A_40, %gather3A_2444, %gather3A_2447 : vector<16xi1>, vector<16xf32>
    %broadcast_in_dim3A_2449 = vector.shape_cast %select_n3A_68 : vector<16xi32> to vector<16x1xi32>
    %gather3A_2450 = vector.shape_cast %broadcast_in_dim3A_2449 : vector<16x1xi32> to vector<16xi32>
    %gather3A_2451 = tpu.dynamic_gather %get3A_2438[%gather3A_2450] in [0] : vector<16xf32>, vector<16xi32> -> vector<16xf32>
    %broadcast_in_dim3A_2452 = vector.shape_cast %select_n3A_68 : vector<16xi32> to vector<16x1xi32>
    %gather3A_2453 = vector.shape_cast %broadcast_in_dim3A_2452 : vector<16x1xi32> to vector<16xi32>
    %gather3A_2454 = tpu.dynamic_gather %get3A_2441[%gather3A_2453] in [0] : vector<16xf32>, vector<16xi32> -> vector<16xf32>
    %select_n3A_2455 = arith.select %lt3A_40, %gather3A_2451, %gather3A_2454 : vector<16xi1>, vector<16xf32>
    %div3A_2456 = arith.constant 1.000000e+02 : f32
    %div3A_2457 = vector.broadcast %div3A_2456 : f32 to vector<16xf32>
    %div3A_2458 = arith.divf %select_n3A_2448, %div3A_2457 : vector<16xf32>
    %convert_element_type3A_2459 = arith.fptosi %div3A_2458 : vector<16xf32> to vector<16xi32>
    %swap3A_2460 = arith.constant 112 : index
    %swap3A_2461 = tpu.vector_load %arg8[%swap3A_2460] {strides = array<i32>} : memref<128xi32, #tpu.memory_space<vmem>>, vector<16xi32>,
    %swap3A_2462 = vector.shape_cast %swap3A_2461 : vector<16xi32> to vector<16xi32>
    %swap3A_2463 = vector.shape_cast %convert_element_type3A_2459 : vector<16xi32> to vector<16xi32>
    tpu.vector_store %arg8[%swap3A_2460], %swap3A_2463 {strides = array<i32>} : memref<128xi32, #tpu.memory_space<vmem>>, vector<16xi32>,
    %div3A_2464 = arith.constant 1.000000e+02 : f32
    %div3A_2465 = vector.broadcast %div3A_2464 : f32 to vector<16xf32>
    %div3A_2466 = arith.divf %select_n3A_2455, %div3A_2465 : vector<16xf32>
    %convert_element_type3A_2467 = arith.fptosi %div3A_2466 : vector<16xf32> to vector<16xi32>
    %swap3A_2468 = arith.constant 112 : index
    %swap3A_2469 = tpu.vector_load %arg9[%swap3A_2468] {strides = array<i32>} : memref<128xi32, #tpu.memory_space<vmem>>, vector<16xi32>,
    %swap3A_2470 = vector.shape_cast %swap3A_2469 : vector<16xi32> to vector<16xi32>
    %swap3A_2471 = vector.shape_cast %convert_element_type3A_2467 : vector<16xi32> to vector<16xi32>
    tpu.vector_store %arg9[%swap3A_2468], %swap3A_2471 {strides = array<i32>} : memref<128xi32, #tpu.memory_space<vmem>>, vector<16xi32>,
    %dma_start3A_2472 = arith.constant 0 : i32
    %dma_start3A_2473 = arith.constant 0 : i32
    %dma_start3A_2474 = tpu.memref_slice %arg6[%dma_start3A_2472, %dma_start3A_2473] : memref<384x128xf32, #tpu.memory_space<vmem_shared>> -> memref<384x128xf32, #tpu.memory_space<vmem_shared>>
    tpu.enqueue_indirect_dma source(%dma_start3A_2474 : memref<384x128xf32, #tpu.memory_space<vmem_shared>>) target(%arg10 : memref<128x128xf32, #tpu.memory_space<vmem>>) offsets(%arg9 : memref<128xi32, #tpu.memory_space<vmem>>) semaphore(%arg14 : memref<!tpu.dma_semaphore, #tpu.memory_space<semaphore_mem>>) {add = true}
    %dma_start3A_2475 = arith.constant 0 : i32
    %dma_start3A_2476 = arith.constant 0 : i32
    %dma_start3A_2477 = tpu.memref_slice %arg6[%dma_start3A_2475, %dma_start3A_2476] : memref<384x128xf32, #tpu.memory_space<vmem_shared>> -> memref<384x128xf32, #tpu.memory_space<vmem_shared>>
    tpu.enqueue_indirect_dma source(%dma_start3A_2477 : memref<384x128xf32, #tpu.memory_space<vmem_shared>>) target(%arg11 : memref<128x128xf32, #tpu.memory_space<vmem>>) offsets(%arg8 : memref<128xi32, #tpu.memory_space<vmem>>) semaphore(%arg14 : memref<!tpu.dma_semaphore, #tpu.memory_space<semaphore_mem>>) {add = true}
    %dma_wait3A_2478 = arith.constant 0 : i32
    %dma_wait3A_2479 = arith.constant 0 : i32
    %dma_wait3A_2480 = tpu.memref_slice %arg6[%dma_wait3A_2478, %dma_wait3A_2479] : memref<384x128xf32, #tpu.memory_space<vmem_shared>> -> memref<384x128xf32, #tpu.memory_space<vmem_shared>>
    tpu.wait_indirect_dma semaphore(%arg32 : memref<!tpu.dma_semaphore, #tpu.memory_space<semaphore_mem>>) src(%dma_wait3A_2480 : memref<384x128xf32, #tpu.memory_space<vmem_shared>>) dst(%arg28 : memref<128x128xf32, #tpu.memory_space<vmem>>)
    %dma_wait3A_2481 = arith.constant 0 : i32
    %dma_wait3A_2482 = arith.constant 0 : i32
    %dma_wait3A_2483 = tpu.memref_slice %arg6[%dma_wait3A_2481, %dma_wait3A_2482] : memref<384x128xf32, #tpu.memory_space<vmem_shared>> -> memref<384x128xf32, #tpu.memory_space<vmem_shared>>
    tpu.wait_indirect_dma semaphore(%arg32 : memref<!tpu.dma_semaphore, #tpu.memory_space<semaphore_mem>>) src(%dma_wait3A_2483 : memref<384x128xf32, #tpu.memory_space<vmem_shared>>) dst(%arg29 : memref<128x128xf32, #tpu.memory_space<vmem>>)
    %add3A_2484 = arith.constant 640 : i32
    %add3A_2485 = arith.addi %mul3A_2, %add3A_2484 : i32
    %dma_start3A_2486 = arith.constant 0 : i32
    %dma_start3A_2487 = tpu.memref_slice %arg5[%add3A_2485, %dma_start3A_2486] : memref<32768x256xf32, #tpu.memory_space<hbm>> -> memref<128x128xf32, #tpu.memory_space<hbm>>
    %dma_start3A_2488 = arith.constant 0 : i32
    %dma_start3A_2489 = tpu.memref_slice %arg5[%add3A_2485, %dma_start3A_2488] : memref<32768x256xf32, #tpu.memory_space<hbm>> -> memref<128x128xf32, #tpu.memory_space<hbm>>
    tpu.enqueue_dma source(%arg28 : memref<128x128xf32, #tpu.memory_space<vmem>>) target(%dma_start3A_2489 : memref<128x128xf32, #tpu.memory_space<hbm>>) target_semaphore(%arg33 : memref<!tpu.dma_semaphore, #tpu.memory_space<semaphore_mem>>)
    %dma_start3A_2490 = arith.constant 128 : i32
    %dma_start3A_2491 = tpu.memref_slice %arg5[%add3A_2485, %dma_start3A_2490] : memref<32768x256xf32, #tpu.memory_space<hbm>> -> memref<128x128xf32, #tpu.memory_space<hbm>>
    %dma_start3A_2492 = arith.constant 128 : i32
    %dma_start3A_2493 = tpu.memref_slice %arg5[%add3A_2485, %dma_start3A_2492] : memref<32768x256xf32, #tpu.memory_space<hbm>> -> memref<128x128xf32, #tpu.memory_space<hbm>>
    tpu.enqueue_dma source(%arg29 : memref<128x128xf32, #tpu.memory_space<vmem>>) target(%dma_start3A_2493 : memref<128x128xf32, #tpu.memory_space<hbm>>) target_semaphore(%arg33 : memref<!tpu.dma_semaphore, #tpu.memory_space<semaphore_mem>>)
    %dma_wait3A_2494 = arith.constant 0 : i32
    %dma_wait3A_2495 = tpu.memref_slice %arg2[%add3A_2157, %dma_wait3A_2494] : memref<32768x256xf32, #tpu.memory_space<hbm>> -> memref<128x128xf32, #tpu.memory_space<hbm>>
    %dma_wait3A_2496 = arith.constant 0 : i32
    %dma_wait3A_2497 = tpu.memref_slice %arg2[%add3A_2157, %dma_wait3A_2496] : memref<32768x256xf32, #tpu.memory_space<hbm>> -> memref<128x128xf32, #tpu.memory_space<hbm>>
    tpu.wait_dma2 semaphore(%arg21 : memref<!tpu.dma_semaphore, #tpu.memory_space<semaphore_mem>>) src(%dma_wait3A_2497 : memref<128x128xf32, #tpu.memory_space<hbm>>) dst(%arg19 : memref<128x128xf32, #tpu.memory_space<vmem>>)
    %dma_wait3A_2498 = arith.constant 128 : i32
    %dma_wait3A_2499 = tpu.memref_slice %arg2[%add3A_2157, %dma_wait3A_2498] : memref<32768x256xf32, #tpu.memory_space<hbm>> -> memref<128x128xf32, #tpu.memory_space<hbm>>
    %dma_wait3A_2500 = arith.constant 128 : i32
    %dma_wait3A_2501 = tpu.memref_slice %arg2[%add3A_2157, %dma_wait3A_2500] : memref<32768x256xf32, #tpu.memory_space<hbm>> -> memref<128x128xf32, #tpu.memory_space<hbm>>
    tpu.wait_dma2 semaphore(%arg21 : memref<!tpu.dma_semaphore, #tpu.memory_space<semaphore_mem>>) src(%dma_wait3A_2501 : memref<128x128xf32, #tpu.memory_space<hbm>>) dst(%arg20 : memref<128x128xf32, #tpu.memory_space<vmem>>)
    %dma_wait3A_2502 = tpu.memref_slice %arg3[%select_n3A, %add3A_2167] : memref<16x4096xf32, #tpu.memory_space<hbm>> -> memref<1x256xf32, #tpu.memory_space<hbm>>
    %dma_wait3A_2503 = tpu.memref_squeeze %dma_wait3A_2502 : memref<1x256xf32, #tpu.memory_space<hbm>> -> memref<256xf32, #tpu.memory_space<hbm>>
    %dma_wait3A_2504 = tpu.memref_slice %arg3[%select_n3A, %add3A_2167] : memref<16x4096xf32, #tpu.memory_space<hbm>> -> memref<1x256xf32, #tpu.memory_space<hbm>>
    %dma_wait3A_2505 = tpu.memref_squeeze %dma_wait3A_2504 : memref<1x256xf32, #tpu.memory_space<hbm>> -> memref<256xf32, #tpu.memory_space<hbm>>
    tpu.wait_dma2 semaphore(%arg22 : memref<!tpu.dma_semaphore, #tpu.memory_space<semaphore_mem>>) src(%dma_wait3A_2505 : memref<256xf32, #tpu.memory_space<hbm>>) dst(%arg16 : memref<256xf32, #tpu.memory_space<vmem>>)
    %get3A_2506 = arith.constant 0 : index
    %get3A_2507 = tpu.vector_load %arg16[%get3A_2506] {strides = array<i32>} : memref<256xf32, #tpu.memory_space<vmem>>, vector<16xf32>,
    %get3A_2508 = vector.shape_cast %get3A_2507 : vector<16xf32> to vector<16xf32>
    %get3A_2509 = arith.constant 16 : index
    %get3A_2510 = tpu.vector_load %arg16[%get3A_2509] {strides = array<i32>} : memref<256xf32, #tpu.memory_space<vmem>>, vector<16xf32>,
    %get3A_2511 = vector.shape_cast %get3A_2510 : vector<16xf32> to vector<16xf32>
    %broadcast_in_dim3A_2512 = vector.shape_cast %select_n3A_93 : vector<16xi32> to vector<16x1xi32>
    %gather3A_2513 = vector.shape_cast %broadcast_in_dim3A_2512 : vector<16x1xi32> to vector<16xi32>
    %gather3A_2514 = tpu.dynamic_gather %get3A_2508[%gather3A_2513] in [0] : vector<16xf32>, vector<16xi32> -> vector<16xf32>
    %broadcast_in_dim3A_2515 = vector.shape_cast %select_n3A_93 : vector<16xi32> to vector<16x1xi32>
    %gather3A_2516 = vector.shape_cast %broadcast_in_dim3A_2515 : vector<16x1xi32> to vector<16xi32>
    %gather3A_2517 = tpu.dynamic_gather %get3A_2511[%gather3A_2516] in [0] : vector<16xf32>, vector<16xi32> -> vector<16xf32>
    %select_n3A_2518 = arith.select %lt3A_40, %gather3A_2514, %gather3A_2517 : vector<16xi1>, vector<16xf32>
    %broadcast_in_dim3A_2519 = vector.shape_cast %select_n3A_68 : vector<16xi32> to vector<16x1xi32>
    %gather3A_2520 = vector.shape_cast %broadcast_in_dim3A_2519 : vector<16x1xi32> to vector<16xi32>
    %gather3A_2521 = tpu.dynamic_gather %get3A_2508[%gather3A_2520] in [0] : vector<16xf32>, vector<16xi32> -> vector<16xf32>
    %broadcast_in_dim3A_2522 = vector.shape_cast %select_n3A_68 : vector<16xi32> to vector<16x1xi32>
    %gather3A_2523 = vector.shape_cast %broadcast_in_dim3A_2522 : vector<16x1xi32> to vector<16xi32>
    %gather3A_2524 = tpu.dynamic_gather %get3A_2511[%gather3A_2523] in [0] : vector<16xf32>, vector<16xi32> -> vector<16xf32>
    %select_n3A_2525 = arith.select %lt3A_40, %gather3A_2521, %gather3A_2524 : vector<16xi1>, vector<16xf32>
    %div3A_2526 = arith.constant 1.000000e+02 : f32
    %div3A_2527 = vector.broadcast %div3A_2526 : f32 to vector<16xf32>
    %div3A_2528 = arith.divf %select_n3A_2518, %div3A_2527 : vector<16xf32>
    %convert_element_type3A_2529 = arith.fptosi %div3A_2528 : vector<16xf32> to vector<16xi32>
    %swap3A_2530 = arith.constant 0 : index
    %swap3A_2531 = tpu.vector_load %arg17[%swap3A_2530] {strides = array<i32>} : memref<128xi32, #tpu.memory_space<vmem>>, vector<16xi32>,
    %swap3A_2532 = vector.shape_cast %swap3A_2531 : vector<16xi32> to vector<16xi32>
    %swap3A_2533 = vector.shape_cast %convert_element_type3A_2529 : vector<16xi32> to vector<16xi32>
    tpu.vector_store %arg17[%swap3A_2530], %swap3A_2533 {strides = array<i32>} : memref<128xi32, #tpu.memory_space<vmem>>, vector<16xi32>,
    %div3A_2534 = arith.constant 1.000000e+02 : f32
    %div3A_2535 = vector.broadcast %div3A_2534 : f32 to vector<16xf32>
    %div3A_2536 = arith.divf %select_n3A_2525, %div3A_2535 : vector<16xf32>
    %convert_element_type3A_2537 = arith.fptosi %div3A_2536 : vector<16xf32> to vector<16xi32>
    %swap3A_2538 = arith.constant 0 : index
    %swap3A_2539 = tpu.vector_load %arg18[%swap3A_2538] {strides = array<i32>} : memref<128xi32, #tpu.memory_space<vmem>>, vector<16xi32>,
    %swap3A_2540 = vector.shape_cast %swap3A_2539 : vector<16xi32> to vector<16xi32>
    %swap3A_2541 = vector.shape_cast %convert_element_type3A_2537 : vector<16xi32> to vector<16xi32>
    tpu.vector_store %arg18[%swap3A_2538], %swap3A_2541 {strides = array<i32>} : memref<128xi32, #tpu.memory_space<vmem>>, vector<16xi32>,
    %get3A_2542 = arith.constant 32 : index
    %get3A_2543 = tpu.vector_load %arg16[%get3A_2542] {strides = array<i32>} : memref<256xf32, #tpu.memory_space<vmem>>, vector<16xf32>,
    %get3A_2544 = vector.shape_cast %get3A_2543 : vector<16xf32> to vector<16xf32>
    %get3A_2545 = arith.constant 48 : index
    %get3A_2546 = tpu.vector_load %arg16[%get3A_2545] {strides = array<i32>} : memref<256xf32, #tpu.memory_space<vmem>>, vector<16xf32>,
    %get3A_2547 = vector.shape_cast %get3A_2546 : vector<16xf32> to vector<16xf32>
    %broadcast_in_dim3A_2548 = vector.shape_cast %select_n3A_93 : vector<16xi32> to vector<16x1xi32>
    %gather3A_2549 = vector.shape_cast %broadcast_in_dim3A_2548 : vector<16x1xi32> to vector<16xi32>
    %gather3A_2550 = tpu.dynamic_gather %get3A_2544[%gather3A_2549] in [0] : vector<16xf32>, vector<16xi32> -> vector<16xf32>
    %broadcast_in_dim3A_2551 = vector.shape_cast %select_n3A_93 : vector<16xi32> to vector<16x1xi32>
    %gather3A_2552 = vector.shape_cast %broadcast_in_dim3A_2551 : vector<16x1xi32> to vector<16xi32>
    %gather3A_2553 = tpu.dynamic_gather %get3A_2547[%gather3A_2552] in [0] : vector<16xf32>, vector<16xi32> -> vector<16xf32>
    %select_n3A_2554 = arith.select %lt3A_40, %gather3A_2550, %gather3A_2553 : vector<16xi1>, vector<16xf32>
    %broadcast_in_dim3A_2555 = vector.shape_cast %select_n3A_68 : vector<16xi32> to vector<16x1xi32>
    %gather3A_2556 = vector.shape_cast %broadcast_in_dim3A_2555 : vector<16x1xi32> to vector<16xi32>
    %gather3A_2557 = tpu.dynamic_gather %get3A_2544[%gather3A_2556] in [0] : vector<16xf32>, vector<16xi32> -> vector<16xf32>
    %broadcast_in_dim3A_2558 = vector.shape_cast %select_n3A_68 : vector<16xi32> to vector<16x1xi32>
    %gather3A_2559 = vector.shape_cast %broadcast_in_dim3A_2558 : vector<16x1xi32> to vector<16xi32>
    %gather3A_2560 = tpu.dynamic_gather %get3A_2547[%gather3A_2559] in [0] : vector<16xf32>, vector<16xi32> -> vector<16xf32>
    %select_n3A_2561 = arith.select %lt3A_40, %gather3A_2557, %gather3A_2560 : vector<16xi1>, vector<16xf32>
    %div3A_2562 = arith.constant 1.000000e+02 : f32
    %div3A_2563 = vector.broadcast %div3A_2562 : f32 to vector<16xf32>
    %div3A_2564 = arith.divf %select_n3A_2554, %div3A_2563 : vector<16xf32>
    %convert_element_type3A_2565 = arith.fptosi %div3A_2564 : vector<16xf32> to vector<16xi32>
    %swap3A_2566 = arith.constant 16 : index
    %swap3A_2567 = tpu.vector_load %arg17[%swap3A_2566] {strides = array<i32>} : memref<128xi32, #tpu.memory_space<vmem>>, vector<16xi32>,
    %swap3A_2568 = vector.shape_cast %swap3A_2567 : vector<16xi32> to vector<16xi32>
    %swap3A_2569 = vector.shape_cast %convert_element_type3A_2565 : vector<16xi32> to vector<16xi32>
    tpu.vector_store %arg17[%swap3A_2566], %swap3A_2569 {strides = array<i32>} : memref<128xi32, #tpu.memory_space<vmem>>, vector<16xi32>,
    %div3A_2570 = arith.constant 1.000000e+02 : f32
    %div3A_2571 = vector.broadcast %div3A_2570 : f32 to vector<16xf32>
    %div3A_2572 = arith.divf %select_n3A_2561, %div3A_2571 : vector<16xf32>
    %convert_element_type3A_2573 = arith.fptosi %div3A_2572 : vector<16xf32> to vector<16xi32>
    %swap3A_2574 = arith.constant 16 : index
    %swap3A_2575 = tpu.vector_load %arg18[%swap3A_2574] {strides = array<i32>} : memref<128xi32, #tpu.memory_space<vmem>>, vector<16xi32>,
    %swap3A_2576 = vector.shape_cast %swap3A_2575 : vector<16xi32> to vector<16xi32>
    %swap3A_2577 = vector.shape_cast %convert_element_type3A_2573 : vector<16xi32> to vector<16xi32>
    tpu.vector_store %arg18[%swap3A_2574], %swap3A_2577 {strides = array<i32>} : memref<128xi32, #tpu.memory_space<vmem>>, vector<16xi32>,
    %get3A_2578 = arith.constant 64 : index
    %get3A_2579 = tpu.vector_load %arg16[%get3A_2578] {strides = array<i32>} : memref<256xf32, #tpu.memory_space<vmem>>, vector<16xf32>,
    %get3A_2580 = vector.shape_cast %get3A_2579 : vector<16xf32> to vector<16xf32>
    %get3A_2581 = arith.constant 80 : index
    %get3A_2582 = tpu.vector_load %arg16[%get3A_2581] {strides = array<i32>} : memref<256xf32, #tpu.memory_space<vmem>>, vector<16xf32>,
    %get3A_2583 = vector.shape_cast %get3A_2582 : vector<16xf32> to vector<16xf32>
    %broadcast_in_dim3A_2584 = vector.shape_cast %select_n3A_93 : vector<16xi32> to vector<16x1xi32>
    %gather3A_2585 = vector.shape_cast %broadcast_in_dim3A_2584 : vector<16x1xi32> to vector<16xi32>
    %gather3A_2586 = tpu.dynamic_gather %get3A_2580[%gather3A_2585] in [0] : vector<16xf32>, vector<16xi32> -> vector<16xf32>
    %broadcast_in_dim3A_2587 = vector.shape_cast %select_n3A_93 : vector<16xi32> to vector<16x1xi32>
    %gather3A_2588 = vector.shape_cast %broadcast_in_dim3A_2587 : vector<16x1xi32> to vector<16xi32>
    %gather3A_2589 = tpu.dynamic_gather %get3A_2583[%gather3A_2588] in [0] : vector<16xf32>, vector<16xi32> -> vector<16xf32>
    %select_n3A_2590 = arith.select %lt3A_40, %gather3A_2586, %gather3A_2589 : vector<16xi1>, vector<16xf32>
    %broadcast_in_dim3A_2591 = vector.shape_cast %select_n3A_68 : vector<16xi32> to vector<16x1xi32>
    %gather3A_2592 = vector.shape_cast %broadcast_in_dim3A_2591 : vector<16x1xi32> to vector<16xi32>
    %gather3A_2593 = tpu.dynamic_gather %get3A_2580[%gather3A_2592] in [0] : vector<16xf32>, vector<16xi32> -> vector<16xf32>
    %broadcast_in_dim3A_2594 = vector.shape_cast %select_n3A_68 : vector<16xi32> to vector<16x1xi32>
    %gather3A_2595 = vector.shape_cast %broadcast_in_dim3A_2594 : vector<16x1xi32> to vector<16xi32>
    %gather3A_2596 = tpu.dynamic_gather %get3A_2583[%gather3A_2595] in [0] : vector<16xf32>, vector<16xi32> -> vector<16xf32>
    %select_n3A_2597 = arith.select %lt3A_40, %gather3A_2593, %gather3A_2596 : vector<16xi1>, vector<16xf32>
    %div3A_2598 = arith.constant 1.000000e+02 : f32
    %div3A_2599 = vector.broadcast %div3A_2598 : f32 to vector<16xf32>
    %div3A_2600 = arith.divf %select_n3A_2590, %div3A_2599 : vector<16xf32>
    %convert_element_type3A_2601 = arith.fptosi %div3A_2600 : vector<16xf32> to vector<16xi32>
    %swap3A_2602 = arith.constant 32 : index
    %swap3A_2603 = tpu.vector_load %arg17[%swap3A_2602] {strides = array<i32>} : memref<128xi32, #tpu.memory_space<vmem>>, vector<16xi32>,
    %swap3A_2604 = vector.shape_cast %swap3A_2603 : vector<16xi32> to vector<16xi32>
    %swap3A_2605 = vector.shape_cast %convert_element_type3A_2601 : vector<16xi32> to vector<16xi32>
    tpu.vector_store %arg17[%swap3A_2602], %swap3A_2605 {strides = array<i32>} : memref<128xi32, #tpu.memory_space<vmem>>, vector<16xi32>,
    %div3A_2606 = arith.constant 1.000000e+02 : f32
    %div3A_2607 = vector.broadcast %div3A_2606 : f32 to vector<16xf32>
    %div3A_2608 = arith.divf %select_n3A_2597, %div3A_2607 : vector<16xf32>
    %convert_element_type3A_2609 = arith.fptosi %div3A_2608 : vector<16xf32> to vector<16xi32>
    %swap3A_2610 = arith.constant 32 : index
    %swap3A_2611 = tpu.vector_load %arg18[%swap3A_2610] {strides = array<i32>} : memref<128xi32, #tpu.memory_space<vmem>>, vector<16xi32>,
    %swap3A_2612 = vector.shape_cast %swap3A_2611 : vector<16xi32> to vector<16xi32>
    %swap3A_2613 = vector.shape_cast %convert_element_type3A_2609 : vector<16xi32> to vector<16xi32>
    tpu.vector_store %arg18[%swap3A_2610], %swap3A_2613 {strides = array<i32>} : memref<128xi32, #tpu.memory_space<vmem>>, vector<16xi32>,
    %get3A_2614 = arith.constant 96 : index
    %get3A_2615 = tpu.vector_load %arg16[%get3A_2614] {strides = array<i32>} : memref<256xf32, #tpu.memory_space<vmem>>, vector<16xf32>,
    %get3A_2616 = vector.shape_cast %get3A_2615 : vector<16xf32> to vector<16xf32>
    %get3A_2617 = arith.constant 112 : index
    %get3A_2618 = tpu.vector_load %arg16[%get3A_2617] {strides = array<i32>} : memref<256xf32, #tpu.memory_space<vmem>>, vector<16xf32>,
    %get3A_2619 = vector.shape_cast %get3A_2618 : vector<16xf32> to vector<16xf32>
    %broadcast_in_dim3A_2620 = vector.shape_cast %select_n3A_93 : vector<16xi32> to vector<16x1xi32>
    %gather3A_2621 = vector.shape_cast %broadcast_in_dim3A_2620 : vector<16x1xi32> to vector<16xi32>
    %gather3A_2622 = tpu.dynamic_gather %get3A_2616[%gather3A_2621] in [0] : vector<16xf32>, vector<16xi32> -> vector<16xf32>
    %broadcast_in_dim3A_2623 = vector.shape_cast %select_n3A_93 : vector<16xi32> to vector<16x1xi32>
    %gather3A_2624 = vector.shape_cast %broadcast_in_dim3A_2623 : vector<16x1xi32> to vector<16xi32>
    %gather3A_2625 = tpu.dynamic_gather %get3A_2619[%gather3A_2624] in [0] : vector<16xf32>, vector<16xi32> -> vector<16xf32>
    %select_n3A_2626 = arith.select %lt3A_40, %gather3A_2622, %gather3A_2625 : vector<16xi1>, vector<16xf32>
    %broadcast_in_dim3A_2627 = vector.shape_cast %select_n3A_68 : vector<16xi32> to vector<16x1xi32>
    %gather3A_2628 = vector.shape_cast %broadcast_in_dim3A_2627 : vector<16x1xi32> to vector<16xi32>
    %gather3A_2629 = tpu.dynamic_gather %get3A_2616[%gather3A_2628] in [0] : vector<16xf32>, vector<16xi32> -> vector<16xf32>
    %broadcast_in_dim3A_2630 = vector.shape_cast %select_n3A_68 : vector<16xi32> to vector<16x1xi32>
    %gather3A_2631 = vector.shape_cast %broadcast_in_dim3A_2630 : vector<16x1xi32> to vector<16xi32>
    %gather3A_2632 = tpu.dynamic_gather %get3A_2619[%gather3A_2631] in [0] : vector<16xf32>, vector<16xi32> -> vector<16xf32>
    %select_n3A_2633 = arith.select %lt3A_40, %gather3A_2629, %gather3A_2632 : vector<16xi1>, vector<16xf32>
    %div3A_2634 = arith.constant 1.000000e+02 : f32
    %div3A_2635 = vector.broadcast %div3A_2634 : f32 to vector<16xf32>
    %div3A_2636 = arith.divf %select_n3A_2626, %div3A_2635 : vector<16xf32>
    %convert_element_type3A_2637 = arith.fptosi %div3A_2636 : vector<16xf32> to vector<16xi32>
    %swap3A_2638 = arith.constant 48 : index
    %swap3A_2639 = tpu.vector_load %arg17[%swap3A_2638] {strides = array<i32>} : memref<128xi32, #tpu.memory_space<vmem>>, vector<16xi32>,
    %swap3A_2640 = vector.shape_cast %swap3A_2639 : vector<16xi32> to vector<16xi32>
    %swap3A_2641 = vector.shape_cast %convert_element_type3A_2637 : vector<16xi32> to vector<16xi32>
    tpu.vector_store %arg17[%swap3A_2638], %swap3A_2641 {strides = array<i32>} : memref<128xi32, #tpu.memory_space<vmem>>, vector<16xi32>,
    %div3A_2642 = arith.constant 1.000000e+02 : f32
    %div3A_2643 = vector.broadcast %div3A_2642 : f32 to vector<16xf32>
    %div3A_2644 = arith.divf %select_n3A_2633, %div3A_2643 : vector<16xf32>
    %convert_element_type3A_2645 = arith.fptosi %div3A_2644 : vector<16xf32> to vector<16xi32>
    %swap3A_2646 = arith.constant 48 : index
    %swap3A_2647 = tpu.vector_load %arg18[%swap3A_2646] {strides = array<i32>} : memref<128xi32, #tpu.memory_space<vmem>>, vector<16xi32>,
    %swap3A_2648 = vector.shape_cast %swap3A_2647 : vector<16xi32> to vector<16xi32>
    %swap3A_2649 = vector.shape_cast %convert_element_type3A_2645 : vector<16xi32> to vector<16xi32>
    tpu.vector_store %arg18[%swap3A_2646], %swap3A_2649 {strides = array<i32>} : memref<128xi32, #tpu.memory_space<vmem>>, vector<16xi32>,
    %get3A_2650 = arith.constant 128 : index
    %get3A_2651 = tpu.vector_load %arg16[%get3A_2650] {strides = array<i32>} : memref<256xf32, #tpu.memory_space<vmem>>, vector<16xf32>,
    %get3A_2652 = vector.shape_cast %get3A_2651 : vector<16xf32> to vector<16xf32>
    %get3A_2653 = arith.constant 144 : index
    %get3A_2654 = tpu.vector_load %arg16[%get3A_2653] {strides = array<i32>} : memref<256xf32, #tpu.memory_space<vmem>>, vector<16xf32>,
    %get3A_2655 = vector.shape_cast %get3A_2654 : vector<16xf32> to vector<16xf32>
    %broadcast_in_dim3A_2656 = vector.shape_cast %select_n3A_93 : vector<16xi32> to vector<16x1xi32>
    %gather3A_2657 = vector.shape_cast %broadcast_in_dim3A_2656 : vector<16x1xi32> to vector<16xi32>
    %gather3A_2658 = tpu.dynamic_gather %get3A_2652[%gather3A_2657] in [0] : vector<16xf32>, vector<16xi32> -> vector<16xf32>
    %broadcast_in_dim3A_2659 = vector.shape_cast %select_n3A_93 : vector<16xi32> to vector<16x1xi32>
    %gather3A_2660 = vector.shape_cast %broadcast_in_dim3A_2659 : vector<16x1xi32> to vector<16xi32>
    %gather3A_2661 = tpu.dynamic_gather %get3A_2655[%gather3A_2660] in [0] : vector<16xf32>, vector<16xi32> -> vector<16xf32>
    %select_n3A_2662 = arith.select %lt3A_40, %gather3A_2658, %gather3A_2661 : vector<16xi1>, vector<16xf32>
    %broadcast_in_dim3A_2663 = vector.shape_cast %select_n3A_68 : vector<16xi32> to vector<16x1xi32>
    %gather3A_2664 = vector.shape_cast %broadcast_in_dim3A_2663 : vector<16x1xi32> to vector<16xi32>
    %gather3A_2665 = tpu.dynamic_gather %get3A_2652[%gather3A_2664] in [0] : vector<16xf32>, vector<16xi32> -> vector<16xf32>
    %broadcast_in_dim3A_2666 = vector.shape_cast %select_n3A_68 : vector<16xi32> to vector<16x1xi32>
    %gather3A_2667 = vector.shape_cast %broadcast_in_dim3A_2666 : vector<16x1xi32> to vector<16xi32>
    %gather3A_2668 = tpu.dynamic_gather %get3A_2655[%gather3A_2667] in [0] : vector<16xf32>, vector<16xi32> -> vector<16xf32>
    %select_n3A_2669 = arith.select %lt3A_40, %gather3A_2665, %gather3A_2668 : vector<16xi1>, vector<16xf32>
    %div3A_2670 = arith.constant 1.000000e+02 : f32
    %div3A_2671 = vector.broadcast %div3A_2670 : f32 to vector<16xf32>
    %div3A_2672 = arith.divf %select_n3A_2662, %div3A_2671 : vector<16xf32>
    %convert_element_type3A_2673 = arith.fptosi %div3A_2672 : vector<16xf32> to vector<16xi32>
    %swap3A_2674 = arith.constant 64 : index
    %swap3A_2675 = tpu.vector_load %arg17[%swap3A_2674] {strides = array<i32>} : memref<128xi32, #tpu.memory_space<vmem>>, vector<16xi32>,
    %swap3A_2676 = vector.shape_cast %swap3A_2675 : vector<16xi32> to vector<16xi32>
    %swap3A_2677 = vector.shape_cast %convert_element_type3A_2673 : vector<16xi32> to vector<16xi32>
    tpu.vector_store %arg17[%swap3A_2674], %swap3A_2677 {strides = array<i32>} : memref<128xi32, #tpu.memory_space<vmem>>, vector<16xi32>,
    %div3A_2678 = arith.constant 1.000000e+02 : f32
    %div3A_2679 = vector.broadcast %div3A_2678 : f32 to vector<16xf32>
    %div3A_2680 = arith.divf %select_n3A_2669, %div3A_2679 : vector<16xf32>
    %convert_element_type3A_2681 = arith.fptosi %div3A_2680 : vector<16xf32> to vector<16xi32>
    %swap3A_2682 = arith.constant 64 : index
    %swap3A_2683 = tpu.vector_load %arg18[%swap3A_2682] {strides = array<i32>} : memref<128xi32, #tpu.memory_space<vmem>>, vector<16xi32>,
    %swap3A_2684 = vector.shape_cast %swap3A_2683 : vector<16xi32> to vector<16xi32>
    %swap3A_2685 = vector.shape_cast %convert_element_type3A_2681 : vector<16xi32> to vector<16xi32>
    tpu.vector_store %arg18[%swap3A_2682], %swap3A_2685 {strides = array<i32>} : memref<128xi32, #tpu.memory_space<vmem>>, vector<16xi32>,
    %get3A_2686 = arith.constant 160 : index
    %get3A_2687 = tpu.vector_load %arg16[%get3A_2686] {strides = array<i32>} : memref<256xf32, #tpu.memory_space<vmem>>, vector<16xf32>,
    %get3A_2688 = vector.shape_cast %get3A_2687 : vector<16xf32> to vector<16xf32>
    %get3A_2689 = arith.constant 176 : index
    %get3A_2690 = tpu.vector_load %arg16[%get3A_2689] {strides = array<i32>} : memref<256xf32, #tpu.memory_space<vmem>>, vector<16xf32>,
    %get3A_2691 = vector.shape_cast %get3A_2690 : vector<16xf32> to vector<16xf32>
    %broadcast_in_dim3A_2692 = vector.shape_cast %select_n3A_93 : vector<16xi32> to vector<16x1xi32>
    %gather3A_2693 = vector.shape_cast %broadcast_in_dim3A_2692 : vector<16x1xi32> to vector<16xi32>
    %gather3A_2694 = tpu.dynamic_gather %get3A_2688[%gather3A_2693] in [0] : vector<16xf32>, vector<16xi32> -> vector<16xf32>
    %broadcast_in_dim3A_2695 = vector.shape_cast %select_n3A_93 : vector<16xi32> to vector<16x1xi32>
    %gather3A_2696 = vector.shape_cast %broadcast_in_dim3A_2695 : vector<16x1xi32> to vector<16xi32>
    %gather3A_2697 = tpu.dynamic_gather %get3A_2691[%gather3A_2696] in [0] : vector<16xf32>, vector<16xi32> -> vector<16xf32>
    %select_n3A_2698 = arith.select %lt3A_40, %gather3A_2694, %gather3A_2697 : vector<16xi1>, vector<16xf32>
    %broadcast_in_dim3A_2699 = vector.shape_cast %select_n3A_68 : vector<16xi32> to vector<16x1xi32>
    %gather3A_2700 = vector.shape_cast %broadcast_in_dim3A_2699 : vector<16x1xi32> to vector<16xi32>
    %gather3A_2701 = tpu.dynamic_gather %get3A_2688[%gather3A_2700] in [0] : vector<16xf32>, vector<16xi32> -> vector<16xf32>
    %broadcast_in_dim3A_2702 = vector.shape_cast %select_n3A_68 : vector<16xi32> to vector<16x1xi32>
    %gather3A_2703 = vector.shape_cast %broadcast_in_dim3A_2702 : vector<16x1xi32> to vector<16xi32>
    %gather3A_2704 = tpu.dynamic_gather %get3A_2691[%gather3A_2703] in [0] : vector<16xf32>, vector<16xi32> -> vector<16xf32>
    %select_n3A_2705 = arith.select %lt3A_40, %gather3A_2701, %gather3A_2704 : vector<16xi1>, vector<16xf32>
    %div3A_2706 = arith.constant 1.000000e+02 : f32
    %div3A_2707 = vector.broadcast %div3A_2706 : f32 to vector<16xf32>
    %div3A_2708 = arith.divf %select_n3A_2698, %div3A_2707 : vector<16xf32>
    %convert_element_type3A_2709 = arith.fptosi %div3A_2708 : vector<16xf32> to vector<16xi32>
    %swap3A_2710 = arith.constant 80 : index
    %swap3A_2711 = tpu.vector_load %arg17[%swap3A_2710] {strides = array<i32>} : memref<128xi32, #tpu.memory_space<vmem>>, vector<16xi32>,
    %swap3A_2712 = vector.shape_cast %swap3A_2711 : vector<16xi32> to vector<16xi32>
    %swap3A_2713 = vector.shape_cast %convert_element_type3A_2709 : vector<16xi32> to vector<16xi32>
    tpu.vector_store %arg17[%swap3A_2710], %swap3A_2713 {strides = array<i32>} : memref<128xi32, #tpu.memory_space<vmem>>, vector<16xi32>,
    %div3A_2714 = arith.constant 1.000000e+02 : f32
    %div3A_2715 = vector.broadcast %div3A_2714 : f32 to vector<16xf32>
    %div3A_2716 = arith.divf %select_n3A_2705, %div3A_2715 : vector<16xf32>
    %convert_element_type3A_2717 = arith.fptosi %div3A_2716 : vector<16xf32> to vector<16xi32>
    %swap3A_2718 = arith.constant 80 : index
    %swap3A_2719 = tpu.vector_load %arg18[%swap3A_2718] {strides = array<i32>} : memref<128xi32, #tpu.memory_space<vmem>>, vector<16xi32>,
    %swap3A_2720 = vector.shape_cast %swap3A_2719 : vector<16xi32> to vector<16xi32>
    %swap3A_2721 = vector.shape_cast %convert_element_type3A_2717 : vector<16xi32> to vector<16xi32>
    tpu.vector_store %arg18[%swap3A_2718], %swap3A_2721 {strides = array<i32>} : memref<128xi32, #tpu.memory_space<vmem>>, vector<16xi32>,
    %get3A_2722 = arith.constant 192 : index
    %get3A_2723 = tpu.vector_load %arg16[%get3A_2722] {strides = array<i32>} : memref<256xf32, #tpu.memory_space<vmem>>, vector<16xf32>,
    %get3A_2724 = vector.shape_cast %get3A_2723 : vector<16xf32> to vector<16xf32>
    %get3A_2725 = arith.constant 208 : index
    %get3A_2726 = tpu.vector_load %arg16[%get3A_2725] {strides = array<i32>} : memref<256xf32, #tpu.memory_space<vmem>>, vector<16xf32>,
    %get3A_2727 = vector.shape_cast %get3A_2726 : vector<16xf32> to vector<16xf32>
    %broadcast_in_dim3A_2728 = vector.shape_cast %select_n3A_93 : vector<16xi32> to vector<16x1xi32>
    %gather3A_2729 = vector.shape_cast %broadcast_in_dim3A_2728 : vector<16x1xi32> to vector<16xi32>
    %gather3A_2730 = tpu.dynamic_gather %get3A_2724[%gather3A_2729] in [0] : vector<16xf32>, vector<16xi32> -> vector<16xf32>
    %broadcast_in_dim3A_2731 = vector.shape_cast %select_n3A_93 : vector<16xi32> to vector<16x1xi32>
    %gather3A_2732 = vector.shape_cast %broadcast_in_dim3A_2731 : vector<16x1xi32> to vector<16xi32>
    %gather3A_2733 = tpu.dynamic_gather %get3A_2727[%gather3A_2732] in [0] : vector<16xf32>, vector<16xi32> -> vector<16xf32>
    %select_n3A_2734 = arith.select %lt3A_40, %gather3A_2730, %gather3A_2733 : vector<16xi1>, vector<16xf32>
    %broadcast_in_dim3A_2735 = vector.shape_cast %select_n3A_68 : vector<16xi32> to vector<16x1xi32>
    %gather3A_2736 = vector.shape_cast %broadcast_in_dim3A_2735 : vector<16x1xi32> to vector<16xi32>
    %gather3A_2737 = tpu.dynamic_gather %get3A_2724[%gather3A_2736] in [0] : vector<16xf32>, vector<16xi32> -> vector<16xf32>
    %broadcast_in_dim3A_2738 = vector.shape_cast %select_n3A_68 : vector<16xi32> to vector<16x1xi32>
    %gather3A_2739 = vector.shape_cast %broadcast_in_dim3A_2738 : vector<16x1xi32> to vector<16xi32>
    %gather3A_2740 = tpu.dynamic_gather %get3A_2727[%gather3A_2739] in [0] : vector<16xf32>, vector<16xi32> -> vector<16xf32>
    %select_n3A_2741 = arith.select %lt3A_40, %gather3A_2737, %gather3A_2740 : vector<16xi1>, vector<16xf32>
    %div3A_2742 = arith.constant 1.000000e+02 : f32
    %div3A_2743 = vector.broadcast %div3A_2742 : f32 to vector<16xf32>
    %div3A_2744 = arith.divf %select_n3A_2734, %div3A_2743 : vector<16xf32>
    %convert_element_type3A_2745 = arith.fptosi %div3A_2744 : vector<16xf32> to vector<16xi32>
    %swap3A_2746 = arith.constant 96 : index
    %swap3A_2747 = tpu.vector_load %arg17[%swap3A_2746] {strides = array<i32>} : memref<128xi32, #tpu.memory_space<vmem>>, vector<16xi32>,
    %swap3A_2748 = vector.shape_cast %swap3A_2747 : vector<16xi32> to vector<16xi32>
    %swap3A_2749 = vector.shape_cast %convert_element_type3A_2745 : vector<16xi32> to vector<16xi32>
    tpu.vector_store %arg17[%swap3A_2746], %swap3A_2749 {strides = array<i32>} : memref<128xi32, #tpu.memory_space<vmem>>, vector<16xi32>,
    %div3A_2750 = arith.constant 1.000000e+02 : f32
    %div3A_2751 = vector.broadcast %div3A_2750 : f32 to vector<16xf32>
    %div3A_2752 = arith.divf %select_n3A_2741, %div3A_2751 : vector<16xf32>
    %convert_element_type3A_2753 = arith.fptosi %div3A_2752 : vector<16xf32> to vector<16xi32>
    %swap3A_2754 = arith.constant 96 : index
    %swap3A_2755 = tpu.vector_load %arg18[%swap3A_2754] {strides = array<i32>} : memref<128xi32, #tpu.memory_space<vmem>>, vector<16xi32>,
    %swap3A_2756 = vector.shape_cast %swap3A_2755 : vector<16xi32> to vector<16xi32>
    %swap3A_2757 = vector.shape_cast %convert_element_type3A_2753 : vector<16xi32> to vector<16xi32>
    tpu.vector_store %arg18[%swap3A_2754], %swap3A_2757 {strides = array<i32>} : memref<128xi32, #tpu.memory_space<vmem>>, vector<16xi32>,
    %get3A_2758 = arith.constant 224 : index
    %get3A_2759 = tpu.vector_load %arg16[%get3A_2758] {strides = array<i32>} : memref<256xf32, #tpu.memory_space<vmem>>, vector<16xf32>,
    %get3A_2760 = vector.shape_cast %get3A_2759 : vector<16xf32> to vector<16xf32>
    %get3A_2761 = arith.constant 240 : index
    %get3A_2762 = tpu.vector_load %arg16[%get3A_2761] {strides = array<i32>} : memref<256xf32, #tpu.memory_space<vmem>>, vector<16xf32>,
    %get3A_2763 = vector.shape_cast %get3A_2762 : vector<16xf32> to vector<16xf32>
    %broadcast_in_dim3A_2764 = vector.shape_cast %select_n3A_93 : vector<16xi32> to vector<16x1xi32>
    %gather3A_2765 = vector.shape_cast %broadcast_in_dim3A_2764 : vector<16x1xi32> to vector<16xi32>
    %gather3A_2766 = tpu.dynamic_gather %get3A_2760[%gather3A_2765] in [0] : vector<16xf32>, vector<16xi32> -> vector<16xf32>
    %broadcast_in_dim3A_2767 = vector.shape_cast %select_n3A_93 : vector<16xi32> to vector<16x1xi32>
    %gather3A_2768 = vector.shape_cast %broadcast_in_dim3A_2767 : vector<16x1xi32> to vector<16xi32>
    %gather3A_2769 = tpu.dynamic_gather %get3A_2763[%gather3A_2768] in [0] : vector<16xf32>, vector<16xi32> -> vector<16xf32>
    %select_n3A_2770 = arith.select %lt3A_40, %gather3A_2766, %gather3A_2769 : vector<16xi1>, vector<16xf32>
    %broadcast_in_dim3A_2771 = vector.shape_cast %select_n3A_68 : vector<16xi32> to vector<16x1xi32>
    %gather3A_2772 = vector.shape_cast %broadcast_in_dim3A_2771 : vector<16x1xi32> to vector<16xi32>
    %gather3A_2773 = tpu.dynamic_gather %get3A_2760[%gather3A_2772] in [0] : vector<16xf32>, vector<16xi32> -> vector<16xf32>
    %broadcast_in_dim3A_2774 = vector.shape_cast %select_n3A_68 : vector<16xi32> to vector<16x1xi32>
    %gather3A_2775 = vector.shape_cast %broadcast_in_dim3A_2774 : vector<16x1xi32> to vector<16xi32>
    %gather3A_2776 = tpu.dynamic_gather %get3A_2763[%gather3A_2775] in [0] : vector<16xf32>, vector<16xi32> -> vector<16xf32>
    %select_n3A_2777 = arith.select %lt3A_40, %gather3A_2773, %gather3A_2776 : vector<16xi1>, vector<16xf32>
    %div3A_2778 = arith.constant 1.000000e+02 : f32
    %div3A_2779 = vector.broadcast %div3A_2778 : f32 to vector<16xf32>
    %div3A_2780 = arith.divf %select_n3A_2770, %div3A_2779 : vector<16xf32>
    %convert_element_type3A_2781 = arith.fptosi %div3A_2780 : vector<16xf32> to vector<16xi32>
    %swap3A_2782 = arith.constant 112 : index
    %swap3A_2783 = tpu.vector_load %arg17[%swap3A_2782] {strides = array<i32>} : memref<128xi32, #tpu.memory_space<vmem>>, vector<16xi32>,
    %swap3A_2784 = vector.shape_cast %swap3A_2783 : vector<16xi32> to vector<16xi32>
    %swap3A_2785 = vector.shape_cast %convert_element_type3A_2781 : vector<16xi32> to vector<16xi32>
    tpu.vector_store %arg17[%swap3A_2782], %swap3A_2785 {strides = array<i32>} : memref<128xi32, #tpu.memory_space<vmem>>, vector<16xi32>,
    %div3A_2786 = arith.constant 1.000000e+02 : f32
    %div3A_2787 = vector.broadcast %div3A_2786 : f32 to vector<16xf32>
    %div3A_2788 = arith.divf %select_n3A_2777, %div3A_2787 : vector<16xf32>
    %convert_element_type3A_2789 = arith.fptosi %div3A_2788 : vector<16xf32> to vector<16xi32>
    %swap3A_2790 = arith.constant 112 : index
    %swap3A_2791 = tpu.vector_load %arg18[%swap3A_2790] {strides = array<i32>} : memref<128xi32, #tpu.memory_space<vmem>>, vector<16xi32>,
    %swap3A_2792 = vector.shape_cast %swap3A_2791 : vector<16xi32> to vector<16xi32>
    %swap3A_2793 = vector.shape_cast %convert_element_type3A_2789 : vector<16xi32> to vector<16xi32>
    tpu.vector_store %arg18[%swap3A_2790], %swap3A_2793 {strides = array<i32>} : memref<128xi32, #tpu.memory_space<vmem>>, vector<16xi32>,
    %dma_start3A_2794 = arith.constant 0 : i32
    %dma_start3A_2795 = arith.constant 0 : i32
    %dma_start3A_2796 = tpu.memref_slice %arg6[%dma_start3A_2794, %dma_start3A_2795] : memref<384x128xf32, #tpu.memory_space<vmem_shared>> -> memref<384x128xf32, #tpu.memory_space<vmem_shared>>
    tpu.enqueue_indirect_dma source(%dma_start3A_2796 : memref<384x128xf32, #tpu.memory_space<vmem_shared>>) target(%arg19 : memref<128x128xf32, #tpu.memory_space<vmem>>) offsets(%arg18 : memref<128xi32, #tpu.memory_space<vmem>>) semaphore(%arg23 : memref<!tpu.dma_semaphore, #tpu.memory_space<semaphore_mem>>) {add = true}
    %dma_start3A_2797 = arith.constant 0 : i32
    %dma_start3A_2798 = arith.constant 0 : i32
    %dma_start3A_2799 = tpu.memref_slice %arg6[%dma_start3A_2797, %dma_start3A_2798] : memref<384x128xf32, #tpu.memory_space<vmem_shared>> -> memref<384x128xf32, #tpu.memory_space<vmem_shared>>
    tpu.enqueue_indirect_dma source(%dma_start3A_2799 : memref<384x128xf32, #tpu.memory_space<vmem_shared>>) target(%arg20 : memref<128x128xf32, #tpu.memory_space<vmem>>) offsets(%arg17 : memref<128xi32, #tpu.memory_space<vmem>>) semaphore(%arg23 : memref<!tpu.dma_semaphore, #tpu.memory_space<semaphore_mem>>) {add = true}
    %dma_wait3A_2800 = arith.constant 0 : i32
    %dma_wait3A_2801 = arith.constant 0 : i32
    %dma_wait3A_2802 = tpu.memref_slice %arg6[%dma_wait3A_2800, %dma_wait3A_2801] : memref<384x128xf32, #tpu.memory_space<vmem_shared>> -> memref<384x128xf32, #tpu.memory_space<vmem_shared>>
    tpu.wait_indirect_dma semaphore(%arg14 : memref<!tpu.dma_semaphore, #tpu.memory_space<semaphore_mem>>) src(%dma_wait3A_2802 : memref<384x128xf32, #tpu.memory_space<vmem_shared>>) dst(%arg10 : memref<128x128xf32, #tpu.memory_space<vmem>>)
    %dma_wait3A_2803 = arith.constant 0 : i32
    %dma_wait3A_2804 = arith.constant 0 : i32
    %dma_wait3A_2805 = tpu.memref_slice %arg6[%dma_wait3A_2803, %dma_wait3A_2804] : memref<384x128xf32, #tpu.memory_space<vmem_shared>> -> memref<384x128xf32, #tpu.memory_space<vmem_shared>>
    tpu.wait_indirect_dma semaphore(%arg14 : memref<!tpu.dma_semaphore, #tpu.memory_space<semaphore_mem>>) src(%dma_wait3A_2805 : memref<384x128xf32, #tpu.memory_space<vmem_shared>>) dst(%arg11 : memref<128x128xf32, #tpu.memory_space<vmem>>)
    %add3A_2806 = arith.constant 768 : i32
    %add3A_2807 = arith.addi %mul3A_2, %add3A_2806 : i32
    %dma_start3A_2808 = arith.constant 0 : i32
    %dma_start3A_2809 = tpu.memref_slice %arg5[%add3A_2807, %dma_start3A_2808] : memref<32768x256xf32, #tpu.memory_space<hbm>> -> memref<128x128xf32, #tpu.memory_space<hbm>>
    %dma_start3A_2810 = arith.constant 0 : i32
    %dma_start3A_2811 = tpu.memref_slice %arg5[%add3A_2807, %dma_start3A_2810] : memref<32768x256xf32, #tpu.memory_space<hbm>> -> memref<128x128xf32, #tpu.memory_space<hbm>>
    tpu.enqueue_dma source(%arg10 : memref<128x128xf32, #tpu.memory_space<vmem>>) target(%dma_start3A_2811 : memref<128x128xf32, #tpu.memory_space<hbm>>) target_semaphore(%arg15 : memref<!tpu.dma_semaphore, #tpu.memory_space<semaphore_mem>>)
    %dma_start3A_2812 = arith.constant 128 : i32
    %dma_start3A_2813 = tpu.memref_slice %arg5[%add3A_2807, %dma_start3A_2812] : memref<32768x256xf32, #tpu.memory_space<hbm>> -> memref<128x128xf32, #tpu.memory_space<hbm>>
    %dma_start3A_2814 = arith.constant 128 : i32
    %dma_start3A_2815 = tpu.memref_slice %arg5[%add3A_2807, %dma_start3A_2814] : memref<32768x256xf32, #tpu.memory_space<hbm>> -> memref<128x128xf32, #tpu.memory_space<hbm>>
    tpu.enqueue_dma source(%arg11 : memref<128x128xf32, #tpu.memory_space<vmem>>) target(%dma_start3A_2815 : memref<128x128xf32, #tpu.memory_space<hbm>>) target_semaphore(%arg15 : memref<!tpu.dma_semaphore, #tpu.memory_space<semaphore_mem>>)
    %dma_wait3A_2816 = arith.constant 0 : i32
    %dma_wait3A_2817 = arith.constant 0 : i32
    %dma_wait3A_2818 = tpu.memref_slice %arg6[%dma_wait3A_2816, %dma_wait3A_2817] : memref<384x128xf32, #tpu.memory_space<vmem_shared>> -> memref<384x128xf32, #tpu.memory_space<vmem_shared>>
    tpu.wait_indirect_dma semaphore(%arg23 : memref<!tpu.dma_semaphore, #tpu.memory_space<semaphore_mem>>) src(%dma_wait3A_2818 : memref<384x128xf32, #tpu.memory_space<vmem_shared>>) dst(%arg19 : memref<128x128xf32, #tpu.memory_space<vmem>>)
    %dma_wait3A_2819 = arith.constant 0 : i32
    %dma_wait3A_2820 = arith.constant 0 : i32
    %dma_wait3A_2821 = tpu.memref_slice %arg6[%dma_wait3A_2819, %dma_wait3A_2820] : memref<384x128xf32, #tpu.memory_space<vmem_shared>> -> memref<384x128xf32, #tpu.memory_space<vmem_shared>>
    tpu.wait_indirect_dma semaphore(%arg23 : memref<!tpu.dma_semaphore, #tpu.memory_space<semaphore_mem>>) src(%dma_wait3A_2821 : memref<384x128xf32, #tpu.memory_space<vmem_shared>>) dst(%arg20 : memref<128x128xf32, #tpu.memory_space<vmem>>)
    %add3A_2822 = arith.constant 896 : i32
    %add3A_2823 = arith.addi %mul3A_2, %add3A_2822 : i32
    %dma_start3A_2824 = arith.constant 0 : i32
    %dma_start3A_2825 = tpu.memref_slice %arg5[%add3A_2823, %dma_start3A_2824] : memref<32768x256xf32, #tpu.memory_space<hbm>> -> memref<128x128xf32, #tpu.memory_space<hbm>>
    %dma_start3A_2826 = arith.constant 0 : i32
    %dma_start3A_2827 = tpu.memref_slice %arg5[%add3A_2823, %dma_start3A_2826] : memref<32768x256xf32, #tpu.memory_space<hbm>> -> memref<128x128xf32, #tpu.memory_space<hbm>>
    tpu.enqueue_dma source(%arg19 : memref<128x128xf32, #tpu.memory_space<vmem>>) target(%dma_start3A_2827 : memref<128x128xf32, #tpu.memory_space<hbm>>) target_semaphore(%arg24 : memref<!tpu.dma_semaphore, #tpu.memory_space<semaphore_mem>>)
    %dma_start3A_2828 = arith.constant 128 : i32
    %dma_start3A_2829 = tpu.memref_slice %arg5[%add3A_2823, %dma_start3A_2828] : memref<32768x256xf32, #tpu.memory_space<hbm>> -> memref<128x128xf32, #tpu.memory_space<hbm>>
    %dma_start3A_2830 = arith.constant 128 : i32
    %dma_start3A_2831 = tpu.memref_slice %arg5[%add3A_2823, %dma_start3A_2830] : memref<32768x256xf32, #tpu.memory_space<hbm>> -> memref<128x128xf32, #tpu.memory_space<hbm>>
    tpu.enqueue_dma source(%arg20 : memref<128x128xf32, #tpu.memory_space<vmem>>) target(%dma_start3A_2831 : memref<128x128xf32, #tpu.memory_space<hbm>>) target_semaphore(%arg24 : memref<!tpu.dma_semaphore, #tpu.memory_space<semaphore_mem>>)
    %dma_wait3A_2832 = arith.constant 0 : i32
    %dma_wait3A_2833 = tpu.memref_slice %arg5[%add3A_2485, %dma_wait3A_2832] : memref<32768x256xf32, #tpu.memory_space<hbm>> -> memref<128x128xf32, #tpu.memory_space<hbm>>
    %dma_wait3A_2834 = arith.constant 0 : i32
    %dma_wait3A_2835 = tpu.memref_slice %arg5[%add3A_2485, %dma_wait3A_2834] : memref<32768x256xf32, #tpu.memory_space<hbm>> -> memref<128x128xf32, #tpu.memory_space<hbm>>
    tpu.wait_dma2 semaphore(%arg33 : memref<!tpu.dma_semaphore, #tpu.memory_space<semaphore_mem>>) src(%arg28 : memref<128x128xf32, #tpu.memory_space<vmem>>) dst(%dma_wait3A_2835 : memref<128x128xf32, #tpu.memory_space<hbm>>)
    %dma_wait3A_2836 = arith.constant 128 : i32
    %dma_wait3A_2837 = tpu.memref_slice %arg5[%add3A_2485, %dma_wait3A_2836] : memref<32768x256xf32, #tpu.memory_space<hbm>> -> memref<128x128xf32, #tpu.memory_space<hbm>>
    %dma_wait3A_2838 = arith.constant 128 : i32
    %dma_wait3A_2839 = tpu.memref_slice %arg5[%add3A_2485, %dma_wait3A_2838] : memref<32768x256xf32, #tpu.memory_space<hbm>> -> memref<128x128xf32, #tpu.memory_space<hbm>>
    tpu.wait_dma2 semaphore(%arg33 : memref<!tpu.dma_semaphore, #tpu.memory_space<semaphore_mem>>) src(%arg29 : memref<128x128xf32, #tpu.memory_space<vmem>>) dst(%dma_wait3A_2839 : memref<128x128xf32, #tpu.memory_space<hbm>>)
    %dma_wait3A_2840 = arith.constant 0 : i32
    %dma_wait3A_2841 = tpu.memref_slice %arg5[%add3A_2807, %dma_wait3A_2840] : memref<32768x256xf32, #tpu.memory_space<hbm>> -> memref<128x128xf32, #tpu.memory_space<hbm>>
    %dma_wait3A_2842 = arith.constant 0 : i32
    %dma_wait3A_2843 = tpu.memref_slice %arg5[%add3A_2807, %dma_wait3A_2842] : memref<32768x256xf32, #tpu.memory_space<hbm>> -> memref<128x128xf32, #tpu.memory_space<hbm>>
    tpu.wait_dma2 semaphore(%arg15 : memref<!tpu.dma_semaphore, #tpu.memory_space<semaphore_mem>>) src(%arg10 : memref<128x128xf32, #tpu.memory_space<vmem>>) dst(%dma_wait3A_2843 : memref<128x128xf32, #tpu.memory_space<hbm>>)
    %dma_wait3A_2844 = arith.constant 128 : i32
    %dma_wait3A_2845 = tpu.memref_slice %arg5[%add3A_2807, %dma_wait3A_2844] : memref<32768x256xf32, #tpu.memory_space<hbm>> -> memref<128x128xf32, #tpu.memory_space<hbm>>
    %dma_wait3A_2846 = arith.constant 128 : i32
    %dma_wait3A_2847 = tpu.memref_slice %arg5[%add3A_2807, %dma_wait3A_2846] : memref<32768x256xf32, #tpu.memory_space<hbm>> -> memref<128x128xf32, #tpu.memory_space<hbm>>
    tpu.wait_dma2 semaphore(%arg15 : memref<!tpu.dma_semaphore, #tpu.memory_space<semaphore_mem>>) src(%arg11 : memref<128x128xf32, #tpu.memory_space<vmem>>) dst(%dma_wait3A_2847 : memref<128x128xf32, #tpu.memory_space<hbm>>)
    %dma_wait3A_2848 = arith.constant 0 : i32
    %dma_wait3A_2849 = tpu.memref_slice %arg5[%add3A_2823, %dma_wait3A_2848] : memref<32768x256xf32, #tpu.memory_space<hbm>> -> memref<128x128xf32, #tpu.memory_space<hbm>>
    %dma_wait3A_2850 = arith.constant 0 : i32
    %dma_wait3A_2851 = tpu.memref_slice %arg5[%add3A_2823, %dma_wait3A_2850] : memref<32768x256xf32, #tpu.memory_space<hbm>> -> memref<128x128xf32, #tpu.memory_space<hbm>>
    tpu.wait_dma2 semaphore(%arg24 : memref<!tpu.dma_semaphore, #tpu.memory_space<semaphore_mem>>) src(%arg19 : memref<128x128xf32, #tpu.memory_space<vmem>>) dst(%dma_wait3A_2851 : memref<128x128xf32, #tpu.memory_space<hbm>>)
    %dma_wait3A_2852 = arith.constant 128 : i32
    %dma_wait3A_2853 = tpu.memref_slice %arg5[%add3A_2823, %dma_wait3A_2852] : memref<32768x256xf32, #tpu.memory_space<hbm>> -> memref<128x128xf32, #tpu.memory_space<hbm>>
    %dma_wait3A_2854 = arith.constant 128 : i32
    %dma_wait3A_2855 = tpu.memref_slice %arg5[%add3A_2823, %dma_wait3A_2854] : memref<32768x256xf32, #tpu.memory_space<hbm>> -> memref<128x128xf32, #tpu.memory_space<hbm>>
    tpu.wait_dma2 semaphore(%arg24 : memref<!tpu.dma_semaphore, #tpu.memory_space<semaphore_mem>>) src(%arg20 : memref<128x128xf32, #tpu.memory_space<vmem>>) dst(%dma_wait3A_2855 : memref<128x128xf32, #tpu.memory_space<hbm>>)
    return
  }
}

module attributes {stable_mosaic.version = 14 : i64} {
  func.func @_tab_body(%arg0: i32, %arg1: memref<128x8x384xf32, #tpu.memory_space<vmem>>, %arg2: memref<384x128xf32, #tpu.memory_space<vmem>>) attributes {dimension_semantics = [#tpu.dimension_semantics<arbitrary>], iteration_bounds = array<i64: 1>, scalar_prefetch = 0 : i64, scratch_operands = 0 : i64, tpu.core_type = #tpu.core_type<tc>, window_params = [{transform_indices = @transform_0, window_bounds = array<i64: 128, 8, 384>}, {pipeline_mode = #tpu.pipeline_mode<synchronous>, transform_indices = @transform_1, window_bounds = array<i64: 384, 128>}]} {
    %get3A = arith.constant 0 : index
    %get3A_0 = arith.constant 0 : index
    %get3A_1 = arith.constant 0 : index
    %get3A_2 = vector.load %arg1[%get3A, %get3A_0, %get3A_1] : memref<128x8x384xf32, #tpu.memory_space<vmem>>, vector<128x1x384xf32>
    %get3A_3 = vector.shape_cast %get3A_2 : vector<128x1x384xf32> to vector<128x384xf32>
    %transpose3A = tpu.transpose %get3A_3, [1, 0] : vector<128x384xf32> -> vector<384x128xf32>
    %mul3A = arith.constant 1.000000e-01 : f32
    %mul3A_4 = vector.broadcast %mul3A : f32 to vector<384x128xf32>
    %mul3A_5 = arith.mulf %mul3A_4, %transpose3A : vector<384x128xf32>
    %swap3A = arith.constant 0 : index
    %swap3A_6 = arith.constant 0 : index
    %swap3A_7 = vector.load %arg2[%swap3A, %swap3A_6] : memref<384x128xf32, #tpu.memory_space<vmem>>, vector<384x128xf32>
    tpu.vector_store %arg2[%swap3A, %swap3A_6], %mul3A_5 {strides = array<i32>} : memref<384x128xf32, #tpu.memory_space<vmem>>, vector<384x128xf32>,
    return
  }
  func.func @transform_0(%arg0: i32) -> (i32, i32, i32) {
    %c0_i32 = arith.constant 0 : i32
    %c0_i32_0 = arith.constant 0 : i32
    %c0_i32_1 = arith.constant 0 : i32
    %c0_i32_2 = arith.constant 0 : i32
    return %c0_i32, %c0_i32_0, %c0_i32_1 : i32, i32, i32
  }
  func.func @transform_1(%arg0: i32) -> (i32, i32) {
    %c0_i32 = arith.constant 0 : i32
    %c0_i32_0 = arith.constant 0 : i32
    %c0_i32_1 = arith.constant 0 : i32
    return %c0_i32, %c0_i32_0 : i32, i32
  }
}

</mosaic_0001>

<sc_bundles>
// kernel: kernel.4.cloned.1.call-start
scs
__scs_entry_jumppad:
0x0: {  	(pc) =	sbr.rel $0x88, $3  }
0x1: {  	(tag) =	ssettag $0x0;
	lr =	simm.s32 $0x1  }
0x2: {  	[smem:$0x3F9E] =	sst lr;
	_ =	strace $0xD0000000  }
0x3: {  	_ = 	snop  }
0x4: {  	_ = 	snop  }
0x5: {  	_ = 	snop  }
0x6: {  	_ = 	snop  }
0x7: {  	_ = 	snop  }
__scs_overlays_trampoline_lowered:
0x8: {  	[smem:$0x3FAD] =	sst s0  }
0x9: {  	[smem:$0x3FAE] =	sst s1  }
0xa: {  	[smem:$0x3FAF] =	sst s2  }
0xb: {  	[smem:$0x3FB0] =	sst s3  }
0xc: {  	[smem:$0x3FB1] =	sst s4  }
0xd: {  	[smem:$0x3FB2] =	sst s5  }
0xe: {  	[smem:$0x3FB3] =	sst s6  }
0xf: {  	[smem:$0x3FB4] =	sst s7  }
0x10: {  	[smem:$0x3FB5] =	sst s8  }
0x11: {  	[smem:$0x3FB6] =	sst s9;
	s0 =	simm.s32 @!p0 $0x0  }
0x12: {  	s1 =	sld [smem:$0x3F9C];
	s0 =	simm.s32 @p0 $0x1  }
0x13: {  	[smem:$0x3FB7] =	sst s0;
	s0 =	simm.s32 @!p1 $0x0  }
0x14: {  	s2 =	sld [smem:$0x3F9B];
	s0 =	simm.s32 @p1 $0x1  }
0x15: {  	[smem:$0x3FB8] =	sst s0;
	s0 =	simm.s32 @!p2 $0x0  }
0x16: {  	s3 =	sld [smem:$0x3FDB];
	s0 =	simm.s32 @p2 $0x1  }
0x17: {  	s4 =	simm.s32 $0x1BF5;
	[smem:$0x3FBA] =	sst s0  }
0x18: {  	s0 =	sld [smem:$0x3F9D];
	_ =	swait.ge [sflag:s4], $0x0  }
0x19: {  	s7 =	sld [smem:$0x3F9E]  }
0x1a: {  	s8 =	sadd.s32 $0xFFFFE003, lr  }
0x1b: {  	s9 =	sadd.s32 $0xFFFFFEF7, lr;
	s5 =	simm.s32 $0xFFFFFFFF;
	p2 =	slt.u32 s8, $0xFFFFF086  }
0x1c: {  	p1 =	slt.u32 s9, $0xF7A;
	s5 =	simm.s32 @!p2 $0x0  }
0x1d: {  	s5 =	simm.s32 @p1 $0x1;
	p0 =	seq.s32 s7, s2  }
0x1e: {  	s7 =	smul.u32 @!p0 $0xF7A, s2;
	p2 =	seq.s32 @!p0 s5, $0x0  }
0x1f: {  	s9 =	smul.u32 $0xF7A, s1;
	s8 =	simm.s32 @!p0 $0x1BF5;
	p2 =	por !p2, p0  }
0x20: {  	[sflag:s8] =	ssyncset.s32 @!p0 $0xFFFFF086;
	s6 =	sadd.s32 @!p0 s3, s7;
	s7 =	simm.s32 @!p0 $0x108  }
0x21: {  	s3 =	sadd.s32 s3, s9;
	s6 =	sadd.s32 @!p0 $0x88, s6;
	s7 =	simm.s32 @p2 $0x1082  }
0x22: {  	[simem:s7], [sflag:s8] =	dma.local @!p0 [hbm:s6], $0xF7A  }
0x23: {  	s9 =	sor.u32 $0xD0000000, s2;
	s6 =	simm.s32 $0x108;
	_ =	swait.ge @!p0 [sflag:s8], $0x0  }
0x24: {  	s3 =	sadd.s32 $0x88, s3;
	s6 =	simm.s32 @!p1 $0x1082;
	[sflag:s4] =	ssyncset.s32 $0xFFFFF086  }
0x25: {  	[simem:s6], [sflag:s4] =	dma.local [hbm:s3], $0xF7A  }
0x26: {  	[smem:$0x3F9E] =	sst s1;
	(tag) =	ssettag s2;
	_ =	strace s9  }
0x27: {  	s1 =	sld [smem:$0x3FAE]  }
0x28: {  	s2 =	sld [smem:$0x3FAF]  }
0x29: {  	s4 =	sld [smem:$0x3FB1]  }
0x2a: {  	p0 =	seq.s32 s5, $0x0;
	s5 =	sld [smem:$0x3FB2]  }
0x2b: {  	s6 =	sld [smem:$0x3FB3]  }
0x2c: {  	s7 =	sld [smem:$0x3FB4]  }
0x2d: {  	s3 =	simm.s32 $0x108;
	s8 =	sld [smem:$0x3FB5]  }
0x2e: {  	s3 =	simm.s32 @!p0 $0x1082;
	s9 =	sld [smem:$0x3FB6]  }
0x2f: {  	lr =	sadd.s32 s0, s3;
	s0 =	sld [smem:$0x3FAD]  }
0x30: {  	s3 =	sld [smem:$0x3FB0]  }
0x31: {  	[smem:$0x3FB9] =	sst s10  }
0x32: {  	s10 =	sld [smem:$0x3FB7];
	_ =	sdelay $0x3  }
0x33: {  	p0 =	seq.s32 s10, $0x1;
	s10 =	sld [smem:$0x3FB9];
	_ =	sdelay $0x3  }
0x34: {  	[smem:$0x3FB9] =	sst s10  }
0x35: {  	s10 =	sld [smem:$0x3FB8];
	_ =	sdelay $0x3  }
0x36: {  	p1 =	seq.s32 s10, $0x1;
	s10 =	sld [smem:$0x3FB9];
	_ =	sdelay $0x3  }
0x37: {  	[smem:$0x3FB9] =	sst s10  }
0x38: {  	s10 =	sld [smem:$0x3FBA]  }
0x39: {  	_ = 	snop;
	(pc) =	sbr.ind lr, $3  }
0x3a: {  	_ = 	snop  }
0x3b: {  	_ = 	snop  }
0x3c: {  	p2 =	seq.s32 s10, $0x1;
	s10 =	sld [smem:$0x3FB9]  }
0x3d: {  	_ =	shalt  }
0x3e: {  	_ =	shalt  }
0x3f: {  	_ =	shalt  }
0x40: {  	_ =	shalt  }
0x41: {  	_ =	shalt  }
0x42: {  	_ =	shalt  }
0x43: {  	_ =	shalt  }
0x44: {  	_ =	shalt  }
0x45: {  	_ =	shalt  }
0x46: {  	_ =	shalt  }
0x47: {  	_ =	shalt  }
0x48: {  	_ =	shalt  }
0x49: {  	_ =	shalt  }
0x4a: {  	_ =	shalt  }
0x4b: {  	_ =	shalt  }
0x4c: {  	_ =	shalt  }
0x4d: {  	_ =	shalt  }
0x4e: {  	_ =	shalt  }
0x4f: {  	_ =	shalt  }
0x50: {  	_ =	shalt  }
0x51: {  	_ =	shalt  }
0x52: {  	_ =	shalt  }
0x53: {  	_ =	shalt  }
0x54: {  	_ =	shalt  }
0x55: {  	_ =	shalt  }
0x56: {  	_ =	shalt  }
0x57: {  	_ =	shalt  }
0x58: {  	_ =	shalt  }
0x59: {  	_ =	shalt  }
0x5a: {  	_ =	shalt  }
0x5b: {  	_ =	shalt  }
0x5c: {  	_ =	shalt  }
0x5d: {  	_ =	shalt  }
0x5e: {  	_ =	shalt  }
0x5f: {  	_ =	shalt  }
0x60: {  	_ =	shalt  }
0x61: {  	_ =	shalt  }
0x62: {  	_ =	shalt  }
0x63: {  	_ =	shalt  }
0x64: {  	_ =	shalt  }
0x65: {  	_ =	shalt  }
0x66: {  	_ =	shalt  }
0x67: {  	_ =	shalt  }
0x68: {  	_ =	shalt  }
0x69: {  	_ =	shalt  }
0x6a: {  	_ =	shalt  }
0x6b: {  	_ =	shalt  }
0x6c: {  	_ =	shalt  }
0x6d: {  	_ =	shalt  }
0x6e: {  	_ =	shalt  }
0x6f: {  	_ =	shalt  }
0x70: {  	_ =	shalt  }
0x71: {  	_ =	shalt  }
0x72: {  	_ =	shalt  }
0x73: {  	_ =	shalt  }
0x74: {  	_ =	shalt  }
0x75: {  	_ =	shalt  }
0x76: {  	_ =	shalt  }
0x77: {  	_ =	shalt  }
0x78: {  	_ =	shalt  }
0x79: {  	_ =	shalt  }
0x7a: {  	_ =	shalt  }
0x7b: {  	_ =	shalt  }
0x7c: {  	_ =	shalt  }
0x7d: {  	_ =	shalt  }
0x7e: {  	_ =	shalt  }
0x7f: {  	_ =	shalt  }
0x80: {  	_ =	shalt  }
0x81: {  	_ =	shalt  }
0x82: {  	_ =	shalt  }
0x83: {  	_ =	shalt  }
0x84: {  	_ =	shalt  }
0x85: {  	_ =	shalt  }
0x86: {  	_ =	shalt  }
0x87: {  	_ =	shalt  }
.Lfunc_end0:
.L_simem_size_0:
called_computation_lowered:
.L_overlay_start_0:
0x88: {  	s2 =	sld [smem:$0x3FD9]  }
0x89: {  	s3 =	sld [smem:$0x3FFE];
	_ =	sdelay $0x1  }
0x8a: {  	s1 =	srdreg.scid  }
0x8b: {  	s0 =	sand.u32 $0x1, s1  }
0x8c: {  	s17 =	sshll.u32 s0, $0xA;
	s2 =	sadd.s32 s3, s2  }
0x8d: {  	s2 =	sadd.s32 s2, s17  }
0x8e: {  	[smem:$0x3FC5] =	sst s2  }
0x8f: {  	_ = 	snop  }
0x90: {  	s2 =	sld [smem:$0x3FC9]  }
0x91: {  	s18 =	sld [smem:$0x3FD0];
	(tm) =	ssettm $0x1  }
0x92: {  	s4 =	sld [smem:$0x3FFB];
	_ =	sdelay $0x3  }
0x93: {  	_ =	strace s4  }
0x94: {  	s4 =	sld [smem:$0x3FFC];
	_ =	sdelay $0x3  }
0x95: {  	_ =	strace s4  }
0x96: {  	s4 =	sld [smem:$0x3FFD];
	_ =	sdelay $0x3  }
0x97: {  	_ =	strace s4  }
0x98: {  	_ =	strace $0x8FFFFFFF  }
0x99: {  	s19 =	sld [smem:$0x3FDB];
	_ =	sdelay $0x1  }
0x9a: {  	s5 =	simm.s32 $_scs_section_size  }
0x9b: {  	s6 =	simm.s32 $_size__tile_overlayer_lowered;
	s7 =	simm.s32 $_tile_overlayer_lowered  }
0x9c: {  	s22 =	simm.s32 $0x1BFF;
	s21 =	sshll.u32 s7, $0x1;
	s4 =	sadd.s32 s5, s19  }
0x9d: {  	s8 =	simm.s32 $0x0;
	s20 =	sshll.u32 s6, $0x1;
	s6 =	sadd.s32 s21, s4  }
0x9e: {  	[timem:s8], [sflag:s22] =	dma.local [hbm:s6], s20  }
0x9f: {  	_ =	swait.ge [sflag:s22], s20  }
0xa0: {  	s5 =	ssub.s32 $0x0, s20;
	[sflag:s22] =	ssyncset.done $0x0  }
0xa1: {  	[sflag:s22] =	ssyncadd.s32 s5;
	_ =	sdelay $0x1  }
0xa2: {  	s23 =	simm.s32 $0x1B8B  }
0xa3: {  	_ =	swait.ge [sflag:s23], $0x1  }
0xa4: {  	[sflag:s23] =	ssyncset.done $0x0  }
0xa5: {  	s25 =	simm.s32 $0x1B8E;
	s24 =	sld [smem:$0x3FFE];
	[sflag:s23] =	ssyncadd.s32 $0xFFFFFFFF  }
0xa6: {  	s26 =	simm.s32 $execute0_lowered;
	[smem:$0x3FD2] =	sst s25  }
0xa7: {  	s6 =	sshll.u32 s26, $0x1;
	_ =	strace $0x80000046;
	[dreg:$0x1] =	wrdreg $0xFFFFFFFF  }
0xa8: {  	s28 =	simm.s32 $_size_execute0_lowered;
	s4 =	sadd.s32 s4, s6;
	[dreg:$0x0] =	wrdreg $0x0  }
0xa9: {  	s6 =	sshll.u32 s28, $0x1;
	[dreg:$0x2] =	wrdreg s4  }
0xaa: {  	[dreg:$0x3] =	wrdreg s6  }
0xab: {  	[dreg:$0x4] =	wrdreg $0xC0  }
0xac: {  	_ =	task [dreg:s8], $0x5FFFF  }
0xad: {  	[dreg:$0x1] =	wrdreg $0xFFFFFFFF  }
0xae: {  	[dreg:$0x0] =	wrdreg $0x60  }
0xaf: {  	[dreg:$0x2] =	wrdreg s2  }
0xb0: {  	[dreg:$0x3] =	wrdreg s24  }
0xb1: {  	[dreg:$0x4] =	wrdreg s18  }
0xb2: {  	[dreg:$0x5] =	wrdreg $0x0  }
0xb3: {  	[dreg:$0x6] =	wrdreg $0x9  }
0xb4: {  	_ =	task.clear_ibuf [dreg:s8], $0x7FFFF;
	_ =	strace $0x90000046  }
0xb5: {  	s29 =	simm.s32 $0x9;
	_ =	strace $0x80000048  }
0xb6: {  	_ =	swait.ge [sflag:s29], $0x1  }
0xb7: {  	[sflag:s29] =	ssyncadd.s32 $0xFFFFFFFF  }
0xb8: {  	_ =	strace $0x90000048  }
0xb9: {  	_ =	sfence  }
0xba: {  	s30 =	sld [smem:$0x0];
	_ =	sdelay $0x2  }
0xbb: {  	s31 =	sshll.u32 s1, $0xD;
	s1 =	sshrl.u32 s1, $0x2  }
0xbc: {  	s3 =	sand.u32 $0x4000, s31;
	s1 =	sadd.s32 s1, s30  }
0xbd: {  	s0 =	sor.u32 s3, s0;
	s1 =	sshll.u32 s1, $0x11  }
0xbe: {  	s0 =	sor.u32 s1, s0  }
0xbf: {  	s0 =	sadd.s32 $0x8F2B, s0  }
0xc0: {  	[sflag:s0] =	ssyncadd.remote.s32 $0x1  }
0xc1: {  	_ =	sfence.sel $0xFFFF  }
0xc2: {  	[dreg:$0x0] =	wrdreg $0xFFFFFFFF;
	(pc) =	sbr.abs _section_cstart, $3  }
0xc3: {  	[dreg:$0x1] =	wrdreg $0xFFFFFFFF  }
0xc4: {  	_ =	task.clear_ibuf [dreg:s8], $0x2FFFF;
	_ =	strace $0x9FFFFFFF  }
0xc5: {  	(tm) =	ssettm $0x7FFFFFFF  }
tec
execute0_lowered:
.L_overlay_start_1:
0x0: {  	(tag) =	ssettag $0x1  }
0x1: {  	s1 =	srdreg.scid  }
0x2: {  	s0 =	stileid.u32;
	s2 =	sand.u32 $0x1, s1  }
0x3: {  	s11 =	sshll.u32 s0, $0xB;
	s3 =	sshll.u32 s2, $0xA  }
0x4: {  	s5 =	sor.u32 s3, s11  }
0x5: {  	p1 =	seq.s32 s2, $0x1;
	p0 =	seq.s32 s5, $0x0  }
0x6: {  	p0 =	por !p0, !p1  }
0x7: {  	s6 =	simm.s32 $0x1;
	p0 =	por !p0, !p0  }
0x8: {  	s6 =	simm.s32 @!p0 $0x0  }
0x9: {  	s4 =	rddreg [dreg:$0x0];
	s6 =	ssub.s32 s0, s6  }
0xa: {  	s7 =	rddreg [dreg:$0x1];
	s8 =	simm.s32 $0x0;
	s9 =	sshll.u32 s6, $0xC  }
0xb: {  	s10 =	sshll.u32 s2, $0xE;
	s6 =	sshll.u32 s6, $0x7;
	s9 =	sand.u32 $0xFFFF8000, s9  }
0xc: {  	s1 =	rddreg [dreg:$0x3];
	s6 =	sand.u32 $0x380, s6;
	s12 =	sor.u32 s10, s9  }
0xd: {  	[smem:$0x7FF] =	sst s8;
	s13 =	sadd.s32 $0x800, s7;
	s6 =	sor.u32 s6, s12  }
0xe: {  	s3 =	rddreg [dreg:$0x2];
	s8 =	sshrl.u32 s6, $0x3;
	s6 =	sshll.u32 s5, $0x5  }
0xf: {  	_ =	strace $0x80000047;
	[dreg:$0x5] =	wrdreg s13;
	s14 =	sadd.s32 s4, s6  }
0x10: {  	s15 =	sor.u32 $0x80, s6;
	s26 =	sadd.s32 s3, s6;
	[dreg:$0x6] =	wrdreg s14  }
0x11: {  	s5 =	sadd.s32 s8, s7;
	s16 =	sadd.s32 s4, s15;
	[dreg:$0xf] =	wrdreg s26  }
0x12: {  	s18 =	sor.u32 $0x1000, s6;
	s17 =	sadd.s32 $0x2000, s5;
	[dreg:$0x7] =	wrdreg s16  }
0x13: {  	s20 =	sor.u32 $0x1080, s6;
	s19 =	sadd.s32 s4, s18;
	[dreg:$0x8] =	wrdreg s17  }
0x14: {  	s21 =	sadd.s32 s4, s20;
	[dreg:$0x9] =	wrdreg s19  }
0x15: {  	s11 =	sor.u32 $0x2000, s6;
	s22 =	sadd.s32 $0x2100, s5;
	[dreg:$0xa] =	wrdreg s21  }
0x16: {  	s12 =	sor.u32 $0x2080, s6;
	s23 =	sadd.s32 s4, s11;
	[dreg:$0xb] =	wrdreg s22  }
0x17: {  	s24 =	sadd.s32 s4, s12;
	[dreg:$0xc] =	wrdreg s23  }
0x18: {  	s25 =	sadd.s32 $0x2200, s5;
	[dreg:$0xd] =	wrdreg s24  }
0x19: {  	s10 =	sor.u32 $0x3000, s6;
	s28 =	sadd.s32 s3, s15;
	[dreg:$0xe] =	wrdreg s25  }
0x1a: {  	s13 =	sor.u32 $0x3080, s6;
	s29 =	sadd.s32 s4, s10;
	[dreg:$0x10] =	wrdreg s28  }
0x1b: {  	s14 =	sadd.s32 s4, s13;
	[dreg:$0x11] =	wrdreg s29  }
0x1c: {  	s30 =	simm.s32 $0x7;
	s15 =	sadd.s32 $0x2300, s5;
	[dreg:$0x12] =	wrdreg s14  }
0x1d: {  	s31 =	simm.s32 $0x8;
	[dreg:$0x13] =	wrdreg s15;
	s16 =	sadd.s32 s3, s18  }
0x1e: {  	s8 =	sor.u32 $0x4000, s6;
	s17 =	sadd.s32 s3, s20;
	[dreg:$0x14] =	wrdreg s16  }
0x1f: {  	s9 =	sor.u32 $0x4080, s6;
	s18 =	sadd.s32 s4, s8;
	[dreg:$0x15] =	wrdreg s17  }
0x20: {  	s2 =	ssub.s32 $0x2, s2;
	s19 =	sadd.s32 s4, s9;
	[dreg:$0x16] =	wrdreg s18  }
0x21: {  	p0 =	sne.s32 s0, $0x0;
	s20 =	sadd.s32 $0x2400, s5;
	[dreg:$0x17] =	wrdreg s19  }
0x22: {  	s0 =	simm.s32 $0xB;
	s21 =	sadd.s32 s3, s11;
	[dreg:$0x18] =	wrdreg s20  }
0x23: {  	s7 =	simm.s32 $0x4E00;
	s22 =	sadd.s32 s3, s12;
	[dreg:$0x19] =	wrdreg s21  }
0x24: {  	s23 =	sor.u32 $0x5000, s6;
	s28 =	sadd.s32 $0x2500, s5;
	[dreg:$0x1a] =	wrdreg s22  }
0x25: {  	s25 =	sor.u32 $0x5080, s6;
	s29 =	sadd.s32 s3, s10;
	[dreg:$0x1d] =	wrdreg s28  }
0x26: {  	s10 =	sadd.s32 s3, s13;
	s13 =	sor.u32 $0x6000, s6;
	[dreg:$0x1e] =	wrdreg s29  }
0x27: {  	s15 =	sor.u32 $0x6080, s6;
	s24 =	sadd.s32 s4, s23;
	[dreg:$0x1f] =	wrdreg s10  }
0x28: {  	s11 =	simm.s32 $0xD000;
	s26 =	sadd.s32 s4, s25;
	[dreg:$0x1b] =	wrdreg s24  }
0x29: {  	s14 =	sadd.s32 s4, s13;
	s16 =	sadd.s32 s4, s15;
	[dreg:$0x1c] =	wrdreg s26  }
0x2a: {  	s17 =	sadd.s32 $0x2600, s5;
	s18 =	sadd.s32 s3, s8;
	[smem:$0x7F0] =	sst s14  }
0x2b: {  	s19 =	sadd.s32 s3, s9;
	s20 =	sor.u32 $0x7000, s6;
	[smem:$0x7F1] =	sst s16  }
0x2c: {  	s6 =	sor.u32 $0x7080, s6;
	s22 =	sadd.s32 $0x2700, s5;
	[smem:$0x7F2] =	sst s17  }
0x2d: {  	s23 =	sadd.s32 s3, s23;
	s28 =	sshrl.u32 s2, $0x1;
	[smem:$0x7F3] =	sst s18  }
0x2e: {  	s8 =	simm.s32 $0x80;
	s10 =	simm.s32 $0x9000;
	[smem:$0x7F4] =	sst s19  }
0x2f: {  	s21 =	sadd.s32 s4, s20;
	s4 =	sadd.s32 s4, s6;
	[smem:$0x7F7] =	sst s22  }
0x30: {  	v0 =	vimm.f32 $1.000000000e+02;
	[smem:$0x7F8] =	sst s23;
	s24 =	sadd.s32 s3, s25;
	s25 =	sadd.s32 s3, s13  }
0x31: {  	(erf) = vrcp.f32 v0;
	s26 =	sadd.s32 s3, s15;
	s29 =	sadd.s32 s3, s20;
	s5 =	ssub.s32 s2, s28  }
0x32: {  	s3 =	sadd.s32 s3, s6;
	s2 =	simm.s32 $0x1;
	[smem:$0x7F5] =	sst s21  }
0x33: {  	s6 =	simm.s32 $0xE00;
	s13 =	simm.s32 $0x2;
	[smem:$0x7F6] =	sst s4  }
0x34: {  	s16 =	simm.s32 $0x11200;
	s17 =	simm.s32 $0x15200;
	[smem:$0x7F9] =	sst s24  }
0x35: {  	s19 =	simm.s32 $0x5;
	s20 =	simm.s32 $0x6;
	[smem:$0x7FA] =	sst s25  }
0x36: {  	v0 =	vlaneseq.u32;
	s23 =	simm.s32 $0x3;
	s18 =	simm.s32 $0xC;
	[smem:$0x7FB] =	sst s26  }
0x37: {  	v0 =	vand.u32 $0x7, v0;
	s22 =	simm.s32 $0x8E00;
	s14 =	simm.s32 $0x11180;
	[smem:$0x7FC] =	sst s29  }
0x38: {  	v0 =	vmul.u32 $0x2, v0;
	s15 =	simm.s32 $0x11100;
	[smem:$0x7FD] =	sst s3;
	s3 =	smax.u32 s5, $0x1  }
0x39: {  	s4 =	simm.s32 $0x400;
	s5 =	simm.s32 $0x800;
	s24 =	simm.s32 $0x4  }
0x3a: {  	vm0 =	vmmov $0xff;
	v2 =	vor.u32 $0x1, v0;
	v1 =	vpop (erf);
	s25 =	simm.s32 $0x9;
	s26 =	simm.s32 $0xA;
	s21 =	simm.s32 $0xD00  }
.LBB2_1:
0x3b: {  	s28 =	rddreg [dreg:$0x5];
	s29 =	sshrl.u32 @!p0 s1, $0x3;
	s9 =	simm.s32 @!p0 $0x1C0D  }
0x3c: {  	[spmem:s29], [sflag:s9] =	dma.local @!p0 [hbm:s28], $0x1800  }
0x3d: {  	s9 =	simm.s32 @!p0 $0xD  }
0x3e: {  	_ =	swait.ge @!p0 [sflag:s9], $0x1800  }
0x3f: {  	[sflag:s9] =	ssyncset.done @!p0 $0x0  }
0x40: {  	[sflag:s9] =	ssyncadd.s32 @!p0 $0xFFFFE800  }
0x41: {  	[bflag:$0x0] =	sbarrier.arrive $0xFFFF  }
0x42: {  	s12 =	rddreg [dreg:$0x6]  }
0x43: {  	[tilespmem:s6], [sflag:$0x1] =	stream.strided.gather [hbm4b:s12+s4], $0x4000, s5, s4, $0x38;
	[tilespmem:$0x19200] =	vst v63  }
0x44: {  	s29 =	rddreg [dreg:$0x7]  }
0x45: {  	[tilespmem:s7], [sflag:$0x1] =	stream.strided.gather [hbm4b:s29+s4], $0x4000, s5, s4, $0x38;
	[tilespmem:$0x19200] =	vst v63  }
0x46: {  	s9 =	rddreg [dreg:$0x8];
	s29 =	simm.s32 $0xC00  }
0x47: {  	[tilespmem:s29], [sflag:$0x2] =	stream.strided.gather [hbm4b:s9+s8], $0x100, s4, s8, $0x38;
	[tilespmem:$0x19200] =	vst v63  }
0x48: {  	s12 =	rddreg [dreg:$0x9]  }
0x49: {  	[tilespmem:s10], [sflag:$0x5] =	stream.strided.gather [hbm4b:s12+s4], $0x4000, s5, s4, $0x38;
	[tilespmem:$0x19200] =	vst v63  }
0x4a: {  	s9 =	rddreg [dreg:$0xa]  }
0x4b: {  	[tilespmem:s11], [sflag:$0x5] =	stream.strided.gather [hbm4b:s9+s4], $0x4000, s5, s4, $0x38;
	[tilespmem:$0x19200] =	vst v63  }
0x4c: {  	s12 =	rddreg [dreg:$0xb]  }
0x4d: {  	[tilespmem:s22], [sflag:$0x6] =	stream.strided.gather [hbm4b:s12+s8], $0x100, s4, s8, $0x38;
	[tilespmem:$0x19200] =	vst v63  }
0x4e: {  	_ =	swait.ge [sflag:s2], $0x4000  }
0x4f: {  	[sflag:s2] =	ssyncset.done $0x0  }
0x50: {  	[sflag:s2] =	ssyncadd.s32 $0xFFFFC000  }
0x51: {  	_ =	swait.ge [sflag:s2], $0x4000  }
0x52: {  	[sflag:s2] =	ssyncset.done $0x0  }
0x53: {  	[sflag:s2] =	ssyncadd.s32 $0xFFFFC000  }
0x54: {  	_ =	swait.ge [sflag:s13], $0x100  }
0x55: {  	[sflag:s13] =	ssyncset.done $0x0  }
0x56: {  	[sflag:s13] =	ssyncadd.s32 $0xFFFFFF00  }
0x57: {  	v3 =	vld [tilespmem:$0xC00]  }
0x58: {  	v4 =	vld [tilespmem:$0xC10]  }
0x59: {  	v5 =	vld [tilespmem:$0xC20]  }
0x5a: {  	v6 =	vld [tilespmem:$0xC30]  }
0x5b: {  	v9 =	vld [tilespmem:$0xC40]  }
0x5c: {  	v10 =	vld [tilespmem:$0xC50]  }
0x5d: {  	v56 =	vld [tilespmem:$0xC60]  }
0x5e: {  	v57 =	vld [tilespmem:$0xC70]  }
0x5f: {  	v13 =	vld [tilespmem:$0xC80];
	v7 =	vperm.xlane v3, v0;
	v8 =	vperm.xlane v4, v0  }
0x60: {  	v14 =	vld [tilespmem:$0xC90];
	v3 =	vperm.xlane v3, v2;
	v4 =	vperm.xlane v4, v2  }
0x61: {  	v60 =	vld [tilespmem:$0xCA0];
	v54 =	vperm.xlane v5, v0;
	v55 =	vperm.xlane v6, v0  }
0x62: {  	v61 =	vld [tilespmem:$0xCB0];
	v5 =	vperm.xlane v5, v2;
	v6 =	vperm.xlane v6, v2  }
0x63: {  	v17 =	vld [tilespmem:$0xCC0];
	v11 =	vperm.xlane v9, v0;
	v12 =	vperm.xlane v10, v0  }
0x64: {  	v18 =	vld [tilespmem:$0xCD0];
	v9 =	vperm.xlane v9, v2;
	v10 =	vperm.xlane v10, v2  }
0x65: {  	v22 =	vld [tilespmem:$0xCE0];
	v58 =	vperm.xlane v56, v0;
	v59 =	vperm.xlane v57, v0  }
0x66: {  	v23 =	vld [tilespmem:$0xCF0];
	v15 =	vperm.xlane v13, v0;
	v16 =	vperm.xlane v14, v0  }
0x67: {  	v13 =	vperm.xlane v13, v2;
	v14 =	vperm.xlane v14, v2  }
0x68: {  	v62 =	vperm.xlane v60, v0;
	v63 =	vperm.xlane v61, v0  }
0x69: {  	v24 =	vperm.xlane v17, v0;
	v25 =	vperm.xlane v18, v0  }
0x6a: {  	v27 =	vperm.xlane v17, v2;
	v28 =	vperm.xlane v18, v2  }
0x6b: {  	v29 =	vperm.xlane v22, v0;
	v30 =	vperm.xlane v23, v0  }
0x6c: {  	v32 =	vperm.xlane v22, v2;
	v33 =	vperm.xlane v23, v2  }
0x6d: {  	v7 =	vsel vm0, v7, v8;
	v3 =	vsel vm0, v3, v4;
	v4 =	vsel vm0, v54, v55  }
0x6e: {  	v5 =	vsel vm0, v5, v6;
	v11 =	vsel vm0, v11, v12;
	v6 =	vperm.xlane v56, v2  }
0x6f: {  	v9 =	vsel vm0, v9, v10;
	v8 =	vperm.xlane v57, v2;
	v12 =	vperm.xlane v61, v2  }
0x70: {  	v10 =	vsel vm0, v58, v59;
	v7 =	vmul.f32 v7, v1;
	v3 =	vmul.f32 v3, v1  }
0x71: {  	v15 =	vsel vm0, v15, v16;
	v4 =	vmul.f32 v4, v1;
	v5 =	vmul.f32 v5, v1  }
0x72: {  	v13 =	vsel vm0, v13, v14;
	v11 =	vmul.f32 v11, v1;
	v9 =	vmul.f32 v9, v1  }
0x73: {  	v14 =	vsel vm0, v62, v63;
	v10 =	vmul.f32 v10, v1;
	v15 =	vmul.f32 v15, v1  }
0x74: {  	v13 =	vmul.f32 v13, v1;
	v14 =	vmul.f32 v14, v1  }
0x75: {  	v6 =	vsel vm0, v6, v8;
	v8 =	vperm.xlane v60, v2;
	v7 =	vtrunc.f32 v7  }
0x76: {  	v3 =	vtrunc.f32 v3;
	v4 =	vtrunc.f32 v4  }
0x77: {  	v5 =	vtrunc.f32 v5;
	v11 =	vtrunc.f32 v11  }
0x78: {  	v9 =	vtrunc.f32 v9;
	v10 =	vtrunc.f32 v10  }
0x79: {  	v6 =	vmul.f32 v6, v1;
	v7 =	vcvt.f32.s32 v7  }
0x7a: {  	v15 =	vtrunc.f32 v15;
	v3 =	vcvt.f32.s32 v3  }
0x7b: {  	v13 =	vtrunc.f32 v13;
	v4 =	vcvt.f32.s32 v4;
	[tilespmem:$0xD00] =	vst v7  }
0x7c: {  	v5 =	vcvt.f32.s32 v5;
	v11 =	vcvt.f32.s32 v11;
	[tilespmem:$0xD80] =	vst v3  }
0x7d: {  	v9 =	vcvt.f32.s32 v9;
	v10 =	vcvt.f32.s32 v10;
	[tilespmem:$0xD10] =	vst v4  }
0x7e: {  	v21 =	vcvt.f32.s32 v15;
	v13 =	vcvt.f32.s32 v13;
	v8 =	vsel vm0, v8, v12;
	[tilespmem:$0xD90] =	vst v5  }
0x7f: {  	v6 =	vtrunc.f32 v6;
	v8 =	vmul.f32 v8, v1;
	[tilespmem:$0xD20] =	vst v11  }
0x80: {  	v34 =	vsel vm0, v29, v30;
	v6 =	vcvt.f32.s32 v6;
	v3 =	vtrunc.f32 v14;
	[tilespmem:$0xDA0] =	vst v9  }
0x81: {  	v4 =	vsel vm0, v24, v25;
	[tilespmem:$0xD30] =	vst v10;
	v7 =	vmul.f32 v34, v1;
	v3 =	vcvt.f32.s32 v3  }
0x82: {  	v31 =	vsel vm0, v27, v28;
	[tilespmem:$0xD40] =	vst v21;
	v26 =	vtrunc.f32 v8;
	v4 =	vmul.f32 v4, v1  }
0x83: {  	v8 =	vsel vm0, v32, v33;
	v5 =	vcvt.f32.s32 v26;
	[tilespmem:$0xDB0] =	vst v6;
	v6 =	vmul.f32 v31, v1  }
0x84: {  	[tilespmem:$0xDC0] =	vst v13;
	v35 =	vmul.f32 v8, v1;
	v36 =	vtrunc.f32 v7  }
0x85: {  	[tilespmem:$0xD50] =	vst v3;
	v37 =	vcvt.f32.s32 v36;
	v3 =	vtrunc.f32 v6  }
0x86: {  	v4 =	vtrunc.f32 v4;
	[tilespmem:$0xDD0] =	vst v5;
	v3 =	vcvt.f32.s32 v3  }
0x87: {  	v4 =	vcvt.f32.s32 v4;
	v38 =	vtrunc.f32 v35;
	[tilespmem:$0xD70] =	vst v37  }
0x88: {  	[tilespmem:$0xDE0] =	vst v3;
	v3 =	vcvt.f32.s32 v38  }
0x89: {  	[tilespmem:$0xD60] =	vst v4  }
0x8a: {  	s28 =	simm.s32 $0xD80;
	[tilespmem:$0xDF0] =	vst v3  }
0x8b: {  	[tilespmem:s6], [sflag:$0x3] =	stream.indirect.gather.add.f32 [spmem:s1], $0x80, s28, s8, $0xb8;
	[tilespmem:$0x19200] =	vst v63  }
0x8c: {  	_ = 	snop  }
0x8d: {  	[tilespmem:s7], [sflag:$0x3] =	stream.indirect.gather.add.f32 [spmem:s1], $0x80, s21, s8, $0xb8;
	[tilespmem:$0x19200] =	vst v63  }
0x8e: {  	s9 =	rddreg [dreg:$0xc]  }
0x8f: {  	[tilespmem:s16], [sflag:$0x9] =	stream.strided.gather [hbm4b:s9+s4], $0x4000, s5, s4, $0x38;
	[tilespmem:$0x19200] =	vst v63  }
0x90: {  	s12 =	rddreg [dreg:$0xd]  }
0x91: {  	[tilespmem:s17], [sflag:$0x9] =	stream.strided.gather [hbm4b:s12+s4], $0x4000, s5, s4, $0x38;
	[tilespmem:$0x19200] =	vst v63  }
0x92: {  	s9 =	rddreg [dreg:$0xe];
	s12 =	simm.s32 $0x11000  }
0x93: {  	[tilespmem:s12], [sflag:$0xA] =	stream.strided.gather [hbm4b:s9+s8], $0x100, s4, s8, $0x38;
	[tilespmem:$0x19200] =	vst v63  }
0x94: {  	_ =	swait.ge [sflag:s19], $0x4000  }
0x95: {  	[sflag:s19] =	ssyncset.done $0x0  }
0x96: {  	[sflag:s19] =	ssyncadd.s32 $0xFFFFC000  }
0x97: {  	_ =	swait.ge [sflag:s19], $0x4000  }
0x98: {  	[sflag:s19] =	ssyncset.done $0x0  }
0x99: {  	[sflag:s19] =	ssyncadd.s32 $0xFFFFC000  }
0x9a: {  	_ =	swait.ge [sflag:s20], $0x100  }
0x9b: {  	[sflag:s20] =	ssyncset.done $0x0  }
0x9c: {  	[sflag:s20] =	ssyncadd.s32 $0xFFFFFF00  }
0x9d: {  	v3 =	vld [tilespmem:$0x8E00]  }
0x9e: {  	v39 =	vld [tilespmem:$0x8E10]  }
0x9f: {  	v40 =	vld [tilespmem:$0x8E20]  }
0xa0: {  	v41 =	vld [tilespmem:$0x8E30]  }
0xa1: {  	v46 =	vld [tilespmem:$0x8E40]  }
0xa2: {  	v47 =	vld [tilespmem:$0x8E50]  }
0xa3: {  	v48 =	vld [tilespmem:$0x8E60]  }
0xa4: {  	v49 =	vld [tilespmem:$0x8E70];
	v42 =	vperm.xlane v3, v0;
	v43 =	vperm.xlane v39, v0  }
0xa5: {  	v54 =	vld [tilespmem:$0x8E80];
	v3 =	vperm.xlane v3, v2;
	v4 =	vperm.xlane v39, v2  }
0xa6: {  	v55 =	vld [tilespmem:$0x8E90];
	v44 =	vperm.xlane v40, v0;
	v45 =	vperm.xlane v41, v0  }
0xa7: {  	v56 =	vld [tilespmem:$0x8EA0];
	v5 =	vperm.xlane v40, v2;
	v6 =	vperm.xlane v41, v2  }
0xa8: {  	v57 =	vld [tilespmem:$0x8EB0];
	v50 =	vperm.xlane v46, v0;
	v51 =	vperm.xlane v47, v0  }
0xa9: {  	v62 =	vld [tilespmem:$0x8EC0];
	v9 =	vperm.xlane v46, v2;
	v10 =	vperm.xlane v47, v2  }
0xaa: {  	v63 =	vld [tilespmem:$0x8ED0];
	v52 =	vperm.xlane v48, v0;
	v53 =	vperm.xlane v49, v0  }
0xab: {  	v22 =	vld [tilespmem:$0x8EE0];
	v8 =	vperm.xlane v49, v2;
	v58 =	vperm.xlane v54, v0  }
0xac: {  	v23 =	vld [tilespmem:$0x8EF0];
	v59 =	vperm.xlane v55, v0;
	v13 =	vperm.xlane v54, v2  }
0xad: {  	v14 =	vperm.xlane v55, v2;
	v60 =	vperm.xlane v56, v0  }
0xae: {  	v61 =	vperm.xlane v57, v0;
	v12 =	vperm.xlane v57, v2  }
0xaf: {  	v24 =	vperm.xlane v62, v0;
	v25 =	vperm.xlane v63, v0  }
0xb0: {  	v27 =	vperm.xlane v62, v2;
	v28 =	vperm.xlane v63, v2  }
0xb1: {  	v29 =	vperm.xlane v22, v0;
	v30 =	vperm.xlane v23, v0  }
0xb2: {  	v32 =	vperm.xlane v22, v2;
	v33 =	vperm.xlane v23, v2;
	v7 =	vsel vm0, v42, v43  }
0xb3: {  	v3 =	vsel vm0, v3, v4;
	v4 =	vsel vm0, v44, v45;
	v5 =	vsel vm0, v5, v6  }
0xb4: {  	v11 =	vsel vm0, v50, v51;
	v9 =	vsel vm0, v9, v10;
	v6 =	vperm.xlane v48, v2  }
0xb5: {  	v10 =	vsel vm0, v52, v53;
	v7 =	vmul.f32 v7, v1;
	v3 =	vmul.f32 v3, v1  }
0xb6: {  	v15 =	vsel vm0, v58, v59;
	v4 =	vmul.f32 v4, v1;
	v5 =	vmul.f32 v5, v1  }
0xb7: {  	v13 =	vsel vm0, v13, v14;
	v11 =	vmul.f32 v11, v1;
	v9 =	vmul.f32 v9, v1  }
0xb8: {  	v14 =	vsel vm0, v60, v61;
	v10 =	vmul.f32 v10, v1;
	v15 =	vmul.f32 v15, v1  }
0xb9: {  	v13 =	vmul.f32 v13, v1;
	v14 =	vmul.f32 v14, v1  }
0xba: {  	v6 =	vsel vm0, v6, v8;
	v8 =	vperm.xlane v56, v2;
	v7 =	vtrunc.f32 v7  }
0xbb: {  	v3 =	vtrunc.f32 v3;
	v4 =	vtrunc.f32 v4  }
0xbc: {  	v5 =	vtrunc.f32 v5;
	v11 =	vtrunc.f32 v11  }
0xbd: {  	v9 =	vtrunc.f32 v9;
	v10 =	vtrunc.f32 v10  }
0xbe: {  	v6 =	vmul.f32 v6, v1;
	v7 =	vcvt.f32.s32 v7  }
0xbf: {  	v15 =	vtrunc.f32 v15;
	v3 =	vcvt.f32.s32 v3  }
0xc0: {  	v13 =	vtrunc.f32 v13;
	v4 =	vcvt.f32.s32 v4;
	[tilespmem:$0x8F00] =	vst v7  }
0xc1: {  	v5 =	vcvt.f32.s32 v5;
	v11 =	vcvt.f32.s32 v11;
	[tilespmem:$0x8F80] =	vst v3  }
0xc2: {  	v9 =	vcvt.f32.s32 v9;
	v10 =	vcvt.f32.s32 v10;
	[tilespmem:$0x8F10] =	vst v4  }
0xc3: {  	v21 =	vcvt.f32.s32 v15;
	v13 =	vcvt.f32.s32 v13;
	v8 =	vsel vm0, v8, v12;
	[tilespmem:$0x8F90] =	vst v5  }
0xc4: {  	v6 =	vtrunc.f32 v6;
	v8 =	vmul.f32 v8, v1;
	[tilespmem:$0x8F20] =	vst v11  }
0xc5: {  	v34 =	vsel vm0, v29, v30;
	v6 =	vcvt.f32.s32 v6;
	v3 =	vtrunc.f32 v14;
	[tilespmem:$0x8FA0] =	vst v9  }
0xc6: {  	v4 =	vsel vm0, v24, v25;
	[tilespmem:$0x8F30] =	vst v10;
	v7 =	vmul.f32 v34, v1;
	v3 =	vcvt.f32.s32 v3  }
0xc7: {  	v31 =	vsel vm0, v27, v28;
	[tilespmem:$0x8F40] =	vst v21;
	v26 =	vtrunc.f32 v8;
	v4 =	vmul.f32 v4, v1  }
0xc8: {  	v8 =	vsel vm0, v32, v33;
	v5 =	vcvt.f32.s32 v26;
	[tilespmem:$0x8FB0] =	vst v6;
	v6 =	vmul.f32 v31, v1  }
0xc9: {  	[tilespmem:$0x8FC0] =	vst v13;
	v35 =	vmul.f32 v8, v1;
	v36 =	vtrunc.f32 v7  }
0xca: {  	[tilespmem:$0x8F50] =	vst v3;
	v37 =	vcvt.f32.s32 v36;
	v3 =	vtrunc.f32 v6  }
0xcb: {  	v4 =	vtrunc.f32 v4;
	[tilespmem:$0x8FD0] =	vst v5;
	v3 =	vcvt.f32.s32 v3  }
0xcc: {  	v4 =	vcvt.f32.s32 v4;
	v38 =	vtrunc.f32 v35;
	[tilespmem:$0x8F70] =	vst v37  }
0xcd: {  	[tilespmem:$0x8FE0] =	vst v3;
	v3 =	vcvt.f32.s32 v38  }
0xce: {  	[tilespmem:$0x8F60] =	vst v4  }
0xcf: {  	s28 =	simm.s32 $0x8F80;
	[tilespmem:$0x8FF0] =	vst v3  }
0xd0: {  	[tilespmem:s10], [sflag:$0x7] =	stream.indirect.gather.add.f32 [spmem:s1], $0x80, s28, s8, $0xb8;
	[tilespmem:$0x19200] =	vst v63  }
0xd1: {  	s28 =	simm.s32 $0x8F00  }
0xd2: {  	[tilespmem:s11], [sflag:$0x7] =	stream.indirect.gather.add.f32 [spmem:s1], $0x80, s28, s8, $0xb8;
	[tilespmem:$0x19200] =	vst v63  }
0xd3: {  	_ =	swait.ge [sflag:s23], $0x4000  }
0xd4: {  	[sflag:s23] =	ssyncset.done $0x0  }
0xd5: {  	[sflag:s23] =	ssyncadd.s32 $0xFFFFC000  }
0xd6: {  	_ =	swait.ge [sflag:s23], $0x4000  }
0xd7: {  	[sflag:s23] =	ssyncset.done $0x0  }
0xd8: {  	s9 =	rddreg [dreg:$0xf];
	[sflag:s23] =	ssyncadd.s32 $0xFFFFC000  }
0xd9: {  	[hbm4b:s9+s4] =	stream.strided.scatter [tilespmem:s6], [sflag:$0x4], $0x4000, s5, s4, $0x38;
	[tilespmem:$0x19200] =	vst v63  }
0xda: {  	s28 =	rddreg [dreg:$0x10]  }
0xdb: {  	[hbm4b:s28+s4] =	stream.strided.scatter [tilespmem:s7], [sflag:$0x4], $0x4000, s5, s4, $0x38;
	[tilespmem:$0x19200] =	vst v63  }
0xdc: {  	_ =	swait.ge [sflag:s24], $0x4000  }
0xdd: {  	[sflag:s24] =	ssyncset.done $0x0  }
0xde: {  	[sflag:s24] =	ssyncadd.s32 $0xFFFFC000  }
0xdf: {  	_ =	swait.ge [sflag:s24], $0x4000  }
0xe0: {  	[sflag:s24] =	ssyncset.done $0x0  }
0xe1: {  	s9 =	rddreg [dreg:$0x11];
	[sflag:s24] =	ssyncadd.s32 $0xFFFFC000  }
0xe2: {  	[tilespmem:s6], [sflag:$0x1] =	stream.strided.gather [hbm4b:s9+s4], $0x4000, s5, s4, $0x38;
	[tilespmem:$0x19200] =	vst v63  }
0xe3: {  	s28 =	rddreg [dreg:$0x12]  }
0xe4: {  	[tilespmem:s7], [sflag:$0x1] =	stream.strided.gather [hbm4b:s28+s4], $0x4000, s5, s4, $0x38;
	[tilespmem:$0x19200] =	vst v63  }
0xe5: {  	s9 =	rddreg [dreg:$0x13]  }
0xe6: {  	[tilespmem:s29], [sflag:$0x2] =	stream.strided.gather [hbm4b:s9+s8], $0x100, s4, s8, $0x38;
	[tilespmem:$0x19200] =	vst v63  }
0xe7: {  	_ =	swait.ge [sflag:s25], $0x4000  }
0xe8: {  	[sflag:s25] =	ssyncset.done $0x0  }
0xe9: {  	[sflag:s25] =	ssyncadd.s32 $0xFFFFC000  }
0xea: {  	_ =	swait.ge [sflag:s25], $0x4000  }
0xeb: {  	[sflag:s25] =	ssyncset.done $0x0  }
0xec: {  	[sflag:s25] =	ssyncadd.s32 $0xFFFFC000  }
0xed: {  	_ =	swait.ge [sflag:s26], $0x100  }
0xee: {  	[sflag:s26] =	ssyncset.done $0x0  }
0xef: {  	[sflag:s26] =	ssyncadd.s32 $0xFFFFFF00  }
0xf0: {  	v3 =	vld [tilespmem:$0x11000]  }
0xf1: {  	v39 =	vld [tilespmem:$0x11010]  }
0xf2: {  	v40 =	vld [tilespmem:$0x11020]  }
0xf3: {  	v41 =	vld [tilespmem:$0x11030]  }
0xf4: {  	v46 =	vld [tilespmem:$0x11040]  }
0xf5: {  	v47 =	vld [tilespmem:$0x11050]  }
0xf6: {  	v48 =	vld [tilespmem:$0x11060]  }
0xf7: {  	v49 =	vld [tilespmem:$0x11070];
	v42 =	vperm.xlane v3, v0;
	v43 =	vperm.xlane v39, v0  }
0xf8: {  	v54 =	vld [tilespmem:$0x11080];
	v3 =	vperm.xlane v3, v2;
	v4 =	vperm.xlane v39, v2  }
0xf9: {  	v55 =	vld [tilespmem:$0x11090];
	v44 =	vperm.xlane v40, v0;
	v45 =	vperm.xlane v41, v0  }
0xfa: {  	v56 =	vld [tilespmem:$0x110A0];
	v5 =	vperm.xlane v40, v2;
	v6 =	vperm.xlane v41, v2  }
0xfb: {  	v57 =	vld [tilespmem:$0x110B0];
	v50 =	vperm.xlane v46, v0;
	v51 =	vperm.xlane v47, v0  }
0xfc: {  	v62 =	vld [tilespmem:$0x110C0];
	v9 =	vperm.xlane v46, v2;
	v10 =	vperm.xlane v47, v2  }
0xfd: {  	v63 =	vld [tilespmem:$0x110D0];
	v52 =	vperm.xlane v48, v0;
	v53 =	vperm.xlane v49, v0  }
0xfe: {  	v21 =	vld [tilespmem:$0x110E0];
	v8 =	vperm.xlane v49, v2;
	v58 =	vperm.xlane v54, v0  }
0xff: {  	v22 =	vld [tilespmem:$0x110F0];
	v59 =	vperm.xlane v55, v0;
	v13 =	vperm.xlane v54, v2  }
0x100: {  	v14 =	vperm.xlane v55, v2;
	v60 =	vperm.xlane v56, v0  }
0x101: {  	v61 =	vperm.xlane v57, v0;
	v12 =	vperm.xlane v57, v2  }
0x102: {  	v23 =	vperm.xlane v62, v0;
	v24 =	vperm.xlane v63, v0  }
0x103: {  	v26 =	vperm.xlane v62, v2;
	v27 =	vperm.xlane v63, v2  }
0x104: {  	v28 =	vperm.xlane v21, v0;
	v29 =	vperm.xlane v22, v0  }
0x105: {  	v31 =	vperm.xlane v21, v2;
	v32 =	vperm.xlane v22, v2;
	v7 =	vsel vm0, v42, v43  }
0x106: {  	v3 =	vsel vm0, v3, v4;
	v4 =	vsel vm0, v44, v45;
	v5 =	vsel vm0, v5, v6  }
0x107: {  	v11 =	vsel vm0, v50, v51;
	v9 =	vsel vm0, v9, v10;
	v6 =	vperm.xlane v48, v2  }
0x108: {  	v10 =	vsel vm0, v52, v53;
	v7 =	vmul.f32 v7, v1;
	v3 =	vmul.f32 v3, v1  }
0x109: {  	v15 =	vsel vm0, v58, v59;
	v4 =	vmul.f32 v4, v1;
	v5 =	vmul.f32 v5, v1  }
0x10a: {  	v13 =	vsel vm0, v13, v14;
	v11 =	vmul.f32 v11, v1;
	v9 =	vmul.f32 v9, v1  }
0x10b: {  	v14 =	vsel vm0, v60, v61;
	v10 =	vmul.f32 v10, v1;
	v15 =	vmul.f32 v15, v1  }
0x10c: {  	v13 =	vmul.f32 v13, v1;
	v14 =	vmul.f32 v14, v1  }
0x10d: {  	v6 =	vsel vm0, v6, v8;
	v8 =	vperm.xlane v56, v2;
	v7 =	vtrunc.f32 v7  }
0x10e: {  	v3 =	vtrunc.f32 v3;
	v4 =	vtrunc.f32 v4  }
0x10f: {  	v5 =	vtrunc.f32 v5;
	v11 =	vtrunc.f32 v11  }
0x110: {  	v9 =	vtrunc.f32 v9;
	v10 =	vtrunc.f32 v10  }
0x111: {  	v6 =	vmul.f32 v6, v1;
	v7 =	vcvt.f32.s32 v7  }
0x112: {  	v15 =	vtrunc.f32 v15;
	v3 =	vcvt.f32.s32 v3  }
0x113: {  	v13 =	vtrunc.f32 v13;
	v4 =	vcvt.f32.s32 v4;
	[tilespmem:$0x11100] =	vst v7  }
0x114: {  	v5 =	vcvt.f32.s32 v5;
	v11 =	vcvt.f32.s32 v11;
	[tilespmem:$0x11180] =	vst v3  }
0x115: {  	v9 =	vcvt.f32.s32 v9;
	v10 =	vcvt.f32.s32 v10;
	[tilespmem:$0x11110] =	vst v4  }
0x116: {  	v20 =	vcvt.f32.s32 v15;
	v13 =	vcvt.f32.s32 v13;
	v8 =	vsel vm0, v8, v12;
	[tilespmem:$0x11190] =	vst v5  }
0x117: {  	v6 =	vtrunc.f32 v6;
	v8 =	vmul.f32 v8, v1;
	[tilespmem:$0x11120] =	vst v11  }
0x118: {  	v33 =	vsel vm0, v28, v29;
	v6 =	vcvt.f32.s32 v6;
	v3 =	vtrunc.f32 v14;
	[tilespmem:$0x111A0] =	vst v9  }
0x119: {  	v4 =	vsel vm0, v23, v24;
	[tilespmem:$0x11130] =	vst v10;
	v7 =	vmul.f32 v33, v1;
	v3 =	vcvt.f32.s32 v3  }
0x11a: {  	v30 =	vsel vm0, v26, v27;
	[tilespmem:$0x11140] =	vst v20;
	v25 =	vtrunc.f32 v8;
	v4 =	vmul.f32 v4, v1  }
0x11b: {  	v8 =	vsel vm0, v31, v32;
	v5 =	vcvt.f32.s32 v25;
	[tilespmem:$0x111B0] =	vst v6;
	v6 =	vmul.f32 v30, v1  }
0x11c: {  	[tilespmem:$0x111C0] =	vst v13;
	v34 =	vmul.f32 v8, v1;
	v35 =	vtrunc.f32 v7  }
0x11d: {  	[tilespmem:$0x11150] =	vst v3;
	v36 =	vcvt.f32.s32 v35;
	v3 =	vtrunc.f32 v6  }
0x11e: {  	v4 =	vtrunc.f32 v4;
	[tilespmem:$0x111D0] =	vst v5;
	v3 =	vcvt.f32.s32 v3  }
0x11f: {  	v4 =	vcvt.f32.s32 v4;
	v37 =	vtrunc.f32 v34;
	[tilespmem:$0x11170] =	vst v36  }
0x120: {  	[tilespmem:$0x111E0] =	vst v3;
	v3 =	vcvt.f32.s32 v37  }
0x121: {  	[tilespmem:$0x11160] =	vst v4  }
0x122: {  	[tilespmem:$0x111F0] =	vst v3  }
0x123: {  	[tilespmem:s16], [sflag:$0xB] =	stream.indirect.gather.add.f32 [spmem:s1], $0x80, s14, s8, $0xb8;
	[tilespmem:$0x19200] =	vst v63  }
0x124: {  	_ = 	snop  }
0x125: {  	[tilespmem:s17], [sflag:$0xB] =	stream.indirect.gather.add.f32 [spmem:s1], $0x80, s15, s8, $0xb8;
	[tilespmem:$0x19200] =	vst v63  }
0x126: {  	_ =	swait.ge [sflag:s30], $0x4000  }
0x127: {  	[sflag:s30] =	ssyncset.done $0x0  }
0x128: {  	[sflag:s30] =	ssyncadd.s32 $0xFFFFC000  }
0x129: {  	_ =	swait.ge [sflag:s30], $0x4000  }
0x12a: {  	[sflag:s30] =	ssyncset.done $0x0  }
0x12b: {  	s9 =	rddreg [dreg:$0x14];
	[sflag:s30] =	ssyncadd.s32 $0xFFFFC000  }
0x12c: {  	[hbm4b:s9+s4] =	stream.strided.scatter [tilespmem:s10], [sflag:$0x8], $0x4000, s5, s4, $0x38;
	[tilespmem:$0x19200] =	vst v63  }
0x12d: {  	s28 =	rddreg [dreg:$0x15]  }
0x12e: {  	[hbm4b:s28+s4] =	stream.strided.scatter [tilespmem:s11], [sflag:$0x8], $0x4000, s5, s4, $0x38;
	[tilespmem:$0x19200] =	vst v63  }
0x12f: {  	_ =	swait.ge [sflag:s31], $0x4000  }
0x130: {  	[sflag:s31] =	ssyncset.done $0x0  }
0x131: {  	[sflag:s31] =	ssyncadd.s32 $0xFFFFC000  }
0x132: {  	_ =	swait.ge [sflag:s31], $0x4000  }
0x133: {  	[sflag:s31] =	ssyncset.done $0x0  }
0x134: {  	s9 =	rddreg [dreg:$0x16];
	[sflag:s31] =	ssyncadd.s32 $0xFFFFC000  }
0x135: {  	[tilespmem:s10], [sflag:$0x5] =	stream.strided.gather [hbm4b:s9+s4], $0x4000, s5, s4, $0x38;
	[tilespmem:$0x19200] =	vst v63  }
0x136: {  	s28 =	rddreg [dreg:$0x17]  }
0x137: {  	[tilespmem:s11], [sflag:$0x5] =	stream.strided.gather [hbm4b:s28+s4], $0x4000, s5, s4, $0x38;
	[tilespmem:$0x19200] =	vst v63  }
0x138: {  	s9 =	rddreg [dreg:$0x18]  }
0x139: {  	[tilespmem:s22], [sflag:$0x6] =	stream.strided.gather [hbm4b:s9+s8], $0x100, s4, s8, $0x38;
	[tilespmem:$0x19200] =	vst v63  }
0x13a: {  	_ =	swait.ge [sflag:s2], $0x4000  }
0x13b: {  	[sflag:s2] =	ssyncset.done $0x0  }
0x13c: {  	[sflag:s2] =	ssyncadd.s32 $0xFFFFC000  }
0x13d: {  	_ =	swait.ge [sflag:s2], $0x4000  }
0x13e: {  	[sflag:s2] =	ssyncset.done $0x0  }
0x13f: {  	[sflag:s2] =	ssyncadd.s32 $0xFFFFC000  }
0x140: {  	_ =	swait.ge [sflag:s13], $0x100  }
0x141: {  	[sflag:s13] =	ssyncset.done $0x0  }
0x142: {  	[sflag:s13] =	ssyncadd.s32 $0xFFFFFF00  }
0x143: {  	v3 =	vld [tilespmem:$0xC00]  }
0x144: {  	v38 =	vld [tilespmem:$0xC10]  }
0x145: {  	v39 =	vld [tilespmem:$0xC20]  }
0x146: {  	v40 =	vld [tilespmem:$0xC30]  }
0x147: {  	v45 =	vld [tilespmem:$0xC40]  }
0x148: {  	v46 =	vld [tilespmem:$0xC50]  }
0x149: {  	v47 =	vld [tilespmem:$0xC60]  }
0x14a: {  	v48 =	vld [tilespmem:$0xC70];
	v41 =	vperm.xlane v3, v0;
	v42 =	vperm.xlane v38, v0  }
0x14b: {  	v53 =	vld [tilespmem:$0xC80];
	v3 =	vperm.xlane v3, v2;
	v4 =	vperm.xlane v38, v2  }
0x14c: {  	v54 =	vld [tilespmem:$0xC90];
	v43 =	vperm.xlane v39, v0;
	v44 =	vperm.xlane v40, v0  }
0x14d: {  	v55 =	vld [tilespmem:$0xCA0];
	v5 =	vperm.xlane v39, v2;
	v6 =	vperm.xlane v40, v2  }
0x14e: {  	v56 =	vld [tilespmem:$0xCB0];
	v49 =	vperm.xlane v45, v0;
	v50 =	vperm.xlane v46, v0  }
0x14f: {  	v61 =	vld [tilespmem:$0xCC0];
	v9 =	vperm.xlane v45, v2;
	v10 =	vperm.xlane v46, v2  }
0x150: {  	v62 =	vld [tilespmem:$0xCD0];
	v51 =	vperm.xlane v47, v0;
	v52 =	vperm.xlane v48, v0  }
0x151: {  	v19 =	vld [tilespmem:$0xCE0];
	v8 =	vperm.xlane v48, v2;
	v57 =	vperm.xlane v53, v0  }
0x152: {  	v20 =	vld [tilespmem:$0xCF0];
	v58 =	vperm.xlane v54, v0;
	v13 =	vperm.xlane v53, v2  }
0x153: {  	v14 =	vperm.xlane v54, v2;
	v59 =	vperm.xlane v55, v0  }
0x154: {  	v60 =	vperm.xlane v56, v0;
	v12 =	vperm.xlane v56, v2  }
0x155: {  	v21 =	vperm.xlane v61, v0;
	v22 =	vperm.xlane v62, v0  }
0x156: {  	v24 =	vperm.xlane v61, v2;
	v25 =	vperm.xlane v62, v2  }
0x157: {  	v26 =	vperm.xlane v19, v0;
	v27 =	vperm.xlane v20, v0  }
0x158: {  	v29 =	vperm.xlane v19, v2;
	v30 =	vperm.xlane v20, v2;
	v7 =	vsel vm0, v41, v42  }
0x159: {  	v3 =	vsel vm0, v3, v4;
	v4 =	vsel vm0, v43, v44;
	v5 =	vsel vm0, v5, v6  }
0x15a: {  	v11 =	vsel vm0, v49, v50;
	v9 =	vsel vm0, v9, v10;
	v6 =	vperm.xlane v47, v2  }
0x15b: {  	v10 =	vsel vm0, v51, v52;
	v7 =	vmul.f32 v7, v1;
	v3 =	vmul.f32 v3, v1  }
0x15c: {  	v15 =	vsel vm0, v57, v58;
	v4 =	vmul.f32 v4, v1;
	v5 =	vmul.f32 v5, v1  }
0x15d: {  	v13 =	vsel vm0, v13, v14;
	v11 =	vmul.f32 v11, v1;
	v9 =	vmul.f32 v9, v1  }
0x15e: {  	v14 =	vsel vm0, v59, v60;
	v10 =	vmul.f32 v10, v1;
	v15 =	vmul.f32 v15, v1  }
0x15f: {  	v13 =	vmul.f32 v13, v1;
	v14 =	vmul.f32 v14, v1  }
0x160: {  	v6 =	vsel vm0, v6, v8;
	v8 =	vperm.xlane v55, v2;
	v7 =	vtrunc.f32 v7  }
0x161: {  	v3 =	vtrunc.f32 v3;
	v4 =	vtrunc.f32 v4  }
0x162: {  	v5 =	vtrunc.f32 v5;
	v11 =	vtrunc.f32 v11  }
0x163: {  	v9 =	vtrunc.f32 v9;
	v10 =	vtrunc.f32 v10  }
0x164: {  	v6 =	vmul.f32 v6, v1;
	v7 =	vcvt.f32.s32 v7  }
0x165: {  	v15 =	vtrunc.f32 v15;
	v3 =	vcvt.f32.s32 v3  }
0x166: {  	v13 =	vtrunc.f32 v13;
	v4 =	vcvt.f32.s32 v4;
	[tilespmem:$0xD00] =	vst v7  }
0x167: {  	v5 =	vcvt.f32.s32 v5;
	v11 =	vcvt.f32.s32 v11;
	[tilespmem:$0xD80] =	vst v3  }
0x168: {  	v9 =	vcvt.f32.s32 v9;
	v10 =	vcvt.f32.s32 v10;
	[tilespmem:$0xD10] =	vst v4  }
0x169: {  	v63 =	vcvt.f32.s32 v15;
	v13 =	vcvt.f32.s32 v13;
	v8 =	vsel vm0, v8, v12;
	[tilespmem:$0xD90] =	vst v5  }
0x16a: {  	v6 =	vtrunc.f32 v6;
	v8 =	vmul.f32 v8, v1;
	[tilespmem:$0xD20] =	vst v11  }
0x16b: {  	v31 =	vsel vm0, v26, v27;
	v6 =	vcvt.f32.s32 v6;
	v3 =	vtrunc.f32 v14;
	[tilespmem:$0xDA0] =	vst v9  }
0x16c: {  	v4 =	vsel vm0, v21, v22;
	[tilespmem:$0xD30] =	vst v10;
	v7 =	vmul.f32 v31, v1;
	v3 =	vcvt.f32.s32 v3  }
0x16d: {  	v28 =	vsel vm0, v24, v25;
	[tilespmem:$0xD40] =	vst v63;
	v23 =	vtrunc.f32 v8;
	v4 =	vmul.f32 v4, v1  }
0x16e: {  	v8 =	vsel vm0, v29, v30;
	v5 =	vcvt.f32.s32 v23;
	[tilespmem:$0xDB0] =	vst v6;
	v6 =	vmul.f32 v28, v1  }
0x16f: {  	[tilespmem:$0xDC0] =	vst v13;
	v32 =	vmul.f32 v8, v1;
	v33 =	vtrunc.f32 v7  }
0x170: {  	[tilespmem:$0xD50] =	vst v3;
	v34 =	vcvt.f32.s32 v33;
	v3 =	vtrunc.f32 v6  }
0x171: {  	v4 =	vtrunc.f32 v4;
	[tilespmem:$0xDD0] =	vst v5;
	v3 =	vcvt.f32.s32 v3  }
0x172: {  	v4 =	vcvt.f32.s32 v4;
	v35 =	vtrunc.f32 v32;
	[tilespmem:$0xD70] =	vst v34  }
0x173: {  	[tilespmem:$0xDE0] =	vst v3;
	v3 =	vcvt.f32.s32 v35  }
0x174: {  	[tilespmem:$0xD60] =	vst v4  }
0x175: {  	s28 =	simm.s32 $0xD80;
	[tilespmem:$0xDF0] =	vst v3  }
0x176: {  	[tilespmem:s6], [sflag:$0x3] =	stream.indirect.gather.add.f32 [spmem:s1], $0x80, s28, s8, $0xb8;
	[tilespmem:$0x19200] =	vst v63  }
0x177: {  	_ = 	snop  }
0x178: {  	[tilespmem:s7], [sflag:$0x3] =	stream.indirect.gather.add.f32 [spmem:s1], $0x80, s21, s8, $0xb8;
	[tilespmem:$0x19200] =	vst v63  }
0x179: {  	_ =	swait.ge [sflag:s0], $0x4000  }
0x17a: {  	[sflag:s0] =	ssyncset.done $0x0  }
0x17b: {  	[sflag:s0] =	ssyncadd.s32 $0xFFFFC000  }
0x17c: {  	_ =	swait.ge [sflag:s0], $0x4000  }
0x17d: {  	[sflag:s0] =	ssyncset.done $0x0  }
0x17e: {  	s9 =	rddreg [dreg:$0x19];
	[sflag:s0] =	ssyncadd.s32 $0xFFFFC000  }
0x17f: {  	[hbm4b:s9+s4] =	stream.strided.scatter [tilespmem:s16], [sflag:$0xC], $0x4000, s5, s4, $0x38;
	[tilespmem:$0x19200] =	vst v63  }
0x180: {  	s28 =	rddreg [dreg:$0x1a]  }
0x181: {  	[hbm4b:s28+s4] =	stream.strided.scatter [tilespmem:s17], [sflag:$0xC], $0x4000, s5, s4, $0x38;
	[tilespmem:$0x19200] =	vst v63  }
0x182: {  	_ =	swait.ge [sflag:s18], $0x4000  }
0x183: {  	[sflag:s18] =	ssyncset.done $0x0  }
0x184: {  	[sflag:s18] =	ssyncadd.s32 $0xFFFFC000  }
0x185: {  	_ =	swait.ge [sflag:s18], $0x4000  }
0x186: {  	[sflag:s18] =	ssyncset.done $0x0  }
0x187: {  	s9 =	rddreg [dreg:$0x1b];
	[sflag:s18] =	ssyncadd.s32 $0xFFFFC000  }
0x188: {  	[tilespmem:s16], [sflag:$0x9] =	stream.strided.gather [hbm4b:s9+s4], $0x4000, s5, s4, $0x38;
	[tilespmem:$0x19200] =	vst v63  }
0x189: {  	s28 =	rddreg [dreg:$0x1c]  }
0x18a: {  	[tilespmem:s17], [sflag:$0x9] =	stream.strided.gather [hbm4b:s28+s4], $0x4000, s5, s4, $0x38;
	[tilespmem:$0x19200] =	vst v63  }
0x18b: {  	s9 =	rddreg [dreg:$0x1d]  }
0x18c: {  	[tilespmem:s12], [sflag:$0xA] =	stream.strided.gather [hbm4b:s9+s8], $0x100, s4, s8, $0x38;
	[tilespmem:$0x19200] =	vst v63  }
0x18d: {  	_ =	swait.ge [sflag:s19], $0x4000  }
0x18e: {  	[sflag:s19] =	ssyncset.done $0x0  }
0x18f: {  	[sflag:s19] =	ssyncadd.s32 $0xFFFFC000  }
0x190: {  	_ =	swait.ge [sflag:s19], $0x4000  }
0x191: {  	[sflag:s19] =	ssyncset.done $0x0  }
0x192: {  	[sflag:s19] =	ssyncadd.s32 $0xFFFFC000  }
0x193: {  	_ =	swait.ge [sflag:s20], $0x100  }
0x194: {  	[sflag:s20] =	ssyncset.done $0x0  }
0x195: {  	[sflag:s20] =	ssyncadd.s32 $0xFFFFFF00  }
0x196: {  	v3 =	vld [tilespmem:$0x8E00]  }
0x197: {  	v36 =	vld [tilespmem:$0x8E10]  }
0x198: {  	v37 =	vld [tilespmem:$0x8E20]  }
0x199: {  	v38 =	vld [tilespmem:$0x8E30]  }
0x19a: {  	v43 =	vld [tilespmem:$0x8E40]  }
0x19b: {  	v44 =	vld [tilespmem:$0x8E50]  }
0x19c: {  	v45 =	vld [tilespmem:$0x8E60]  }
0x19d: {  	v46 =	vld [tilespmem:$0x8E70];
	v39 =	vperm.xlane v3, v0;
	v40 =	vperm.xlane v36, v0  }
0x19e: {  	v51 =	vld [tilespmem:$0x8E80];
	v3 =	vperm.xlane v3, v2;
	v4 =	vperm.xlane v36, v2  }
0x19f: {  	v52 =	vld [tilespmem:$0x8E90];
	v41 =	vperm.xlane v37, v0;
	v42 =	vperm.xlane v38, v0  }
0x1a0: {  	v53 =	vld [tilespmem:$0x8EA0];
	v5 =	vperm.xlane v37, v2;
	v6 =	vperm.xlane v38, v2  }
0x1a1: {  	v54 =	vld [tilespmem:$0x8EB0];
	v47 =	vperm.xlane v43, v0;
	v48 =	vperm.xlane v44, v0  }
0x1a2: {  	v59 =	vld [tilespmem:$0x8EC0];
	v9 =	vperm.xlane v43, v2;
	v10 =	vperm.xlane v44, v2  }
0x1a3: {  	v60 =	vld [tilespmem:$0x8ED0];
	v49 =	vperm.xlane v45, v0;
	v50 =	vperm.xlane v46, v0  }
0x1a4: {  	v62 =	vld [tilespmem:$0x8EE0];
	v8 =	vperm.xlane v46, v2;
	v55 =	vperm.xlane v51, v0  }
0x1a5: {  	v63 =	vld [tilespmem:$0x8EF0];
	v56 =	vperm.xlane v52, v0;
	v13 =	vperm.xlane v51, v2  }
0x1a6: {  	v14 =	vperm.xlane v52, v2;
	v57 =	vperm.xlane v53, v0  }
0x1a7: {  	v58 =	vperm.xlane v54, v0;
	v12 =	vperm.xlane v54, v2  }
0x1a8: {  	v19 =	vperm.xlane v59, v0;
	v20 =	vperm.xlane v60, v0  }
0x1a9: {  	v22 =	vperm.xlane v59, v2;
	v23 =	vperm.xlane v60, v2  }
0x1aa: {  	v24 =	vperm.xlane v62, v0;
	v25 =	vperm.xlane v63, v0  }
0x1ab: {  	v27 =	vperm.xlane v62, v2;
	v28 =	vperm.xlane v63, v2;
	v7 =	vsel vm0, v39, v40  }
0x1ac: {  	v3 =	vsel vm0, v3, v4;
	v4 =	vsel vm0, v41, v42;
	v5 =	vsel vm0, v5, v6  }
0x1ad: {  	v11 =	vsel vm0, v47, v48;
	v9 =	vsel vm0, v9, v10;
	v6 =	vperm.xlane v45, v2  }
0x1ae: {  	v10 =	vsel vm0, v49, v50;
	v7 =	vmul.f32 v7, v1;
	v3 =	vmul.f32 v3, v1  }
0x1af: {  	v15 =	vsel vm0, v55, v56;
	v4 =	vmul.f32 v4, v1;
	v5 =	vmul.f32 v5, v1  }
0x1b0: {  	v13 =	vsel vm0, v13, v14;
	v11 =	vmul.f32 v11, v1;
	v9 =	vmul.f32 v9, v1  }
0x1b1: {  	v14 =	vsel vm0, v57, v58;
	v10 =	vmul.f32 v10, v1;
	v15 =	vmul.f32 v15, v1  }
0x1b2: {  	v13 =	vmul.f32 v13, v1;
	v14 =	vmul.f32 v14, v1  }
0x1b3: {  	v6 =	vsel vm0, v6, v8;
	v8 =	vperm.xlane v53, v2;
	v7 =	vtrunc.f32 v7  }
0x1b4: {  	v3 =	vtrunc.f32 v3;
	v4 =	vtrunc.f32 v4  }
0x1b5: {  	v5 =	vtrunc.f32 v5;
	v11 =	vtrunc.f32 v11  }
0x1b6: {  	v9 =	vtrunc.f32 v9;
	v10 =	vtrunc.f32 v10  }
0x1b7: {  	v6 =	vmul.f32 v6, v1;
	v7 =	vcvt.f32.s32 v7  }
0x1b8: {  	v15 =	vtrunc.f32 v15;
	v3 =	vcvt.f32.s32 v3  }
0x1b9: {  	v13 =	vtrunc.f32 v13;
	v4 =	vcvt.f32.s32 v4;
	[tilespmem:$0x8F00] =	vst v7  }
0x1ba: {  	v5 =	vcvt.f32.s32 v5;
	v11 =	vcvt.f32.s32 v11;
	[tilespmem:$0x8F80] =	vst v3  }
0x1bb: {  	v9 =	vcvt.f32.s32 v9;
	v10 =	vcvt.f32.s32 v10;
	[tilespmem:$0x8F10] =	vst v4  }
0x1bc: {  	v61 =	vcvt.f32.s32 v15;
	v13 =	vcvt.f32.s32 v13;
	v8 =	vsel vm0, v8, v12;
	[tilespmem:$0x8F90] =	vst v5  }
0x1bd: {  	v6 =	vtrunc.f32 v6;
	v8 =	vmul.f32 v8, v1;
	[tilespmem:$0x8F20] =	vst v11  }
0x1be: {  	v29 =	vsel vm0, v24, v25;
	v6 =	vcvt.f32.s32 v6;
	v3 =	vtrunc.f32 v14;
	[tilespmem:$0x8FA0] =	vst v9  }
0x1bf: {  	v4 =	vsel vm0, v19, v20;
	[tilespmem:$0x8F30] =	vst v10;
	v7 =	vmul.f32 v29, v1;
	v3 =	vcvt.f32.s32 v3  }
0x1c0: {  	v26 =	vsel vm0, v22, v23;
	[tilespmem:$0x8F40] =	vst v61;
	v21 =	vtrunc.f32 v8;
	v4 =	vmul.f32 v4, v1  }
0x1c1: {  	v8 =	vsel vm0, v27, v28;
	v5 =	vcvt.f32.s32 v21;
	[tilespmem:$0x8FB0] =	vst v6;
	v6 =	vmul.f32 v26, v1  }
0x1c2: {  	[tilespmem:$0x8FC0] =	vst v13;
	v30 =	vmul.f32 v8, v1;
	v31 =	vtrunc.f32 v7  }
0x1c3: {  	[tilespmem:$0x8F50] =	vst v3;
	v32 =	vcvt.f32.s32 v31;
	v3 =	vtrunc.f32 v6  }
0x1c4: {  	v4 =	vtrunc.f32 v4;
	[tilespmem:$0x8FD0] =	vst v5;
	v3 =	vcvt.f32.s32 v3  }
0x1c5: {  	v4 =	vcvt.f32.s32 v4;
	v33 =	vtrunc.f32 v30;
	[tilespmem:$0x8F70] =	vst v32  }
0x1c6: {  	[tilespmem:$0x8FE0] =	vst v3;
	v3 =	vcvt.f32.s32 v33  }
0x1c7: {  	[tilespmem:$0x8F60] =	vst v4  }
0x1c8: {  	s12 =	simm.s32 $0x8F80;
	[tilespmem:$0x8FF0] =	vst v3  }
0x1c9: {  	[tilespmem:s10], [sflag:$0x7] =	stream.indirect.gather.add.f32 [spmem:s1], $0x80, s12, s8, $0xb8;
	[tilespmem:$0x19200] =	vst v63  }
0x1ca: {  	s28 =	simm.s32 $0x8F00  }
0x1cb: {  	[tilespmem:s11], [sflag:$0x7] =	stream.indirect.gather.add.f32 [spmem:s1], $0x80, s28, s8, $0xb8;
	[tilespmem:$0x19200] =	vst v63  }
0x1cc: {  	_ =	swait.ge [sflag:s23], $0x4000  }
0x1cd: {  	[sflag:s23] =	ssyncset.done $0x0  }
0x1ce: {  	[sflag:s23] =	ssyncadd.s32 $0xFFFFC000  }
0x1cf: {  	_ =	swait.ge [sflag:s23], $0x4000  }
0x1d0: {  	[sflag:s23] =	ssyncset.done $0x0  }
0x1d1: {  	s9 =	rddreg [dreg:$0x1e];
	[sflag:s23] =	ssyncadd.s32 $0xFFFFC000  }
0x1d2: {  	[hbm4b:s9+s4] =	stream.strided.scatter [tilespmem:s6], [sflag:$0x4], $0x4000, s5, s4, $0x38;
	[tilespmem:$0x19200] =	vst v63  }
0x1d3: {  	s28 =	rddreg [dreg:$0x1f]  }
0x1d4: {  	[hbm4b:s28+s4] =	stream.strided.scatter [tilespmem:s7], [sflag:$0x4], $0x4000, s5, s4, $0x38;
	[tilespmem:$0x19200] =	vst v63  }
0x1d5: {  	_ =	swait.ge [sflag:s24], $0x4000  }
0x1d6: {  	[sflag:s24] =	ssyncset.done $0x0  }
0x1d7: {  	[sflag:s24] =	ssyncadd.s32 $0xFFFFC000  }
0x1d8: {  	_ =	swait.ge [sflag:s24], $0x4000  }
0x1d9: {  	s9 =	sld [smem:$0x7F0]  }
0x1da: {  	[sflag:s24] =	ssyncset.done $0x0  }
0x1db: {  	s28 =	sld [smem:$0x7F1];
	[sflag:s24] =	ssyncadd.s32 $0xFFFFC000  }
0x1dc: {  	[tilespmem:s6], [sflag:$0x1] =	stream.strided.gather [hbm4b:s9+s4], $0x4000, s5, s4, $0x38;
	[tilespmem:$0x19200] =	vst v63  }
0x1dd: {  	s9 =	sld [smem:$0x7F2]  }
0x1de: {  	[tilespmem:s7], [sflag:$0x1] =	stream.strided.gather [hbm4b:s28+s4], $0x4000, s5, s4, $0x38;
	[tilespmem:$0x19200] =	vst v63  }
0x1df: {  	_ = 	snop  }
0x1e0: {  	[tilespmem:s29], [sflag:$0x2] =	stream.strided.gather [hbm4b:s9+s8], $0x100, s4, s8, $0x38;
	[tilespmem:$0x19200] =	vst v63  }
0x1e1: {  	_ =	swait.ge [sflag:s25], $0x4000  }
0x1e2: {  	[sflag:s25] =	ssyncset.done $0x0  }
0x1e3: {  	[sflag:s25] =	ssyncadd.s32 $0xFFFFC000  }
0x1e4: {  	_ =	swait.ge [sflag:s25], $0x4000  }
0x1e5: {  	[sflag:s25] =	ssyncset.done $0x0  }
0x1e6: {  	[sflag:s25] =	ssyncadd.s32 $0xFFFFC000  }
0x1e7: {  	_ =	swait.ge [sflag:s26], $0x100  }
0x1e8: {  	[sflag:s26] =	ssyncset.done $0x0  }
0x1e9: {  	[sflag:s26] =	ssyncadd.s32 $0xFFFFFF00  }
0x1ea: {  	v3 =	vld [tilespmem:$0x11000]  }
0x1eb: {  	v34 =	vld [tilespmem:$0x11010]  }
0x1ec: {  	v35 =	vld [tilespmem:$0x11020]  }
0x1ed: {  	v36 =	vld [tilespmem:$0x11030]  }
0x1ee: {  	v41 =	vld [tilespmem:$0x11040]  }
0x1ef: {  	v42 =	vld [tilespmem:$0x11050]  }
0x1f0: {  	v43 =	vld [tilespmem:$0x11060]  }
0x1f1: {  	v44 =	vld [tilespmem:$0x11070];
	v37 =	vperm.xlane v3, v0;
	v38 =	vperm.xlane v34, v0  }
0x1f2: {  	v49 =	vld [tilespmem:$0x11080];
	v3 =	vperm.xlane v3, v2;
	v4 =	vperm.xlane v34, v2  }
0x1f3: {  	v50 =	vld [tilespmem:$0x11090];
	v39 =	vperm.xlane v35, v0;
	v40 =	vperm.xlane v36, v0  }
0x1f4: {  	v51 =	vld [tilespmem:$0x110A0];
	v5 =	vperm.xlane v35, v2;
	v6 =	vperm.xlane v36, v2  }
0x1f5: {  	v52 =	vld [tilespmem:$0x110B0];
	v45 =	vperm.xlane v41, v0;
	v46 =	vperm.xlane v42, v0  }
0x1f6: {  	v57 =	vld [tilespmem:$0x110C0];
	v9 =	vperm.xlane v41, v2;
	v10 =	vperm.xlane v42, v2  }
0x1f7: {  	v58 =	vld [tilespmem:$0x110D0];
	v47 =	vperm.xlane v43, v0;
	v48 =	vperm.xlane v44, v0  }
0x1f8: {  	v60 =	vld [tilespmem:$0x110E0];
	v8 =	vperm.xlane v44, v2;
	v53 =	vperm.xlane v49, v0  }
0x1f9: {  	v61 =	vld [tilespmem:$0x110F0];
	v54 =	vperm.xlane v50, v0;
	v13 =	vperm.xlane v49, v2  }
0x1fa: {  	v14 =	vperm.xlane v50, v2;
	v55 =	vperm.xlane v51, v0  }
0x1fb: {  	v56 =	vperm.xlane v52, v0;
	v12 =	vperm.xlane v52, v2  }
0x1fc: {  	v62 =	vperm.xlane v57, v0;
	v63 =	vperm.xlane v58, v0  }
0x1fd: {  	v16 =	vperm.xlane v57, v2;
	v17 =	vperm.xlane v58, v2  }
0x1fe: {  	v18 =	vperm.xlane v60, v0;
	v19 =	vperm.xlane v61, v0  }
0x1ff: {  	v21 =	vperm.xlane v60, v2;
	v22 =	vperm.xlane v61, v2;
	v7 =	vsel vm0, v37, v38  }
0x200: {  	v3 =	vsel vm0, v3, v4;
	v4 =	vsel vm0, v39, v40;
	v5 =	vsel vm0, v5, v6  }
0x201: {  	v11 =	vsel vm0, v45, v46;
	v9 =	vsel vm0, v9, v10;
	v6 =	vperm.xlane v43, v2  }
0x202: {  	v10 =	vsel vm0, v47, v48;
	v7 =	vmul.f32 v7, v1;
	v3 =	vmul.f32 v3, v1  }
0x203: {  	v15 =	vsel vm0, v53, v54;
	v4 =	vmul.f32 v4, v1;
	v5 =	vmul.f32 v5, v1  }
0x204: {  	v13 =	vsel vm0, v13, v14;
	v11 =	vmul.f32 v11, v1;
	v9 =	vmul.f32 v9, v1  }
0x205: {  	v14 =	vsel vm0, v55, v56;
	v10 =	vmul.f32 v10, v1;
	v15 =	vmul.f32 v15, v1  }
0x206: {  	v13 =	vmul.f32 v13, v1;
	v14 =	vmul.f32 v14, v1  }
0x207: {  	v6 =	vsel vm0, v6, v8;
	v8 =	vperm.xlane v51, v2;
	v7 =	vtrunc.f32 v7  }
0x208: {  	v3 =	vtrunc.f32 v3;
	v4 =	vtrunc.f32 v4  }
0x209: {  	v5 =	vtrunc.f32 v5;
	v11 =	vtrunc.f32 v11  }
0x20a: {  	v9 =	vtrunc.f32 v9;
	v10 =	vtrunc.f32 v10  }
0x20b: {  	v6 =	vmul.f32 v6, v1;
	v7 =	vcvt.f32.s32 v7  }
0x20c: {  	v15 =	vtrunc.f32 v15;
	v3 =	vcvt.f32.s32 v3  }
0x20d: {  	v13 =	vtrunc.f32 v13;
	v4 =	vcvt.f32.s32 v4;
	[tilespmem:$0x11100] =	vst v7  }
0x20e: {  	v5 =	vcvt.f32.s32 v5;
	v11 =	vcvt.f32.s32 v11;
	[tilespmem:$0x11180] =	vst v3  }
0x20f: {  	v9 =	vcvt.f32.s32 v9;
	v10 =	vcvt.f32.s32 v10;
	[tilespmem:$0x11110] =	vst v4  }
0x210: {  	v59 =	vcvt.f32.s32 v15;
	v13 =	vcvt.f32.s32 v13;
	v8 =	vsel vm0, v8, v12;
	[tilespmem:$0x11190] =	vst v5  }
0x211: {  	v6 =	vtrunc.f32 v6;
	v8 =	vmul.f32 v8, v1;
	[tilespmem:$0x11120] =	vst v11  }
0x212: {  	v23 =	vsel vm0, v18, v19;
	v6 =	vcvt.f32.s32 v6;
	v3 =	vtrunc.f32 v14;
	[tilespmem:$0x111A0] =	vst v9  }
0x213: {  	v4 =	vsel vm0, v62, v63;
	[tilespmem:$0x11130] =	vst v10;
	v7 =	vmul.f32 v23, v1;
	v3 =	vcvt.f32.s32 v3  }
0x214: {  	v20 =	vsel vm0, v16, v17;
	[tilespmem:$0x11140] =	vst v59;
	v8 =	vtrunc.f32 v8;
	v4 =	vmul.f32 v4, v1  }
0x215: {  	v5 =	vcvt.f32.s32 v8;
	[tilespmem:$0x111B0] =	vst v6;
	v6 =	vmul.f32 v20, v1;
	v8 =	vsel vm0, v21, v22  }
0x216: {  	[tilespmem:$0x111C0] =	vst v13;
	v25 =	vtrunc.f32 v7;
	v24 =	vmul.f32 v8, v1  }
0x217: {  	[tilespmem:$0x11150] =	vst v3;
	v26 =	vcvt.f32.s32 v25;
	v3 =	vtrunc.f32 v6  }
0x218: {  	v4 =	vtrunc.f32 v4;
	[tilespmem:$0x111D0] =	vst v5;
	v3 =	vcvt.f32.s32 v3  }
0x219: {  	v4 =	vcvt.f32.s32 v4;
	v27 =	vtrunc.f32 v24;
	[tilespmem:$0x11170] =	vst v26  }
0x21a: {  	[tilespmem:$0x111E0] =	vst v3;
	v3 =	vcvt.f32.s32 v27  }
0x21b: {  	[tilespmem:$0x11160] =	vst v4  }
0x21c: {  	[tilespmem:$0x111F0] =	vst v3  }
0x21d: {  	[tilespmem:s16], [sflag:$0xB] =	stream.indirect.gather.add.f32 [spmem:s1], $0x80, s14, s8, $0xb8;
	[tilespmem:$0x19200] =	vst v63  }
0x21e: {  	_ = 	snop  }
0x21f: {  	[tilespmem:s17], [sflag:$0xB] =	stream.indirect.gather.add.f32 [spmem:s1], $0x80, s15, s8, $0xb8;
	[tilespmem:$0x19200] =	vst v63  }
0x220: {  	_ =	swait.ge [sflag:s30], $0x4000  }
0x221: {  	[sflag:s30] =	ssyncset.done $0x0  }
0x222: {  	[sflag:s30] =	ssyncadd.s32 $0xFFFFC000  }
0x223: {  	_ =	swait.ge [sflag:s30], $0x4000  }
0x224: {  	s9 =	sld [smem:$0x7F3]  }
0x225: {  	[sflag:s30] =	ssyncset.done $0x0  }
0x226: {  	s29 =	sld [smem:$0x7F4];
	[sflag:s30] =	ssyncadd.s32 $0xFFFFC000  }
0x227: {  	[hbm4b:s9+s4] =	stream.strided.scatter [tilespmem:s10], [sflag:$0x8], $0x4000, s5, s4, $0x38;
	[tilespmem:$0x19200] =	vst v63  }
0x228: {  	_ = 	snop  }
0x229: {  	[hbm4b:s29+s4] =	stream.strided.scatter [tilespmem:s11], [sflag:$0x8], $0x4000, s5, s4, $0x38;
	[tilespmem:$0x19200] =	vst v63  }
0x22a: {  	_ =	swait.ge [sflag:s31], $0x4000  }
0x22b: {  	[sflag:s31] =	ssyncset.done $0x0  }
0x22c: {  	[sflag:s31] =	ssyncadd.s32 $0xFFFFC000  }
0x22d: {  	_ =	swait.ge [sflag:s31], $0x4000  }
0x22e: {  	s29 =	sld [smem:$0x7F5]  }
0x22f: {  	[sflag:s31] =	ssyncset.done $0x0  }
0x230: {  	s28 =	sld [smem:$0x7F6];
	[sflag:s31] =	ssyncadd.s32 $0xFFFFC000  }
0x231: {  	[tilespmem:s10], [sflag:$0x5] =	stream.strided.gather [hbm4b:s29+s4], $0x4000, s5, s4, $0x38;
	[tilespmem:$0x19200] =	vst v63  }
0x232: {  	s29 =	sld [smem:$0x7F7]  }
0x233: {  	[tilespmem:s11], [sflag:$0x5] =	stream.strided.gather [hbm4b:s28+s4], $0x4000, s5, s4, $0x38;
	[tilespmem:$0x19200] =	vst v63  }
0x234: {  	_ = 	snop  }
0x235: {  	[tilespmem:s22], [sflag:$0x6] =	stream.strided.gather [hbm4b:s29+s8], $0x100, s4, s8, $0x38;
	[tilespmem:$0x19200] =	vst v63  }
0x236: {  	_ =	swait.ge [sflag:s2], $0x4000  }
0x237: {  	[sflag:s2] =	ssyncset.done $0x0  }
0x238: {  	[sflag:s2] =	ssyncadd.s32 $0xFFFFC000  }
0x239: {  	_ =	swait.ge [sflag:s2], $0x4000  }
0x23a: {  	[sflag:s2] =	ssyncset.done $0x0  }
0x23b: {  	[sflag:s2] =	ssyncadd.s32 $0xFFFFC000  }
0x23c: {  	_ =	swait.ge [sflag:s13], $0x100  }
0x23d: {  	[sflag:s13] =	ssyncset.done $0x0  }
0x23e: {  	[sflag:s13] =	ssyncadd.s32 $0xFFFFFF00  }
0x23f: {  	v3 =	vld [tilespmem:$0xC00]  }
0x240: {  	v28 =	vld [tilespmem:$0xC10]  }
0x241: {  	v29 =	vld [tilespmem:$0xC20]  }
0x242: {  	v30 =	vld [tilespmem:$0xC30]  }
0x243: {  	v35 =	vld [tilespmem:$0xC40]  }
0x244: {  	v36 =	vld [tilespmem:$0xC50]  }
0x245: {  	v37 =	vld [tilespmem:$0xC60]  }
0x246: {  	v38 =	vld [tilespmem:$0xC70];
	v31 =	vperm.xlane v3, v0;
	v32 =	vperm.xlane v28, v0  }
0x247: {  	v43 =	vld [tilespmem:$0xC80];
	v3 =	vperm.xlane v3, v2;
	v4 =	vperm.xlane v28, v2  }
0x248: {  	v44 =	vld [tilespmem:$0xC90];
	v33 =	vperm.xlane v29, v0;
	v34 =	vperm.xlane v30, v0  }
0x249: {  	v45 =	vld [tilespmem:$0xCA0];
	v5 =	vperm.xlane v29, v2;
	v6 =	vperm.xlane v30, v2  }
0x24a: {  	v46 =	vld [tilespmem:$0xCB0];
	v39 =	vperm.xlane v35, v0;
	v40 =	vperm.xlane v36, v0  }
0x24b: {  	v51 =	vld [tilespmem:$0xCC0];
	v9 =	vperm.xlane v35, v2;
	v10 =	vperm.xlane v36, v2  }
0x24c: {  	v52 =	vld [tilespmem:$0xCD0];
	v41 =	vperm.xlane v37, v0;
	v42 =	vperm.xlane v38, v0  }
0x24d: {  	v54 =	vld [tilespmem:$0xCE0];
	v8 =	vperm.xlane v38, v2;
	v47 =	vperm.xlane v43, v0  }
0x24e: {  	v55 =	vld [tilespmem:$0xCF0];
	v48 =	vperm.xlane v44, v0;
	v13 =	vperm.xlane v43, v2  }
0x24f: {  	v14 =	vperm.xlane v44, v2;
	v49 =	vperm.xlane v45, v0  }
0x250: {  	v50 =	vperm.xlane v46, v0;
	v12 =	vperm.xlane v46, v2  }
0x251: {  	v56 =	vperm.xlane v51, v0;
	v57 =	vperm.xlane v52, v0  }
0x252: {  	v59 =	vperm.xlane v51, v2;
	v60 =	vperm.xlane v52, v2  }
0x253: {  	v61 =	vperm.xlane v54, v0;
	v62 =	vperm.xlane v55, v0;
	v7 =	vsel vm0, v31, v32  }
0x254: {  	v3 =	vsel vm0, v3, v4;
	v4 =	vsel vm0, v33, v34;
	v5 =	vsel vm0, v5, v6  }
0x255: {  	v11 =	vsel vm0, v39, v40;
	v9 =	vsel vm0, v9, v10;
	v6 =	vperm.xlane v37, v2  }
0x256: {  	v10 =	vsel vm0, v41, v42;
	v7 =	vmul.f32 v7, v1;
	v3 =	vmul.f32 v3, v1  }
0x257: {  	v15 =	vsel vm0, v47, v48;
	v4 =	vmul.f32 v4, v1;
	v5 =	vmul.f32 v5, v1  }
0x258: {  	v13 =	vsel vm0, v13, v14;
	v11 =	vmul.f32 v11, v1;
	v9 =	vmul.f32 v9, v1  }
0x259: {  	v14 =	vsel vm0, v49, v50;
	v10 =	vmul.f32 v10, v1;
	v15 =	vmul.f32 v15, v1  }
0x25a: {  	v13 =	vmul.f32 v13, v1;
	v14 =	vmul.f32 v14, v1  }
0x25b: {  	v6 =	vsel vm0, v6, v8;
	v8 =	vperm.xlane v45, v2;
	v7 =	vtrunc.f32 v7  }
0x25c: {  	v3 =	vtrunc.f32 v3;
	v4 =	vtrunc.f32 v4  }
0x25d: {  	v5 =	vtrunc.f32 v5;
	v11 =	vtrunc.f32 v11  }
0x25e: {  	v9 =	vtrunc.f32 v9;
	v10 =	vtrunc.f32 v10  }
0x25f: {  	v6 =	vmul.f32 v6, v1;
	v15 =	vtrunc.f32 v15  }
0x260: {  	v13 =	vtrunc.f32 v13;
	v7 =	vcvt.f32.s32 v7  }
0x261: {  	v3 =	vcvt.f32.s32 v3;
	v4 =	vcvt.f32.s32 v4  }
0x262: {  	v5 =	vcvt.f32.s32 v5;
	v11 =	vcvt.f32.s32 v11;
	[tilespmem:$0xD00] =	vst v7  }
0x263: {  	v9 =	vcvt.f32.s32 v9;
	v10 =	vcvt.f32.s32 v10;
	[tilespmem:$0xD80] =	vst v3  }
0x264: {  	v53 =	vcvt.f32.s32 v15;
	v13 =	vcvt.f32.s32 v13;
	[tilespmem:$0xD10] =	vst v4  }
0x265: {  	v8 =	vsel vm0, v8, v12;
	v12 =	vperm.xlane v54, v2;
	v15 =	vperm.xlane v55, v2;
	[tilespmem:$0xD90] =	vst v5  }
0x266: {  	v6 =	vtrunc.f32 v6;
	v8 =	vmul.f32 v8, v1;
	[tilespmem:$0xD20] =	vst v11  }
0x267: {  	v16 =	vsel vm0, v61, v62;
	v6 =	vcvt.f32.s32 v6;
	v3 =	vtrunc.f32 v14;
	[tilespmem:$0xDA0] =	vst v9  }
0x268: {  	v4 =	vsel vm0, v56, v57;
	[tilespmem:$0xD30] =	vst v10;
	v7 =	vmul.f32 v16, v1;
	v3 =	vcvt.f32.s32 v3  }
0x269: {  	v63 =	vsel vm0, v59, v60;
	[tilespmem:$0xD40] =	vst v53;
	v58 =	vtrunc.f32 v8;
	v4 =	vmul.f32 v4, v1  }
0x26a: {  	v8 =	vsel vm0, v12, v15;
	v5 =	vcvt.f32.s32 v58;
	[tilespmem:$0xDB0] =	vst v6;
	v6 =	vmul.f32 v63, v1  }
0x26b: {  	[tilespmem:$0xDC0] =	vst v13;
	v17 =	vmul.f32 v8, v1;
	v18 =	vtrunc.f32 v7  }
0x26c: {  	[tilespmem:$0xD50] =	vst v3;
	v19 =	vcvt.f32.s32 v18;
	v3 =	vtrunc.f32 v6  }
0x26d: {  	v4 =	vtrunc.f32 v4;
	[tilespmem:$0xDD0] =	vst v5;
	v3 =	vcvt.f32.s32 v3  }
0x26e: {  	v4 =	vcvt.f32.s32 v4;
	v20 =	vtrunc.f32 v17;
	[tilespmem:$0xD70] =	vst v19  }
0x26f: {  	[tilespmem:$0xDE0] =	vst v3;
	v3 =	vcvt.f32.s32 v20  }
0x270: {  	[tilespmem:$0xD60] =	vst v4  }
0x271: {  	s28 =	simm.s32 $0xD80;
	[tilespmem:$0xDF0] =	vst v3  }
0x272: {  	[tilespmem:s6], [sflag:$0x3] =	stream.indirect.gather.add.f32 [spmem:s1], $0x80, s28, s8, $0xb8;
	[tilespmem:$0x19200] =	vst v63  }
0x273: {  	_ = 	snop  }
0x274: {  	[tilespmem:s7], [sflag:$0x3] =	stream.indirect.gather.add.f32 [spmem:s1], $0x80, s21, s8, $0xb8;
	[tilespmem:$0x19200] =	vst v63  }
0x275: {  	_ =	swait.ge [sflag:s0], $0x4000  }
0x276: {  	[sflag:s0] =	ssyncset.done $0x0  }
0x277: {  	[sflag:s0] =	ssyncadd.s32 $0xFFFFC000  }
0x278: {  	_ =	swait.ge [sflag:s0], $0x4000  }
0x279: {  	s9 =	sld [smem:$0x7F8]  }
0x27a: {  	[sflag:s0] =	ssyncset.done $0x0  }
0x27b: {  	s29 =	sld [smem:$0x7F9];
	[sflag:s0] =	ssyncadd.s32 $0xFFFFC000  }
0x27c: {  	[hbm4b:s9+s4] =	stream.strided.scatter [tilespmem:s16], [sflag:$0xC], $0x4000, s5, s4, $0x38;
	[tilespmem:$0x19200] =	vst v63  }
0x27d: {  	_ = 	snop  }
0x27e: {  	[hbm4b:s29+s4] =	stream.strided.scatter [tilespmem:s17], [sflag:$0xC], $0x4000, s5, s4, $0x38;
	[tilespmem:$0x19200] =	vst v63  }
0x27f: {  	_ =	swait.ge [sflag:s19], $0x4000  }
0x280: {  	[sflag:s19] =	ssyncset.done $0x0  }
0x281: {  	[sflag:s19] =	ssyncadd.s32 $0xFFFFC000  }
0x282: {  	_ =	swait.ge [sflag:s19], $0x4000  }
0x283: {  	[sflag:s19] =	ssyncset.done $0x0  }
0x284: {  	[sflag:s19] =	ssyncadd.s32 $0xFFFFC000  }
0x285: {  	_ =	swait.ge [sflag:s20], $0x100  }
0x286: {  	[sflag:s20] =	ssyncset.done $0x0  }
0x287: {  	[sflag:s20] =	ssyncadd.s32 $0xFFFFFF00  }
0x288: {  	v3 =	vld [tilespmem:$0x8E00]  }
0x289: {  	v21 =	vld [tilespmem:$0x8E10]  }
0x28a: {  	v22 =	vld [tilespmem:$0x8E20]  }
0x28b: {  	v23 =	vld [tilespmem:$0x8E30]  }
0x28c: {  	v28 =	vld [tilespmem:$0x8E40]  }
0x28d: {  	v29 =	vld [tilespmem:$0x8E50]  }
0x28e: {  	v30 =	vld [tilespmem:$0x8E60]  }
0x28f: {  	v31 =	vld [tilespmem:$0x8E70];
	v24 =	vperm.xlane v3, v0;
	v25 =	vperm.xlane v21, v0  }
0x290: {  	v36 =	vld [tilespmem:$0x8E80];
	v3 =	vperm.xlane v3, v2;
	v4 =	vperm.xlane v21, v2  }
0x291: {  	v37 =	vld [tilespmem:$0x8E90];
	v26 =	vperm.xlane v22, v0;
	v27 =	vperm.xlane v23, v0  }
0x292: {  	v38 =	vld [tilespmem:$0x8EA0];
	v5 =	vperm.xlane v22, v2;
	v6 =	vperm.xlane v23, v2  }
0x293: {  	v39 =	vld [tilespmem:$0x8EB0];
	v32 =	vperm.xlane v28, v0;
	v33 =	vperm.xlane v29, v0  }
0x294: {  	v44 =	vld [tilespmem:$0x8EC0];
	v9 =	vperm.xlane v28, v2;
	v10 =	vperm.xlane v29, v2  }
0x295: {  	v45 =	vld [tilespmem:$0x8ED0];
	v34 =	vperm.xlane v30, v0;
	v35 =	vperm.xlane v31, v0  }
0x296: {  	v47 =	vld [tilespmem:$0x8EE0];
	v8 =	vperm.xlane v31, v2;
	v40 =	vperm.xlane v36, v0  }
0x297: {  	v48 =	vld [tilespmem:$0x8EF0];
	v41 =	vperm.xlane v37, v0;
	v13 =	vperm.xlane v36, v2  }
0x298: {  	v14 =	vperm.xlane v37, v2;
	v42 =	vperm.xlane v38, v0  }
0x299: {  	v43 =	vperm.xlane v39, v0;
	v12 =	vperm.xlane v39, v2  }
0x29a: {  	v49 =	vperm.xlane v44, v0;
	v50 =	vperm.xlane v45, v0  }
0x29b: {  	v52 =	vperm.xlane v44, v2;
	v53 =	vperm.xlane v45, v2  }
0x29c: {  	v54 =	vperm.xlane v47, v0;
	v55 =	vperm.xlane v48, v0  }
0x29d: {  	v57 =	vperm.xlane v47, v2;
	v58 =	vperm.xlane v48, v2;
	v7 =	vsel vm0, v24, v25  }
0x29e: {  	v3 =	vsel vm0, v3, v4;
	v4 =	vsel vm0, v26, v27;
	v5 =	vsel vm0, v5, v6  }
0x29f: {  	v11 =	vsel vm0, v32, v33;
	v9 =	vsel vm0, v9, v10;
	v6 =	vperm.xlane v30, v2  }
0x2a0: {  	v10 =	vsel vm0, v34, v35;
	v7 =	vmul.f32 v7, v1;
	v3 =	vmul.f32 v3, v1  }
0x2a1: {  	v15 =	vsel vm0, v40, v41;
	v4 =	vmul.f32 v4, v1;
	v5 =	vmul.f32 v5, v1  }
0x2a2: {  	v13 =	vsel vm0, v13, v14;
	v11 =	vmul.f32 v11, v1;
	v9 =	vmul.f32 v9, v1  }
0x2a3: {  	v14 =	vsel vm0, v42, v43;
	v10 =	vmul.f32 v10, v1;
	v15 =	vmul.f32 v15, v1  }
0x2a4: {  	v13 =	vmul.f32 v13, v1;
	v14 =	vmul.f32 v14, v1  }
0x2a5: {  	v6 =	vsel vm0, v6, v8;
	v8 =	vperm.xlane v38, v2;
	v7 =	vtrunc.f32 v7  }
0x2a6: {  	v3 =	vtrunc.f32 v3;
	v4 =	vtrunc.f32 v4  }
0x2a7: {  	v5 =	vtrunc.f32 v5;
	v11 =	vtrunc.f32 v11  }
0x2a8: {  	v9 =	vtrunc.f32 v9;
	v10 =	vtrunc.f32 v10  }
0x2a9: {  	v6 =	vmul.f32 v6, v1;
	v7 =	vcvt.f32.s32 v7  }
0x2aa: {  	v15 =	vtrunc.f32 v15;
	v3 =	vcvt.f32.s32 v3  }
0x2ab: {  	v13 =	vtrunc.f32 v13;
	v4 =	vcvt.f32.s32 v4;
	[tilespmem:$0x8F00] =	vst v7  }
0x2ac: {  	v5 =	vcvt.f32.s32 v5;
	v11 =	vcvt.f32.s32 v11;
	[tilespmem:$0x8F80] =	vst v3  }
0x2ad: {  	v9 =	vcvt.f32.s32 v9;
	v10 =	vcvt.f32.s32 v10;
	[tilespmem:$0x8F10] =	vst v4  }
0x2ae: {  	v46 =	vcvt.f32.s32 v15;
	v13 =	vcvt.f32.s32 v13;
	v8 =	vsel vm0, v8, v12;
	[tilespmem:$0x8F90] =	vst v5  }
0x2af: {  	v6 =	vtrunc.f32 v6;
	v8 =	vmul.f32 v8, v1;
	[tilespmem:$0x8F20] =	vst v11  }
0x2b0: {  	v59 =	vsel vm0, v54, v55;
	v6 =	vcvt.f32.s32 v6;
	v3 =	vtrunc.f32 v14;
	[tilespmem:$0x8FA0] =	vst v9  }
0x2b1: {  	v4 =	vsel vm0, v49, v50;
	[tilespmem:$0x8F30] =	vst v10;
	v7 =	vmul.f32 v59, v1;
	v3 =	vcvt.f32.s32 v3  }
0x2b2: {  	v56 =	vsel vm0, v52, v53;
	[tilespmem:$0x8F40] =	vst v46;
	v51 =	vtrunc.f32 v8;
	v4 =	vmul.f32 v4, v1  }
0x2b3: {  	v8 =	vsel vm0, v57, v58;
	v5 =	vcvt.f32.s32 v51;
	[tilespmem:$0x8FB0] =	vst v6;
	v6 =	vmul.f32 v56, v1  }
0x2b4: {  	[tilespmem:$0x8FC0] =	vst v13;
	v60 =	vmul.f32 v8, v1;
	v61 =	vtrunc.f32 v7  }
0x2b5: {  	[tilespmem:$0x8F50] =	vst v3;
	v62 =	vcvt.f32.s32 v61;
	v3 =	vtrunc.f32 v6  }
0x2b6: {  	v4 =	vtrunc.f32 v4;
	[tilespmem:$0x8FD0] =	vst v5;
	v3 =	vcvt.f32.s32 v3  }
0x2b7: {  	v4 =	vcvt.f32.s32 v4;
	v63 =	vtrunc.f32 v60;
	[tilespmem:$0x8F70] =	vst v62  }
0x2b8: {  	[tilespmem:$0x8FE0] =	vst v3;
	v3 =	vcvt.f32.s32 v63  }
0x2b9: {  	[tilespmem:$0x8F60] =	vst v4  }
0x2ba: {  	s12 =	simm.s32 $0x8F80;
	[tilespmem:$0x8FF0] =	vst v3  }
0x2bb: {  	[tilespmem:s10], [sflag:$0x7] =	stream.indirect.gather.add.f32 [spmem:s1], $0x80, s12, s8, $0xb8;
	[tilespmem:$0x19200] =	vst v63  }
0x2bc: {  	s29 =	simm.s32 $0x8F00  }
0x2bd: {  	[tilespmem:s11], [sflag:$0x7] =	stream.indirect.gather.add.f32 [spmem:s1], $0x80, s29, s8, $0xb8;
	[tilespmem:$0x19200] =	vst v63  }
0x2be: {  	_ =	swait.ge [sflag:s23], $0x4000  }
0x2bf: {  	[sflag:s23] =	ssyncset.done $0x0  }
0x2c0: {  	[sflag:s23] =	ssyncadd.s32 $0xFFFFC000  }
0x2c1: {  	_ =	swait.ge [sflag:s23], $0x4000  }
0x2c2: {  	s12 =	sld [smem:$0x7FA]  }
0x2c3: {  	[sflag:s23] =	ssyncset.done $0x0  }
0x2c4: {  	s29 =	sld [smem:$0x7FB];
	[sflag:s23] =	ssyncadd.s32 $0xFFFFC000  }
0x2c5: {  	[hbm4b:s12+s4] =	stream.strided.scatter [tilespmem:s6], [sflag:$0x4], $0x4000, s5, s4, $0x38;
	[tilespmem:$0x19200] =	vst v63  }
0x2c6: {  	_ = 	snop  }
0x2c7: {  	[hbm4b:s29+s4] =	stream.strided.scatter [tilespmem:s7], [sflag:$0x4], $0x4000, s5, s4, $0x38;
	[tilespmem:$0x19200] =	vst v63  }
0x2c8: {  	_ =	swait.ge [sflag:s30], $0x4000  }
0x2c9: {  	[sflag:s30] =	ssyncset.done $0x0  }
0x2ca: {  	[sflag:s30] =	ssyncadd.s32 $0xFFFFC000  }
0x2cb: {  	_ =	swait.ge [sflag:s30], $0x4000  }
0x2cc: {  	s12 =	sld [smem:$0x7FC]  }
0x2cd: {  	[sflag:s30] =	ssyncset.done $0x0  }
0x2ce: {  	s29 =	sld [smem:$0x7FD];
	[sflag:s30] =	ssyncadd.s32 $0xFFFFC000  }
0x2cf: {  	[hbm4b:s12+s4] =	stream.strided.scatter [tilespmem:s10], [sflag:$0x8], $0x4000, s5, s4, $0x38;
	[tilespmem:$0x19200] =	vst v63  }
0x2d0: {  	_ = 	snop  }
0x2d1: {  	[hbm4b:s29+s4] =	stream.strided.scatter [tilespmem:s11], [sflag:$0x8], $0x4000, s5, s4, $0x38;
	[tilespmem:$0x19200] =	vst v63  }
0x2d2: {  	_ =	swait.ge [sflag:s18], $0x4000  }
0x2d3: {  	[sflag:s18] =	ssyncset.done $0x0  }
0x2d4: {  	[sflag:s18] =	ssyncadd.s32 $0xFFFFC000  }
0x2d5: {  	_ =	swait.ge [sflag:s18], $0x4000  }
0x2d6: {  	[sflag:s18] =	ssyncset.done $0x0  }
0x2d7: {  	[sflag:s18] =	ssyncadd.s32 $0xFFFFC000  }
0x2d8: {  	_ =	swait.ge [sflag:s24], $0x4000  }
0x2d9: {  	[sflag:s24] =	ssyncset.done $0x0  }
0x2da: {  	[sflag:s24] =	ssyncadd.s32 $0xFFFFC000  }
0x2db: {  	_ =	swait.ge [sflag:s24], $0x4000  }
0x2dc: {  	[sflag:s24] =	ssyncset.done $0x0  }
0x2dd: {  	s3 =	sadd.s32 $0xFFFFFFFF, s3;
	[sflag:s24] =	ssyncadd.s32 $0xFFFFC000  }
0x2de: {  	p1 =	sne.s32 s3, $0x0;
	_ =	swait.ge [sflag:s31], $0x4000  }
.Ltmp0:
0x2df: {  	[sflag:s31] =	ssyncset.done $0x0;
	(pc) =	sbr.rel @p1 .LBB2_1-.Ltmp0, $4  }
0x2e0: {  	[sflag:s31] =	ssyncadd.s32 $0xFFFFC000  }
0x2e1: {  	_ =	swait.ge [sflag:s31], $0x4000  }
0x2e2: {  	[sflag:s31] =	ssyncset.done $0x0  }
0x2e3: {  	[sflag:s31] =	ssyncadd.s32 $0xFFFFC000  }
0x2e4: {  	_ =	sfence.sel $0x180000  }
0x2e5: {  	[bflag:$0x0] =	sbarrier.arrive $0xFFFF  }
0x2e6: {  	_ =	strace $0x90000047  }
0x2e7: {  	[bflag:$0x2] =	sbarrier.arrive $0xFFFF  }
0x2e8: {  	s0 =	rddreg [dreg:$0x4]  }
0x2e9: {  	s0 =	sadd.s32 @!p0 $0x100000, s0  }
0x2ea: {  	[sflag:s0] =	ssyncadd.tile.s32 @!p0 $0x1;
	_ =	shalt  }
.Lfunc_end2:
_tile_overlayer_lowered:
.L_overlay_start_2:
0x2eb: {  	(tag) =	ssettag $0x2  }
0x2ec: {  	s0 =	rddreg [dreg:$0x0];
	s2 =	stileid.u32  }
0x2ed: {  	s1 =	rddreg [dreg:$0x1];
	p0 =	sne.s32 s2, $0x0  }
0x2ee: {  	s3 =	rddreg [dreg:$0x2];
	[bflag:$0x3] =	sbarrier.arrive $0xFFFF;
	s2 =	simm.s32 @!p0 $0x1C0D  }
0x2ef: {  	[timem:s3], [sflag:s2] =	dma.local @!p0 [hbm:s0], s1  }
0x2f0: {  	s0 =	simm.s32 @!p0 $0xD  }
0x2f1: {  	_ =	swait.ge @!p0 [sflag:s0], s1  }
0x2f2: {  	s1 =	ssub.s32 @!p0 $0x0, s1;
	[sflag:s0] =	ssyncset.done @!p0 $0x0  }
0x2f3: {  	[sflag:s0] =	ssyncadd.s32 @!p0 s1  }
0x2f4: {  	[bflag:$0x3] =	sbarrier.arrive $0xFFFF  }
0x2f5: {  	_ =	shalt  }

</sc_bundles>
